<compile_context>
chip_gen: v7x
topology: tpu7x:2x2x1
jax: 0.10.2.dev20260603
libtpu: 0.0.44.dev20260713+nightly
codegen_flags: <defaults>
</compile_context>

<pallas_src>
import functools

import numpy as np
import jax
import jax.numpy as jnp
from jax import lax
from jax.experimental import pallas as pl
from jax.experimental.pallas import tpu as pltpu
from jax.experimental.pallas import tpu_sc as plsc

BATCH = 4096
KCLS = 8
MARGIN = 0.3
LANES = 16
NC = 2
NS = 16
NW = NC * NS
TC_ROWS = 2048
SC_ROWS = BATCH - TC_ROWS
ROWS_PER_W = SC_ROWS // NW
RSLAB = 8
NSLAB = ROWS_PER_W // RSLAB
CHUNKS = BATCH // LANES
UNROLL = 4
SUB = CHUNKS // UNROLL
TC_BLK = 256
BIG = np.float32(3.0e38)


def _sc_body(d_hbm, out_hbm, buf0, buf1, accv, sem0, sem1):
    c = lax.axis_index("c")
    s = lax.axis_index("s")
    wid = s * NC + c
    row0 = TC_ROWS + wid * ROWS_PER_W
    lane = lax.iota(jnp.int32, LANES)
    bufs = (buf0, buf1)
    sems = (sem0, sem1)

    def start(t, b):
        pltpu.async_copy(d_hbm.at[pl.ds(row0 + t * RSLAB, RSLAB)],
                         bufs[b], sems[b])

    def wait(t, b):
        pltpu.make_async_copy(d_hbm.at[pl.ds(row0 + t * RSLAB, RSLAB)],
                              bufs[b], sems[b]).wait()

    def process_slab(buf, r0, total):
        for r in range(RSLAB):
            i = r0 + r
            cs = i // LANES
            off = ((i // KCLS) % 2) * KCLS
            dlane = i % LANES
            v = buf[r, pl.ds(cs * LANES, LANES)]
            in_block = (lane >= off) & (lane < off + KCLS)
            mask_pos = in_block & (lane != dlane)
            pos = jnp.max(jnp.where(mask_pos, v, -BIG))
            buf[r, pl.ds(cs * LANES, LANES)] = jnp.where(mask_pos, BIG, v)

            def chunk_step(j, carry):
                new = []
                for k in range(UNROLL):
                    m1, m2 = carry[2 * k], carry[2 * k + 1]
                    w = buf[r, pl.ds((j + k * SUB) * LANES, LANES)]
                    new.append(jnp.minimum(m1, w))
                    new.append(jnp.minimum(m2, jnp.maximum(m1, w)))
                return tuple(new)

            init = tuple(jnp.full((LANES,), BIG, jnp.float32)
                         for _ in range(2 * UNROLL))
            acc = lax.fori_loop(0, SUB, chunk_step, init)
            m1, m2 = acc[0], acc[1]
            for k in range(1, UNROLL):
                y1, y2 = acc[2 * k], acc[2 * k + 1]
                m2 = jnp.minimum(jnp.maximum(m1, y1), jnp.minimum(m2, y2))
                m1 = jnp.minimum(m1, y1)

            g1 = jnp.min(m1)
            first = plsc.all_reduce_ffs(m1 == g1)
            u = jnp.where(lane == first, BIG, m1)
            g2 = jnp.minimum(jnp.min(u), jnp.min(m2))
            total = total + jnp.maximum(jnp.maximum(pos, 0.0) - g2 + MARGIN, 0.0)
        return total

    start(0, 0)

    def outer(h, total):
        t0 = 2 * h
        wait(t0, 0)
        start(t0 + 1, 1)
        total = process_slab(buf0, row0 + t0 * RSLAB, total)
        wait(t0 + 1, 1)

        @pl.when(t0 + 2 < NSLAB)
        def _():
            start(t0 + 2, 0)

        total = process_slab(buf1, row0 + (t0 + 1) * RSLAB, total)
        return total

    total = lax.fori_loop(0, NSLAB // 2, outer, jnp.float32(0.0))
    accv[...] = jnp.where(lane == 0, total, jnp.float32(0.0))
    pltpu.sync_copy(accv, out_hbm.at[wid])


@functools.partial(
    pl.kernel,
    out_type=jax.ShapeDtypeStruct((NW, LANES), jnp.float32),
    mesh=plsc.VectorSubcoreMesh(core_axis_name="c", subcore_axis_name="s"),
    scratch_types=[
        pltpu.VMEM((RSLAB, BATCH), jnp.float32),
        pltpu.VMEM((RSLAB, BATCH), jnp.float32),
        pltpu.VMEM((LANES,), jnp.float32),
        pltpu.SemaphoreType.DMA,
        pltpu.SemaphoreType.DMA,
    ],
    compiler_params=pltpu.CompilerParams(needs_layout_passes=False),
)
def _sc_triplet(d_hbm, out_hbm, buf0, buf1, accv, sem0, sem1):
    _sc_body(d_hbm, out_hbm, buf0, buf1, accv, sem0, sem1)


def _tc_block(x_ref, o_ref):
    b = pl.program_id(0)
    x = x_ref[...]
    row = b * TC_BLK + lax.broadcasted_iota(jnp.int32, (TC_BLK, BATCH), 0)
    col = lax.broadcasted_iota(jnp.int32, (TC_BLK, BATCH), 1)
    z = col ^ row
    mask = (z < KCLS) & (z != 0)
    pos = jnp.max(jnp.where(mask, x, -BIG), axis=1, keepdims=True)
    xm = jnp.where(mask, BIG, x)
    m1 = jnp.min(xm, axis=1, keepdims=True)
    cmin = jnp.min(jnp.where(xm == m1, col, BATCH), axis=1, keepdims=True)
    m2 = jnp.min(jnp.where(col == cmin, BIG, xm), axis=1, keepdims=True)
    loss = jnp.maximum(jnp.maximum(pos, 0.0) - m2 + MARGIN, 0.0)
    o_ref[0, 0, 0] = jnp.sum(loss)


_tc_triplet = pl.pallas_call(
    _tc_block,
    grid=(TC_ROWS // TC_BLK,),
    in_specs=[pl.BlockSpec((TC_BLK, BATCH), lambda b: (b, 0))],
    out_specs=pl.BlockSpec((1, 1, 1), lambda b: (b, 0, 0), memory_space=pltpu.SMEM),
    out_shape=jax.ShapeDtypeStruct((TC_ROWS // TC_BLK, 1, 1), jnp.float32),
)


def kernel(distance_matrix):
    sc_parts = _sc_triplet(distance_matrix)
    tc_parts = _tc_triplet(distance_matrix)
    return (jnp.sum(sc_parts) + jnp.sum(tc_parts)) / jnp.float32(BATCH)

# --- scband reference (transcript-rebuilt; emitter-appended) ---
"""Pipeline reference for scband-triplet-loss-40089224741249 (READ-ONLY COPY).

The authoritative reference and input builder live on the scoring server;
editing this copy changes nothing except your own understanding.
"""

import jax, jax.numpy as jnp
import numpy as np

MARGIN = 0.3
BATCH = 4096
P = 512
K = 8
SOFT_MARGIN = False
# NOTE: the torch forward references an undefined global `num_batch_classes`;
# under PK sampling it equals p (number of classes per batch), so P is used here.


def _template():
    idx = jnp.arange(BATCH)
    same_block = (idx[:, None] // K) == (idx[None, :] // K)
    off_diag = idx[:, None] != idx[None, :]
    return jnp.where(same_block & off_diag, 1.0, 0.0).astype(jnp.float32)


def setup_inputs(seed: int = 0) -> dict:
    key = jax.random.key(seed)
    distance_matrix = jax.random.uniform(key, (BATCH, BATCH), dtype=jnp.float32)
    return {"distance_matrix": distance_matrix}


def reference(distance_matrix):
    num_batch_images = distance_matrix.shape[0]
    num_batch_classes = P
    num_images_per_class = num_batch_images // num_batch_classes
    template = _template()
    positive_distance_matrix = distance_matrix * template
    negative_distance_matrix = distance_matrix - positive_distance_matrix
    positive_distance = jnp.max(positive_distance_matrix, axis=1)
    negative_sorted = jnp.sort(negative_distance_matrix, axis=-1)
    negative_distance = negative_sorted[:, num_images_per_class]
    one = -jnp.ones((BATCH,), dtype=jnp.float32)
    if SOFT_MARGIN:
        x = positive_distance - negative_distance
        loss = jnp.mean(jnp.log1p(jnp.exp(-one * x)))
    else:
        losses = positive_distance - negative_distance + MARGIN
        losses = jnp.maximum(losses, 0.0)
        loss = jnp.mean(losses)
    return loss

if __name__ == "__main__":
    import jax
    _d = setup_inputs()
    print(jax.jit(kernel)(*tuple(_d.values())))

</pallas_src>

<mosaic_0001>
#map = affine_map<(d0, d1) -> (0, 0)>
module attributes {stable_mosaic.version = 14 : i64} {
  func.func @_sc_triplet(%arg0: i32, %arg1: i32, %arg2: memref<4096x4096xf32, #tpu.memory_space<hbm>>, %arg3: memref<32x16xf32, #tpu.memory_space<hbm>>, %arg4: memref<8x4096xf32, #tpu.memory_space<vmem>>, %arg5: memref<8x4096xf32, #tpu.memory_space<vmem>>, %arg6: memref<16xf32, #tpu.memory_space<vmem>>, %arg7: memref<!tpu.dma_semaphore, #tpu.memory_space<semaphore_mem>>, %arg8: memref<!tpu.dma_semaphore, #tpu.memory_space<semaphore_mem>>) attributes {dimension_semantics = [#tpu.dimension_semantics<core_parallel>, #tpu.dimension_semantics<subcore_parallel>], iteration_bounds = array<i64: 2, 16>, scalar_prefetch = 0 : i64, scratch_operands = 5 : i64, tpu.core_type = #tpu.core_type<sc_vector_subcore>, window_params = [{transform_indices = #map}, {transform_indices = #map}]} {
    %mul3A = arith.constant 2 : i32
    %mul3A_0 = arith.muli %arg1, %mul3A : i32
    %add3A = arith.addi %mul3A_0, %arg0 : i32
    %mul3A_1 = arith.constant 64 : i32
    %mul3A_2 = arith.muli %add3A, %mul3A_1 : i32
    %add3A_3 = arith.constant 2048 : i32
    %add3A_4 = arith.addi %add3A_3, %mul3A_2 : i32
    %iota3A = tpu.iota {dimensions = array<i32: 0>} : vector<16xi32>
    %add3A_5 = arith.constant 0 : i32
    %add3A_6 = arith.addi %add3A_4, %add3A_5 : i32
    %dma_start3A = arith.constant 0 : i32
    %dma_start3A_7 = tpu.memref_slice %arg2[%add3A_6, %dma_start3A] : memref<4096x4096xf32, #tpu.memory_space<hbm>> -> memref<8x4096xf32, #tpu.memory_space<hbm>>
    %dma_start3A_8 = arith.constant 0 : i32
    %dma_start3A_9 = tpu.memref_slice %arg2[%add3A_6, %dma_start3A_8] : memref<4096x4096xf32, #tpu.memory_space<hbm>> -> memref<8x4096xf32, #tpu.memory_space<hbm>>
    tpu.enqueue_dma source(%dma_start3A_9 : memref<8x4096xf32, #tpu.memory_space<hbm>>) target(%arg4 : memref<8x4096xf32, #tpu.memory_space<vmem>>) target_semaphore(%arg7 : memref<!tpu.dma_semaphore, #tpu.memory_space<semaphore_mem>>)
    %scan3A = arith.constant 0.000000e+00 : f32
    %scan3A_10 = arith.constant 0 : i32
    %scan3A_11 = arith.constant 4 : i32
    %scan3A_12 = arith.addi %scan3A_10, %scan3A_11 : i32
    %scan3A_13 = arith.constant 1 : i32
    %scan3A_14 = scf.for %scan3A_20 = %scan3A_10 to %scan3A_12 step %scan3A_13 iter_args(%scan3A_21 = %scan3A) -> (f32)  : i32 {
      %mul3A_22 = arith.constant 2 : i32
      %mul3A_23 = arith.muli %mul3A_22, %scan3A_20 : i32
      %mul3A_24 = arith.constant 8 : i32
      %mul3A_25 = arith.muli %mul3A_23, %mul3A_24 : i32
      %add3A_26 = arith.addi %add3A_4, %mul3A_25 : i32
      %dma_wait3A = arith.constant 0 : i32
      %dma_wait3A_27 = tpu.memref_slice %arg2[%add3A_26, %dma_wait3A] : memref<4096x4096xf32, #tpu.memory_space<hbm>> -> memref<8x4096xf32, #tpu.memory_space<hbm>>
      %dma_wait3A_28 = arith.constant 0 : i32
      %dma_wait3A_29 = tpu.memref_slice %arg2[%add3A_26, %dma_wait3A_28] : memref<4096x4096xf32, #tpu.memory_space<hbm>> -> memref<8x4096xf32, #tpu.memory_space<hbm>>
      tpu.wait_dma2 semaphore(%arg7 : memref<!tpu.dma_semaphore, #tpu.memory_space<semaphore_mem>>) src(%dma_wait3A_29 : memref<8x4096xf32, #tpu.memory_space<hbm>>) dst(%arg4 : memref<8x4096xf32, #tpu.memory_space<vmem>>)
      %add3A_30 = arith.constant 1 : i32
      %add3A_31 = arith.addi %mul3A_23, %add3A_30 : i32
      %mul3A_32 = arith.constant 8 : i32
      %mul3A_33 = arith.muli %add3A_31, %mul3A_32 : i32
      %add3A_34 = arith.addi %add3A_4, %mul3A_33 : i32
      %dma_start3A_35 = arith.constant 0 : i32
      %dma_start3A_36 = tpu.memref_slice %arg2[%add3A_34, %dma_start3A_35] : memref<4096x4096xf32, #tpu.memory_space<hbm>> -> memref<8x4096xf32, #tpu.memory_space<hbm>>
      %dma_start3A_37 = arith.constant 0 : i32
      %dma_start3A_38 = tpu.memref_slice %arg2[%add3A_34, %dma_start3A_37] : memref<4096x4096xf32, #tpu.memory_space<hbm>> -> memref<8x4096xf32, #tpu.memory_space<hbm>>
      tpu.enqueue_dma source(%dma_start3A_38 : memref<8x4096xf32, #tpu.memory_space<hbm>>) target(%arg5 : memref<8x4096xf32, #tpu.memory_space<vmem>>) target_semaphore(%arg8 : memref<!tpu.dma_semaphore, #tpu.memory_space<semaphore_mem>>)
      %mul3A_39 = arith.constant 8 : i32
      %mul3A_40 = arith.muli %mul3A_23, %mul3A_39 : i32
      %add3A_41 = arith.addi %add3A_4, %mul3A_40 : i32
      %add3A_42 = arith.constant 0 : i32
      %add3A_43 = arith.addi %add3A_41, %add3A_42 : i32
      %jit3A_44 = arith.constant 16 : i32
      %div3A = arith.divsi %add3A_43, %jit3A_44 : i32
      %sign3A = arith.constant 0 : i32
      %sign3A_45 = arith.cmpi sgt, %add3A_43, %sign3A : i32
      %sign3A_46 = arith.extui %sign3A_45 : i1 to i32
      %sign3A_47 = arith.constant 0 : i32
      %sign3A_48 = arith.cmpi slt, %add3A_43, %sign3A_47 : i32
      %sign3A_49 = arith.extui %sign3A_48 : i1 to i32
      %sign3A_50 = arith.subi %sign3A_46, %sign3A_49 : i32
      %sign3A_51 = arith.constant 0 : i32
      %sign3A_52 = arith.cmpi sgt, %jit3A_44, %sign3A_51 : i32
      %sign3A_53 = arith.extui %sign3A_52 : i1 to i32
      %sign3A_54 = arith.constant 0 : i32
      %sign3A_55 = arith.cmpi slt, %jit3A_44, %sign3A_54 : i32
      %sign3A_56 = arith.extui %sign3A_55 : i1 to i32
      %sign3A_57 = arith.subi %sign3A_53, %sign3A_56 : i32
      %ne3A = arith.cmpi ne, %sign3A_50, %sign3A_57 : i32
      %rem3A = arith.remsi %add3A_43, %jit3A_44 : i32
      %ne3A_58 = arith.constant 0 : i32
      %ne3A_59 = arith.cmpi ne, %rem3A, %ne3A_58 : i32
      %and3A = arith.andi %ne3A, %ne3A_59 : i1
      %sub3A = arith.constant 1 : i32
      %sub3A_60 = arith.subi %div3A, %sub3A : i32
      %select_n3A_61 = arith.select %and3A, %sub3A_60, %div3A : i32
      %jit3A_62 = arith.constant 8 : i32
      %div3A_63 = arith.divsi %add3A_43, %jit3A_62 : i32
      %sign3A_64 = arith.constant 0 : i32
      %sign3A_65 = arith.cmpi sgt, %add3A_43, %sign3A_64 : i32
      %sign3A_66 = arith.extui %sign3A_65 : i1 to i32
      %sign3A_67 = arith.constant 0 : i32
      %sign3A_68 = arith.cmpi slt, %add3A_43, %sign3A_67 : i32
      %sign3A_69 = arith.extui %sign3A_68 : i1 to i32
      %sign3A_70 = arith.subi %sign3A_66, %sign3A_69 : i32
      %sign3A_71 = arith.constant 0 : i32
      %sign3A_72 = arith.cmpi sgt, %jit3A_62, %sign3A_71 : i32
      %sign3A_73 = arith.extui %sign3A_72 : i1 to i32
      %sign3A_74 = arith.constant 0 : i32
      %sign3A_75 = arith.cmpi slt, %jit3A_62, %sign3A_74 : i32
      %sign3A_76 = arith.extui %sign3A_75 : i1 to i32
      %sign3A_77 = arith.subi %sign3A_73, %sign3A_76 : i32
      %ne3A_78 = arith.cmpi ne, %sign3A_70, %sign3A_77 : i32
      %rem3A_79 = arith.remsi %add3A_43, %jit3A_62 : i32
      %ne3A_80 = arith.constant 0 : i32
      %ne3A_81 = arith.cmpi ne, %rem3A_79, %ne3A_80 : i32
      %and3A_82 = arith.andi %ne3A_78, %ne3A_81 : i1
      %sub3A_83 = arith.constant 1 : i32
      %sub3A_84 = arith.subi %div3A_63, %sub3A_83 : i32
      %select_n3A_85 = arith.select %and3A_82, %sub3A_84, %div3A_63 : i32
      %jit3A_86 = arith.constant 2 : i32
      %eq3A_87 = arith.constant 0 : i32
      %eq3A_88 = arith.cmpi eq, %jit3A_86, %eq3A_87 : i32
      %jit3A_89 = arith.constant 1 : i32
      %select_n3A_90 = arith.select %eq3A_88, %jit3A_89, %jit3A_86 : i32
      %rem3A_91 = arith.remsi %select_n3A_85, %select_n3A_90 : i32
      %ne3A_92 = arith.constant 0 : i32
      %ne3A_93 = arith.cmpi ne, %rem3A_91, %ne3A_92 : i32
      %lt3A = arith.constant 0 : i32
      %lt3A_94 = arith.cmpi slt, %rem3A_91, %lt3A : i32
      %lt3A_95 = arith.constant 0 : i32
      %lt3A_96 = arith.cmpi slt, %select_n3A_90, %lt3A_95 : i32
      %ne3A_97 = arith.xori %lt3A_94, %lt3A_96 : i1
      %and3A_98 = arith.andi %ne3A_97, %ne3A_93 : i1
      %add3A_99 = arith.addi %rem3A_91, %select_n3A_90 : i32
      %select_n3A_100 = arith.select %and3A_98, %add3A_99, %rem3A_91 : i32
      %mul3A_101 = arith.constant 8 : i32
      %mul3A_102 = arith.muli %select_n3A_100, %mul3A_101 : i32
      %jit3A_103 = arith.constant 16 : i32
      %eq3A_104 = arith.constant 0 : i32
      %eq3A_105 = arith.cmpi eq, %jit3A_103, %eq3A_104 : i32
      %jit3A_106 = arith.constant 1 : i32
      %select_n3A_107 = arith.select %eq3A_105, %jit3A_106, %jit3A_103 : i32
      %rem3A_108 = arith.remsi %add3A_43, %select_n3A_107 : i32
      %ne3A_109 = arith.constant 0 : i32
      %ne3A_110 = arith.cmpi ne, %rem3A_108, %ne3A_109 : i32
      %lt3A_111 = arith.constant 0 : i32
      %lt3A_112 = arith.cmpi slt, %rem3A_108, %lt3A_111 : i32
      %lt3A_113 = arith.constant 0 : i32
      %lt3A_114 = arith.cmpi slt, %select_n3A_107, %lt3A_113 : i32
      %ne3A_115 = arith.xori %lt3A_112, %lt3A_114 : i1
      %and3A_116 = arith.andi %ne3A_115, %ne3A_110 : i1
      %add3A_117 = arith.addi %rem3A_108, %select_n3A_107 : i32
      %select_n3A_118 = arith.select %and3A_116, %add3A_117, %rem3A_108 : i32
      %mul3A_119 = arith.constant 16 : i32
      %mul3A_120 = arith.muli %select_n3A_61, %mul3A_119 : i32
      %get3A = arith.constant 0 : i32
      %get3A_121 = arith.index_cast %get3A : i32 to index
      %get3A_122 = arith.index_cast %mul3A_120 : i32 to index
      %get3A_123 = tpu.vector_load %arg4[%get3A_121, %get3A_122] {strides = array<i32>} : memref<8x4096xf32, #tpu.memory_space<vmem>>, vector<16xf32>,
      %ge3A = vector.broadcast %mul3A_102 : i32 to vector<16xi32>
      %ge3A_124 = arith.cmpi sge, %iota3A, %ge3A : vector<16xi32>
      %add3A_125 = arith.constant 8 : i32
      %add3A_126 = arith.addi %mul3A_102, %add3A_125 : i32
      %lt3A_127 = vector.broadcast %add3A_126 : i32 to vector<16xi32>
      %lt3A_128 = arith.cmpi slt, %iota3A, %lt3A_127 : vector<16xi32>
      %and3A_129 = arith.andi %ge3A_124, %lt3A_128 : vector<16xi1>
      %ne3A_130 = vector.broadcast %select_n3A_118 : i32 to vector<16xi32>
      %ne3A_131 = arith.cmpi ne, %iota3A, %ne3A_130 : vector<16xi32>
      %and3A_132 = arith.andi %and3A_129, %ne3A_131 : vector<16xi1>
      %jit3A_133 = arith.constant -3.000000e+38 : f32
      %broadcast_in_dim3A_134 = vector.broadcast %jit3A_133 : f32 to vector<16xf32>
      %select_n3A_135 = arith.select %and3A_132, %get3A_123, %broadcast_in_dim3A_134 : vector<16xi1>, vector<16xf32>
      %reduce_max3A = arith.constant true
      %reduce_max3A_136 = vector.broadcast %reduce_max3A : i1 to vector<16xi1>
      %reduce_max3A_137 = tpu.scan <max>, %select_n3A_135 masked %reduce_max3A_136 : vector<16xf32>, vector<16xi1> -> vector<16xf32>
      %reduce_max3A_138 = vector.extract %reduce_max3A_137[15] : f32 from vector<16xf32>
      %jit3A_139 = arith.constant 3.000000e+38 : f32
      %broadcast_in_dim3A_140 = vector.broadcast %jit3A_139 : f32 to vector<16xf32>
      %select_n3A_141 = arith.select %and3A_132, %broadcast_in_dim3A_140, %get3A_123 : vector<16xi1>, vector<16xf32>
      %mul3A_142 = arith.constant 16 : i32
      %mul3A_143 = arith.muli %select_n3A_61, %mul3A_142 : i32
      %swap3A_144 = arith.constant 0 : i32
      %swap3A_145 = arith.index_cast %swap3A_144 : i32 to index
      %swap3A_146 = arith.index_cast %mul3A_143 : i32 to index
      %swap3A_147 = tpu.vector_load %arg4[%swap3A_145, %swap3A_146] {strides = array<i32>} : memref<8x4096xf32, #tpu.memory_space<vmem>>, vector<16xf32>,
      tpu.vector_store %arg4[%swap3A_145, %swap3A_146], %select_n3A_141 {strides = array<i32>} : memref<8x4096xf32, #tpu.memory_space<vmem>>, vector<16xf32>,
      %broadcast_in_dim3A_148 = arith.constant 3.000000e+38 : f32
      %broadcast_in_dim3A_149 = vector.broadcast %broadcast_in_dim3A_148 : f32 to vector<16xf32>
      %broadcast_in_dim3A_150 = arith.constant 3.000000e+38 : f32
      %broadcast_in_dim3A_151 = vector.broadcast %broadcast_in_dim3A_150 : f32 to vector<16xf32>
      %broadcast_in_dim3A_152 = arith.constant 3.000000e+38 : f32
      %broadcast_in_dim3A_153 = vector.broadcast %broadcast_in_dim3A_152 : f32 to vector<16xf32>
      %broadcast_in_dim3A_154 = arith.constant 3.000000e+38 : f32
      %broadcast_in_dim3A_155 = vector.broadcast %broadcast_in_dim3A_154 : f32 to vector<16xf32>
      %broadcast_in_dim3A_156 = arith.constant 3.000000e+38 : f32
      %broadcast_in_dim3A_157 = vector.broadcast %broadcast_in_dim3A_156 : f32 to vector<16xf32>
      %broadcast_in_dim3A_158 = arith.constant 3.000000e+38 : f32
      %broadcast_in_dim3A_159 = vector.broadcast %broadcast_in_dim3A_158 : f32 to vector<16xf32>
      %broadcast_in_dim3A_160 = arith.constant 3.000000e+38 : f32
      %broadcast_in_dim3A_161 = vector.broadcast %broadcast_in_dim3A_160 : f32 to vector<16xf32>
      %broadcast_in_dim3A_162 = arith.constant 3.000000e+38 : f32
      %broadcast_in_dim3A_163 = vector.broadcast %broadcast_in_dim3A_162 : f32 to vector<16xf32>
      %scan3A_164 = arith.constant 0 : i32
      %scan3A_165 = arith.constant 64 : i32
      %scan3A_166 = arith.addi %scan3A_164, %scan3A_165 : i32
      %scan3A_167 = arith.constant 1 : i32
      %scan3A_168:8 = scf.for %scan3A_2895 = %scan3A_164 to %scan3A_166 step %scan3A_167 iter_args(%scan3A_2896 = %broadcast_in_dim3A_149, %scan3A_2897 = %broadcast_in_dim3A_151, %scan3A_2898 = %broadcast_in_dim3A_153, %scan3A_2899 = %broadcast_in_dim3A_155, %scan3A_2900 = %broadcast_in_dim3A_157, %scan3A_2901 = %broadcast_in_dim3A_159, %scan3A_2902 = %broadcast_in_dim3A_161, %scan3A_2903 = %broadcast_in_dim3A_163) -> (vector<16xf32>, vector<16xf32>, vector<16xf32>, vector<16xf32>, vector<16xf32>, vector<16xf32>, vector<16xf32>, vector<16xf32>)  : i32 {
        %add3A_2904 = arith.constant 0 : i32
        %add3A_2905 = arith.addi %scan3A_2895, %add3A_2904 : i32
        %mul3A_2906 = arith.constant 16 : i32
        %mul3A_2907 = arith.muli %add3A_2905, %mul3A_2906 : i32
        %get3A_2908 = arith.constant 0 : i32
        %get3A_2909 = arith.index_cast %get3A_2908 : i32 to index
        %get3A_2910 = arith.index_cast %mul3A_2907 : i32 to index
        %get3A_2911 = tpu.vector_load %arg4[%get3A_2909, %get3A_2910] {strides = array<i32>} : memref<8x4096xf32, #tpu.memory_space<vmem>>, vector<16xf32>,
        %min3A_2912 = arith.minimumf %scan3A_2896, %get3A_2911 : vector<16xf32>
        %max3A_2913 = arith.maximumf %scan3A_2896, %get3A_2911 : vector<16xf32>
        %min3A_2914 = arith.minimumf %scan3A_2897, %max3A_2913 : vector<16xf32>
        %add3A_2915 = arith.constant 64 : i32
        %add3A_2916 = arith.addi %scan3A_2895, %add3A_2915 : i32
        %mul3A_2917 = arith.constant 16 : i32
        %mul3A_2918 = arith.muli %add3A_2916, %mul3A_2917 : i32
        %get3A_2919 = arith.constant 0 : i32
        %get3A_2920 = arith.index_cast %get3A_2919 : i32 to index
        %get3A_2921 = arith.index_cast %mul3A_2918 : i32 to index
        %get3A_2922 = tpu.vector_load %arg4[%get3A_2920, %get3A_2921] {strides = array<i32>} : memref<8x4096xf32, #tpu.memory_space<vmem>>, vector<16xf32>,
        %min3A_2923 = arith.minimumf %scan3A_2898, %get3A_2922 : vector<16xf32>
        %max3A_2924 = arith.maximumf %scan3A_2898, %get3A_2922 : vector<16xf32>
        %min3A_2925 = arith.minimumf %scan3A_2899, %max3A_2924 : vector<16xf32>
        %add3A_2926 = arith.constant 128 : i32
        %add3A_2927 = arith.addi %scan3A_2895, %add3A_2926 : i32
        %mul3A_2928 = arith.constant 16 : i32
        %mul3A_2929 = arith.muli %add3A_2927, %mul3A_2928 : i32
        %get3A_2930 = arith.constant 0 : i32
        %get3A_2931 = arith.index_cast %get3A_2930 : i32 to index
        %get3A_2932 = arith.index_cast %mul3A_2929 : i32 to index
        %get3A_2933 = tpu.vector_load %arg4[%get3A_2931, %get3A_2932] {strides = array<i32>} : memref<8x4096xf32, #tpu.memory_space<vmem>>, vector<16xf32>,
        %min3A_2934 = arith.minimumf %scan3A_2900, %get3A_2933 : vector<16xf32>
        %max3A_2935 = arith.maximumf %scan3A_2900, %get3A_2933 : vector<16xf32>
        %min3A_2936 = arith.minimumf %scan3A_2901, %max3A_2935 : vector<16xf32>
        %add3A_2937 = arith.constant 192 : i32
        %add3A_2938 = arith.addi %scan3A_2895, %add3A_2937 : i32
        %mul3A_2939 = arith.constant 16 : i32
        %mul3A_2940 = arith.muli %add3A_2938, %mul3A_2939 : i32
        %get3A_2941 = arith.constant 0 : i32
        %get3A_2942 = arith.index_cast %get3A_2941 : i32 to index
        %get3A_2943 = arith.index_cast %mul3A_2940 : i32 to index
        %get3A_2944 = tpu.vector_load %arg4[%get3A_2942, %get3A_2943] {strides = array<i32>} : memref<8x4096xf32, #tpu.memory_space<vmem>>, vector<16xf32>,
        %min3A_2945 = arith.minimumf %scan3A_2902, %get3A_2944 : vector<16xf32>
        %max3A_2946 = arith.maximumf %scan3A_2902, %get3A_2944 : vector<16xf32>
        %min3A_2947 = arith.minimumf %scan3A_2903, %max3A_2946 : vector<16xf32>
        scf.yield %min3A_2912, %min3A_2914, %min3A_2923, %min3A_2925, %min3A_2934, %min3A_2936, %min3A_2945, %min3A_2947 : vector<16xf32>, vector<16xf32>, vector<16xf32>, vector<16xf32>, vector<16xf32>, vector<16xf32>, vector<16xf32>, vector<16xf32>
      }
      %scan3A_169 = arith.constant 64 : i32
      %max3A = arith.maximumf %scan3A_168#0, %scan3A_168#2 : vector<16xf32>
      %min3A = arith.minimumf %scan3A_168#1, %scan3A_168#3 : vector<16xf32>
      %min3A_170 = arith.minimumf %max3A, %min3A : vector<16xf32>
      %min3A_171 = arith.minimumf %scan3A_168#0, %scan3A_168#2 : vector<16xf32>
      %max3A_172 = arith.maximumf %min3A_171, %scan3A_168#4 : vector<16xf32>
      %min3A_173 = arith.minimumf %min3A_170, %scan3A_168#5 : vector<16xf32>
      %min3A_174 = arith.minimumf %max3A_172, %min3A_173 : vector<16xf32>
      %min3A_175 = arith.minimumf %min3A_171, %scan3A_168#4 : vector<16xf32>
      %max3A_176 = arith.maximumf %min3A_175, %scan3A_168#6 : vector<16xf32>
      %min3A_177 = arith.minimumf %min3A_174, %scan3A_168#7 : vector<16xf32>
      %min3A_178 = arith.minimumf %max3A_176, %min3A_177 : vector<16xf32>
      %min3A_179 = arith.minimumf %min3A_175, %scan3A_168#6 : vector<16xf32>
      %reduce_min3A = arith.constant true
      %reduce_min3A_180 = vector.broadcast %reduce_min3A : i1 to vector<16xi1>
      %reduce_min3A_181 = tpu.scan <min>, %min3A_179 masked %reduce_min3A_180 : vector<16xf32>, vector<16xi1> -> vector<16xf32>
      %reduce_min3A_182 = vector.extract %reduce_min3A_181[15] : f32 from vector<16xf32>
      %eq3A_183 = vector.broadcast %reduce_min3A_182 : f32 to vector<16xf32>
      %eq3A_184 = arith.cmpf oeq, %min3A_179, %eq3A_183 : vector<16xf32>
      %all_reduce_ffs3A = tpu.all_reduce %eq3A_184 {dim = 0 : i64, kind = #tpu.reduction_kind<find_first_set>} : vector<16xi1> -> vector<16xi32>
      %eq3A_185 = arith.cmpi eq, %iota3A, %all_reduce_ffs3A : vector<16xi32>
      %jit3A_186 = arith.constant 3.000000e+38 : f32
      %broadcast_in_dim3A_187 = vector.broadcast %jit3A_186 : f32 to vector<16xf32>
      %select_n3A_188 = arith.select %eq3A_185, %broadcast_in_dim3A_187, %min3A_179 : vector<16xi1>, vector<16xf32>
      %reduce_min3A_189 = arith.constant true
      %reduce_min3A_190 = vector.broadcast %reduce_min3A_189 : i1 to vector<16xi1>
      %reduce_min3A_191 = tpu.scan <min>, %select_n3A_188 masked %reduce_min3A_190 : vector<16xf32>, vector<16xi1> -> vector<16xf32>
      %reduce_min3A_192 = vector.extract %reduce_min3A_191[15] : f32 from vector<16xf32>
      %reduce_min3A_193 = arith.constant true
      %reduce_min3A_194 = vector.broadcast %reduce_min3A_193 : i1 to vector<16xi1>
      %reduce_min3A_195 = tpu.scan <min>, %min3A_178 masked %reduce_min3A_194 : vector<16xf32>, vector<16xi1> -> vector<16xf32>
      %reduce_min3A_196 = vector.extract %reduce_min3A_195[15] : f32 from vector<16xf32>
      %min3A_197 = arith.minimumf %reduce_min3A_192, %reduce_min3A_196 : f32
      %max3A_198 = arith.constant 0.000000e+00 : f32
      %max3A_199 = arith.maximumf %reduce_max3A_138, %max3A_198 : f32
      %sub3A_200 = arith.subf %max3A_199, %min3A_197 : f32
      %add3A_201 = arith.constant 3.000000e-01 : f32
      %add3A_202 = arith.addf %sub3A_200, %add3A_201 : f32
      %max3A_203 = arith.constant 0.000000e+00 : f32
      %max3A_204 = arith.maximumf %add3A_202, %max3A_203 : f32
      %add3A_205 = arith.addf %scan3A_21, %max3A_204 : f32
      %add3A_206 = arith.constant 1 : i32
      %add3A_207 = arith.addi %add3A_41, %add3A_206 : i32
      %jit3A_208 = arith.constant 16 : i32
      %div3A_209 = arith.divsi %add3A_207, %jit3A_208 : i32
      %sign3A_210 = arith.constant 0 : i32
      %sign3A_211 = arith.cmpi sgt, %add3A_207, %sign3A_210 : i32
      %sign3A_212 = arith.extui %sign3A_211 : i1 to i32
      %sign3A_213 = arith.constant 0 : i32
      %sign3A_214 = arith.cmpi slt, %add3A_207, %sign3A_213 : i32
      %sign3A_215 = arith.extui %sign3A_214 : i1 to i32
      %sign3A_216 = arith.subi %sign3A_212, %sign3A_215 : i32
      %sign3A_217 = arith.constant 0 : i32
      %sign3A_218 = arith.cmpi sgt, %jit3A_208, %sign3A_217 : i32
      %sign3A_219 = arith.extui %sign3A_218 : i1 to i32
      %sign3A_220 = arith.constant 0 : i32
      %sign3A_221 = arith.cmpi slt, %jit3A_208, %sign3A_220 : i32
      %sign3A_222 = arith.extui %sign3A_221 : i1 to i32
      %sign3A_223 = arith.subi %sign3A_219, %sign3A_222 : i32
      %ne3A_224 = arith.cmpi ne, %sign3A_216, %sign3A_223 : i32
      %rem3A_225 = arith.remsi %add3A_207, %jit3A_208 : i32
      %ne3A_226 = arith.constant 0 : i32
      %ne3A_227 = arith.cmpi ne, %rem3A_225, %ne3A_226 : i32
      %and3A_228 = arith.andi %ne3A_224, %ne3A_227 : i1
      %sub3A_229 = arith.constant 1 : i32
      %sub3A_230 = arith.subi %div3A_209, %sub3A_229 : i32
      %select_n3A_231 = arith.select %and3A_228, %sub3A_230, %div3A_209 : i32
      %jit3A_232 = arith.constant 8 : i32
      %div3A_233 = arith.divsi %add3A_207, %jit3A_232 : i32
      %sign3A_234 = arith.constant 0 : i32
      %sign3A_235 = arith.cmpi sgt, %add3A_207, %sign3A_234 : i32
      %sign3A_236 = arith.extui %sign3A_235 : i1 to i32
      %sign3A_237 = arith.constant 0 : i32
      %sign3A_238 = arith.cmpi slt, %add3A_207, %sign3A_237 : i32
      %sign3A_239 = arith.extui %sign3A_238 : i1 to i32
      %sign3A_240 = arith.subi %sign3A_236, %sign3A_239 : i32
      %sign3A_241 = arith.constant 0 : i32
      %sign3A_242 = arith.cmpi sgt, %jit3A_232, %sign3A_241 : i32
      %sign3A_243 = arith.extui %sign3A_242 : i1 to i32
      %sign3A_244 = arith.constant 0 : i32
      %sign3A_245 = arith.cmpi slt, %jit3A_232, %sign3A_244 : i32
      %sign3A_246 = arith.extui %sign3A_245 : i1 to i32
      %sign3A_247 = arith.subi %sign3A_243, %sign3A_246 : i32
      %ne3A_248 = arith.cmpi ne, %sign3A_240, %sign3A_247 : i32
      %rem3A_249 = arith.remsi %add3A_207, %jit3A_232 : i32
      %ne3A_250 = arith.constant 0 : i32
      %ne3A_251 = arith.cmpi ne, %rem3A_249, %ne3A_250 : i32
      %and3A_252 = arith.andi %ne3A_248, %ne3A_251 : i1
      %sub3A_253 = arith.constant 1 : i32
      %sub3A_254 = arith.subi %div3A_233, %sub3A_253 : i32
      %select_n3A_255 = arith.select %and3A_252, %sub3A_254, %div3A_233 : i32
      %jit3A_256 = arith.constant 2 : i32
      %eq3A_257 = arith.constant 0 : i32
      %eq3A_258 = arith.cmpi eq, %jit3A_256, %eq3A_257 : i32
      %jit3A_259 = arith.constant 1 : i32
      %select_n3A_260 = arith.select %eq3A_258, %jit3A_259, %jit3A_256 : i32
      %rem3A_261 = arith.remsi %select_n3A_255, %select_n3A_260 : i32
      %ne3A_262 = arith.constant 0 : i32
      %ne3A_263 = arith.cmpi ne, %rem3A_261, %ne3A_262 : i32
      %lt3A_264 = arith.constant 0 : i32
      %lt3A_265 = arith.cmpi slt, %rem3A_261, %lt3A_264 : i32
      %lt3A_266 = arith.constant 0 : i32
      %lt3A_267 = arith.cmpi slt, %select_n3A_260, %lt3A_266 : i32
      %ne3A_268 = arith.xori %lt3A_265, %lt3A_267 : i1
      %and3A_269 = arith.andi %ne3A_268, %ne3A_263 : i1
      %add3A_270 = arith.addi %rem3A_261, %select_n3A_260 : i32
      %select_n3A_271 = arith.select %and3A_269, %add3A_270, %rem3A_261 : i32
      %mul3A_272 = arith.constant 8 : i32
      %mul3A_273 = arith.muli %select_n3A_271, %mul3A_272 : i32
      %jit3A_274 = arith.constant 16 : i32
      %eq3A_275 = arith.constant 0 : i32
      %eq3A_276 = arith.cmpi eq, %jit3A_274, %eq3A_275 : i32
      %jit3A_277 = arith.constant 1 : i32
      %select_n3A_278 = arith.select %eq3A_276, %jit3A_277, %jit3A_274 : i32
      %rem3A_279 = arith.remsi %add3A_207, %select_n3A_278 : i32
      %ne3A_280 = arith.constant 0 : i32
      %ne3A_281 = arith.cmpi ne, %rem3A_279, %ne3A_280 : i32
      %lt3A_282 = arith.constant 0 : i32
      %lt3A_283 = arith.cmpi slt, %rem3A_279, %lt3A_282 : i32
      %lt3A_284 = arith.constant 0 : i32
      %lt3A_285 = arith.cmpi slt, %select_n3A_278, %lt3A_284 : i32
      %ne3A_286 = arith.xori %lt3A_283, %lt3A_285 : i1
      %and3A_287 = arith.andi %ne3A_286, %ne3A_281 : i1
      %add3A_288 = arith.addi %rem3A_279, %select_n3A_278 : i32
      %select_n3A_289 = arith.select %and3A_287, %add3A_288, %rem3A_279 : i32
      %mul3A_290 = arith.constant 16 : i32
      %mul3A_291 = arith.muli %select_n3A_231, %mul3A_290 : i32
      %get3A_292 = arith.constant 1 : i32
      %get3A_293 = arith.index_cast %get3A_292 : i32 to index
      %get3A_294 = arith.index_cast %mul3A_291 : i32 to index
      %get3A_295 = tpu.vector_load %arg4[%get3A_293, %get3A_294] {strides = array<i32>} : memref<8x4096xf32, #tpu.memory_space<vmem>>, vector<16xf32>,
      %ge3A_296 = vector.broadcast %mul3A_273 : i32 to vector<16xi32>
      %ge3A_297 = arith.cmpi sge, %iota3A, %ge3A_296 : vector<16xi32>
      %add3A_298 = arith.constant 8 : i32
      %add3A_299 = arith.addi %mul3A_273, %add3A_298 : i32
      %lt3A_300 = vector.broadcast %add3A_299 : i32 to vector<16xi32>
      %lt3A_301 = arith.cmpi slt, %iota3A, %lt3A_300 : vector<16xi32>
      %and3A_302 = arith.andi %ge3A_297, %lt3A_301 : vector<16xi1>
      %ne3A_303 = vector.broadcast %select_n3A_289 : i32 to vector<16xi32>
      %ne3A_304 = arith.cmpi ne, %iota3A, %ne3A_303 : vector<16xi32>
      %and3A_305 = arith.andi %and3A_302, %ne3A_304 : vector<16xi1>
      %jit3A_306 = arith.constant -3.000000e+38 : f32
      %broadcast_in_dim3A_307 = vector.broadcast %jit3A_306 : f32 to vector<16xf32>
      %select_n3A_308 = arith.select %and3A_305, %get3A_295, %broadcast_in_dim3A_307 : vector<16xi1>, vector<16xf32>
      %reduce_max3A_309 = arith.constant true
      %reduce_max3A_310 = vector.broadcast %reduce_max3A_309 : i1 to vector<16xi1>
      %reduce_max3A_311 = tpu.scan <max>, %select_n3A_308 masked %reduce_max3A_310 : vector<16xf32>, vector<16xi1> -> vector<16xf32>
      %reduce_max3A_312 = vector.extract %reduce_max3A_311[15] : f32 from vector<16xf32>
      %jit3A_313 = arith.constant 3.000000e+38 : f32
      %broadcast_in_dim3A_314 = vector.broadcast %jit3A_313 : f32 to vector<16xf32>
      %select_n3A_315 = arith.select %and3A_305, %broadcast_in_dim3A_314, %get3A_295 : vector<16xi1>, vector<16xf32>
      %mul3A_316 = arith.constant 16 : i32
      %mul3A_317 = arith.muli %select_n3A_231, %mul3A_316 : i32
      %swap3A_318 = arith.constant 1 : i32
      %swap3A_319 = arith.index_cast %swap3A_318 : i32 to index
      %swap3A_320 = arith.index_cast %mul3A_317 : i32 to index
      %swap3A_321 = tpu.vector_load %arg4[%swap3A_319, %swap3A_320] {strides = array<i32>} : memref<8x4096xf32, #tpu.memory_space<vmem>>, vector<16xf32>,
      tpu.vector_store %arg4[%swap3A_319, %swap3A_320], %select_n3A_315 {strides = array<i32>} : memref<8x4096xf32, #tpu.memory_space<vmem>>, vector<16xf32>,
      %broadcast_in_dim3A_322 = arith.constant 3.000000e+38 : f32
      %broadcast_in_dim3A_323 = vector.broadcast %broadcast_in_dim3A_322 : f32 to vector<16xf32>
      %broadcast_in_dim3A_324 = arith.constant 3.000000e+38 : f32
      %broadcast_in_dim3A_325 = vector.broadcast %broadcast_in_dim3A_324 : f32 to vector<16xf32>
      %broadcast_in_dim3A_326 = arith.constant 3.000000e+38 : f32
      %broadcast_in_dim3A_327 = vector.broadcast %broadcast_in_dim3A_326 : f32 to vector<16xf32>
      %broadcast_in_dim3A_328 = arith.constant 3.000000e+38 : f32
      %broadcast_in_dim3A_329 = vector.broadcast %broadcast_in_dim3A_328 : f32 to vector<16xf32>
      %broadcast_in_dim3A_330 = arith.constant 3.000000e+38 : f32
      %broadcast_in_dim3A_331 = vector.broadcast %broadcast_in_dim3A_330 : f32 to vector<16xf32>
      %broadcast_in_dim3A_332 = arith.constant 3.000000e+38 : f32
      %broadcast_in_dim3A_333 = vector.broadcast %broadcast_in_dim3A_332 : f32 to vector<16xf32>
      %broadcast_in_dim3A_334 = arith.constant 3.000000e+38 : f32
      %broadcast_in_dim3A_335 = vector.broadcast %broadcast_in_dim3A_334 : f32 to vector<16xf32>
      %broadcast_in_dim3A_336 = arith.constant 3.000000e+38 : f32
      %broadcast_in_dim3A_337 = vector.broadcast %broadcast_in_dim3A_336 : f32 to vector<16xf32>
      %scan3A_338 = arith.constant 0 : i32
      %scan3A_339 = arith.constant 64 : i32
      %scan3A_340 = arith.addi %scan3A_338, %scan3A_339 : i32
      %scan3A_341 = arith.constant 1 : i32
      %scan3A_342:8 = scf.for %scan3A_2895 = %scan3A_338 to %scan3A_340 step %scan3A_341 iter_args(%scan3A_2896 = %broadcast_in_dim3A_323, %scan3A_2897 = %broadcast_in_dim3A_325, %scan3A_2898 = %broadcast_in_dim3A_327, %scan3A_2899 = %broadcast_in_dim3A_329, %scan3A_2900 = %broadcast_in_dim3A_331, %scan3A_2901 = %broadcast_in_dim3A_333, %scan3A_2902 = %broadcast_in_dim3A_335, %scan3A_2903 = %broadcast_in_dim3A_337) -> (vector<16xf32>, vector<16xf32>, vector<16xf32>, vector<16xf32>, vector<16xf32>, vector<16xf32>, vector<16xf32>, vector<16xf32>)  : i32 {
        %add3A_2904 = arith.constant 0 : i32
        %add3A_2905 = arith.addi %scan3A_2895, %add3A_2904 : i32
        %mul3A_2906 = arith.constant 16 : i32
        %mul3A_2907 = arith.muli %add3A_2905, %mul3A_2906 : i32
        %get3A_2908 = arith.constant 1 : i32
        %get3A_2909 = arith.index_cast %get3A_2908 : i32 to index
        %get3A_2910 = arith.index_cast %mul3A_2907 : i32 to index
        %get3A_2911 = tpu.vector_load %arg4[%get3A_2909, %get3A_2910] {strides = array<i32>} : memref<8x4096xf32, #tpu.memory_space<vmem>>, vector<16xf32>,
        %min3A_2912 = arith.minimumf %scan3A_2896, %get3A_2911 : vector<16xf32>
        %max3A_2913 = arith.maximumf %scan3A_2896, %get3A_2911 : vector<16xf32>
        %min3A_2914 = arith.minimumf %scan3A_2897, %max3A_2913 : vector<16xf32>
        %add3A_2915 = arith.constant 64 : i32
        %add3A_2916 = arith.addi %scan3A_2895, %add3A_2915 : i32
        %mul3A_2917 = arith.constant 16 : i32
        %mul3A_2918 = arith.muli %add3A_2916, %mul3A_2917 : i32
        %get3A_2919 = arith.constant 1 : i32
        %get3A_2920 = arith.index_cast %get3A_2919 : i32 to index
        %get3A_2921 = arith.index_cast %mul3A_2918 : i32 to index
        %get3A_2922 = tpu.vector_load %arg4[%get3A_2920, %get3A_2921] {strides = array<i32>} : memref<8x4096xf32, #tpu.memory_space<vmem>>, vector<16xf32>,
        %min3A_2923 = arith.minimumf %scan3A_2898, %get3A_2922 : vector<16xf32>
        %max3A_2924 = arith.maximumf %scan3A_2898, %get3A_2922 : vector<16xf32>
        %min3A_2925 = arith.minimumf %scan3A_2899, %max3A_2924 : vector<16xf32>
        %add3A_2926 = arith.constant 128 : i32
        %add3A_2927 = arith.addi %scan3A_2895, %add3A_2926 : i32
        %mul3A_2928 = arith.constant 16 : i32
        %mul3A_2929 = arith.muli %add3A_2927, %mul3A_2928 : i32
        %get3A_2930 = arith.constant 1 : i32
        %get3A_2931 = arith.index_cast %get3A_2930 : i32 to index
        %get3A_2932 = arith.index_cast %mul3A_2929 : i32 to index
        %get3A_2933 = tpu.vector_load %arg4[%get3A_2931, %get3A_2932] {strides = array<i32>} : memref<8x4096xf32, #tpu.memory_space<vmem>>, vector<16xf32>,
        %min3A_2934 = arith.minimumf %scan3A_2900, %get3A_2933 : vector<16xf32>
        %max3A_2935 = arith.maximumf %scan3A_2900, %get3A_2933 : vector<16xf32>
        %min3A_2936 = arith.minimumf %scan3A_2901, %max3A_2935 : vector<16xf32>
        %add3A_2937 = arith.constant 192 : i32
        %add3A_2938 = arith.addi %scan3A_2895, %add3A_2937 : i32
        %mul3A_2939 = arith.constant 16 : i32
        %mul3A_2940 = arith.muli %add3A_2938, %mul3A_2939 : i32
        %get3A_2941 = arith.constant 1 : i32
        %get3A_2942 = arith.index_cast %get3A_2941 : i32 to index
        %get3A_2943 = arith.index_cast %mul3A_2940 : i32 to index
        %get3A_2944 = tpu.vector_load %arg4[%get3A_2942, %get3A_2943] {strides = array<i32>} : memref<8x4096xf32, #tpu.memory_space<vmem>>, vector<16xf32>,
        %min3A_2945 = arith.minimumf %scan3A_2902, %get3A_2944 : vector<16xf32>
        %max3A_2946 = arith.maximumf %scan3A_2902, %get3A_2944 : vector<16xf32>
        %min3A_2947 = arith.minimumf %scan3A_2903, %max3A_2946 : vector<16xf32>
        scf.yield %min3A_2912, %min3A_2914, %min3A_2923, %min3A_2925, %min3A_2934, %min3A_2936, %min3A_2945, %min3A_2947 : vector<16xf32>, vector<16xf32>, vector<16xf32>, vector<16xf32>, vector<16xf32>, vector<16xf32>, vector<16xf32>, vector<16xf32>
      }
      %scan3A_343 = arith.constant 64 : i32
      %max3A_344 = arith.maximumf %scan3A_342#0, %scan3A_342#2 : vector<16xf32>
      %min3A_345 = arith.minimumf %scan3A_342#1, %scan3A_342#3 : vector<16xf32>
      %min3A_346 = arith.minimumf %max3A_344, %min3A_345 : vector<16xf32>
      %min3A_347 = arith.minimumf %scan3A_342#0, %scan3A_342#2 : vector<16xf32>
      %max3A_348 = arith.maximumf %min3A_347, %scan3A_342#4 : vector<16xf32>
      %min3A_349 = arith.minimumf %min3A_346, %scan3A_342#5 : vector<16xf32>
      %min3A_350 = arith.minimumf %max3A_348, %min3A_349 : vector<16xf32>
      %min3A_351 = arith.minimumf %min3A_347, %scan3A_342#4 : vector<16xf32>
      %max3A_352 = arith.maximumf %min3A_351, %scan3A_342#6 : vector<16xf32>
      %min3A_353 = arith.minimumf %min3A_350, %scan3A_342#7 : vector<16xf32>
      %min3A_354 = arith.minimumf %max3A_352, %min3A_353 : vector<16xf32>
      %min3A_355 = arith.minimumf %min3A_351, %scan3A_342#6 : vector<16xf32>
      %reduce_min3A_356 = arith.constant true
      %reduce_min3A_357 = vector.broadcast %reduce_min3A_356 : i1 to vector<16xi1>
      %reduce_min3A_358 = tpu.scan <min>, %min3A_355 masked %reduce_min3A_357 : vector<16xf32>, vector<16xi1> -> vector<16xf32>
      %reduce_min3A_359 = vector.extract %reduce_min3A_358[15] : f32 from vector<16xf32>
      %eq3A_360 = vector.broadcast %reduce_min3A_359 : f32 to vector<16xf32>
      %eq3A_361 = arith.cmpf oeq, %min3A_355, %eq3A_360 : vector<16xf32>
      %all_reduce_ffs3A_362 = tpu.all_reduce %eq3A_361 {dim = 0 : i64, kind = #tpu.reduction_kind<find_first_set>} : vector<16xi1> -> vector<16xi32>
      %eq3A_363 = arith.cmpi eq, %iota3A, %all_reduce_ffs3A_362 : vector<16xi32>
      %jit3A_364 = arith.constant 3.000000e+38 : f32
      %broadcast_in_dim3A_365 = vector.broadcast %jit3A_364 : f32 to vector<16xf32>
      %select_n3A_366 = arith.select %eq3A_363, %broadcast_in_dim3A_365, %min3A_355 : vector<16xi1>, vector<16xf32>
      %reduce_min3A_367 = arith.constant true
      %reduce_min3A_368 = vector.broadcast %reduce_min3A_367 : i1 to vector<16xi1>
      %reduce_min3A_369 = tpu.scan <min>, %select_n3A_366 masked %reduce_min3A_368 : vector<16xf32>, vector<16xi1> -> vector<16xf32>
      %reduce_min3A_370 = vector.extract %reduce_min3A_369[15] : f32 from vector<16xf32>
      %reduce_min3A_371 = arith.constant true
      %reduce_min3A_372 = vector.broadcast %reduce_min3A_371 : i1 to vector<16xi1>
      %reduce_min3A_373 = tpu.scan <min>, %min3A_354 masked %reduce_min3A_372 : vector<16xf32>, vector<16xi1> -> vector<16xf32>
      %reduce_min3A_374 = vector.extract %reduce_min3A_373[15] : f32 from vector<16xf32>
      %min3A_375 = arith.minimumf %reduce_min3A_370, %reduce_min3A_374 : f32
      %max3A_376 = arith.constant 0.000000e+00 : f32
      %max3A_377 = arith.maximumf %reduce_max3A_312, %max3A_376 : f32
      %sub3A_378 = arith.subf %max3A_377, %min3A_375 : f32
      %add3A_379 = arith.constant 3.000000e-01 : f32
      %add3A_380 = arith.addf %sub3A_378, %add3A_379 : f32
      %max3A_381 = arith.constant 0.000000e+00 : f32
      %max3A_382 = arith.maximumf %add3A_380, %max3A_381 : f32
      %add3A_383 = arith.addf %add3A_205, %max3A_382 : f32
      %add3A_384 = arith.constant 2 : i32
      %add3A_385 = arith.addi %add3A_41, %add3A_384 : i32
      %jit3A_386 = arith.constant 16 : i32
      %div3A_387 = arith.divsi %add3A_385, %jit3A_386 : i32
      %sign3A_388 = arith.constant 0 : i32
      %sign3A_389 = arith.cmpi sgt, %add3A_385, %sign3A_388 : i32
      %sign3A_390 = arith.extui %sign3A_389 : i1 to i32
      %sign3A_391 = arith.constant 0 : i32
      %sign3A_392 = arith.cmpi slt, %add3A_385, %sign3A_391 : i32
      %sign3A_393 = arith.extui %sign3A_392 : i1 to i32
      %sign3A_394 = arith.subi %sign3A_390, %sign3A_393 : i32
      %sign3A_395 = arith.constant 0 : i32
      %sign3A_396 = arith.cmpi sgt, %jit3A_386, %sign3A_395 : i32
      %sign3A_397 = arith.extui %sign3A_396 : i1 to i32
      %sign3A_398 = arith.constant 0 : i32
      %sign3A_399 = arith.cmpi slt, %jit3A_386, %sign3A_398 : i32
      %sign3A_400 = arith.extui %sign3A_399 : i1 to i32
      %sign3A_401 = arith.subi %sign3A_397, %sign3A_400 : i32
      %ne3A_402 = arith.cmpi ne, %sign3A_394, %sign3A_401 : i32
      %rem3A_403 = arith.remsi %add3A_385, %jit3A_386 : i32
      %ne3A_404 = arith.constant 0 : i32
      %ne3A_405 = arith.cmpi ne, %rem3A_403, %ne3A_404 : i32
      %and3A_406 = arith.andi %ne3A_402, %ne3A_405 : i1
      %sub3A_407 = arith.constant 1 : i32
      %sub3A_408 = arith.subi %div3A_387, %sub3A_407 : i32
      %select_n3A_409 = arith.select %and3A_406, %sub3A_408, %div3A_387 : i32
      %jit3A_410 = arith.constant 8 : i32
      %div3A_411 = arith.divsi %add3A_385, %jit3A_410 : i32
      %sign3A_412 = arith.constant 0 : i32
      %sign3A_413 = arith.cmpi sgt, %add3A_385, %sign3A_412 : i32
      %sign3A_414 = arith.extui %sign3A_413 : i1 to i32
      %sign3A_415 = arith.constant 0 : i32
      %sign3A_416 = arith.cmpi slt, %add3A_385, %sign3A_415 : i32
      %sign3A_417 = arith.extui %sign3A_416 : i1 to i32
      %sign3A_418 = arith.subi %sign3A_414, %sign3A_417 : i32
      %sign3A_419 = arith.constant 0 : i32
      %sign3A_420 = arith.cmpi sgt, %jit3A_410, %sign3A_419 : i32
      %sign3A_421 = arith.extui %sign3A_420 : i1 to i32
      %sign3A_422 = arith.constant 0 : i32
      %sign3A_423 = arith.cmpi slt, %jit3A_410, %sign3A_422 : i32
      %sign3A_424 = arith.extui %sign3A_423 : i1 to i32
      %sign3A_425 = arith.subi %sign3A_421, %sign3A_424 : i32
      %ne3A_426 = arith.cmpi ne, %sign3A_418, %sign3A_425 : i32
      %rem3A_427 = arith.remsi %add3A_385, %jit3A_410 : i32
      %ne3A_428 = arith.constant 0 : i32
      %ne3A_429 = arith.cmpi ne, %rem3A_427, %ne3A_428 : i32
      %and3A_430 = arith.andi %ne3A_426, %ne3A_429 : i1
      %sub3A_431 = arith.constant 1 : i32
      %sub3A_432 = arith.subi %div3A_411, %sub3A_431 : i32
      %select_n3A_433 = arith.select %and3A_430, %sub3A_432, %div3A_411 : i32
      %jit3A_434 = arith.constant 2 : i32
      %eq3A_435 = arith.constant 0 : i32
      %eq3A_436 = arith.cmpi eq, %jit3A_434, %eq3A_435 : i32
      %jit3A_437 = arith.constant 1 : i32
      %select_n3A_438 = arith.select %eq3A_436, %jit3A_437, %jit3A_434 : i32
      %rem3A_439 = arith.remsi %select_n3A_433, %select_n3A_438 : i32
      %ne3A_440 = arith.constant 0 : i32
      %ne3A_441 = arith.cmpi ne, %rem3A_439, %ne3A_440 : i32
      %lt3A_442 = arith.constant 0 : i32
      %lt3A_443 = arith.cmpi slt, %rem3A_439, %lt3A_442 : i32
      %lt3A_444 = arith.constant 0 : i32
      %lt3A_445 = arith.cmpi slt, %select_n3A_438, %lt3A_444 : i32
      %ne3A_446 = arith.xori %lt3A_443, %lt3A_445 : i1
      %and3A_447 = arith.andi %ne3A_446, %ne3A_441 : i1
      %add3A_448 = arith.addi %rem3A_439, %select_n3A_438 : i32
      %select_n3A_449 = arith.select %and3A_447, %add3A_448, %rem3A_439 : i32
      %mul3A_450 = arith.constant 8 : i32
      %mul3A_451 = arith.muli %select_n3A_449, %mul3A_450 : i32
      %jit3A_452 = arith.constant 16 : i32
      %eq3A_453 = arith.constant 0 : i32
      %eq3A_454 = arith.cmpi eq, %jit3A_452, %eq3A_453 : i32
      %jit3A_455 = arith.constant 1 : i32
      %select_n3A_456 = arith.select %eq3A_454, %jit3A_455, %jit3A_452 : i32
      %rem3A_457 = arith.remsi %add3A_385, %select_n3A_456 : i32
      %ne3A_458 = arith.constant 0 : i32
      %ne3A_459 = arith.cmpi ne, %rem3A_457, %ne3A_458 : i32
      %lt3A_460 = arith.constant 0 : i32
      %lt3A_461 = arith.cmpi slt, %rem3A_457, %lt3A_460 : i32
      %lt3A_462 = arith.constant 0 : i32
      %lt3A_463 = arith.cmpi slt, %select_n3A_456, %lt3A_462 : i32
      %ne3A_464 = arith.xori %lt3A_461, %lt3A_463 : i1
      %and3A_465 = arith.andi %ne3A_464, %ne3A_459 : i1
      %add3A_466 = arith.addi %rem3A_457, %select_n3A_456 : i32
      %select_n3A_467 = arith.select %and3A_465, %add3A_466, %rem3A_457 : i32
      %mul3A_468 = arith.constant 16 : i32
      %mul3A_469 = arith.muli %select_n3A_409, %mul3A_468 : i32
      %get3A_470 = arith.constant 2 : i32
      %get3A_471 = arith.index_cast %get3A_470 : i32 to index
      %get3A_472 = arith.index_cast %mul3A_469 : i32 to index
      %get3A_473 = tpu.vector_load %arg4[%get3A_471, %get3A_472] {strides = array<i32>} : memref<8x4096xf32, #tpu.memory_space<vmem>>, vector<16xf32>,
      %ge3A_474 = vector.broadcast %mul3A_451 : i32 to vector<16xi32>
      %ge3A_475 = arith.cmpi sge, %iota3A, %ge3A_474 : vector<16xi32>
      %add3A_476 = arith.constant 8 : i32
      %add3A_477 = arith.addi %mul3A_451, %add3A_476 : i32
      %lt3A_478 = vector.broadcast %add3A_477 : i32 to vector<16xi32>
      %lt3A_479 = arith.cmpi slt, %iota3A, %lt3A_478 : vector<16xi32>
      %and3A_480 = arith.andi %ge3A_475, %lt3A_479 : vector<16xi1>
      %ne3A_481 = vector.broadcast %select_n3A_467 : i32 to vector<16xi32>
      %ne3A_482 = arith.cmpi ne, %iota3A, %ne3A_481 : vector<16xi32>
      %and3A_483 = arith.andi %and3A_480, %ne3A_482 : vector<16xi1>
      %jit3A_484 = arith.constant -3.000000e+38 : f32
      %broadcast_in_dim3A_485 = vector.broadcast %jit3A_484 : f32 to vector<16xf32>
      %select_n3A_486 = arith.select %and3A_483, %get3A_473, %broadcast_in_dim3A_485 : vector<16xi1>, vector<16xf32>
      %reduce_max3A_487 = arith.constant true
      %reduce_max3A_488 = vector.broadcast %reduce_max3A_487 : i1 to vector<16xi1>
      %reduce_max3A_489 = tpu.scan <max>, %select_n3A_486 masked %reduce_max3A_488 : vector<16xf32>, vector<16xi1> -> vector<16xf32>
      %reduce_max3A_490 = vector.extract %reduce_max3A_489[15] : f32 from vector<16xf32>
      %jit3A_491 = arith.constant 3.000000e+38 : f32
      %broadcast_in_dim3A_492 = vector.broadcast %jit3A_491 : f32 to vector<16xf32>
      %select_n3A_493 = arith.select %and3A_483, %broadcast_in_dim3A_492, %get3A_473 : vector<16xi1>, vector<16xf32>
      %mul3A_494 = arith.constant 16 : i32
      %mul3A_495 = arith.muli %select_n3A_409, %mul3A_494 : i32
      %swap3A_496 = arith.constant 2 : i32
      %swap3A_497 = arith.index_cast %swap3A_496 : i32 to index
      %swap3A_498 = arith.index_cast %mul3A_495 : i32 to index
      %swap3A_499 = tpu.vector_load %arg4[%swap3A_497, %swap3A_498] {strides = array<i32>} : memref<8x4096xf32, #tpu.memory_space<vmem>>, vector<16xf32>,
      tpu.vector_store %arg4[%swap3A_497, %swap3A_498], %select_n3A_493 {strides = array<i32>} : memref<8x4096xf32, #tpu.memory_space<vmem>>, vector<16xf32>,
      %broadcast_in_dim3A_500 = arith.constant 3.000000e+38 : f32
      %broadcast_in_dim3A_501 = vector.broadcast %broadcast_in_dim3A_500 : f32 to vector<16xf32>
      %broadcast_in_dim3A_502 = arith.constant 3.000000e+38 : f32
      %broadcast_in_dim3A_503 = vector.broadcast %broadcast_in_dim3A_502 : f32 to vector<16xf32>
      %broadcast_in_dim3A_504 = arith.constant 3.000000e+38 : f32
      %broadcast_in_dim3A_505 = vector.broadcast %broadcast_in_dim3A_504 : f32 to vector<16xf32>
      %broadcast_in_dim3A_506 = arith.constant 3.000000e+38 : f32
      %broadcast_in_dim3A_507 = vector.broadcast %broadcast_in_dim3A_506 : f32 to vector<16xf32>
      %broadcast_in_dim3A_508 = arith.constant 3.000000e+38 : f32
      %broadcast_in_dim3A_509 = vector.broadcast %broadcast_in_dim3A_508 : f32 to vector<16xf32>
      %broadcast_in_dim3A_510 = arith.constant 3.000000e+38 : f32
      %broadcast_in_dim3A_511 = vector.broadcast %broadcast_in_dim3A_510 : f32 to vector<16xf32>
      %broadcast_in_dim3A_512 = arith.constant 3.000000e+38 : f32
      %broadcast_in_dim3A_513 = vector.broadcast %broadcast_in_dim3A_512 : f32 to vector<16xf32>
      %broadcast_in_dim3A_514 = arith.constant 3.000000e+38 : f32
      %broadcast_in_dim3A_515 = vector.broadcast %broadcast_in_dim3A_514 : f32 to vector<16xf32>
      %scan3A_516 = arith.constant 0 : i32
      %scan3A_517 = arith.constant 64 : i32
      %scan3A_518 = arith.addi %scan3A_516, %scan3A_517 : i32
      %scan3A_519 = arith.constant 1 : i32
      %scan3A_520:8 = scf.for %scan3A_2895 = %scan3A_516 to %scan3A_518 step %scan3A_519 iter_args(%scan3A_2896 = %broadcast_in_dim3A_501, %scan3A_2897 = %broadcast_in_dim3A_503, %scan3A_2898 = %broadcast_in_dim3A_505, %scan3A_2899 = %broadcast_in_dim3A_507, %scan3A_2900 = %broadcast_in_dim3A_509, %scan3A_2901 = %broadcast_in_dim3A_511, %scan3A_2902 = %broadcast_in_dim3A_513, %scan3A_2903 = %broadcast_in_dim3A_515) -> (vector<16xf32>, vector<16xf32>, vector<16xf32>, vector<16xf32>, vector<16xf32>, vector<16xf32>, vector<16xf32>, vector<16xf32>)  : i32 {
        %add3A_2904 = arith.constant 0 : i32
        %add3A_2905 = arith.addi %scan3A_2895, %add3A_2904 : i32
        %mul3A_2906 = arith.constant 16 : i32
        %mul3A_2907 = arith.muli %add3A_2905, %mul3A_2906 : i32
        %get3A_2908 = arith.constant 2 : i32
        %get3A_2909 = arith.index_cast %get3A_2908 : i32 to index
        %get3A_2910 = arith.index_cast %mul3A_2907 : i32 to index
        %get3A_2911 = tpu.vector_load %arg4[%get3A_2909, %get3A_2910] {strides = array<i32>} : memref<8x4096xf32, #tpu.memory_space<vmem>>, vector<16xf32>,
        %min3A_2912 = arith.minimumf %scan3A_2896, %get3A_2911 : vector<16xf32>
        %max3A_2913 = arith.maximumf %scan3A_2896, %get3A_2911 : vector<16xf32>
        %min3A_2914 = arith.minimumf %scan3A_2897, %max3A_2913 : vector<16xf32>
        %add3A_2915 = arith.constant 64 : i32
        %add3A_2916 = arith.addi %scan3A_2895, %add3A_2915 : i32
        %mul3A_2917 = arith.constant 16 : i32
        %mul3A_2918 = arith.muli %add3A_2916, %mul3A_2917 : i32
        %get3A_2919 = arith.constant 2 : i32
        %get3A_2920 = arith.index_cast %get3A_2919 : i32 to index
        %get3A_2921 = arith.index_cast %mul3A_2918 : i32 to index
        %get3A_2922 = tpu.vector_load %arg4[%get3A_2920, %get3A_2921] {strides = array<i32>} : memref<8x4096xf32, #tpu.memory_space<vmem>>, vector<16xf32>,
        %min3A_2923 = arith.minimumf %scan3A_2898, %get3A_2922 : vector<16xf32>
        %max3A_2924 = arith.maximumf %scan3A_2898, %get3A_2922 : vector<16xf32>
        %min3A_2925 = arith.minimumf %scan3A_2899, %max3A_2924 : vector<16xf32>
        %add3A_2926 = arith.constant 128 : i32
        %add3A_2927 = arith.addi %scan3A_2895, %add3A_2926 : i32
        %mul3A_2928 = arith.constant 16 : i32
        %mul3A_2929 = arith.muli %add3A_2927, %mul3A_2928 : i32
        %get3A_2930 = arith.constant 2 : i32
        %get3A_2931 = arith.index_cast %get3A_2930 : i32 to index
        %get3A_2932 = arith.index_cast %mul3A_2929 : i32 to index
        %get3A_2933 = tpu.vector_load %arg4[%get3A_2931, %get3A_2932] {strides = array<i32>} : memref<8x4096xf32, #tpu.memory_space<vmem>>, vector<16xf32>,
        %min3A_2934 = arith.minimumf %scan3A_2900, %get3A_2933 : vector<16xf32>
        %max3A_2935 = arith.maximumf %scan3A_2900, %get3A_2933 : vector<16xf32>
        %min3A_2936 = arith.minimumf %scan3A_2901, %max3A_2935 : vector<16xf32>
        %add3A_2937 = arith.constant 192 : i32
        %add3A_2938 = arith.addi %scan3A_2895, %add3A_2937 : i32
        %mul3A_2939 = arith.constant 16 : i32
        %mul3A_2940 = arith.muli %add3A_2938, %mul3A_2939 : i32
        %get3A_2941 = arith.constant 2 : i32
        %get3A_2942 = arith.index_cast %get3A_2941 : i32 to index
        %get3A_2943 = arith.index_cast %mul3A_2940 : i32 to index
        %get3A_2944 = tpu.vector_load %arg4[%get3A_2942, %get3A_2943] {strides = array<i32>} : memref<8x4096xf32, #tpu.memory_space<vmem>>, vector<16xf32>,
        %min3A_2945 = arith.minimumf %scan3A_2902, %get3A_2944 : vector<16xf32>
        %max3A_2946 = arith.maximumf %scan3A_2902, %get3A_2944 : vector<16xf32>
        %min3A_2947 = arith.minimumf %scan3A_2903, %max3A_2946 : vector<16xf32>
        scf.yield %min3A_2912, %min3A_2914, %min3A_2923, %min3A_2925, %min3A_2934, %min3A_2936, %min3A_2945, %min3A_2947 : vector<16xf32>, vector<16xf32>, vector<16xf32>, vector<16xf32>, vector<16xf32>, vector<16xf32>, vector<16xf32>, vector<16xf32>
      }
      %scan3A_521 = arith.constant 64 : i32
      %max3A_522 = arith.maximumf %scan3A_520#0, %scan3A_520#2 : vector<16xf32>
      %min3A_523 = arith.minimumf %scan3A_520#1, %scan3A_520#3 : vector<16xf32>
      %min3A_524 = arith.minimumf %max3A_522, %min3A_523 : vector<16xf32>
      %min3A_525 = arith.minimumf %scan3A_520#0, %scan3A_520#2 : vector<16xf32>
      %max3A_526 = arith.maximumf %min3A_525, %scan3A_520#4 : vector<16xf32>
      %min3A_527 = arith.minimumf %min3A_524, %scan3A_520#5 : vector<16xf32>
      %min3A_528 = arith.minimumf %max3A_526, %min3A_527 : vector<16xf32>
      %min3A_529 = arith.minimumf %min3A_525, %scan3A_520#4 : vector<16xf32>
      %max3A_530 = arith.maximumf %min3A_529, %scan3A_520#6 : vector<16xf32>
      %min3A_531 = arith.minimumf %min3A_528, %scan3A_520#7 : vector<16xf32>
      %min3A_532 = arith.minimumf %max3A_530, %min3A_531 : vector<16xf32>
      %min3A_533 = arith.minimumf %min3A_529, %scan3A_520#6 : vector<16xf32>
      %reduce_min3A_534 = arith.constant true
      %reduce_min3A_535 = vector.broadcast %reduce_min3A_534 : i1 to vector<16xi1>
      %reduce_min3A_536 = tpu.scan <min>, %min3A_533 masked %reduce_min3A_535 : vector<16xf32>, vector<16xi1> -> vector<16xf32>
      %reduce_min3A_537 = vector.extract %reduce_min3A_536[15] : f32 from vector<16xf32>
      %eq3A_538 = vector.broadcast %reduce_min3A_537 : f32 to vector<16xf32>
      %eq3A_539 = arith.cmpf oeq, %min3A_533, %eq3A_538 : vector<16xf32>
      %all_reduce_ffs3A_540 = tpu.all_reduce %eq3A_539 {dim = 0 : i64, kind = #tpu.reduction_kind<find_first_set>} : vector<16xi1> -> vector<16xi32>
      %eq3A_541 = arith.cmpi eq, %iota3A, %all_reduce_ffs3A_540 : vector<16xi32>
      %jit3A_542 = arith.constant 3.000000e+38 : f32
      %broadcast_in_dim3A_543 = vector.broadcast %jit3A_542 : f32 to vector<16xf32>
      %select_n3A_544 = arith.select %eq3A_541, %broadcast_in_dim3A_543, %min3A_533 : vector<16xi1>, vector<16xf32>
      %reduce_min3A_545 = arith.constant true
      %reduce_min3A_546 = vector.broadcast %reduce_min3A_545 : i1 to vector<16xi1>
      %reduce_min3A_547 = tpu.scan <min>, %select_n3A_544 masked %reduce_min3A_546 : vector<16xf32>, vector<16xi1> -> vector<16xf32>
      %reduce_min3A_548 = vector.extract %reduce_min3A_547[15] : f32 from vector<16xf32>
      %reduce_min3A_549 = arith.constant true
      %reduce_min3A_550 = vector.broadcast %reduce_min3A_549 : i1 to vector<16xi1>
      %reduce_min3A_551 = tpu.scan <min>, %min3A_532 masked %reduce_min3A_550 : vector<16xf32>, vector<16xi1> -> vector<16xf32>
      %reduce_min3A_552 = vector.extract %reduce_min3A_551[15] : f32 from vector<16xf32>
      %min3A_553 = arith.minimumf %reduce_min3A_548, %reduce_min3A_552 : f32
      %max3A_554 = arith.constant 0.000000e+00 : f32
      %max3A_555 = arith.maximumf %reduce_max3A_490, %max3A_554 : f32
      %sub3A_556 = arith.subf %max3A_555, %min3A_553 : f32
      %add3A_557 = arith.constant 3.000000e-01 : f32
      %add3A_558 = arith.addf %sub3A_556, %add3A_557 : f32
      %max3A_559 = arith.constant 0.000000e+00 : f32
      %max3A_560 = arith.maximumf %add3A_558, %max3A_559 : f32
      %add3A_561 = arith.addf %add3A_383, %max3A_560 : f32
      %add3A_562 = arith.constant 3 : i32
      %add3A_563 = arith.addi %add3A_41, %add3A_562 : i32
      %jit3A_564 = arith.constant 16 : i32
      %div3A_565 = arith.divsi %add3A_563, %jit3A_564 : i32
      %sign3A_566 = arith.constant 0 : i32
      %sign3A_567 = arith.cmpi sgt, %add3A_563, %sign3A_566 : i32
      %sign3A_568 = arith.extui %sign3A_567 : i1 to i32
      %sign3A_569 = arith.constant 0 : i32
      %sign3A_570 = arith.cmpi slt, %add3A_563, %sign3A_569 : i32
      %sign3A_571 = arith.extui %sign3A_570 : i1 to i32
      %sign3A_572 = arith.subi %sign3A_568, %sign3A_571 : i32
      %sign3A_573 = arith.constant 0 : i32
      %sign3A_574 = arith.cmpi sgt, %jit3A_564, %sign3A_573 : i32
      %sign3A_575 = arith.extui %sign3A_574 : i1 to i32
      %sign3A_576 = arith.constant 0 : i32
      %sign3A_577 = arith.cmpi slt, %jit3A_564, %sign3A_576 : i32
      %sign3A_578 = arith.extui %sign3A_577 : i1 to i32
      %sign3A_579 = arith.subi %sign3A_575, %sign3A_578 : i32
      %ne3A_580 = arith.cmpi ne, %sign3A_572, %sign3A_579 : i32
      %rem3A_581 = arith.remsi %add3A_563, %jit3A_564 : i32
      %ne3A_582 = arith.constant 0 : i32
      %ne3A_583 = arith.cmpi ne, %rem3A_581, %ne3A_582 : i32
      %and3A_584 = arith.andi %ne3A_580, %ne3A_583 : i1
      %sub3A_585 = arith.constant 1 : i32
      %sub3A_586 = arith.subi %div3A_565, %sub3A_585 : i32
      %select_n3A_587 = arith.select %and3A_584, %sub3A_586, %div3A_565 : i32
      %jit3A_588 = arith.constant 8 : i32
      %div3A_589 = arith.divsi %add3A_563, %jit3A_588 : i32
      %sign3A_590 = arith.constant 0 : i32
      %sign3A_591 = arith.cmpi sgt, %add3A_563, %sign3A_590 : i32
      %sign3A_592 = arith.extui %sign3A_591 : i1 to i32
      %sign3A_593 = arith.constant 0 : i32
      %sign3A_594 = arith.cmpi slt, %add3A_563, %sign3A_593 : i32
      %sign3A_595 = arith.extui %sign3A_594 : i1 to i32
      %sign3A_596 = arith.subi %sign3A_592, %sign3A_595 : i32
      %sign3A_597 = arith.constant 0 : i32
      %sign3A_598 = arith.cmpi sgt, %jit3A_588, %sign3A_597 : i32
      %sign3A_599 = arith.extui %sign3A_598 : i1 to i32
      %sign3A_600 = arith.constant 0 : i32
      %sign3A_601 = arith.cmpi slt, %jit3A_588, %sign3A_600 : i32
      %sign3A_602 = arith.extui %sign3A_601 : i1 to i32
      %sign3A_603 = arith.subi %sign3A_599, %sign3A_602 : i32
      %ne3A_604 = arith.cmpi ne, %sign3A_596, %sign3A_603 : i32
      %rem3A_605 = arith.remsi %add3A_563, %jit3A_588 : i32
      %ne3A_606 = arith.constant 0 : i32
      %ne3A_607 = arith.cmpi ne, %rem3A_605, %ne3A_606 : i32
      %and3A_608 = arith.andi %ne3A_604, %ne3A_607 : i1
      %sub3A_609 = arith.constant 1 : i32
      %sub3A_610 = arith.subi %div3A_589, %sub3A_609 : i32
      %select_n3A_611 = arith.select %and3A_608, %sub3A_610, %div3A_589 : i32
      %jit3A_612 = arith.constant 2 : i32
      %eq3A_613 = arith.constant 0 : i32
      %eq3A_614 = arith.cmpi eq, %jit3A_612, %eq3A_613 : i32
      %jit3A_615 = arith.constant 1 : i32
      %select_n3A_616 = arith.select %eq3A_614, %jit3A_615, %jit3A_612 : i32
      %rem3A_617 = arith.remsi %select_n3A_611, %select_n3A_616 : i32
      %ne3A_618 = arith.constant 0 : i32
      %ne3A_619 = arith.cmpi ne, %rem3A_617, %ne3A_618 : i32
      %lt3A_620 = arith.constant 0 : i32
      %lt3A_621 = arith.cmpi slt, %rem3A_617, %lt3A_620 : i32
      %lt3A_622 = arith.constant 0 : i32
      %lt3A_623 = arith.cmpi slt, %select_n3A_616, %lt3A_622 : i32
      %ne3A_624 = arith.xori %lt3A_621, %lt3A_623 : i1
      %and3A_625 = arith.andi %ne3A_624, %ne3A_619 : i1
      %add3A_626 = arith.addi %rem3A_617, %select_n3A_616 : i32
      %select_n3A_627 = arith.select %and3A_625, %add3A_626, %rem3A_617 : i32
      %mul3A_628 = arith.constant 8 : i32
      %mul3A_629 = arith.muli %select_n3A_627, %mul3A_628 : i32
      %jit3A_630 = arith.constant 16 : i32
      %eq3A_631 = arith.constant 0 : i32
      %eq3A_632 = arith.cmpi eq, %jit3A_630, %eq3A_631 : i32
      %jit3A_633 = arith.constant 1 : i32
      %select_n3A_634 = arith.select %eq3A_632, %jit3A_633, %jit3A_630 : i32
      %rem3A_635 = arith.remsi %add3A_563, %select_n3A_634 : i32
      %ne3A_636 = arith.constant 0 : i32
      %ne3A_637 = arith.cmpi ne, %rem3A_635, %ne3A_636 : i32
      %lt3A_638 = arith.constant 0 : i32
      %lt3A_639 = arith.cmpi slt, %rem3A_635, %lt3A_638 : i32
      %lt3A_640 = arith.constant 0 : i32
      %lt3A_641 = arith.cmpi slt, %select_n3A_634, %lt3A_640 : i32
      %ne3A_642 = arith.xori %lt3A_639, %lt3A_641 : i1
      %and3A_643 = arith.andi %ne3A_642, %ne3A_637 : i1
      %add3A_644 = arith.addi %rem3A_635, %select_n3A_634 : i32
      %select_n3A_645 = arith.select %and3A_643, %add3A_644, %rem3A_635 : i32
      %mul3A_646 = arith.constant 16 : i32
      %mul3A_647 = arith.muli %select_n3A_587, %mul3A_646 : i32
      %get3A_648 = arith.constant 3 : i32
      %get3A_649 = arith.index_cast %get3A_648 : i32 to index
      %get3A_650 = arith.index_cast %mul3A_647 : i32 to index
      %get3A_651 = tpu.vector_load %arg4[%get3A_649, %get3A_650] {strides = array<i32>} : memref<8x4096xf32, #tpu.memory_space<vmem>>, vector<16xf32>,
      %ge3A_652 = vector.broadcast %mul3A_629 : i32 to vector<16xi32>
      %ge3A_653 = arith.cmpi sge, %iota3A, %ge3A_652 : vector<16xi32>
      %add3A_654 = arith.constant 8 : i32
      %add3A_655 = arith.addi %mul3A_629, %add3A_654 : i32
      %lt3A_656 = vector.broadcast %add3A_655 : i32 to vector<16xi32>
      %lt3A_657 = arith.cmpi slt, %iota3A, %lt3A_656 : vector<16xi32>
      %and3A_658 = arith.andi %ge3A_653, %lt3A_657 : vector<16xi1>
      %ne3A_659 = vector.broadcast %select_n3A_645 : i32 to vector<16xi32>
      %ne3A_660 = arith.cmpi ne, %iota3A, %ne3A_659 : vector<16xi32>
      %and3A_661 = arith.andi %and3A_658, %ne3A_660 : vector<16xi1>
      %jit3A_662 = arith.constant -3.000000e+38 : f32
      %broadcast_in_dim3A_663 = vector.broadcast %jit3A_662 : f32 to vector<16xf32>
      %select_n3A_664 = arith.select %and3A_661, %get3A_651, %broadcast_in_dim3A_663 : vector<16xi1>, vector<16xf32>
      %reduce_max3A_665 = arith.constant true
      %reduce_max3A_666 = vector.broadcast %reduce_max3A_665 : i1 to vector<16xi1>
      %reduce_max3A_667 = tpu.scan <max>, %select_n3A_664 masked %reduce_max3A_666 : vector<16xf32>, vector<16xi1> -> vector<16xf32>
      %reduce_max3A_668 = vector.extract %reduce_max3A_667[15] : f32 from vector<16xf32>
      %jit3A_669 = arith.constant 3.000000e+38 : f32
      %broadcast_in_dim3A_670 = vector.broadcast %jit3A_669 : f32 to vector<16xf32>
      %select_n3A_671 = arith.select %and3A_661, %broadcast_in_dim3A_670, %get3A_651 : vector<16xi1>, vector<16xf32>
      %mul3A_672 = arith.constant 16 : i32
      %mul3A_673 = arith.muli %select_n3A_587, %mul3A_672 : i32
      %swap3A_674 = arith.constant 3 : i32
      %swap3A_675 = arith.index_cast %swap3A_674 : i32 to index
      %swap3A_676 = arith.index_cast %mul3A_673 : i32 to index
      %swap3A_677 = tpu.vector_load %arg4[%swap3A_675, %swap3A_676] {strides = array<i32>} : memref<8x4096xf32, #tpu.memory_space<vmem>>, vector<16xf32>,
      tpu.vector_store %arg4[%swap3A_675, %swap3A_676], %select_n3A_671 {strides = array<i32>} : memref<8x4096xf32, #tpu.memory_space<vmem>>, vector<16xf32>,
      %broadcast_in_dim3A_678 = arith.constant 3.000000e+38 : f32
      %broadcast_in_dim3A_679 = vector.broadcast %broadcast_in_dim3A_678 : f32 to vector<16xf32>
      %broadcast_in_dim3A_680 = arith.constant 3.000000e+38 : f32
      %broadcast_in_dim3A_681 = vector.broadcast %broadcast_in_dim3A_680 : f32 to vector<16xf32>
      %broadcast_in_dim3A_682 = arith.constant 3.000000e+38 : f32
      %broadcast_in_dim3A_683 = vector.broadcast %broadcast_in_dim3A_682 : f32 to vector<16xf32>
      %broadcast_in_dim3A_684 = arith.constant 3.000000e+38 : f32
      %broadcast_in_dim3A_685 = vector.broadcast %broadcast_in_dim3A_684 : f32 to vector<16xf32>
      %broadcast_in_dim3A_686 = arith.constant 3.000000e+38 : f32
      %broadcast_in_dim3A_687 = vector.broadcast %broadcast_in_dim3A_686 : f32 to vector<16xf32>
      %broadcast_in_dim3A_688 = arith.constant 3.000000e+38 : f32
      %broadcast_in_dim3A_689 = vector.broadcast %broadcast_in_dim3A_688 : f32 to vector<16xf32>
      %broadcast_in_dim3A_690 = arith.constant 3.000000e+38 : f32
      %broadcast_in_dim3A_691 = vector.broadcast %broadcast_in_dim3A_690 : f32 to vector<16xf32>
      %broadcast_in_dim3A_692 = arith.constant 3.000000e+38 : f32
      %broadcast_in_dim3A_693 = vector.broadcast %broadcast_in_dim3A_692 : f32 to vector<16xf32>
      %scan3A_694 = arith.constant 0 : i32
      %scan3A_695 = arith.constant 64 : i32
      %scan3A_696 = arith.addi %scan3A_694, %scan3A_695 : i32
      %scan3A_697 = arith.constant 1 : i32
      %scan3A_698:8 = scf.for %scan3A_2895 = %scan3A_694 to %scan3A_696 step %scan3A_697 iter_args(%scan3A_2896 = %broadcast_in_dim3A_679, %scan3A_2897 = %broadcast_in_dim3A_681, %scan3A_2898 = %broadcast_in_dim3A_683, %scan3A_2899 = %broadcast_in_dim3A_685, %scan3A_2900 = %broadcast_in_dim3A_687, %scan3A_2901 = %broadcast_in_dim3A_689, %scan3A_2902 = %broadcast_in_dim3A_691, %scan3A_2903 = %broadcast_in_dim3A_693) -> (vector<16xf32>, vector<16xf32>, vector<16xf32>, vector<16xf32>, vector<16xf32>, vector<16xf32>, vector<16xf32>, vector<16xf32>)  : i32 {
        %add3A_2904 = arith.constant 0 : i32
        %add3A_2905 = arith.addi %scan3A_2895, %add3A_2904 : i32
        %mul3A_2906 = arith.constant 16 : i32
        %mul3A_2907 = arith.muli %add3A_2905, %mul3A_2906 : i32
        %get3A_2908 = arith.constant 3 : i32
        %get3A_2909 = arith.index_cast %get3A_2908 : i32 to index
        %get3A_2910 = arith.index_cast %mul3A_2907 : i32 to index
        %get3A_2911 = tpu.vector_load %arg4[%get3A_2909, %get3A_2910] {strides = array<i32>} : memref<8x4096xf32, #tpu.memory_space<vmem>>, vector<16xf32>,
        %min3A_2912 = arith.minimumf %scan3A_2896, %get3A_2911 : vector<16xf32>
        %max3A_2913 = arith.maximumf %scan3A_2896, %get3A_2911 : vector<16xf32>
        %min3A_2914 = arith.minimumf %scan3A_2897, %max3A_2913 : vector<16xf32>
        %add3A_2915 = arith.constant 64 : i32
        %add3A_2916 = arith.addi %scan3A_2895, %add3A_2915 : i32
        %mul3A_2917 = arith.constant 16 : i32
        %mul3A_2918 = arith.muli %add3A_2916, %mul3A_2917 : i32
        %get3A_2919 = arith.constant 3 : i32
        %get3A_2920 = arith.index_cast %get3A_2919 : i32 to index
        %get3A_2921 = arith.index_cast %mul3A_2918 : i32 to index
        %get3A_2922 = tpu.vector_load %arg4[%get3A_2920, %get3A_2921] {strides = array<i32>} : memref<8x4096xf32, #tpu.memory_space<vmem>>, vector<16xf32>,
        %min3A_2923 = arith.minimumf %scan3A_2898, %get3A_2922 : vector<16xf32>
        %max3A_2924 = arith.maximumf %scan3A_2898, %get3A_2922 : vector<16xf32>
        %min3A_2925 = arith.minimumf %scan3A_2899, %max3A_2924 : vector<16xf32>
        %add3A_2926 = arith.constant 128 : i32
        %add3A_2927 = arith.addi %scan3A_2895, %add3A_2926 : i32
        %mul3A_2928 = arith.constant 16 : i32
        %mul3A_2929 = arith.muli %add3A_2927, %mul3A_2928 : i32
        %get3A_2930 = arith.constant 3 : i32
        %get3A_2931 = arith.index_cast %get3A_2930 : i32 to index
        %get3A_2932 = arith.index_cast %mul3A_2929 : i32 to index
        %get3A_2933 = tpu.vector_load %arg4[%get3A_2931, %get3A_2932] {strides = array<i32>} : memref<8x4096xf32, #tpu.memory_space<vmem>>, vector<16xf32>,
        %min3A_2934 = arith.minimumf %scan3A_2900, %get3A_2933 : vector<16xf32>
        %max3A_2935 = arith.maximumf %scan3A_2900, %get3A_2933 : vector<16xf32>
        %min3A_2936 = arith.minimumf %scan3A_2901, %max3A_2935 : vector<16xf32>
        %add3A_2937 = arith.constant 192 : i32
        %add3A_2938 = arith.addi %scan3A_2895, %add3A_2937 : i32
        %mul3A_2939 = arith.constant 16 : i32
        %mul3A_2940 = arith.muli %add3A_2938, %mul3A_2939 : i32
        %get3A_2941 = arith.constant 3 : i32
        %get3A_2942 = arith.index_cast %get3A_2941 : i32 to index
        %get3A_2943 = arith.index_cast %mul3A_2940 : i32 to index
        %get3A_2944 = tpu.vector_load %arg4[%get3A_2942, %get3A_2943] {strides = array<i32>} : memref<8x4096xf32, #tpu.memory_space<vmem>>, vector<16xf32>,
        %min3A_2945 = arith.minimumf %scan3A_2902, %get3A_2944 : vector<16xf32>
        %max3A_2946 = arith.maximumf %scan3A_2902, %get3A_2944 : vector<16xf32>
        %min3A_2947 = arith.minimumf %scan3A_2903, %max3A_2946 : vector<16xf32>
        scf.yield %min3A_2912, %min3A_2914, %min3A_2923, %min3A_2925, %min3A_2934, %min3A_2936, %min3A_2945, %min3A_2947 : vector<16xf32>, vector<16xf32>, vector<16xf32>, vector<16xf32>, vector<16xf32>, vector<16xf32>, vector<16xf32>, vector<16xf32>
      }
      %scan3A_699 = arith.constant 64 : i32
      %max3A_700 = arith.maximumf %scan3A_698#0, %scan3A_698#2 : vector<16xf32>
      %min3A_701 = arith.minimumf %scan3A_698#1, %scan3A_698#3 : vector<16xf32>
      %min3A_702 = arith.minimumf %max3A_700, %min3A_701 : vector<16xf32>
      %min3A_703 = arith.minimumf %scan3A_698#0, %scan3A_698#2 : vector<16xf32>
      %max3A_704 = arith.maximumf %min3A_703, %scan3A_698#4 : vector<16xf32>
      %min3A_705 = arith.minimumf %min3A_702, %scan3A_698#5 : vector<16xf32>
      %min3A_706 = arith.minimumf %max3A_704, %min3A_705 : vector<16xf32>
      %min3A_707 = arith.minimumf %min3A_703, %scan3A_698#4 : vector<16xf32>
      %max3A_708 = arith.maximumf %min3A_707, %scan3A_698#6 : vector<16xf32>
      %min3A_709 = arith.minimumf %min3A_706, %scan3A_698#7 : vector<16xf32>
      %min3A_710 = arith.minimumf %max3A_708, %min3A_709 : vector<16xf32>
      %min3A_711 = arith.minimumf %min3A_707, %scan3A_698#6 : vector<16xf32>
      %reduce_min3A_712 = arith.constant true
      %reduce_min3A_713 = vector.broadcast %reduce_min3A_712 : i1 to vector<16xi1>
      %reduce_min3A_714 = tpu.scan <min>, %min3A_711 masked %reduce_min3A_713 : vector<16xf32>, vector<16xi1> -> vector<16xf32>
      %reduce_min3A_715 = vector.extract %reduce_min3A_714[15] : f32 from vector<16xf32>
      %eq3A_716 = vector.broadcast %reduce_min3A_715 : f32 to vector<16xf32>
      %eq3A_717 = arith.cmpf oeq, %min3A_711, %eq3A_716 : vector<16xf32>
      %all_reduce_ffs3A_718 = tpu.all_reduce %eq3A_717 {dim = 0 : i64, kind = #tpu.reduction_kind<find_first_set>} : vector<16xi1> -> vector<16xi32>
      %eq3A_719 = arith.cmpi eq, %iota3A, %all_reduce_ffs3A_718 : vector<16xi32>
      %jit3A_720 = arith.constant 3.000000e+38 : f32
      %broadcast_in_dim3A_721 = vector.broadcast %jit3A_720 : f32 to vector<16xf32>
      %select_n3A_722 = arith.select %eq3A_719, %broadcast_in_dim3A_721, %min3A_711 : vector<16xi1>, vector<16xf32>
      %reduce_min3A_723 = arith.constant true
      %reduce_min3A_724 = vector.broadcast %reduce_min3A_723 : i1 to vector<16xi1>
      %reduce_min3A_725 = tpu.scan <min>, %select_n3A_722 masked %reduce_min3A_724 : vector<16xf32>, vector<16xi1> -> vector<16xf32>
      %reduce_min3A_726 = vector.extract %reduce_min3A_725[15] : f32 from vector<16xf32>
      %reduce_min3A_727 = arith.constant true
      %reduce_min3A_728 = vector.broadcast %reduce_min3A_727 : i1 to vector<16xi1>
      %reduce_min3A_729 = tpu.scan <min>, %min3A_710 masked %reduce_min3A_728 : vector<16xf32>, vector<16xi1> -> vector<16xf32>
      %reduce_min3A_730 = vector.extract %reduce_min3A_729[15] : f32 from vector<16xf32>
      %min3A_731 = arith.minimumf %reduce_min3A_726, %reduce_min3A_730 : f32
      %max3A_732 = arith.constant 0.000000e+00 : f32
      %max3A_733 = arith.maximumf %reduce_max3A_668, %max3A_732 : f32
      %sub3A_734 = arith.subf %max3A_733, %min3A_731 : f32
      %add3A_735 = arith.constant 3.000000e-01 : f32
      %add3A_736 = arith.addf %sub3A_734, %add3A_735 : f32
      %max3A_737 = arith.constant 0.000000e+00 : f32
      %max3A_738 = arith.maximumf %add3A_736, %max3A_737 : f32
      %add3A_739 = arith.addf %add3A_561, %max3A_738 : f32
      %add3A_740 = arith.constant 4 : i32
      %add3A_741 = arith.addi %add3A_41, %add3A_740 : i32
      %jit3A_742 = arith.constant 16 : i32
      %div3A_743 = arith.divsi %add3A_741, %jit3A_742 : i32
      %sign3A_744 = arith.constant 0 : i32
      %sign3A_745 = arith.cmpi sgt, %add3A_741, %sign3A_744 : i32
      %sign3A_746 = arith.extui %sign3A_745 : i1 to i32
      %sign3A_747 = arith.constant 0 : i32
      %sign3A_748 = arith.cmpi slt, %add3A_741, %sign3A_747 : i32
      %sign3A_749 = arith.extui %sign3A_748 : i1 to i32
      %sign3A_750 = arith.subi %sign3A_746, %sign3A_749 : i32
      %sign3A_751 = arith.constant 0 : i32
      %sign3A_752 = arith.cmpi sgt, %jit3A_742, %sign3A_751 : i32
      %sign3A_753 = arith.extui %sign3A_752 : i1 to i32
      %sign3A_754 = arith.constant 0 : i32
      %sign3A_755 = arith.cmpi slt, %jit3A_742, %sign3A_754 : i32
      %sign3A_756 = arith.extui %sign3A_755 : i1 to i32
      %sign3A_757 = arith.subi %sign3A_753, %sign3A_756 : i32
      %ne3A_758 = arith.cmpi ne, %sign3A_750, %sign3A_757 : i32
      %rem3A_759 = arith.remsi %add3A_741, %jit3A_742 : i32
      %ne3A_760 = arith.constant 0 : i32
      %ne3A_761 = arith.cmpi ne, %rem3A_759, %ne3A_760 : i32
      %and3A_762 = arith.andi %ne3A_758, %ne3A_761 : i1
      %sub3A_763 = arith.constant 1 : i32
      %sub3A_764 = arith.subi %div3A_743, %sub3A_763 : i32
      %select_n3A_765 = arith.select %and3A_762, %sub3A_764, %div3A_743 : i32
      %jit3A_766 = arith.constant 8 : i32
      %div3A_767 = arith.divsi %add3A_741, %jit3A_766 : i32
      %sign3A_768 = arith.constant 0 : i32
      %sign3A_769 = arith.cmpi sgt, %add3A_741, %sign3A_768 : i32
      %sign3A_770 = arith.extui %sign3A_769 : i1 to i32
      %sign3A_771 = arith.constant 0 : i32
      %sign3A_772 = arith.cmpi slt, %add3A_741, %sign3A_771 : i32
      %sign3A_773 = arith.extui %sign3A_772 : i1 to i32
      %sign3A_774 = arith.subi %sign3A_770, %sign3A_773 : i32
      %sign3A_775 = arith.constant 0 : i32
      %sign3A_776 = arith.cmpi sgt, %jit3A_766, %sign3A_775 : i32
      %sign3A_777 = arith.extui %sign3A_776 : i1 to i32
      %sign3A_778 = arith.constant 0 : i32
      %sign3A_779 = arith.cmpi slt, %jit3A_766, %sign3A_778 : i32
      %sign3A_780 = arith.extui %sign3A_779 : i1 to i32
      %sign3A_781 = arith.subi %sign3A_777, %sign3A_780 : i32
      %ne3A_782 = arith.cmpi ne, %sign3A_774, %sign3A_781 : i32
      %rem3A_783 = arith.remsi %add3A_741, %jit3A_766 : i32
      %ne3A_784 = arith.constant 0 : i32
      %ne3A_785 = arith.cmpi ne, %rem3A_783, %ne3A_784 : i32
      %and3A_786 = arith.andi %ne3A_782, %ne3A_785 : i1
      %sub3A_787 = arith.constant 1 : i32
      %sub3A_788 = arith.subi %div3A_767, %sub3A_787 : i32
      %select_n3A_789 = arith.select %and3A_786, %sub3A_788, %div3A_767 : i32
      %jit3A_790 = arith.constant 2 : i32
      %eq3A_791 = arith.constant 0 : i32
      %eq3A_792 = arith.cmpi eq, %jit3A_790, %eq3A_791 : i32
      %jit3A_793 = arith.constant 1 : i32
      %select_n3A_794 = arith.select %eq3A_792, %jit3A_793, %jit3A_790 : i32
      %rem3A_795 = arith.remsi %select_n3A_789, %select_n3A_794 : i32
      %ne3A_796 = arith.constant 0 : i32
      %ne3A_797 = arith.cmpi ne, %rem3A_795, %ne3A_796 : i32
      %lt3A_798 = arith.constant 0 : i32
      %lt3A_799 = arith.cmpi slt, %rem3A_795, %lt3A_798 : i32
      %lt3A_800 = arith.constant 0 : i32
      %lt3A_801 = arith.cmpi slt, %select_n3A_794, %lt3A_800 : i32
      %ne3A_802 = arith.xori %lt3A_799, %lt3A_801 : i1
      %and3A_803 = arith.andi %ne3A_802, %ne3A_797 : i1
      %add3A_804 = arith.addi %rem3A_795, %select_n3A_794 : i32
      %select_n3A_805 = arith.select %and3A_803, %add3A_804, %rem3A_795 : i32
      %mul3A_806 = arith.constant 8 : i32
      %mul3A_807 = arith.muli %select_n3A_805, %mul3A_806 : i32
      %jit3A_808 = arith.constant 16 : i32
      %eq3A_809 = arith.constant 0 : i32
      %eq3A_810 = arith.cmpi eq, %jit3A_808, %eq3A_809 : i32
      %jit3A_811 = arith.constant 1 : i32
      %select_n3A_812 = arith.select %eq3A_810, %jit3A_811, %jit3A_808 : i32
      %rem3A_813 = arith.remsi %add3A_741, %select_n3A_812 : i32
      %ne3A_814 = arith.constant 0 : i32
      %ne3A_815 = arith.cmpi ne, %rem3A_813, %ne3A_814 : i32
      %lt3A_816 = arith.constant 0 : i32
      %lt3A_817 = arith.cmpi slt, %rem3A_813, %lt3A_816 : i32
      %lt3A_818 = arith.constant 0 : i32
      %lt3A_819 = arith.cmpi slt, %select_n3A_812, %lt3A_818 : i32
      %ne3A_820 = arith.xori %lt3A_817, %lt3A_819 : i1
      %and3A_821 = arith.andi %ne3A_820, %ne3A_815 : i1
      %add3A_822 = arith.addi %rem3A_813, %select_n3A_812 : i32
      %select_n3A_823 = arith.select %and3A_821, %add3A_822, %rem3A_813 : i32
      %mul3A_824 = arith.constant 16 : i32
      %mul3A_825 = arith.muli %select_n3A_765, %mul3A_824 : i32
      %get3A_826 = arith.constant 4 : i32
      %get3A_827 = arith.index_cast %get3A_826 : i32 to index
      %get3A_828 = arith.index_cast %mul3A_825 : i32 to index
      %get3A_829 = tpu.vector_load %arg4[%get3A_827, %get3A_828] {strides = array<i32>} : memref<8x4096xf32, #tpu.memory_space<vmem>>, vector<16xf32>,
      %ge3A_830 = vector.broadcast %mul3A_807 : i32 to vector<16xi32>
      %ge3A_831 = arith.cmpi sge, %iota3A, %ge3A_830 : vector<16xi32>
      %add3A_832 = arith.constant 8 : i32
      %add3A_833 = arith.addi %mul3A_807, %add3A_832 : i32
      %lt3A_834 = vector.broadcast %add3A_833 : i32 to vector<16xi32>
      %lt3A_835 = arith.cmpi slt, %iota3A, %lt3A_834 : vector<16xi32>
      %and3A_836 = arith.andi %ge3A_831, %lt3A_835 : vector<16xi1>
      %ne3A_837 = vector.broadcast %select_n3A_823 : i32 to vector<16xi32>
      %ne3A_838 = arith.cmpi ne, %iota3A, %ne3A_837 : vector<16xi32>
      %and3A_839 = arith.andi %and3A_836, %ne3A_838 : vector<16xi1>
      %jit3A_840 = arith.constant -3.000000e+38 : f32
      %broadcast_in_dim3A_841 = vector.broadcast %jit3A_840 : f32 to vector<16xf32>
      %select_n3A_842 = arith.select %and3A_839, %get3A_829, %broadcast_in_dim3A_841 : vector<16xi1>, vector<16xf32>
      %reduce_max3A_843 = arith.constant true
      %reduce_max3A_844 = vector.broadcast %reduce_max3A_843 : i1 to vector<16xi1>
      %reduce_max3A_845 = tpu.scan <max>, %select_n3A_842 masked %reduce_max3A_844 : vector<16xf32>, vector<16xi1> -> vector<16xf32>
      %reduce_max3A_846 = vector.extract %reduce_max3A_845[15] : f32 from vector<16xf32>
      %jit3A_847 = arith.constant 3.000000e+38 : f32
      %broadcast_in_dim3A_848 = vector.broadcast %jit3A_847 : f32 to vector<16xf32>
      %select_n3A_849 = arith.select %and3A_839, %broadcast_in_dim3A_848, %get3A_829 : vector<16xi1>, vector<16xf32>
      %mul3A_850 = arith.constant 16 : i32
      %mul3A_851 = arith.muli %select_n3A_765, %mul3A_850 : i32
      %swap3A_852 = arith.constant 4 : i32
      %swap3A_853 = arith.index_cast %swap3A_852 : i32 to index
      %swap3A_854 = arith.index_cast %mul3A_851 : i32 to index
      %swap3A_855 = tpu.vector_load %arg4[%swap3A_853, %swap3A_854] {strides = array<i32>} : memref<8x4096xf32, #tpu.memory_space<vmem>>, vector<16xf32>,
      tpu.vector_store %arg4[%swap3A_853, %swap3A_854], %select_n3A_849 {strides = array<i32>} : memref<8x4096xf32, #tpu.memory_space<vmem>>, vector<16xf32>,
      %broadcast_in_dim3A_856 = arith.constant 3.000000e+38 : f32
      %broadcast_in_dim3A_857 = vector.broadcast %broadcast_in_dim3A_856 : f32 to vector<16xf32>
      %broadcast_in_dim3A_858 = arith.constant 3.000000e+38 : f32
      %broadcast_in_dim3A_859 = vector.broadcast %broadcast_in_dim3A_858 : f32 to vector<16xf32>
      %broadcast_in_dim3A_860 = arith.constant 3.000000e+38 : f32
      %broadcast_in_dim3A_861 = vector.broadcast %broadcast_in_dim3A_860 : f32 to vector<16xf32>
      %broadcast_in_dim3A_862 = arith.constant 3.000000e+38 : f32
      %broadcast_in_dim3A_863 = vector.broadcast %broadcast_in_dim3A_862 : f32 to vector<16xf32>
      %broadcast_in_dim3A_864 = arith.constant 3.000000e+38 : f32
      %broadcast_in_dim3A_865 = vector.broadcast %broadcast_in_dim3A_864 : f32 to vector<16xf32>
      %broadcast_in_dim3A_866 = arith.constant 3.000000e+38 : f32
      %broadcast_in_dim3A_867 = vector.broadcast %broadcast_in_dim3A_866 : f32 to vector<16xf32>
      %broadcast_in_dim3A_868 = arith.constant 3.000000e+38 : f32
      %broadcast_in_dim3A_869 = vector.broadcast %broadcast_in_dim3A_868 : f32 to vector<16xf32>
      %broadcast_in_dim3A_870 = arith.constant 3.000000e+38 : f32
      %broadcast_in_dim3A_871 = vector.broadcast %broadcast_in_dim3A_870 : f32 to vector<16xf32>
      %scan3A_872 = arith.constant 0 : i32
      %scan3A_873 = arith.constant 64 : i32
      %scan3A_874 = arith.addi %scan3A_872, %scan3A_873 : i32
      %scan3A_875 = arith.constant 1 : i32
      %scan3A_876:8 = scf.for %scan3A_2895 = %scan3A_872 to %scan3A_874 step %scan3A_875 iter_args(%scan3A_2896 = %broadcast_in_dim3A_857, %scan3A_2897 = %broadcast_in_dim3A_859, %scan3A_2898 = %broadcast_in_dim3A_861, %scan3A_2899 = %broadcast_in_dim3A_863, %scan3A_2900 = %broadcast_in_dim3A_865, %scan3A_2901 = %broadcast_in_dim3A_867, %scan3A_2902 = %broadcast_in_dim3A_869, %scan3A_2903 = %broadcast_in_dim3A_871) -> (vector<16xf32>, vector<16xf32>, vector<16xf32>, vector<16xf32>, vector<16xf32>, vector<16xf32>, vector<16xf32>, vector<16xf32>)  : i32 {
        %add3A_2904 = arith.constant 0 : i32
        %add3A_2905 = arith.addi %scan3A_2895, %add3A_2904 : i32
        %mul3A_2906 = arith.constant 16 : i32
        %mul3A_2907 = arith.muli %add3A_2905, %mul3A_2906 : i32
        %get3A_2908 = arith.constant 4 : i32
        %get3A_2909 = arith.index_cast %get3A_2908 : i32 to index
        %get3A_2910 = arith.index_cast %mul3A_2907 : i32 to index
        %get3A_2911 = tpu.vector_load %arg4[%get3A_2909, %get3A_2910] {strides = array<i32>} : memref<8x4096xf32, #tpu.memory_space<vmem>>, vector<16xf32>,
        %min3A_2912 = arith.minimumf %scan3A_2896, %get3A_2911 : vector<16xf32>
        %max3A_2913 = arith.maximumf %scan3A_2896, %get3A_2911 : vector<16xf32>
        %min3A_2914 = arith.minimumf %scan3A_2897, %max3A_2913 : vector<16xf32>
        %add3A_2915 = arith.constant 64 : i32
        %add3A_2916 = arith.addi %scan3A_2895, %add3A_2915 : i32
        %mul3A_2917 = arith.constant 16 : i32
        %mul3A_2918 = arith.muli %add3A_2916, %mul3A_2917 : i32
        %get3A_2919 = arith.constant 4 : i32
        %get3A_2920 = arith.index_cast %get3A_2919 : i32 to index
        %get3A_2921 = arith.index_cast %mul3A_2918 : i32 to index
        %get3A_2922 = tpu.vector_load %arg4[%get3A_2920, %get3A_2921] {strides = array<i32>} : memref<8x4096xf32, #tpu.memory_space<vmem>>, vector<16xf32>,
        %min3A_2923 = arith.minimumf %scan3A_2898, %get3A_2922 : vector<16xf32>
        %max3A_2924 = arith.maximumf %scan3A_2898, %get3A_2922 : vector<16xf32>
        %min3A_2925 = arith.minimumf %scan3A_2899, %max3A_2924 : vector<16xf32>
        %add3A_2926 = arith.constant 128 : i32
        %add3A_2927 = arith.addi %scan3A_2895, %add3A_2926 : i32
        %mul3A_2928 = arith.constant 16 : i32
        %mul3A_2929 = arith.muli %add3A_2927, %mul3A_2928 : i32
        %get3A_2930 = arith.constant 4 : i32
        %get3A_2931 = arith.index_cast %get3A_2930 : i32 to index
        %get3A_2932 = arith.index_cast %mul3A_2929 : i32 to index
        %get3A_2933 = tpu.vector_load %arg4[%get3A_2931, %get3A_2932] {strides = array<i32>} : memref<8x4096xf32, #tpu.memory_space<vmem>>, vector<16xf32>,
        %min3A_2934 = arith.minimumf %scan3A_2900, %get3A_2933 : vector<16xf32>
        %max3A_2935 = arith.maximumf %scan3A_2900, %get3A_2933 : vector<16xf32>
        %min3A_2936 = arith.minimumf %scan3A_2901, %max3A_2935 : vector<16xf32>
        %add3A_2937 = arith.constant 192 : i32
        %add3A_2938 = arith.addi %scan3A_2895, %add3A_2937 : i32
        %mul3A_2939 = arith.constant 16 : i32
        %mul3A_2940 = arith.muli %add3A_2938, %mul3A_2939 : i32
        %get3A_2941 = arith.constant 4 : i32
        %get3A_2942 = arith.index_cast %get3A_2941 : i32 to index
        %get3A_2943 = arith.index_cast %mul3A_2940 : i32 to index
        %get3A_2944 = tpu.vector_load %arg4[%get3A_2942, %get3A_2943] {strides = array<i32>} : memref<8x4096xf32, #tpu.memory_space<vmem>>, vector<16xf32>,
        %min3A_2945 = arith.minimumf %scan3A_2902, %get3A_2944 : vector<16xf32>
        %max3A_2946 = arith.maximumf %scan3A_2902, %get3A_2944 : vector<16xf32>
        %min3A_2947 = arith.minimumf %scan3A_2903, %max3A_2946 : vector<16xf32>
        scf.yield %min3A_2912, %min3A_2914, %min3A_2923, %min3A_2925, %min3A_2934, %min3A_2936, %min3A_2945, %min3A_2947 : vector<16xf32>, vector<16xf32>, vector<16xf32>, vector<16xf32>, vector<16xf32>, vector<16xf32>, vector<16xf32>, vector<16xf32>
      }
      %scan3A_877 = arith.constant 64 : i32
      %max3A_878 = arith.maximumf %scan3A_876#0, %scan3A_876#2 : vector<16xf32>
      %min3A_879 = arith.minimumf %scan3A_876#1, %scan3A_876#3 : vector<16xf32>
      %min3A_880 = arith.minimumf %max3A_878, %min3A_879 : vector<16xf32>
      %min3A_881 = arith.minimumf %scan3A_876#0, %scan3A_876#2 : vector<16xf32>
      %max3A_882 = arith.maximumf %min3A_881, %scan3A_876#4 : vector<16xf32>
      %min3A_883 = arith.minimumf %min3A_880, %scan3A_876#5 : vector<16xf32>
      %min3A_884 = arith.minimumf %max3A_882, %min3A_883 : vector<16xf32>
      %min3A_885 = arith.minimumf %min3A_881, %scan3A_876#4 : vector<16xf32>
      %max3A_886 = arith.maximumf %min3A_885, %scan3A_876#6 : vector<16xf32>
      %min3A_887 = arith.minimumf %min3A_884, %scan3A_876#7 : vector<16xf32>
      %min3A_888 = arith.minimumf %max3A_886, %min3A_887 : vector<16xf32>
      %min3A_889 = arith.minimumf %min3A_885, %scan3A_876#6 : vector<16xf32>
      %reduce_min3A_890 = arith.constant true
      %reduce_min3A_891 = vector.broadcast %reduce_min3A_890 : i1 to vector<16xi1>
      %reduce_min3A_892 = tpu.scan <min>, %min3A_889 masked %reduce_min3A_891 : vector<16xf32>, vector<16xi1> -> vector<16xf32>
      %reduce_min3A_893 = vector.extract %reduce_min3A_892[15] : f32 from vector<16xf32>
      %eq3A_894 = vector.broadcast %reduce_min3A_893 : f32 to vector<16xf32>
      %eq3A_895 = arith.cmpf oeq, %min3A_889, %eq3A_894 : vector<16xf32>
      %all_reduce_ffs3A_896 = tpu.all_reduce %eq3A_895 {dim = 0 : i64, kind = #tpu.reduction_kind<find_first_set>} : vector<16xi1> -> vector<16xi32>
      %eq3A_897 = arith.cmpi eq, %iota3A, %all_reduce_ffs3A_896 : vector<16xi32>
      %jit3A_898 = arith.constant 3.000000e+38 : f32
      %broadcast_in_dim3A_899 = vector.broadcast %jit3A_898 : f32 to vector<16xf32>
      %select_n3A_900 = arith.select %eq3A_897, %broadcast_in_dim3A_899, %min3A_889 : vector<16xi1>, vector<16xf32>
      %reduce_min3A_901 = arith.constant true
      %reduce_min3A_902 = vector.broadcast %reduce_min3A_901 : i1 to vector<16xi1>
      %reduce_min3A_903 = tpu.scan <min>, %select_n3A_900 masked %reduce_min3A_902 : vector<16xf32>, vector<16xi1> -> vector<16xf32>
      %reduce_min3A_904 = vector.extract %reduce_min3A_903[15] : f32 from vector<16xf32>
      %reduce_min3A_905 = arith.constant true
      %reduce_min3A_906 = vector.broadcast %reduce_min3A_905 : i1 to vector<16xi1>
      %reduce_min3A_907 = tpu.scan <min>, %min3A_888 masked %reduce_min3A_906 : vector<16xf32>, vector<16xi1> -> vector<16xf32>
      %reduce_min3A_908 = vector.extract %reduce_min3A_907[15] : f32 from vector<16xf32>
      %min3A_909 = arith.minimumf %reduce_min3A_904, %reduce_min3A_908 : f32
      %max3A_910 = arith.constant 0.000000e+00 : f32
      %max3A_911 = arith.maximumf %reduce_max3A_846, %max3A_910 : f32
      %sub3A_912 = arith.subf %max3A_911, %min3A_909 : f32
      %add3A_913 = arith.constant 3.000000e-01 : f32
      %add3A_914 = arith.addf %sub3A_912, %add3A_913 : f32
      %max3A_915 = arith.constant 0.000000e+00 : f32
      %max3A_916 = arith.maximumf %add3A_914, %max3A_915 : f32
      %add3A_917 = arith.addf %add3A_739, %max3A_916 : f32
      %add3A_918 = arith.constant 5 : i32
      %add3A_919 = arith.addi %add3A_41, %add3A_918 : i32
      %jit3A_920 = arith.constant 16 : i32
      %div3A_921 = arith.divsi %add3A_919, %jit3A_920 : i32
      %sign3A_922 = arith.constant 0 : i32
      %sign3A_923 = arith.cmpi sgt, %add3A_919, %sign3A_922 : i32
      %sign3A_924 = arith.extui %sign3A_923 : i1 to i32
      %sign3A_925 = arith.constant 0 : i32
      %sign3A_926 = arith.cmpi slt, %add3A_919, %sign3A_925 : i32
      %sign3A_927 = arith.extui %sign3A_926 : i1 to i32
      %sign3A_928 = arith.subi %sign3A_924, %sign3A_927 : i32
      %sign3A_929 = arith.constant 0 : i32
      %sign3A_930 = arith.cmpi sgt, %jit3A_920, %sign3A_929 : i32
      %sign3A_931 = arith.extui %sign3A_930 : i1 to i32
      %sign3A_932 = arith.constant 0 : i32
      %sign3A_933 = arith.cmpi slt, %jit3A_920, %sign3A_932 : i32
      %sign3A_934 = arith.extui %sign3A_933 : i1 to i32
      %sign3A_935 = arith.subi %sign3A_931, %sign3A_934 : i32
      %ne3A_936 = arith.cmpi ne, %sign3A_928, %sign3A_935 : i32
      %rem3A_937 = arith.remsi %add3A_919, %jit3A_920 : i32
      %ne3A_938 = arith.constant 0 : i32
      %ne3A_939 = arith.cmpi ne, %rem3A_937, %ne3A_938 : i32
      %and3A_940 = arith.andi %ne3A_936, %ne3A_939 : i1
      %sub3A_941 = arith.constant 1 : i32
      %sub3A_942 = arith.subi %div3A_921, %sub3A_941 : i32
      %select_n3A_943 = arith.select %and3A_940, %sub3A_942, %div3A_921 : i32
      %jit3A_944 = arith.constant 8 : i32
      %div3A_945 = arith.divsi %add3A_919, %jit3A_944 : i32
      %sign3A_946 = arith.constant 0 : i32
      %sign3A_947 = arith.cmpi sgt, %add3A_919, %sign3A_946 : i32
      %sign3A_948 = arith.extui %sign3A_947 : i1 to i32
      %sign3A_949 = arith.constant 0 : i32
      %sign3A_950 = arith.cmpi slt, %add3A_919, %sign3A_949 : i32
      %sign3A_951 = arith.extui %sign3A_950 : i1 to i32
      %sign3A_952 = arith.subi %sign3A_948, %sign3A_951 : i32
      %sign3A_953 = arith.constant 0 : i32
      %sign3A_954 = arith.cmpi sgt, %jit3A_944, %sign3A_953 : i32
      %sign3A_955 = arith.extui %sign3A_954 : i1 to i32
      %sign3A_956 = arith.constant 0 : i32
      %sign3A_957 = arith.cmpi slt, %jit3A_944, %sign3A_956 : i32
      %sign3A_958 = arith.extui %sign3A_957 : i1 to i32
      %sign3A_959 = arith.subi %sign3A_955, %sign3A_958 : i32
      %ne3A_960 = arith.cmpi ne, %sign3A_952, %sign3A_959 : i32
      %rem3A_961 = arith.remsi %add3A_919, %jit3A_944 : i32
      %ne3A_962 = arith.constant 0 : i32
      %ne3A_963 = arith.cmpi ne, %rem3A_961, %ne3A_962 : i32
      %and3A_964 = arith.andi %ne3A_960, %ne3A_963 : i1
      %sub3A_965 = arith.constant 1 : i32
      %sub3A_966 = arith.subi %div3A_945, %sub3A_965 : i32
      %select_n3A_967 = arith.select %and3A_964, %sub3A_966, %div3A_945 : i32
      %jit3A_968 = arith.constant 2 : i32
      %eq3A_969 = arith.constant 0 : i32
      %eq3A_970 = arith.cmpi eq, %jit3A_968, %eq3A_969 : i32
      %jit3A_971 = arith.constant 1 : i32
      %select_n3A_972 = arith.select %eq3A_970, %jit3A_971, %jit3A_968 : i32
      %rem3A_973 = arith.remsi %select_n3A_967, %select_n3A_972 : i32
      %ne3A_974 = arith.constant 0 : i32
      %ne3A_975 = arith.cmpi ne, %rem3A_973, %ne3A_974 : i32
      %lt3A_976 = arith.constant 0 : i32
      %lt3A_977 = arith.cmpi slt, %rem3A_973, %lt3A_976 : i32
      %lt3A_978 = arith.constant 0 : i32
      %lt3A_979 = arith.cmpi slt, %select_n3A_972, %lt3A_978 : i32
      %ne3A_980 = arith.xori %lt3A_977, %lt3A_979 : i1
      %and3A_981 = arith.andi %ne3A_980, %ne3A_975 : i1
      %add3A_982 = arith.addi %rem3A_973, %select_n3A_972 : i32
      %select_n3A_983 = arith.select %and3A_981, %add3A_982, %rem3A_973 : i32
      %mul3A_984 = arith.constant 8 : i32
      %mul3A_985 = arith.muli %select_n3A_983, %mul3A_984 : i32
      %jit3A_986 = arith.constant 16 : i32
      %eq3A_987 = arith.constant 0 : i32
      %eq3A_988 = arith.cmpi eq, %jit3A_986, %eq3A_987 : i32
      %jit3A_989 = arith.constant 1 : i32
      %select_n3A_990 = arith.select %eq3A_988, %jit3A_989, %jit3A_986 : i32
      %rem3A_991 = arith.remsi %add3A_919, %select_n3A_990 : i32
      %ne3A_992 = arith.constant 0 : i32
      %ne3A_993 = arith.cmpi ne, %rem3A_991, %ne3A_992 : i32
      %lt3A_994 = arith.constant 0 : i32
      %lt3A_995 = arith.cmpi slt, %rem3A_991, %lt3A_994 : i32
      %lt3A_996 = arith.constant 0 : i32
      %lt3A_997 = arith.cmpi slt, %select_n3A_990, %lt3A_996 : i32
      %ne3A_998 = arith.xori %lt3A_995, %lt3A_997 : i1
      %and3A_999 = arith.andi %ne3A_998, %ne3A_993 : i1
      %add3A_1000 = arith.addi %rem3A_991, %select_n3A_990 : i32
      %select_n3A_1001 = arith.select %and3A_999, %add3A_1000, %rem3A_991 : i32
      %mul3A_1002 = arith.constant 16 : i32
      %mul3A_1003 = arith.muli %select_n3A_943, %mul3A_1002 : i32
      %get3A_1004 = arith.constant 5 : i32
      %get3A_1005 = arith.index_cast %get3A_1004 : i32 to index
      %get3A_1006 = arith.index_cast %mul3A_1003 : i32 to index
      %get3A_1007 = tpu.vector_load %arg4[%get3A_1005, %get3A_1006] {strides = array<i32>} : memref<8x4096xf32, #tpu.memory_space<vmem>>, vector<16xf32>,
      %ge3A_1008 = vector.broadcast %mul3A_985 : i32 to vector<16xi32>
      %ge3A_1009 = arith.cmpi sge, %iota3A, %ge3A_1008 : vector<16xi32>
      %add3A_1010 = arith.constant 8 : i32
      %add3A_1011 = arith.addi %mul3A_985, %add3A_1010 : i32
      %lt3A_1012 = vector.broadcast %add3A_1011 : i32 to vector<16xi32>
      %lt3A_1013 = arith.cmpi slt, %iota3A, %lt3A_1012 : vector<16xi32>
      %and3A_1014 = arith.andi %ge3A_1009, %lt3A_1013 : vector<16xi1>
      %ne3A_1015 = vector.broadcast %select_n3A_1001 : i32 to vector<16xi32>
      %ne3A_1016 = arith.cmpi ne, %iota3A, %ne3A_1015 : vector<16xi32>
      %and3A_1017 = arith.andi %and3A_1014, %ne3A_1016 : vector<16xi1>
      %jit3A_1018 = arith.constant -3.000000e+38 : f32
      %broadcast_in_dim3A_1019 = vector.broadcast %jit3A_1018 : f32 to vector<16xf32>
      %select_n3A_1020 = arith.select %and3A_1017, %get3A_1007, %broadcast_in_dim3A_1019 : vector<16xi1>, vector<16xf32>
      %reduce_max3A_1021 = arith.constant true
      %reduce_max3A_1022 = vector.broadcast %reduce_max3A_1021 : i1 to vector<16xi1>
      %reduce_max3A_1023 = tpu.scan <max>, %select_n3A_1020 masked %reduce_max3A_1022 : vector<16xf32>, vector<16xi1> -> vector<16xf32>
      %reduce_max3A_1024 = vector.extract %reduce_max3A_1023[15] : f32 from vector<16xf32>
      %jit3A_1025 = arith.constant 3.000000e+38 : f32
      %broadcast_in_dim3A_1026 = vector.broadcast %jit3A_1025 : f32 to vector<16xf32>
      %select_n3A_1027 = arith.select %and3A_1017, %broadcast_in_dim3A_1026, %get3A_1007 : vector<16xi1>, vector<16xf32>
      %mul3A_1028 = arith.constant 16 : i32
      %mul3A_1029 = arith.muli %select_n3A_943, %mul3A_1028 : i32
      %swap3A_1030 = arith.constant 5 : i32
      %swap3A_1031 = arith.index_cast %swap3A_1030 : i32 to index
      %swap3A_1032 = arith.index_cast %mul3A_1029 : i32 to index
      %swap3A_1033 = tpu.vector_load %arg4[%swap3A_1031, %swap3A_1032] {strides = array<i32>} : memref<8x4096xf32, #tpu.memory_space<vmem>>, vector<16xf32>,
      tpu.vector_store %arg4[%swap3A_1031, %swap3A_1032], %select_n3A_1027 {strides = array<i32>} : memref<8x4096xf32, #tpu.memory_space<vmem>>, vector<16xf32>,
      %broadcast_in_dim3A_1034 = arith.constant 3.000000e+38 : f32
      %broadcast_in_dim3A_1035 = vector.broadcast %broadcast_in_dim3A_1034 : f32 to vector<16xf32>
      %broadcast_in_dim3A_1036 = arith.constant 3.000000e+38 : f32
      %broadcast_in_dim3A_1037 = vector.broadcast %broadcast_in_dim3A_1036 : f32 to vector<16xf32>
      %broadcast_in_dim3A_1038 = arith.constant 3.000000e+38 : f32
      %broadcast_in_dim3A_1039 = vector.broadcast %broadcast_in_dim3A_1038 : f32 to vector<16xf32>
      %broadcast_in_dim3A_1040 = arith.constant 3.000000e+38 : f32
      %broadcast_in_dim3A_1041 = vector.broadcast %broadcast_in_dim3A_1040 : f32 to vector<16xf32>
      %broadcast_in_dim3A_1042 = arith.constant 3.000000e+38 : f32
      %broadcast_in_dim3A_1043 = vector.broadcast %broadcast_in_dim3A_1042 : f32 to vector<16xf32>
      %broadcast_in_dim3A_1044 = arith.constant 3.000000e+38 : f32
      %broadcast_in_dim3A_1045 = vector.broadcast %broadcast_in_dim3A_1044 : f32 to vector<16xf32>
      %broadcast_in_dim3A_1046 = arith.constant 3.000000e+38 : f32
      %broadcast_in_dim3A_1047 = vector.broadcast %broadcast_in_dim3A_1046 : f32 to vector<16xf32>
      %broadcast_in_dim3A_1048 = arith.constant 3.000000e+38 : f32
      %broadcast_in_dim3A_1049 = vector.broadcast %broadcast_in_dim3A_1048 : f32 to vector<16xf32>
      %scan3A_1050 = arith.constant 0 : i32
      %scan3A_1051 = arith.constant 64 : i32
      %scan3A_1052 = arith.addi %scan3A_1050, %scan3A_1051 : i32
      %scan3A_1053 = arith.constant 1 : i32
      %scan3A_1054:8 = scf.for %scan3A_2895 = %scan3A_1050 to %scan3A_1052 step %scan3A_1053 iter_args(%scan3A_2896 = %broadcast_in_dim3A_1035, %scan3A_2897 = %broadcast_in_dim3A_1037, %scan3A_2898 = %broadcast_in_dim3A_1039, %scan3A_2899 = %broadcast_in_dim3A_1041, %scan3A_2900 = %broadcast_in_dim3A_1043, %scan3A_2901 = %broadcast_in_dim3A_1045, %scan3A_2902 = %broadcast_in_dim3A_1047, %scan3A_2903 = %broadcast_in_dim3A_1049) -> (vector<16xf32>, vector<16xf32>, vector<16xf32>, vector<16xf32>, vector<16xf32>, vector<16xf32>, vector<16xf32>, vector<16xf32>)  : i32 {
        %add3A_2904 = arith.constant 0 : i32
        %add3A_2905 = arith.addi %scan3A_2895, %add3A_2904 : i32
        %mul3A_2906 = arith.constant 16 : i32
        %mul3A_2907 = arith.muli %add3A_2905, %mul3A_2906 : i32
        %get3A_2908 = arith.constant 5 : i32
        %get3A_2909 = arith.index_cast %get3A_2908 : i32 to index
        %get3A_2910 = arith.index_cast %mul3A_2907 : i32 to index
        %get3A_2911 = tpu.vector_load %arg4[%get3A_2909, %get3A_2910] {strides = array<i32>} : memref<8x4096xf32, #tpu.memory_space<vmem>>, vector<16xf32>,
        %min3A_2912 = arith.minimumf %scan3A_2896, %get3A_2911 : vector<16xf32>
        %max3A_2913 = arith.maximumf %scan3A_2896, %get3A_2911 : vector<16xf32>
        %min3A_2914 = arith.minimumf %scan3A_2897, %max3A_2913 : vector<16xf32>
        %add3A_2915 = arith.constant 64 : i32
        %add3A_2916 = arith.addi %scan3A_2895, %add3A_2915 : i32
        %mul3A_2917 = arith.constant 16 : i32
        %mul3A_2918 = arith.muli %add3A_2916, %mul3A_2917 : i32
        %get3A_2919 = arith.constant 5 : i32
        %get3A_2920 = arith.index_cast %get3A_2919 : i32 to index
        %get3A_2921 = arith.index_cast %mul3A_2918 : i32 to index
        %get3A_2922 = tpu.vector_load %arg4[%get3A_2920, %get3A_2921] {strides = array<i32>} : memref<8x4096xf32, #tpu.memory_space<vmem>>, vector<16xf32>,
        %min3A_2923 = arith.minimumf %scan3A_2898, %get3A_2922 : vector<16xf32>
        %max3A_2924 = arith.maximumf %scan3A_2898, %get3A_2922 : vector<16xf32>
        %min3A_2925 = arith.minimumf %scan3A_2899, %max3A_2924 : vector<16xf32>
        %add3A_2926 = arith.constant 128 : i32
        %add3A_2927 = arith.addi %scan3A_2895, %add3A_2926 : i32
        %mul3A_2928 = arith.constant 16 : i32
        %mul3A_2929 = arith.muli %add3A_2927, %mul3A_2928 : i32
        %get3A_2930 = arith.constant 5 : i32
        %get3A_2931 = arith.index_cast %get3A_2930 : i32 to index
        %get3A_2932 = arith.index_cast %mul3A_2929 : i32 to index
        %get3A_2933 = tpu.vector_load %arg4[%get3A_2931, %get3A_2932] {strides = array<i32>} : memref<8x4096xf32, #tpu.memory_space<vmem>>, vector<16xf32>,
        %min3A_2934 = arith.minimumf %scan3A_2900, %get3A_2933 : vector<16xf32>
        %max3A_2935 = arith.maximumf %scan3A_2900, %get3A_2933 : vector<16xf32>
        %min3A_2936 = arith.minimumf %scan3A_2901, %max3A_2935 : vector<16xf32>
        %add3A_2937 = arith.constant 192 : i32
        %add3A_2938 = arith.addi %scan3A_2895, %add3A_2937 : i32
        %mul3A_2939 = arith.constant 16 : i32
        %mul3A_2940 = arith.muli %add3A_2938, %mul3A_2939 : i32
        %get3A_2941 = arith.constant 5 : i32
        %get3A_2942 = arith.index_cast %get3A_2941 : i32 to index
        %get3A_2943 = arith.index_cast %mul3A_2940 : i32 to index
        %get3A_2944 = tpu.vector_load %arg4[%get3A_2942, %get3A_2943] {strides = array<i32>} : memref<8x4096xf32, #tpu.memory_space<vmem>>, vector<16xf32>,
        %min3A_2945 = arith.minimumf %scan3A_2902, %get3A_2944 : vector<16xf32>
        %max3A_2946 = arith.maximumf %scan3A_2902, %get3A_2944 : vector<16xf32>
        %min3A_2947 = arith.minimumf %scan3A_2903, %max3A_2946 : vector<16xf32>
        scf.yield %min3A_2912, %min3A_2914, %min3A_2923, %min3A_2925, %min3A_2934, %min3A_2936, %min3A_2945, %min3A_2947 : vector<16xf32>, vector<16xf32>, vector<16xf32>, vector<16xf32>, vector<16xf32>, vector<16xf32>, vector<16xf32>, vector<16xf32>
      }
      %scan3A_1055 = arith.constant 64 : i32
      %max3A_1056 = arith.maximumf %scan3A_1054#0, %scan3A_1054#2 : vector<16xf32>
      %min3A_1057 = arith.minimumf %scan3A_1054#1, %scan3A_1054#3 : vector<16xf32>
      %min3A_1058 = arith.minimumf %max3A_1056, %min3A_1057 : vector<16xf32>
      %min3A_1059 = arith.minimumf %scan3A_1054#0, %scan3A_1054#2 : vector<16xf32>
      %max3A_1060 = arith.maximumf %min3A_1059, %scan3A_1054#4 : vector<16xf32>
      %min3A_1061 = arith.minimumf %min3A_1058, %scan3A_1054#5 : vector<16xf32>
      %min3A_1062 = arith.minimumf %max3A_1060, %min3A_1061 : vector<16xf32>
      %min3A_1063 = arith.minimumf %min3A_1059, %scan3A_1054#4 : vector<16xf32>
      %max3A_1064 = arith.maximumf %min3A_1063, %scan3A_1054#6 : vector<16xf32>
      %min3A_1065 = arith.minimumf %min3A_1062, %scan3A_1054#7 : vector<16xf32>
      %min3A_1066 = arith.minimumf %max3A_1064, %min3A_1065 : vector<16xf32>
      %min3A_1067 = arith.minimumf %min3A_1063, %scan3A_1054#6 : vector<16xf32>
      %reduce_min3A_1068 = arith.constant true
      %reduce_min3A_1069 = vector.broadcast %reduce_min3A_1068 : i1 to vector<16xi1>
      %reduce_min3A_1070 = tpu.scan <min>, %min3A_1067 masked %reduce_min3A_1069 : vector<16xf32>, vector<16xi1> -> vector<16xf32>
      %reduce_min3A_1071 = vector.extract %reduce_min3A_1070[15] : f32 from vector<16xf32>
      %eq3A_1072 = vector.broadcast %reduce_min3A_1071 : f32 to vector<16xf32>
      %eq3A_1073 = arith.cmpf oeq, %min3A_1067, %eq3A_1072 : vector<16xf32>
      %all_reduce_ffs3A_1074 = tpu.all_reduce %eq3A_1073 {dim = 0 : i64, kind = #tpu.reduction_kind<find_first_set>} : vector<16xi1> -> vector<16xi32>
      %eq3A_1075 = arith.cmpi eq, %iota3A, %all_reduce_ffs3A_1074 : vector<16xi32>
      %jit3A_1076 = arith.constant 3.000000e+38 : f32
      %broadcast_in_dim3A_1077 = vector.broadcast %jit3A_1076 : f32 to vector<16xf32>
      %select_n3A_1078 = arith.select %eq3A_1075, %broadcast_in_dim3A_1077, %min3A_1067 : vector<16xi1>, vector<16xf32>
      %reduce_min3A_1079 = arith.constant true
      %reduce_min3A_1080 = vector.broadcast %reduce_min3A_1079 : i1 to vector<16xi1>
      %reduce_min3A_1081 = tpu.scan <min>, %select_n3A_1078 masked %reduce_min3A_1080 : vector<16xf32>, vector<16xi1> -> vector<16xf32>
      %reduce_min3A_1082 = vector.extract %reduce_min3A_1081[15] : f32 from vector<16xf32>
      %reduce_min3A_1083 = arith.constant true
      %reduce_min3A_1084 = vector.broadcast %reduce_min3A_1083 : i1 to vector<16xi1>
      %reduce_min3A_1085 = tpu.scan <min>, %min3A_1066 masked %reduce_min3A_1084 : vector<16xf32>, vector<16xi1> -> vector<16xf32>
      %reduce_min3A_1086 = vector.extract %reduce_min3A_1085[15] : f32 from vector<16xf32>
      %min3A_1087 = arith.minimumf %reduce_min3A_1082, %reduce_min3A_1086 : f32
      %max3A_1088 = arith.constant 0.000000e+00 : f32
      %max3A_1089 = arith.maximumf %reduce_max3A_1024, %max3A_1088 : f32
      %sub3A_1090 = arith.subf %max3A_1089, %min3A_1087 : f32
      %add3A_1091 = arith.constant 3.000000e-01 : f32
      %add3A_1092 = arith.addf %sub3A_1090, %add3A_1091 : f32
      %max3A_1093 = arith.constant 0.000000e+00 : f32
      %max3A_1094 = arith.maximumf %add3A_1092, %max3A_1093 : f32
      %add3A_1095 = arith.addf %add3A_917, %max3A_1094 : f32
      %add3A_1096 = arith.constant 6 : i32
      %add3A_1097 = arith.addi %add3A_41, %add3A_1096 : i32
      %jit3A_1098 = arith.constant 16 : i32
      %div3A_1099 = arith.divsi %add3A_1097, %jit3A_1098 : i32
      %sign3A_1100 = arith.constant 0 : i32
      %sign3A_1101 = arith.cmpi sgt, %add3A_1097, %sign3A_1100 : i32
      %sign3A_1102 = arith.extui %sign3A_1101 : i1 to i32
      %sign3A_1103 = arith.constant 0 : i32
      %sign3A_1104 = arith.cmpi slt, %add3A_1097, %sign3A_1103 : i32
      %sign3A_1105 = arith.extui %sign3A_1104 : i1 to i32
      %sign3A_1106 = arith.subi %sign3A_1102, %sign3A_1105 : i32
      %sign3A_1107 = arith.constant 0 : i32
      %sign3A_1108 = arith.cmpi sgt, %jit3A_1098, %sign3A_1107 : i32
      %sign3A_1109 = arith.extui %sign3A_1108 : i1 to i32
      %sign3A_1110 = arith.constant 0 : i32
      %sign3A_1111 = arith.cmpi slt, %jit3A_1098, %sign3A_1110 : i32
      %sign3A_1112 = arith.extui %sign3A_1111 : i1 to i32
      %sign3A_1113 = arith.subi %sign3A_1109, %sign3A_1112 : i32
      %ne3A_1114 = arith.cmpi ne, %sign3A_1106, %sign3A_1113 : i32
      %rem3A_1115 = arith.remsi %add3A_1097, %jit3A_1098 : i32
      %ne3A_1116 = arith.constant 0 : i32
      %ne3A_1117 = arith.cmpi ne, %rem3A_1115, %ne3A_1116 : i32
      %and3A_1118 = arith.andi %ne3A_1114, %ne3A_1117 : i1
      %sub3A_1119 = arith.constant 1 : i32
      %sub3A_1120 = arith.subi %div3A_1099, %sub3A_1119 : i32
      %select_n3A_1121 = arith.select %and3A_1118, %sub3A_1120, %div3A_1099 : i32
      %jit3A_1122 = arith.constant 8 : i32
      %div3A_1123 = arith.divsi %add3A_1097, %jit3A_1122 : i32
      %sign3A_1124 = arith.constant 0 : i32
      %sign3A_1125 = arith.cmpi sgt, %add3A_1097, %sign3A_1124 : i32
      %sign3A_1126 = arith.extui %sign3A_1125 : i1 to i32
      %sign3A_1127 = arith.constant 0 : i32
      %sign3A_1128 = arith.cmpi slt, %add3A_1097, %sign3A_1127 : i32
      %sign3A_1129 = arith.extui %sign3A_1128 : i1 to i32
      %sign3A_1130 = arith.subi %sign3A_1126, %sign3A_1129 : i32
      %sign3A_1131 = arith.constant 0 : i32
      %sign3A_1132 = arith.cmpi sgt, %jit3A_1122, %sign3A_1131 : i32
      %sign3A_1133 = arith.extui %sign3A_1132 : i1 to i32
      %sign3A_1134 = arith.constant 0 : i32
      %sign3A_1135 = arith.cmpi slt, %jit3A_1122, %sign3A_1134 : i32
      %sign3A_1136 = arith.extui %sign3A_1135 : i1 to i32
      %sign3A_1137 = arith.subi %sign3A_1133, %sign3A_1136 : i32
      %ne3A_1138 = arith.cmpi ne, %sign3A_1130, %sign3A_1137 : i32
      %rem3A_1139 = arith.remsi %add3A_1097, %jit3A_1122 : i32
      %ne3A_1140 = arith.constant 0 : i32
      %ne3A_1141 = arith.cmpi ne, %rem3A_1139, %ne3A_1140 : i32
      %and3A_1142 = arith.andi %ne3A_1138, %ne3A_1141 : i1
      %sub3A_1143 = arith.constant 1 : i32
      %sub3A_1144 = arith.subi %div3A_1123, %sub3A_1143 : i32
      %select_n3A_1145 = arith.select %and3A_1142, %sub3A_1144, %div3A_1123 : i32
      %jit3A_1146 = arith.constant 2 : i32
      %eq3A_1147 = arith.constant 0 : i32
      %eq3A_1148 = arith.cmpi eq, %jit3A_1146, %eq3A_1147 : i32
      %jit3A_1149 = arith.constant 1 : i32
      %select_n3A_1150 = arith.select %eq3A_1148, %jit3A_1149, %jit3A_1146 : i32
      %rem3A_1151 = arith.remsi %select_n3A_1145, %select_n3A_1150 : i32
      %ne3A_1152 = arith.constant 0 : i32
      %ne3A_1153 = arith.cmpi ne, %rem3A_1151, %ne3A_1152 : i32
      %lt3A_1154 = arith.constant 0 : i32
      %lt3A_1155 = arith.cmpi slt, %rem3A_1151, %lt3A_1154 : i32
      %lt3A_1156 = arith.constant 0 : i32
      %lt3A_1157 = arith.cmpi slt, %select_n3A_1150, %lt3A_1156 : i32
      %ne3A_1158 = arith.xori %lt3A_1155, %lt3A_1157 : i1
      %and3A_1159 = arith.andi %ne3A_1158, %ne3A_1153 : i1
      %add3A_1160 = arith.addi %rem3A_1151, %select_n3A_1150 : i32
      %select_n3A_1161 = arith.select %and3A_1159, %add3A_1160, %rem3A_1151 : i32
      %mul3A_1162 = arith.constant 8 : i32
      %mul3A_1163 = arith.muli %select_n3A_1161, %mul3A_1162 : i32
      %jit3A_1164 = arith.constant 16 : i32
      %eq3A_1165 = arith.constant 0 : i32
      %eq3A_1166 = arith.cmpi eq, %jit3A_1164, %eq3A_1165 : i32
      %jit3A_1167 = arith.constant 1 : i32
      %select_n3A_1168 = arith.select %eq3A_1166, %jit3A_1167, %jit3A_1164 : i32
      %rem3A_1169 = arith.remsi %add3A_1097, %select_n3A_1168 : i32
      %ne3A_1170 = arith.constant 0 : i32
      %ne3A_1171 = arith.cmpi ne, %rem3A_1169, %ne3A_1170 : i32
      %lt3A_1172 = arith.constant 0 : i32
      %lt3A_1173 = arith.cmpi slt, %rem3A_1169, %lt3A_1172 : i32
      %lt3A_1174 = arith.constant 0 : i32
      %lt3A_1175 = arith.cmpi slt, %select_n3A_1168, %lt3A_1174 : i32
      %ne3A_1176 = arith.xori %lt3A_1173, %lt3A_1175 : i1
      %and3A_1177 = arith.andi %ne3A_1176, %ne3A_1171 : i1
      %add3A_1178 = arith.addi %rem3A_1169, %select_n3A_1168 : i32
      %select_n3A_1179 = arith.select %and3A_1177, %add3A_1178, %rem3A_1169 : i32
      %mul3A_1180 = arith.constant 16 : i32
      %mul3A_1181 = arith.muli %select_n3A_1121, %mul3A_1180 : i32
      %get3A_1182 = arith.constant 6 : i32
      %get3A_1183 = arith.index_cast %get3A_1182 : i32 to index
      %get3A_1184 = arith.index_cast %mul3A_1181 : i32 to index
      %get3A_1185 = tpu.vector_load %arg4[%get3A_1183, %get3A_1184] {strides = array<i32>} : memref<8x4096xf32, #tpu.memory_space<vmem>>, vector<16xf32>,
      %ge3A_1186 = vector.broadcast %mul3A_1163 : i32 to vector<16xi32>
      %ge3A_1187 = arith.cmpi sge, %iota3A, %ge3A_1186 : vector<16xi32>
      %add3A_1188 = arith.constant 8 : i32
      %add3A_1189 = arith.addi %mul3A_1163, %add3A_1188 : i32
      %lt3A_1190 = vector.broadcast %add3A_1189 : i32 to vector<16xi32>
      %lt3A_1191 = arith.cmpi slt, %iota3A, %lt3A_1190 : vector<16xi32>
      %and3A_1192 = arith.andi %ge3A_1187, %lt3A_1191 : vector<16xi1>
      %ne3A_1193 = vector.broadcast %select_n3A_1179 : i32 to vector<16xi32>
      %ne3A_1194 = arith.cmpi ne, %iota3A, %ne3A_1193 : vector<16xi32>
      %and3A_1195 = arith.andi %and3A_1192, %ne3A_1194 : vector<16xi1>
      %jit3A_1196 = arith.constant -3.000000e+38 : f32
      %broadcast_in_dim3A_1197 = vector.broadcast %jit3A_1196 : f32 to vector<16xf32>
      %select_n3A_1198 = arith.select %and3A_1195, %get3A_1185, %broadcast_in_dim3A_1197 : vector<16xi1>, vector<16xf32>
      %reduce_max3A_1199 = arith.constant true
      %reduce_max3A_1200 = vector.broadcast %reduce_max3A_1199 : i1 to vector<16xi1>
      %reduce_max3A_1201 = tpu.scan <max>, %select_n3A_1198 masked %reduce_max3A_1200 : vector<16xf32>, vector<16xi1> -> vector<16xf32>
      %reduce_max3A_1202 = vector.extract %reduce_max3A_1201[15] : f32 from vector<16xf32>
      %jit3A_1203 = arith.constant 3.000000e+38 : f32
      %broadcast_in_dim3A_1204 = vector.broadcast %jit3A_1203 : f32 to vector<16xf32>
      %select_n3A_1205 = arith.select %and3A_1195, %broadcast_in_dim3A_1204, %get3A_1185 : vector<16xi1>, vector<16xf32>
      %mul3A_1206 = arith.constant 16 : i32
      %mul3A_1207 = arith.muli %select_n3A_1121, %mul3A_1206 : i32
      %swap3A_1208 = arith.constant 6 : i32
      %swap3A_1209 = arith.index_cast %swap3A_1208 : i32 to index
      %swap3A_1210 = arith.index_cast %mul3A_1207 : i32 to index
      %swap3A_1211 = tpu.vector_load %arg4[%swap3A_1209, %swap3A_1210] {strides = array<i32>} : memref<8x4096xf32, #tpu.memory_space<vmem>>, vector<16xf32>,
      tpu.vector_store %arg4[%swap3A_1209, %swap3A_1210], %select_n3A_1205 {strides = array<i32>} : memref<8x4096xf32, #tpu.memory_space<vmem>>, vector<16xf32>,
      %broadcast_in_dim3A_1212 = arith.constant 3.000000e+38 : f32
      %broadcast_in_dim3A_1213 = vector.broadcast %broadcast_in_dim3A_1212 : f32 to vector<16xf32>
      %broadcast_in_dim3A_1214 = arith.constant 3.000000e+38 : f32
      %broadcast_in_dim3A_1215 = vector.broadcast %broadcast_in_dim3A_1214 : f32 to vector<16xf32>
      %broadcast_in_dim3A_1216 = arith.constant 3.000000e+38 : f32
      %broadcast_in_dim3A_1217 = vector.broadcast %broadcast_in_dim3A_1216 : f32 to vector<16xf32>
      %broadcast_in_dim3A_1218 = arith.constant 3.000000e+38 : f32
      %broadcast_in_dim3A_1219 = vector.broadcast %broadcast_in_dim3A_1218 : f32 to vector<16xf32>
      %broadcast_in_dim3A_1220 = arith.constant 3.000000e+38 : f32
      %broadcast_in_dim3A_1221 = vector.broadcast %broadcast_in_dim3A_1220 : f32 to vector<16xf32>
      %broadcast_in_dim3A_1222 = arith.constant 3.000000e+38 : f32
      %broadcast_in_dim3A_1223 = vector.broadcast %broadcast_in_dim3A_1222 : f32 to vector<16xf32>
      %broadcast_in_dim3A_1224 = arith.constant 3.000000e+38 : f32
      %broadcast_in_dim3A_1225 = vector.broadcast %broadcast_in_dim3A_1224 : f32 to vector<16xf32>
      %broadcast_in_dim3A_1226 = arith.constant 3.000000e+38 : f32
      %broadcast_in_dim3A_1227 = vector.broadcast %broadcast_in_dim3A_1226 : f32 to vector<16xf32>
      %scan3A_1228 = arith.constant 0 : i32
      %scan3A_1229 = arith.constant 64 : i32
      %scan3A_1230 = arith.addi %scan3A_1228, %scan3A_1229 : i32
      %scan3A_1231 = arith.constant 1 : i32
      %scan3A_1232:8 = scf.for %scan3A_2895 = %scan3A_1228 to %scan3A_1230 step %scan3A_1231 iter_args(%scan3A_2896 = %broadcast_in_dim3A_1213, %scan3A_2897 = %broadcast_in_dim3A_1215, %scan3A_2898 = %broadcast_in_dim3A_1217, %scan3A_2899 = %broadcast_in_dim3A_1219, %scan3A_2900 = %broadcast_in_dim3A_1221, %scan3A_2901 = %broadcast_in_dim3A_1223, %scan3A_2902 = %broadcast_in_dim3A_1225, %scan3A_2903 = %broadcast_in_dim3A_1227) -> (vector<16xf32>, vector<16xf32>, vector<16xf32>, vector<16xf32>, vector<16xf32>, vector<16xf32>, vector<16xf32>, vector<16xf32>)  : i32 {
        %add3A_2904 = arith.constant 0 : i32
        %add3A_2905 = arith.addi %scan3A_2895, %add3A_2904 : i32
        %mul3A_2906 = arith.constant 16 : i32
        %mul3A_2907 = arith.muli %add3A_2905, %mul3A_2906 : i32
        %get3A_2908 = arith.constant 6 : i32
        %get3A_2909 = arith.index_cast %get3A_2908 : i32 to index
        %get3A_2910 = arith.index_cast %mul3A_2907 : i32 to index
        %get3A_2911 = tpu.vector_load %arg4[%get3A_2909, %get3A_2910] {strides = array<i32>} : memref<8x4096xf32, #tpu.memory_space<vmem>>, vector<16xf32>,
        %min3A_2912 = arith.minimumf %scan3A_2896, %get3A_2911 : vector<16xf32>
        %max3A_2913 = arith.maximumf %scan3A_2896, %get3A_2911 : vector<16xf32>
        %min3A_2914 = arith.minimumf %scan3A_2897, %max3A_2913 : vector<16xf32>
        %add3A_2915 = arith.constant 64 : i32
        %add3A_2916 = arith.addi %scan3A_2895, %add3A_2915 : i32
        %mul3A_2917 = arith.constant 16 : i32
        %mul3A_2918 = arith.muli %add3A_2916, %mul3A_2917 : i32
        %get3A_2919 = arith.constant 6 : i32
        %get3A_2920 = arith.index_cast %get3A_2919 : i32 to index
        %get3A_2921 = arith.index_cast %mul3A_2918 : i32 to index
        %get3A_2922 = tpu.vector_load %arg4[%get3A_2920, %get3A_2921] {strides = array<i32>} : memref<8x4096xf32, #tpu.memory_space<vmem>>, vector<16xf32>,
        %min3A_2923 = arith.minimumf %scan3A_2898, %get3A_2922 : vector<16xf32>
        %max3A_2924 = arith.maximumf %scan3A_2898, %get3A_2922 : vector<16xf32>
        %min3A_2925 = arith.minimumf %scan3A_2899, %max3A_2924 : vector<16xf32>
        %add3A_2926 = arith.constant 128 : i32
        %add3A_2927 = arith.addi %scan3A_2895, %add3A_2926 : i32
        %mul3A_2928 = arith.constant 16 : i32
        %mul3A_2929 = arith.muli %add3A_2927, %mul3A_2928 : i32
        %get3A_2930 = arith.constant 6 : i32
        %get3A_2931 = arith.index_cast %get3A_2930 : i32 to index
        %get3A_2932 = arith.index_cast %mul3A_2929 : i32 to index
        %get3A_2933 = tpu.vector_load %arg4[%get3A_2931, %get3A_2932] {strides = array<i32>} : memref<8x4096xf32, #tpu.memory_space<vmem>>, vector<16xf32>,
        %min3A_2934 = arith.minimumf %scan3A_2900, %get3A_2933 : vector<16xf32>
        %max3A_2935 = arith.maximumf %scan3A_2900, %get3A_2933 : vector<16xf32>
        %min3A_2936 = arith.minimumf %scan3A_2901, %max3A_2935 : vector<16xf32>
        %add3A_2937 = arith.constant 192 : i32
        %add3A_2938 = arith.addi %scan3A_2895, %add3A_2937 : i32
        %mul3A_2939 = arith.constant 16 : i32
        %mul3A_2940 = arith.muli %add3A_2938, %mul3A_2939 : i32
        %get3A_2941 = arith.constant 6 : i32
        %get3A_2942 = arith.index_cast %get3A_2941 : i32 to index
        %get3A_2943 = arith.index_cast %mul3A_2940 : i32 to index
        %get3A_2944 = tpu.vector_load %arg4[%get3A_2942, %get3A_2943] {strides = array<i32>} : memref<8x4096xf32, #tpu.memory_space<vmem>>, vector<16xf32>,
        %min3A_2945 = arith.minimumf %scan3A_2902, %get3A_2944 : vector<16xf32>
        %max3A_2946 = arith.maximumf %scan3A_2902, %get3A_2944 : vector<16xf32>
        %min3A_2947 = arith.minimumf %scan3A_2903, %max3A_2946 : vector<16xf32>
        scf.yield %min3A_2912, %min3A_2914, %min3A_2923, %min3A_2925, %min3A_2934, %min3A_2936, %min3A_2945, %min3A_2947 : vector<16xf32>, vector<16xf32>, vector<16xf32>, vector<16xf32>, vector<16xf32>, vector<16xf32>, vector<16xf32>, vector<16xf32>
      }
      %scan3A_1233 = arith.constant 64 : i32
      %max3A_1234 = arith.maximumf %scan3A_1232#0, %scan3A_1232#2 : vector<16xf32>
      %min3A_1235 = arith.minimumf %scan3A_1232#1, %scan3A_1232#3 : vector<16xf32>
      %min3A_1236 = arith.minimumf %max3A_1234, %min3A_1235 : vector<16xf32>
      %min3A_1237 = arith.minimumf %scan3A_1232#0, %scan3A_1232#2 : vector<16xf32>
      %max3A_1238 = arith.maximumf %min3A_1237, %scan3A_1232#4 : vector<16xf32>
      %min3A_1239 = arith.minimumf %min3A_1236, %scan3A_1232#5 : vector<16xf32>
      %min3A_1240 = arith.minimumf %max3A_1238, %min3A_1239 : vector<16xf32>
      %min3A_1241 = arith.minimumf %min3A_1237, %scan3A_1232#4 : vector<16xf32>
      %max3A_1242 = arith.maximumf %min3A_1241, %scan3A_1232#6 : vector<16xf32>
      %min3A_1243 = arith.minimumf %min3A_1240, %scan3A_1232#7 : vector<16xf32>
      %min3A_1244 = arith.minimumf %max3A_1242, %min3A_1243 : vector<16xf32>
      %min3A_1245 = arith.minimumf %min3A_1241, %scan3A_1232#6 : vector<16xf32>
      %reduce_min3A_1246 = arith.constant true
      %reduce_min3A_1247 = vector.broadcast %reduce_min3A_1246 : i1 to vector<16xi1>
      %reduce_min3A_1248 = tpu.scan <min>, %min3A_1245 masked %reduce_min3A_1247 : vector<16xf32>, vector<16xi1> -> vector<16xf32>
      %reduce_min3A_1249 = vector.extract %reduce_min3A_1248[15] : f32 from vector<16xf32>
      %eq3A_1250 = vector.broadcast %reduce_min3A_1249 : f32 to vector<16xf32>
      %eq3A_1251 = arith.cmpf oeq, %min3A_1245, %eq3A_1250 : vector<16xf32>
      %all_reduce_ffs3A_1252 = tpu.all_reduce %eq3A_1251 {dim = 0 : i64, kind = #tpu.reduction_kind<find_first_set>} : vector<16xi1> -> vector<16xi32>
      %eq3A_1253 = arith.cmpi eq, %iota3A, %all_reduce_ffs3A_1252 : vector<16xi32>
      %jit3A_1254 = arith.constant 3.000000e+38 : f32
      %broadcast_in_dim3A_1255 = vector.broadcast %jit3A_1254 : f32 to vector<16xf32>
      %select_n3A_1256 = arith.select %eq3A_1253, %broadcast_in_dim3A_1255, %min3A_1245 : vector<16xi1>, vector<16xf32>
      %reduce_min3A_1257 = arith.constant true
      %reduce_min3A_1258 = vector.broadcast %reduce_min3A_1257 : i1 to vector<16xi1>
      %reduce_min3A_1259 = tpu.scan <min>, %select_n3A_1256 masked %reduce_min3A_1258 : vector<16xf32>, vector<16xi1> -> vector<16xf32>
      %reduce_min3A_1260 = vector.extract %reduce_min3A_1259[15] : f32 from vector<16xf32>
      %reduce_min3A_1261 = arith.constant true
      %reduce_min3A_1262 = vector.broadcast %reduce_min3A_1261 : i1 to vector<16xi1>
      %reduce_min3A_1263 = tpu.scan <min>, %min3A_1244 masked %reduce_min3A_1262 : vector<16xf32>, vector<16xi1> -> vector<16xf32>
      %reduce_min3A_1264 = vector.extract %reduce_min3A_1263[15] : f32 from vector<16xf32>
      %min3A_1265 = arith.minimumf %reduce_min3A_1260, %reduce_min3A_1264 : f32
      %max3A_1266 = arith.constant 0.000000e+00 : f32
      %max3A_1267 = arith.maximumf %reduce_max3A_1202, %max3A_1266 : f32
      %sub3A_1268 = arith.subf %max3A_1267, %min3A_1265 : f32
      %add3A_1269 = arith.constant 3.000000e-01 : f32
      %add3A_1270 = arith.addf %sub3A_1268, %add3A_1269 : f32
      %max3A_1271 = arith.constant 0.000000e+00 : f32
      %max3A_1272 = arith.maximumf %add3A_1270, %max3A_1271 : f32
      %add3A_1273 = arith.addf %add3A_1095, %max3A_1272 : f32
      %add3A_1274 = arith.constant 7 : i32
      %add3A_1275 = arith.addi %add3A_41, %add3A_1274 : i32
      %jit3A_1276 = arith.constant 16 : i32
      %div3A_1277 = arith.divsi %add3A_1275, %jit3A_1276 : i32
      %sign3A_1278 = arith.constant 0 : i32
      %sign3A_1279 = arith.cmpi sgt, %add3A_1275, %sign3A_1278 : i32
      %sign3A_1280 = arith.extui %sign3A_1279 : i1 to i32
      %sign3A_1281 = arith.constant 0 : i32
      %sign3A_1282 = arith.cmpi slt, %add3A_1275, %sign3A_1281 : i32
      %sign3A_1283 = arith.extui %sign3A_1282 : i1 to i32
      %sign3A_1284 = arith.subi %sign3A_1280, %sign3A_1283 : i32
      %sign3A_1285 = arith.constant 0 : i32
      %sign3A_1286 = arith.cmpi sgt, %jit3A_1276, %sign3A_1285 : i32
      %sign3A_1287 = arith.extui %sign3A_1286 : i1 to i32
      %sign3A_1288 = arith.constant 0 : i32
      %sign3A_1289 = arith.cmpi slt, %jit3A_1276, %sign3A_1288 : i32
      %sign3A_1290 = arith.extui %sign3A_1289 : i1 to i32
      %sign3A_1291 = arith.subi %sign3A_1287, %sign3A_1290 : i32
      %ne3A_1292 = arith.cmpi ne, %sign3A_1284, %sign3A_1291 : i32
      %rem3A_1293 = arith.remsi %add3A_1275, %jit3A_1276 : i32
      %ne3A_1294 = arith.constant 0 : i32
      %ne3A_1295 = arith.cmpi ne, %rem3A_1293, %ne3A_1294 : i32
      %and3A_1296 = arith.andi %ne3A_1292, %ne3A_1295 : i1
      %sub3A_1297 = arith.constant 1 : i32
      %sub3A_1298 = arith.subi %div3A_1277, %sub3A_1297 : i32
      %select_n3A_1299 = arith.select %and3A_1296, %sub3A_1298, %div3A_1277 : i32
      %jit3A_1300 = arith.constant 8 : i32
      %div3A_1301 = arith.divsi %add3A_1275, %jit3A_1300 : i32
      %sign3A_1302 = arith.constant 0 : i32
      %sign3A_1303 = arith.cmpi sgt, %add3A_1275, %sign3A_1302 : i32
      %sign3A_1304 = arith.extui %sign3A_1303 : i1 to i32
      %sign3A_1305 = arith.constant 0 : i32
      %sign3A_1306 = arith.cmpi slt, %add3A_1275, %sign3A_1305 : i32
      %sign3A_1307 = arith.extui %sign3A_1306 : i1 to i32
      %sign3A_1308 = arith.subi %sign3A_1304, %sign3A_1307 : i32
      %sign3A_1309 = arith.constant 0 : i32
      %sign3A_1310 = arith.cmpi sgt, %jit3A_1300, %sign3A_1309 : i32
      %sign3A_1311 = arith.extui %sign3A_1310 : i1 to i32
      %sign3A_1312 = arith.constant 0 : i32
      %sign3A_1313 = arith.cmpi slt, %jit3A_1300, %sign3A_1312 : i32
      %sign3A_1314 = arith.extui %sign3A_1313 : i1 to i32
      %sign3A_1315 = arith.subi %sign3A_1311, %sign3A_1314 : i32
      %ne3A_1316 = arith.cmpi ne, %sign3A_1308, %sign3A_1315 : i32
      %rem3A_1317 = arith.remsi %add3A_1275, %jit3A_1300 : i32
      %ne3A_1318 = arith.constant 0 : i32
      %ne3A_1319 = arith.cmpi ne, %rem3A_1317, %ne3A_1318 : i32
      %and3A_1320 = arith.andi %ne3A_1316, %ne3A_1319 : i1
      %sub3A_1321 = arith.constant 1 : i32
      %sub3A_1322 = arith.subi %div3A_1301, %sub3A_1321 : i32
      %select_n3A_1323 = arith.select %and3A_1320, %sub3A_1322, %div3A_1301 : i32
      %jit3A_1324 = arith.constant 2 : i32
      %eq3A_1325 = arith.constant 0 : i32
      %eq3A_1326 = arith.cmpi eq, %jit3A_1324, %eq3A_1325 : i32
      %jit3A_1327 = arith.constant 1 : i32
      %select_n3A_1328 = arith.select %eq3A_1326, %jit3A_1327, %jit3A_1324 : i32
      %rem3A_1329 = arith.remsi %select_n3A_1323, %select_n3A_1328 : i32
      %ne3A_1330 = arith.constant 0 : i32
      %ne3A_1331 = arith.cmpi ne, %rem3A_1329, %ne3A_1330 : i32
      %lt3A_1332 = arith.constant 0 : i32
      %lt3A_1333 = arith.cmpi slt, %rem3A_1329, %lt3A_1332 : i32
      %lt3A_1334 = arith.constant 0 : i32
      %lt3A_1335 = arith.cmpi slt, %select_n3A_1328, %lt3A_1334 : i32
      %ne3A_1336 = arith.xori %lt3A_1333, %lt3A_1335 : i1
      %and3A_1337 = arith.andi %ne3A_1336, %ne3A_1331 : i1
      %add3A_1338 = arith.addi %rem3A_1329, %select_n3A_1328 : i32
      %select_n3A_1339 = arith.select %and3A_1337, %add3A_1338, %rem3A_1329 : i32
      %mul3A_1340 = arith.constant 8 : i32
      %mul3A_1341 = arith.muli %select_n3A_1339, %mul3A_1340 : i32
      %jit3A_1342 = arith.constant 16 : i32
      %eq3A_1343 = arith.constant 0 : i32
      %eq3A_1344 = arith.cmpi eq, %jit3A_1342, %eq3A_1343 : i32
      %jit3A_1345 = arith.constant 1 : i32
      %select_n3A_1346 = arith.select %eq3A_1344, %jit3A_1345, %jit3A_1342 : i32
      %rem3A_1347 = arith.remsi %add3A_1275, %select_n3A_1346 : i32
      %ne3A_1348 = arith.constant 0 : i32
      %ne3A_1349 = arith.cmpi ne, %rem3A_1347, %ne3A_1348 : i32
      %lt3A_1350 = arith.constant 0 : i32
      %lt3A_1351 = arith.cmpi slt, %rem3A_1347, %lt3A_1350 : i32
      %lt3A_1352 = arith.constant 0 : i32
      %lt3A_1353 = arith.cmpi slt, %select_n3A_1346, %lt3A_1352 : i32
      %ne3A_1354 = arith.xori %lt3A_1351, %lt3A_1353 : i1
      %and3A_1355 = arith.andi %ne3A_1354, %ne3A_1349 : i1
      %add3A_1356 = arith.addi %rem3A_1347, %select_n3A_1346 : i32
      %select_n3A_1357 = arith.select %and3A_1355, %add3A_1356, %rem3A_1347 : i32
      %mul3A_1358 = arith.constant 16 : i32
      %mul3A_1359 = arith.muli %select_n3A_1299, %mul3A_1358 : i32
      %get3A_1360 = arith.constant 7 : i32
      %get3A_1361 = arith.index_cast %get3A_1360 : i32 to index
      %get3A_1362 = arith.index_cast %mul3A_1359 : i32 to index
      %get3A_1363 = tpu.vector_load %arg4[%get3A_1361, %get3A_1362] {strides = array<i32>} : memref<8x4096xf32, #tpu.memory_space<vmem>>, vector<16xf32>,
      %ge3A_1364 = vector.broadcast %mul3A_1341 : i32 to vector<16xi32>
      %ge3A_1365 = arith.cmpi sge, %iota3A, %ge3A_1364 : vector<16xi32>
      %add3A_1366 = arith.constant 8 : i32
      %add3A_1367 = arith.addi %mul3A_1341, %add3A_1366 : i32
      %lt3A_1368 = vector.broadcast %add3A_1367 : i32 to vector<16xi32>
      %lt3A_1369 = arith.cmpi slt, %iota3A, %lt3A_1368 : vector<16xi32>
      %and3A_1370 = arith.andi %ge3A_1365, %lt3A_1369 : vector<16xi1>
      %ne3A_1371 = vector.broadcast %select_n3A_1357 : i32 to vector<16xi32>
      %ne3A_1372 = arith.cmpi ne, %iota3A, %ne3A_1371 : vector<16xi32>
      %and3A_1373 = arith.andi %and3A_1370, %ne3A_1372 : vector<16xi1>
      %jit3A_1374 = arith.constant -3.000000e+38 : f32
      %broadcast_in_dim3A_1375 = vector.broadcast %jit3A_1374 : f32 to vector<16xf32>
      %select_n3A_1376 = arith.select %and3A_1373, %get3A_1363, %broadcast_in_dim3A_1375 : vector<16xi1>, vector<16xf32>
      %reduce_max3A_1377 = arith.constant true
      %reduce_max3A_1378 = vector.broadcast %reduce_max3A_1377 : i1 to vector<16xi1>
      %reduce_max3A_1379 = tpu.scan <max>, %select_n3A_1376 masked %reduce_max3A_1378 : vector<16xf32>, vector<16xi1> -> vector<16xf32>
      %reduce_max3A_1380 = vector.extract %reduce_max3A_1379[15] : f32 from vector<16xf32>
      %jit3A_1381 = arith.constant 3.000000e+38 : f32
      %broadcast_in_dim3A_1382 = vector.broadcast %jit3A_1381 : f32 to vector<16xf32>
      %select_n3A_1383 = arith.select %and3A_1373, %broadcast_in_dim3A_1382, %get3A_1363 : vector<16xi1>, vector<16xf32>
      %mul3A_1384 = arith.constant 16 : i32
      %mul3A_1385 = arith.muli %select_n3A_1299, %mul3A_1384 : i32
      %swap3A_1386 = arith.constant 7 : i32
      %swap3A_1387 = arith.index_cast %swap3A_1386 : i32 to index
      %swap3A_1388 = arith.index_cast %mul3A_1385 : i32 to index
      %swap3A_1389 = tpu.vector_load %arg4[%swap3A_1387, %swap3A_1388] {strides = array<i32>} : memref<8x4096xf32, #tpu.memory_space<vmem>>, vector<16xf32>,
      tpu.vector_store %arg4[%swap3A_1387, %swap3A_1388], %select_n3A_1383 {strides = array<i32>} : memref<8x4096xf32, #tpu.memory_space<vmem>>, vector<16xf32>,
      %broadcast_in_dim3A_1390 = arith.constant 3.000000e+38 : f32
      %broadcast_in_dim3A_1391 = vector.broadcast %broadcast_in_dim3A_1390 : f32 to vector<16xf32>
      %broadcast_in_dim3A_1392 = arith.constant 3.000000e+38 : f32
      %broadcast_in_dim3A_1393 = vector.broadcast %broadcast_in_dim3A_1392 : f32 to vector<16xf32>
      %broadcast_in_dim3A_1394 = arith.constant 3.000000e+38 : f32
      %broadcast_in_dim3A_1395 = vector.broadcast %broadcast_in_dim3A_1394 : f32 to vector<16xf32>
      %broadcast_in_dim3A_1396 = arith.constant 3.000000e+38 : f32
      %broadcast_in_dim3A_1397 = vector.broadcast %broadcast_in_dim3A_1396 : f32 to vector<16xf32>
      %broadcast_in_dim3A_1398 = arith.constant 3.000000e+38 : f32
      %broadcast_in_dim3A_1399 = vector.broadcast %broadcast_in_dim3A_1398 : f32 to vector<16xf32>
      %broadcast_in_dim3A_1400 = arith.constant 3.000000e+38 : f32
      %broadcast_in_dim3A_1401 = vector.broadcast %broadcast_in_dim3A_1400 : f32 to vector<16xf32>
      %broadcast_in_dim3A_1402 = arith.constant 3.000000e+38 : f32
      %broadcast_in_dim3A_1403 = vector.broadcast %broadcast_in_dim3A_1402 : f32 to vector<16xf32>
      %broadcast_in_dim3A_1404 = arith.constant 3.000000e+38 : f32
      %broadcast_in_dim3A_1405 = vector.broadcast %broadcast_in_dim3A_1404 : f32 to vector<16xf32>
      %scan3A_1406 = arith.constant 0 : i32
      %scan3A_1407 = arith.constant 64 : i32
      %scan3A_1408 = arith.addi %scan3A_1406, %scan3A_1407 : i32
      %scan3A_1409 = arith.constant 1 : i32
      %scan3A_1410:8 = scf.for %scan3A_2895 = %scan3A_1406 to %scan3A_1408 step %scan3A_1409 iter_args(%scan3A_2896 = %broadcast_in_dim3A_1391, %scan3A_2897 = %broadcast_in_dim3A_1393, %scan3A_2898 = %broadcast_in_dim3A_1395, %scan3A_2899 = %broadcast_in_dim3A_1397, %scan3A_2900 = %broadcast_in_dim3A_1399, %scan3A_2901 = %broadcast_in_dim3A_1401, %scan3A_2902 = %broadcast_in_dim3A_1403, %scan3A_2903 = %broadcast_in_dim3A_1405) -> (vector<16xf32>, vector<16xf32>, vector<16xf32>, vector<16xf32>, vector<16xf32>, vector<16xf32>, vector<16xf32>, vector<16xf32>)  : i32 {
        %add3A_2904 = arith.constant 0 : i32
        %add3A_2905 = arith.addi %scan3A_2895, %add3A_2904 : i32
        %mul3A_2906 = arith.constant 16 : i32
        %mul3A_2907 = arith.muli %add3A_2905, %mul3A_2906 : i32
        %get3A_2908 = arith.constant 7 : i32
        %get3A_2909 = arith.index_cast %get3A_2908 : i32 to index
        %get3A_2910 = arith.index_cast %mul3A_2907 : i32 to index
        %get3A_2911 = tpu.vector_load %arg4[%get3A_2909, %get3A_2910] {strides = array<i32>} : memref<8x4096xf32, #tpu.memory_space<vmem>>, vector<16xf32>,
        %min3A_2912 = arith.minimumf %scan3A_2896, %get3A_2911 : vector<16xf32>
        %max3A_2913 = arith.maximumf %scan3A_2896, %get3A_2911 : vector<16xf32>
        %min3A_2914 = arith.minimumf %scan3A_2897, %max3A_2913 : vector<16xf32>
        %add3A_2915 = arith.constant 64 : i32
        %add3A_2916 = arith.addi %scan3A_2895, %add3A_2915 : i32
        %mul3A_2917 = arith.constant 16 : i32
        %mul3A_2918 = arith.muli %add3A_2916, %mul3A_2917 : i32
        %get3A_2919 = arith.constant 7 : i32
        %get3A_2920 = arith.index_cast %get3A_2919 : i32 to index
        %get3A_2921 = arith.index_cast %mul3A_2918 : i32 to index
        %get3A_2922 = tpu.vector_load %arg4[%get3A_2920, %get3A_2921] {strides = array<i32>} : memref<8x4096xf32, #tpu.memory_space<vmem>>, vector<16xf32>,
        %min3A_2923 = arith.minimumf %scan3A_2898, %get3A_2922 : vector<16xf32>
        %max3A_2924 = arith.maximumf %scan3A_2898, %get3A_2922 : vector<16xf32>
        %min3A_2925 = arith.minimumf %scan3A_2899, %max3A_2924 : vector<16xf32>
        %add3A_2926 = arith.constant 128 : i32
        %add3A_2927 = arith.addi %scan3A_2895, %add3A_2926 : i32
        %mul3A_2928 = arith.constant 16 : i32
        %mul3A_2929 = arith.muli %add3A_2927, %mul3A_2928 : i32
        %get3A_2930 = arith.constant 7 : i32
        %get3A_2931 = arith.index_cast %get3A_2930 : i32 to index
        %get3A_2932 = arith.index_cast %mul3A_2929 : i32 to index
        %get3A_2933 = tpu.vector_load %arg4[%get3A_2931, %get3A_2932] {strides = array<i32>} : memref<8x4096xf32, #tpu.memory_space<vmem>>, vector<16xf32>,
        %min3A_2934 = arith.minimumf %scan3A_2900, %get3A_2933 : vector<16xf32>
        %max3A_2935 = arith.maximumf %scan3A_2900, %get3A_2933 : vector<16xf32>
        %min3A_2936 = arith.minimumf %scan3A_2901, %max3A_2935 : vector<16xf32>
        %add3A_2937 = arith.constant 192 : i32
        %add3A_2938 = arith.addi %scan3A_2895, %add3A_2937 : i32
        %mul3A_2939 = arith.constant 16 : i32
        %mul3A_2940 = arith.muli %add3A_2938, %mul3A_2939 : i32
        %get3A_2941 = arith.constant 7 : i32
        %get3A_2942 = arith.index_cast %get3A_2941 : i32 to index
        %get3A_2943 = arith.index_cast %mul3A_2940 : i32 to index
        %get3A_2944 = tpu.vector_load %arg4[%get3A_2942, %get3A_2943] {strides = array<i32>} : memref<8x4096xf32, #tpu.memory_space<vmem>>, vector<16xf32>,
        %min3A_2945 = arith.minimumf %scan3A_2902, %get3A_2944 : vector<16xf32>
        %max3A_2946 = arith.maximumf %scan3A_2902, %get3A_2944 : vector<16xf32>
        %min3A_2947 = arith.minimumf %scan3A_2903, %max3A_2946 : vector<16xf32>
        scf.yield %min3A_2912, %min3A_2914, %min3A_2923, %min3A_2925, %min3A_2934, %min3A_2936, %min3A_2945, %min3A_2947 : vector<16xf32>, vector<16xf32>, vector<16xf32>, vector<16xf32>, vector<16xf32>, vector<16xf32>, vector<16xf32>, vector<16xf32>
      }
      %scan3A_1411 = arith.constant 64 : i32
      %max3A_1412 = arith.maximumf %scan3A_1410#0, %scan3A_1410#2 : vector<16xf32>
      %min3A_1413 = arith.minimumf %scan3A_1410#1, %scan3A_1410#3 : vector<16xf32>
      %min3A_1414 = arith.minimumf %max3A_1412, %min3A_1413 : vector<16xf32>
      %min3A_1415 = arith.minimumf %scan3A_1410#0, %scan3A_1410#2 : vector<16xf32>
      %max3A_1416 = arith.maximumf %min3A_1415, %scan3A_1410#4 : vector<16xf32>
      %min3A_1417 = arith.minimumf %min3A_1414, %scan3A_1410#5 : vector<16xf32>
      %min3A_1418 = arith.minimumf %max3A_1416, %min3A_1417 : vector<16xf32>
      %min3A_1419 = arith.minimumf %min3A_1415, %scan3A_1410#4 : vector<16xf32>
      %max3A_1420 = arith.maximumf %min3A_1419, %scan3A_1410#6 : vector<16xf32>
      %min3A_1421 = arith.minimumf %min3A_1418, %scan3A_1410#7 : vector<16xf32>
      %min3A_1422 = arith.minimumf %max3A_1420, %min3A_1421 : vector<16xf32>
      %min3A_1423 = arith.minimumf %min3A_1419, %scan3A_1410#6 : vector<16xf32>
      %reduce_min3A_1424 = arith.constant true
      %reduce_min3A_1425 = vector.broadcast %reduce_min3A_1424 : i1 to vector<16xi1>
      %reduce_min3A_1426 = tpu.scan <min>, %min3A_1423 masked %reduce_min3A_1425 : vector<16xf32>, vector<16xi1> -> vector<16xf32>
      %reduce_min3A_1427 = vector.extract %reduce_min3A_1426[15] : f32 from vector<16xf32>
      %eq3A_1428 = vector.broadcast %reduce_min3A_1427 : f32 to vector<16xf32>
      %eq3A_1429 = arith.cmpf oeq, %min3A_1423, %eq3A_1428 : vector<16xf32>
      %all_reduce_ffs3A_1430 = tpu.all_reduce %eq3A_1429 {dim = 0 : i64, kind = #tpu.reduction_kind<find_first_set>} : vector<16xi1> -> vector<16xi32>
      %eq3A_1431 = arith.cmpi eq, %iota3A, %all_reduce_ffs3A_1430 : vector<16xi32>
      %jit3A_1432 = arith.constant 3.000000e+38 : f32
      %broadcast_in_dim3A_1433 = vector.broadcast %jit3A_1432 : f32 to vector<16xf32>
      %select_n3A_1434 = arith.select %eq3A_1431, %broadcast_in_dim3A_1433, %min3A_1423 : vector<16xi1>, vector<16xf32>
      %reduce_min3A_1435 = arith.constant true
      %reduce_min3A_1436 = vector.broadcast %reduce_min3A_1435 : i1 to vector<16xi1>
      %reduce_min3A_1437 = tpu.scan <min>, %select_n3A_1434 masked %reduce_min3A_1436 : vector<16xf32>, vector<16xi1> -> vector<16xf32>
      %reduce_min3A_1438 = vector.extract %reduce_min3A_1437[15] : f32 from vector<16xf32>
      %reduce_min3A_1439 = arith.constant true
      %reduce_min3A_1440 = vector.broadcast %reduce_min3A_1439 : i1 to vector<16xi1>
      %reduce_min3A_1441 = tpu.scan <min>, %min3A_1422 masked %reduce_min3A_1440 : vector<16xf32>, vector<16xi1> -> vector<16xf32>
      %reduce_min3A_1442 = vector.extract %reduce_min3A_1441[15] : f32 from vector<16xf32>
      %min3A_1443 = arith.minimumf %reduce_min3A_1438, %reduce_min3A_1442 : f32
      %max3A_1444 = arith.constant 0.000000e+00 : f32
      %max3A_1445 = arith.maximumf %reduce_max3A_1380, %max3A_1444 : f32
      %sub3A_1446 = arith.subf %max3A_1445, %min3A_1443 : f32
      %add3A_1447 = arith.constant 3.000000e-01 : f32
      %add3A_1448 = arith.addf %sub3A_1446, %add3A_1447 : f32
      %max3A_1449 = arith.constant 0.000000e+00 : f32
      %max3A_1450 = arith.maximumf %add3A_1448, %max3A_1449 : f32
      %add3A_1451 = arith.addf %add3A_1273, %max3A_1450 : f32
      %add3A_1452 = arith.constant 1 : i32
      %add3A_1453 = arith.addi %mul3A_23, %add3A_1452 : i32
      %mul3A_1454 = arith.constant 8 : i32
      %mul3A_1455 = arith.muli %add3A_1453, %mul3A_1454 : i32
      %add3A_1456 = arith.addi %add3A_4, %mul3A_1455 : i32
      %dma_wait3A_1457 = arith.constant 0 : i32
      %dma_wait3A_1458 = tpu.memref_slice %arg2[%add3A_1456, %dma_wait3A_1457] : memref<4096x4096xf32, #tpu.memory_space<hbm>> -> memref<8x4096xf32, #tpu.memory_space<hbm>>
      %dma_wait3A_1459 = arith.constant 0 : i32
      %dma_wait3A_1460 = tpu.memref_slice %arg2[%add3A_1456, %dma_wait3A_1459] : memref<4096x4096xf32, #tpu.memory_space<hbm>> -> memref<8x4096xf32, #tpu.memory_space<hbm>>
      tpu.wait_dma2 semaphore(%arg8 : memref<!tpu.dma_semaphore, #tpu.memory_space<semaphore_mem>>) src(%dma_wait3A_1460 : memref<8x4096xf32, #tpu.memory_space<hbm>>) dst(%arg5 : memref<8x4096xf32, #tpu.memory_space<vmem>>)
      %add3A_1461 = arith.constant 2 : i32
      %add3A_1462 = arith.addi %mul3A_23, %add3A_1461 : i32
      %lt3A_1463 = arith.constant 8 : i32
      %lt3A_1464 = arith.cmpi slt, %add3A_1462, %lt3A_1463 : i32
      %convert_element_type3A = arith.extui %lt3A_1464 : i1 to i32
      %cond3A = arith.constant 0 : i32
      %cond3A_1465 = arith.cmpi ne, %convert_element_type3A, %cond3A : i32
      scf.if %cond3A_1465 {
        %add3A_2895 = arith.constant 2 : i32
        %add3A_2896 = arith.addi %mul3A_23, %add3A_2895 : i32
        %mul3A_2897 = arith.constant 8 : i32
        %mul3A_2898 = arith.muli %add3A_2896, %mul3A_2897 : i32
        %add3A_2899 = arith.addi %add3A_4, %mul3A_2898 : i32
        %dma_start3A_2900 = arith.constant 0 : i32
        %dma_start3A_2901 = tpu.memref_slice %arg2[%add3A_2899, %dma_start3A_2900] : memref<4096x4096xf32, #tpu.memory_space<hbm>> -> memref<8x4096xf32, #tpu.memory_space<hbm>>
        %dma_start3A_2902 = arith.constant 0 : i32
        %dma_start3A_2903 = tpu.memref_slice %arg2[%add3A_2899, %dma_start3A_2902] : memref<4096x4096xf32, #tpu.memory_space<hbm>> -> memref<8x4096xf32, #tpu.memory_space<hbm>>
        tpu.enqueue_dma source(%dma_start3A_2903 : memref<8x4096xf32, #tpu.memory_space<hbm>>) target(%arg4 : memref<8x4096xf32, #tpu.memory_space<vmem>>) target_semaphore(%arg7 : memref<!tpu.dma_semaphore, #tpu.memory_space<semaphore_mem>>)
      } else {
      }
      %add3A_1466 = arith.constant 1 : i32
      %add3A_1467 = arith.addi %mul3A_23, %add3A_1466 : i32
      %mul3A_1468 = arith.constant 8 : i32
      %mul3A_1469 = arith.muli %add3A_1467, %mul3A_1468 : i32
      %add3A_1470 = arith.addi %add3A_4, %mul3A_1469 : i32
      %add3A_1471 = arith.constant 0 : i32
      %add3A_1472 = arith.addi %add3A_1470, %add3A_1471 : i32
      %jit3A_1473 = arith.constant 16 : i32
      %div3A_1474 = arith.divsi %add3A_1472, %jit3A_1473 : i32
      %sign3A_1475 = arith.constant 0 : i32
      %sign3A_1476 = arith.cmpi sgt, %add3A_1472, %sign3A_1475 : i32
      %sign3A_1477 = arith.extui %sign3A_1476 : i1 to i32
      %sign3A_1478 = arith.constant 0 : i32
      %sign3A_1479 = arith.cmpi slt, %add3A_1472, %sign3A_1478 : i32
      %sign3A_1480 = arith.extui %sign3A_1479 : i1 to i32
      %sign3A_1481 = arith.subi %sign3A_1477, %sign3A_1480 : i32
      %sign3A_1482 = arith.constant 0 : i32
      %sign3A_1483 = arith.cmpi sgt, %jit3A_1473, %sign3A_1482 : i32
      %sign3A_1484 = arith.extui %sign3A_1483 : i1 to i32
      %sign3A_1485 = arith.constant 0 : i32
      %sign3A_1486 = arith.cmpi slt, %jit3A_1473, %sign3A_1485 : i32
      %sign3A_1487 = arith.extui %sign3A_1486 : i1 to i32
      %sign3A_1488 = arith.subi %sign3A_1484, %sign3A_1487 : i32
      %ne3A_1489 = arith.cmpi ne, %sign3A_1481, %sign3A_1488 : i32
      %rem3A_1490 = arith.remsi %add3A_1472, %jit3A_1473 : i32
      %ne3A_1491 = arith.constant 0 : i32
      %ne3A_1492 = arith.cmpi ne, %rem3A_1490, %ne3A_1491 : i32
      %and3A_1493 = arith.andi %ne3A_1489, %ne3A_1492 : i1
      %sub3A_1494 = arith.constant 1 : i32
      %sub3A_1495 = arith.subi %div3A_1474, %sub3A_1494 : i32
      %select_n3A_1496 = arith.select %and3A_1493, %sub3A_1495, %div3A_1474 : i32
      %jit3A_1497 = arith.constant 8 : i32
      %div3A_1498 = arith.divsi %add3A_1472, %jit3A_1497 : i32
      %sign3A_1499 = arith.constant 0 : i32
      %sign3A_1500 = arith.cmpi sgt, %add3A_1472, %sign3A_1499 : i32
      %sign3A_1501 = arith.extui %sign3A_1500 : i1 to i32
      %sign3A_1502 = arith.constant 0 : i32
      %sign3A_1503 = arith.cmpi slt, %add3A_1472, %sign3A_1502 : i32
      %sign3A_1504 = arith.extui %sign3A_1503 : i1 to i32
      %sign3A_1505 = arith.subi %sign3A_1501, %sign3A_1504 : i32
      %sign3A_1506 = arith.constant 0 : i32
      %sign3A_1507 = arith.cmpi sgt, %jit3A_1497, %sign3A_1506 : i32
      %sign3A_1508 = arith.extui %sign3A_1507 : i1 to i32
      %sign3A_1509 = arith.constant 0 : i32
      %sign3A_1510 = arith.cmpi slt, %jit3A_1497, %sign3A_1509 : i32
      %sign3A_1511 = arith.extui %sign3A_1510 : i1 to i32
      %sign3A_1512 = arith.subi %sign3A_1508, %sign3A_1511 : i32
      %ne3A_1513 = arith.cmpi ne, %sign3A_1505, %sign3A_1512 : i32
      %rem3A_1514 = arith.remsi %add3A_1472, %jit3A_1497 : i32
      %ne3A_1515 = arith.constant 0 : i32
      %ne3A_1516 = arith.cmpi ne, %rem3A_1514, %ne3A_1515 : i32
      %and3A_1517 = arith.andi %ne3A_1513, %ne3A_1516 : i1
      %sub3A_1518 = arith.constant 1 : i32
      %sub3A_1519 = arith.subi %div3A_1498, %sub3A_1518 : i32
      %select_n3A_1520 = arith.select %and3A_1517, %sub3A_1519, %div3A_1498 : i32
      %jit3A_1521 = arith.constant 2 : i32
      %eq3A_1522 = arith.constant 0 : i32
      %eq3A_1523 = arith.cmpi eq, %jit3A_1521, %eq3A_1522 : i32
      %jit3A_1524 = arith.constant 1 : i32
      %select_n3A_1525 = arith.select %eq3A_1523, %jit3A_1524, %jit3A_1521 : i32
      %rem3A_1526 = arith.remsi %select_n3A_1520, %select_n3A_1525 : i32
      %ne3A_1527 = arith.constant 0 : i32
      %ne3A_1528 = arith.cmpi ne, %rem3A_1526, %ne3A_1527 : i32
      %lt3A_1529 = arith.constant 0 : i32
      %lt3A_1530 = arith.cmpi slt, %rem3A_1526, %lt3A_1529 : i32
      %lt3A_1531 = arith.constant 0 : i32
      %lt3A_1532 = arith.cmpi slt, %select_n3A_1525, %lt3A_1531 : i32
      %ne3A_1533 = arith.xori %lt3A_1530, %lt3A_1532 : i1
      %and3A_1534 = arith.andi %ne3A_1533, %ne3A_1528 : i1
      %add3A_1535 = arith.addi %rem3A_1526, %select_n3A_1525 : i32
      %select_n3A_1536 = arith.select %and3A_1534, %add3A_1535, %rem3A_1526 : i32
      %mul3A_1537 = arith.constant 8 : i32
      %mul3A_1538 = arith.muli %select_n3A_1536, %mul3A_1537 : i32
      %jit3A_1539 = arith.constant 16 : i32
      %eq3A_1540 = arith.constant 0 : i32
      %eq3A_1541 = arith.cmpi eq, %jit3A_1539, %eq3A_1540 : i32
      %jit3A_1542 = arith.constant 1 : i32
      %select_n3A_1543 = arith.select %eq3A_1541, %jit3A_1542, %jit3A_1539 : i32
      %rem3A_1544 = arith.remsi %add3A_1472, %select_n3A_1543 : i32
      %ne3A_1545 = arith.constant 0 : i32
      %ne3A_1546 = arith.cmpi ne, %rem3A_1544, %ne3A_1545 : i32
      %lt3A_1547 = arith.constant 0 : i32
      %lt3A_1548 = arith.cmpi slt, %rem3A_1544, %lt3A_1547 : i32
      %lt3A_1549 = arith.constant 0 : i32
      %lt3A_1550 = arith.cmpi slt, %select_n3A_1543, %lt3A_1549 : i32
      %ne3A_1551 = arith.xori %lt3A_1548, %lt3A_1550 : i1
      %and3A_1552 = arith.andi %ne3A_1551, %ne3A_1546 : i1
      %add3A_1553 = arith.addi %rem3A_1544, %select_n3A_1543 : i32
      %select_n3A_1554 = arith.select %and3A_1552, %add3A_1553, %rem3A_1544 : i32
      %mul3A_1555 = arith.constant 16 : i32
      %mul3A_1556 = arith.muli %select_n3A_1496, %mul3A_1555 : i32
      %get3A_1557 = arith.constant 0 : i32
      %get3A_1558 = arith.index_cast %get3A_1557 : i32 to index
      %get3A_1559 = arith.index_cast %mul3A_1556 : i32 to index
      %get3A_1560 = tpu.vector_load %arg5[%get3A_1558, %get3A_1559] {strides = array<i32>} : memref<8x4096xf32, #tpu.memory_space<vmem>>, vector<16xf32>,
      %ge3A_1561 = vector.broadcast %mul3A_1538 : i32 to vector<16xi32>
      %ge3A_1562 = arith.cmpi sge, %iota3A, %ge3A_1561 : vector<16xi32>
      %add3A_1563 = arith.constant 8 : i32
      %add3A_1564 = arith.addi %mul3A_1538, %add3A_1563 : i32
      %lt3A_1565 = vector.broadcast %add3A_1564 : i32 to vector<16xi32>
      %lt3A_1566 = arith.cmpi slt, %iota3A, %lt3A_1565 : vector<16xi32>
      %and3A_1567 = arith.andi %ge3A_1562, %lt3A_1566 : vector<16xi1>
      %ne3A_1568 = vector.broadcast %select_n3A_1554 : i32 to vector<16xi32>
      %ne3A_1569 = arith.cmpi ne, %iota3A, %ne3A_1568 : vector<16xi32>
      %and3A_1570 = arith.andi %and3A_1567, %ne3A_1569 : vector<16xi1>
      %jit3A_1571 = arith.constant -3.000000e+38 : f32
      %broadcast_in_dim3A_1572 = vector.broadcast %jit3A_1571 : f32 to vector<16xf32>
      %select_n3A_1573 = arith.select %and3A_1570, %get3A_1560, %broadcast_in_dim3A_1572 : vector<16xi1>, vector<16xf32>
      %reduce_max3A_1574 = arith.constant true
      %reduce_max3A_1575 = vector.broadcast %reduce_max3A_1574 : i1 to vector<16xi1>
      %reduce_max3A_1576 = tpu.scan <max>, %select_n3A_1573 masked %reduce_max3A_1575 : vector<16xf32>, vector<16xi1> -> vector<16xf32>
      %reduce_max3A_1577 = vector.extract %reduce_max3A_1576[15] : f32 from vector<16xf32>
      %jit3A_1578 = arith.constant 3.000000e+38 : f32
      %broadcast_in_dim3A_1579 = vector.broadcast %jit3A_1578 : f32 to vector<16xf32>
      %select_n3A_1580 = arith.select %and3A_1570, %broadcast_in_dim3A_1579, %get3A_1560 : vector<16xi1>, vector<16xf32>
      %mul3A_1581 = arith.constant 16 : i32
      %mul3A_1582 = arith.muli %select_n3A_1496, %mul3A_1581 : i32
      %swap3A_1583 = arith.constant 0 : i32
      %swap3A_1584 = arith.index_cast %swap3A_1583 : i32 to index
      %swap3A_1585 = arith.index_cast %mul3A_1582 : i32 to index
      %swap3A_1586 = tpu.vector_load %arg5[%swap3A_1584, %swap3A_1585] {strides = array<i32>} : memref<8x4096xf32, #tpu.memory_space<vmem>>, vector<16xf32>,
      tpu.vector_store %arg5[%swap3A_1584, %swap3A_1585], %select_n3A_1580 {strides = array<i32>} : memref<8x4096xf32, #tpu.memory_space<vmem>>, vector<16xf32>,
      %broadcast_in_dim3A_1587 = arith.constant 3.000000e+38 : f32
      %broadcast_in_dim3A_1588 = vector.broadcast %broadcast_in_dim3A_1587 : f32 to vector<16xf32>
      %broadcast_in_dim3A_1589 = arith.constant 3.000000e+38 : f32
      %broadcast_in_dim3A_1590 = vector.broadcast %broadcast_in_dim3A_1589 : f32 to vector<16xf32>
      %broadcast_in_dim3A_1591 = arith.constant 3.000000e+38 : f32
      %broadcast_in_dim3A_1592 = vector.broadcast %broadcast_in_dim3A_1591 : f32 to vector<16xf32>
      %broadcast_in_dim3A_1593 = arith.constant 3.000000e+38 : f32
      %broadcast_in_dim3A_1594 = vector.broadcast %broadcast_in_dim3A_1593 : f32 to vector<16xf32>
      %broadcast_in_dim3A_1595 = arith.constant 3.000000e+38 : f32
      %broadcast_in_dim3A_1596 = vector.broadcast %broadcast_in_dim3A_1595 : f32 to vector<16xf32>
      %broadcast_in_dim3A_1597 = arith.constant 3.000000e+38 : f32
      %broadcast_in_dim3A_1598 = vector.broadcast %broadcast_in_dim3A_1597 : f32 to vector<16xf32>
      %broadcast_in_dim3A_1599 = arith.constant 3.000000e+38 : f32
      %broadcast_in_dim3A_1600 = vector.broadcast %broadcast_in_dim3A_1599 : f32 to vector<16xf32>
      %broadcast_in_dim3A_1601 = arith.constant 3.000000e+38 : f32
      %broadcast_in_dim3A_1602 = vector.broadcast %broadcast_in_dim3A_1601 : f32 to vector<16xf32>
      %scan3A_1603 = arith.constant 0 : i32
      %scan3A_1604 = arith.constant 64 : i32
      %scan3A_1605 = arith.addi %scan3A_1603, %scan3A_1604 : i32
      %scan3A_1606 = arith.constant 1 : i32
      %scan3A_1607:8 = scf.for %scan3A_2895 = %scan3A_1603 to %scan3A_1605 step %scan3A_1606 iter_args(%scan3A_2896 = %broadcast_in_dim3A_1588, %scan3A_2897 = %broadcast_in_dim3A_1590, %scan3A_2898 = %broadcast_in_dim3A_1592, %scan3A_2899 = %broadcast_in_dim3A_1594, %scan3A_2900 = %broadcast_in_dim3A_1596, %scan3A_2901 = %broadcast_in_dim3A_1598, %scan3A_2902 = %broadcast_in_dim3A_1600, %scan3A_2903 = %broadcast_in_dim3A_1602) -> (vector<16xf32>, vector<16xf32>, vector<16xf32>, vector<16xf32>, vector<16xf32>, vector<16xf32>, vector<16xf32>, vector<16xf32>)  : i32 {
        %add3A_2904 = arith.constant 0 : i32
        %add3A_2905 = arith.addi %scan3A_2895, %add3A_2904 : i32
        %mul3A_2906 = arith.constant 16 : i32
        %mul3A_2907 = arith.muli %add3A_2905, %mul3A_2906 : i32
        %get3A_2908 = arith.constant 0 : i32
        %get3A_2909 = arith.index_cast %get3A_2908 : i32 to index
        %get3A_2910 = arith.index_cast %mul3A_2907 : i32 to index
        %get3A_2911 = tpu.vector_load %arg5[%get3A_2909, %get3A_2910] {strides = array<i32>} : memref<8x4096xf32, #tpu.memory_space<vmem>>, vector<16xf32>,
        %min3A_2912 = arith.minimumf %scan3A_2896, %get3A_2911 : vector<16xf32>
        %max3A_2913 = arith.maximumf %scan3A_2896, %get3A_2911 : vector<16xf32>
        %min3A_2914 = arith.minimumf %scan3A_2897, %max3A_2913 : vector<16xf32>
        %add3A_2915 = arith.constant 64 : i32
        %add3A_2916 = arith.addi %scan3A_2895, %add3A_2915 : i32
        %mul3A_2917 = arith.constant 16 : i32
        %mul3A_2918 = arith.muli %add3A_2916, %mul3A_2917 : i32
        %get3A_2919 = arith.constant 0 : i32
        %get3A_2920 = arith.index_cast %get3A_2919 : i32 to index
        %get3A_2921 = arith.index_cast %mul3A_2918 : i32 to index
        %get3A_2922 = tpu.vector_load %arg5[%get3A_2920, %get3A_2921] {strides = array<i32>} : memref<8x4096xf32, #tpu.memory_space<vmem>>, vector<16xf32>,
        %min3A_2923 = arith.minimumf %scan3A_2898, %get3A_2922 : vector<16xf32>
        %max3A_2924 = arith.maximumf %scan3A_2898, %get3A_2922 : vector<16xf32>
        %min3A_2925 = arith.minimumf %scan3A_2899, %max3A_2924 : vector<16xf32>
        %add3A_2926 = arith.constant 128 : i32
        %add3A_2927 = arith.addi %scan3A_2895, %add3A_2926 : i32
        %mul3A_2928 = arith.constant 16 : i32
        %mul3A_2929 = arith.muli %add3A_2927, %mul3A_2928 : i32
        %get3A_2930 = arith.constant 0 : i32
        %get3A_2931 = arith.index_cast %get3A_2930 : i32 to index
        %get3A_2932 = arith.index_cast %mul3A_2929 : i32 to index
        %get3A_2933 = tpu.vector_load %arg5[%get3A_2931, %get3A_2932] {strides = array<i32>} : memref<8x4096xf32, #tpu.memory_space<vmem>>, vector<16xf32>,
        %min3A_2934 = arith.minimumf %scan3A_2900, %get3A_2933 : vector<16xf32>
        %max3A_2935 = arith.maximumf %scan3A_2900, %get3A_2933 : vector<16xf32>
        %min3A_2936 = arith.minimumf %scan3A_2901, %max3A_2935 : vector<16xf32>
        %add3A_2937 = arith.constant 192 : i32
        %add3A_2938 = arith.addi %scan3A_2895, %add3A_2937 : i32
        %mul3A_2939 = arith.constant 16 : i32
        %mul3A_2940 = arith.muli %add3A_2938, %mul3A_2939 : i32
        %get3A_2941 = arith.constant 0 : i32
        %get3A_2942 = arith.index_cast %get3A_2941 : i32 to index
        %get3A_2943 = arith.index_cast %mul3A_2940 : i32 to index
        %get3A_2944 = tpu.vector_load %arg5[%get3A_2942, %get3A_2943] {strides = array<i32>} : memref<8x4096xf32, #tpu.memory_space<vmem>>, vector<16xf32>,
        %min3A_2945 = arith.minimumf %scan3A_2902, %get3A_2944 : vector<16xf32>
        %max3A_2946 = arith.maximumf %scan3A_2902, %get3A_2944 : vector<16xf32>
        %min3A_2947 = arith.minimumf %scan3A_2903, %max3A_2946 : vector<16xf32>
        scf.yield %min3A_2912, %min3A_2914, %min3A_2923, %min3A_2925, %min3A_2934, %min3A_2936, %min3A_2945, %min3A_2947 : vector<16xf32>, vector<16xf32>, vector<16xf32>, vector<16xf32>, vector<16xf32>, vector<16xf32>, vector<16xf32>, vector<16xf32>
      }
      %scan3A_1608 = arith.constant 64 : i32
      %max3A_1609 = arith.maximumf %scan3A_1607#0, %scan3A_1607#2 : vector<16xf32>
      %min3A_1610 = arith.minimumf %scan3A_1607#1, %scan3A_1607#3 : vector<16xf32>
      %min3A_1611 = arith.minimumf %max3A_1609, %min3A_1610 : vector<16xf32>
      %min3A_1612 = arith.minimumf %scan3A_1607#0, %scan3A_1607#2 : vector<16xf32>
      %max3A_1613 = arith.maximumf %min3A_1612, %scan3A_1607#4 : vector<16xf32>
      %min3A_1614 = arith.minimumf %min3A_1611, %scan3A_1607#5 : vector<16xf32>
      %min3A_1615 = arith.minimumf %max3A_1613, %min3A_1614 : vector<16xf32>
      %min3A_1616 = arith.minimumf %min3A_1612, %scan3A_1607#4 : vector<16xf32>
      %max3A_1617 = arith.maximumf %min3A_1616, %scan3A_1607#6 : vector<16xf32>
      %min3A_1618 = arith.minimumf %min3A_1615, %scan3A_1607#7 : vector<16xf32>
      %min3A_1619 = arith.minimumf %max3A_1617, %min3A_1618 : vector<16xf32>
      %min3A_1620 = arith.minimumf %min3A_1616, %scan3A_1607#6 : vector<16xf32>
      %reduce_min3A_1621 = arith.constant true
      %reduce_min3A_1622 = vector.broadcast %reduce_min3A_1621 : i1 to vector<16xi1>
      %reduce_min3A_1623 = tpu.scan <min>, %min3A_1620 masked %reduce_min3A_1622 : vector<16xf32>, vector<16xi1> -> vector<16xf32>
      %reduce_min3A_1624 = vector.extract %reduce_min3A_1623[15] : f32 from vector<16xf32>
      %eq3A_1625 = vector.broadcast %reduce_min3A_1624 : f32 to vector<16xf32>
      %eq3A_1626 = arith.cmpf oeq, %min3A_1620, %eq3A_1625 : vector<16xf32>
      %all_reduce_ffs3A_1627 = tpu.all_reduce %eq3A_1626 {dim = 0 : i64, kind = #tpu.reduction_kind<find_first_set>} : vector<16xi1> -> vector<16xi32>
      %eq3A_1628 = arith.cmpi eq, %iota3A, %all_reduce_ffs3A_1627 : vector<16xi32>
      %jit3A_1629 = arith.constant 3.000000e+38 : f32
      %broadcast_in_dim3A_1630 = vector.broadcast %jit3A_1629 : f32 to vector<16xf32>
      %select_n3A_1631 = arith.select %eq3A_1628, %broadcast_in_dim3A_1630, %min3A_1620 : vector<16xi1>, vector<16xf32>
      %reduce_min3A_1632 = arith.constant true
      %reduce_min3A_1633 = vector.broadcast %reduce_min3A_1632 : i1 to vector<16xi1>
      %reduce_min3A_1634 = tpu.scan <min>, %select_n3A_1631 masked %reduce_min3A_1633 : vector<16xf32>, vector<16xi1> -> vector<16xf32>
      %reduce_min3A_1635 = vector.extract %reduce_min3A_1634[15] : f32 from vector<16xf32>
      %reduce_min3A_1636 = arith.constant true
      %reduce_min3A_1637 = vector.broadcast %reduce_min3A_1636 : i1 to vector<16xi1>
      %reduce_min3A_1638 = tpu.scan <min>, %min3A_1619 masked %reduce_min3A_1637 : vector<16xf32>, vector<16xi1> -> vector<16xf32>
      %reduce_min3A_1639 = vector.extract %reduce_min3A_1638[15] : f32 from vector<16xf32>
      %min3A_1640 = arith.minimumf %reduce_min3A_1635, %reduce_min3A_1639 : f32
      %max3A_1641 = arith.constant 0.000000e+00 : f32
      %max3A_1642 = arith.maximumf %reduce_max3A_1577, %max3A_1641 : f32
      %sub3A_1643 = arith.subf %max3A_1642, %min3A_1640 : f32
      %add3A_1644 = arith.constant 3.000000e-01 : f32
      %add3A_1645 = arith.addf %sub3A_1643, %add3A_1644 : f32
      %max3A_1646 = arith.constant 0.000000e+00 : f32
      %max3A_1647 = arith.maximumf %add3A_1645, %max3A_1646 : f32
      %add3A_1648 = arith.addf %add3A_1451, %max3A_1647 : f32
      %add3A_1649 = arith.constant 1 : i32
      %add3A_1650 = arith.addi %add3A_1470, %add3A_1649 : i32
      %jit3A_1651 = arith.constant 16 : i32
      %div3A_1652 = arith.divsi %add3A_1650, %jit3A_1651 : i32
      %sign3A_1653 = arith.constant 0 : i32
      %sign3A_1654 = arith.cmpi sgt, %add3A_1650, %sign3A_1653 : i32
      %sign3A_1655 = arith.extui %sign3A_1654 : i1 to i32
      %sign3A_1656 = arith.constant 0 : i32
      %sign3A_1657 = arith.cmpi slt, %add3A_1650, %sign3A_1656 : i32
      %sign3A_1658 = arith.extui %sign3A_1657 : i1 to i32
      %sign3A_1659 = arith.subi %sign3A_1655, %sign3A_1658 : i32
      %sign3A_1660 = arith.constant 0 : i32
      %sign3A_1661 = arith.cmpi sgt, %jit3A_1651, %sign3A_1660 : i32
      %sign3A_1662 = arith.extui %sign3A_1661 : i1 to i32
      %sign3A_1663 = arith.constant 0 : i32
      %sign3A_1664 = arith.cmpi slt, %jit3A_1651, %sign3A_1663 : i32
      %sign3A_1665 = arith.extui %sign3A_1664 : i1 to i32
      %sign3A_1666 = arith.subi %sign3A_1662, %sign3A_1665 : i32
      %ne3A_1667 = arith.cmpi ne, %sign3A_1659, %sign3A_1666 : i32
      %rem3A_1668 = arith.remsi %add3A_1650, %jit3A_1651 : i32
      %ne3A_1669 = arith.constant 0 : i32
      %ne3A_1670 = arith.cmpi ne, %rem3A_1668, %ne3A_1669 : i32
      %and3A_1671 = arith.andi %ne3A_1667, %ne3A_1670 : i1
      %sub3A_1672 = arith.constant 1 : i32
      %sub3A_1673 = arith.subi %div3A_1652, %sub3A_1672 : i32
      %select_n3A_1674 = arith.select %and3A_1671, %sub3A_1673, %div3A_1652 : i32
      %jit3A_1675 = arith.constant 8 : i32
      %div3A_1676 = arith.divsi %add3A_1650, %jit3A_1675 : i32
      %sign3A_1677 = arith.constant 0 : i32
      %sign3A_1678 = arith.cmpi sgt, %add3A_1650, %sign3A_1677 : i32
      %sign3A_1679 = arith.extui %sign3A_1678 : i1 to i32
      %sign3A_1680 = arith.constant 0 : i32
      %sign3A_1681 = arith.cmpi slt, %add3A_1650, %sign3A_1680 : i32
      %sign3A_1682 = arith.extui %sign3A_1681 : i1 to i32
      %sign3A_1683 = arith.subi %sign3A_1679, %sign3A_1682 : i32
      %sign3A_1684 = arith.constant 0 : i32
      %sign3A_1685 = arith.cmpi sgt, %jit3A_1675, %sign3A_1684 : i32
      %sign3A_1686 = arith.extui %sign3A_1685 : i1 to i32
      %sign3A_1687 = arith.constant 0 : i32
      %sign3A_1688 = arith.cmpi slt, %jit3A_1675, %sign3A_1687 : i32
      %sign3A_1689 = arith.extui %sign3A_1688 : i1 to i32
      %sign3A_1690 = arith.subi %sign3A_1686, %sign3A_1689 : i32
      %ne3A_1691 = arith.cmpi ne, %sign3A_1683, %sign3A_1690 : i32
      %rem3A_1692 = arith.remsi %add3A_1650, %jit3A_1675 : i32
      %ne3A_1693 = arith.constant 0 : i32
      %ne3A_1694 = arith.cmpi ne, %rem3A_1692, %ne3A_1693 : i32
      %and3A_1695 = arith.andi %ne3A_1691, %ne3A_1694 : i1
      %sub3A_1696 = arith.constant 1 : i32
      %sub3A_1697 = arith.subi %div3A_1676, %sub3A_1696 : i32
      %select_n3A_1698 = arith.select %and3A_1695, %sub3A_1697, %div3A_1676 : i32
      %jit3A_1699 = arith.constant 2 : i32
      %eq3A_1700 = arith.constant 0 : i32
      %eq3A_1701 = arith.cmpi eq, %jit3A_1699, %eq3A_1700 : i32
      %jit3A_1702 = arith.constant 1 : i32
      %select_n3A_1703 = arith.select %eq3A_1701, %jit3A_1702, %jit3A_1699 : i32
      %rem3A_1704 = arith.remsi %select_n3A_1698, %select_n3A_1703 : i32
      %ne3A_1705 = arith.constant 0 : i32
      %ne3A_1706 = arith.cmpi ne, %rem3A_1704, %ne3A_1705 : i32
      %lt3A_1707 = arith.constant 0 : i32
      %lt3A_1708 = arith.cmpi slt, %rem3A_1704, %lt3A_1707 : i32
      %lt3A_1709 = arith.constant 0 : i32
      %lt3A_1710 = arith.cmpi slt, %select_n3A_1703, %lt3A_1709 : i32
      %ne3A_1711 = arith.xori %lt3A_1708, %lt3A_1710 : i1
      %and3A_1712 = arith.andi %ne3A_1711, %ne3A_1706 : i1
      %add3A_1713 = arith.addi %rem3A_1704, %select_n3A_1703 : i32
      %select_n3A_1714 = arith.select %and3A_1712, %add3A_1713, %rem3A_1704 : i32
      %mul3A_1715 = arith.constant 8 : i32
      %mul3A_1716 = arith.muli %select_n3A_1714, %mul3A_1715 : i32
      %jit3A_1717 = arith.constant 16 : i32
      %eq3A_1718 = arith.constant 0 : i32
      %eq3A_1719 = arith.cmpi eq, %jit3A_1717, %eq3A_1718 : i32
      %jit3A_1720 = arith.constant 1 : i32
      %select_n3A_1721 = arith.select %eq3A_1719, %jit3A_1720, %jit3A_1717 : i32
      %rem3A_1722 = arith.remsi %add3A_1650, %select_n3A_1721 : i32
      %ne3A_1723 = arith.constant 0 : i32
      %ne3A_1724 = arith.cmpi ne, %rem3A_1722, %ne3A_1723 : i32
      %lt3A_1725 = arith.constant 0 : i32
      %lt3A_1726 = arith.cmpi slt, %rem3A_1722, %lt3A_1725 : i32
      %lt3A_1727 = arith.constant 0 : i32
      %lt3A_1728 = arith.cmpi slt, %select_n3A_1721, %lt3A_1727 : i32
      %ne3A_1729 = arith.xori %lt3A_1726, %lt3A_1728 : i1
      %and3A_1730 = arith.andi %ne3A_1729, %ne3A_1724 : i1
      %add3A_1731 = arith.addi %rem3A_1722, %select_n3A_1721 : i32
      %select_n3A_1732 = arith.select %and3A_1730, %add3A_1731, %rem3A_1722 : i32
      %mul3A_1733 = arith.constant 16 : i32
      %mul3A_1734 = arith.muli %select_n3A_1674, %mul3A_1733 : i32
      %get3A_1735 = arith.constant 1 : i32
      %get3A_1736 = arith.index_cast %get3A_1735 : i32 to index
      %get3A_1737 = arith.index_cast %mul3A_1734 : i32 to index
      %get3A_1738 = tpu.vector_load %arg5[%get3A_1736, %get3A_1737] {strides = array<i32>} : memref<8x4096xf32, #tpu.memory_space<vmem>>, vector<16xf32>,
      %ge3A_1739 = vector.broadcast %mul3A_1716 : i32 to vector<16xi32>
      %ge3A_1740 = arith.cmpi sge, %iota3A, %ge3A_1739 : vector<16xi32>
      %add3A_1741 = arith.constant 8 : i32
      %add3A_1742 = arith.addi %mul3A_1716, %add3A_1741 : i32
      %lt3A_1743 = vector.broadcast %add3A_1742 : i32 to vector<16xi32>
      %lt3A_1744 = arith.cmpi slt, %iota3A, %lt3A_1743 : vector<16xi32>
      %and3A_1745 = arith.andi %ge3A_1740, %lt3A_1744 : vector<16xi1>
      %ne3A_1746 = vector.broadcast %select_n3A_1732 : i32 to vector<16xi32>
      %ne3A_1747 = arith.cmpi ne, %iota3A, %ne3A_1746 : vector<16xi32>
      %and3A_1748 = arith.andi %and3A_1745, %ne3A_1747 : vector<16xi1>
      %jit3A_1749 = arith.constant -3.000000e+38 : f32
      %broadcast_in_dim3A_1750 = vector.broadcast %jit3A_1749 : f32 to vector<16xf32>
      %select_n3A_1751 = arith.select %and3A_1748, %get3A_1738, %broadcast_in_dim3A_1750 : vector<16xi1>, vector<16xf32>
      %reduce_max3A_1752 = arith.constant true
      %reduce_max3A_1753 = vector.broadcast %reduce_max3A_1752 : i1 to vector<16xi1>
      %reduce_max3A_1754 = tpu.scan <max>, %select_n3A_1751 masked %reduce_max3A_1753 : vector<16xf32>, vector<16xi1> -> vector<16xf32>
      %reduce_max3A_1755 = vector.extract %reduce_max3A_1754[15] : f32 from vector<16xf32>
      %jit3A_1756 = arith.constant 3.000000e+38 : f32
      %broadcast_in_dim3A_1757 = vector.broadcast %jit3A_1756 : f32 to vector<16xf32>
      %select_n3A_1758 = arith.select %and3A_1748, %broadcast_in_dim3A_1757, %get3A_1738 : vector<16xi1>, vector<16xf32>
      %mul3A_1759 = arith.constant 16 : i32
      %mul3A_1760 = arith.muli %select_n3A_1674, %mul3A_1759 : i32
      %swap3A_1761 = arith.constant 1 : i32
      %swap3A_1762 = arith.index_cast %swap3A_1761 : i32 to index
      %swap3A_1763 = arith.index_cast %mul3A_1760 : i32 to index
      %swap3A_1764 = tpu.vector_load %arg5[%swap3A_1762, %swap3A_1763] {strides = array<i32>} : memref<8x4096xf32, #tpu.memory_space<vmem>>, vector<16xf32>,
      tpu.vector_store %arg5[%swap3A_1762, %swap3A_1763], %select_n3A_1758 {strides = array<i32>} : memref<8x4096xf32, #tpu.memory_space<vmem>>, vector<16xf32>,
      %broadcast_in_dim3A_1765 = arith.constant 3.000000e+38 : f32
      %broadcast_in_dim3A_1766 = vector.broadcast %broadcast_in_dim3A_1765 : f32 to vector<16xf32>
      %broadcast_in_dim3A_1767 = arith.constant 3.000000e+38 : f32
      %broadcast_in_dim3A_1768 = vector.broadcast %broadcast_in_dim3A_1767 : f32 to vector<16xf32>
      %broadcast_in_dim3A_1769 = arith.constant 3.000000e+38 : f32
      %broadcast_in_dim3A_1770 = vector.broadcast %broadcast_in_dim3A_1769 : f32 to vector<16xf32>
      %broadcast_in_dim3A_1771 = arith.constant 3.000000e+38 : f32
      %broadcast_in_dim3A_1772 = vector.broadcast %broadcast_in_dim3A_1771 : f32 to vector<16xf32>
      %broadcast_in_dim3A_1773 = arith.constant 3.000000e+38 : f32
      %broadcast_in_dim3A_1774 = vector.broadcast %broadcast_in_dim3A_1773 : f32 to vector<16xf32>
      %broadcast_in_dim3A_1775 = arith.constant 3.000000e+38 : f32
      %broadcast_in_dim3A_1776 = vector.broadcast %broadcast_in_dim3A_1775 : f32 to vector<16xf32>
      %broadcast_in_dim3A_1777 = arith.constant 3.000000e+38 : f32
      %broadcast_in_dim3A_1778 = vector.broadcast %broadcast_in_dim3A_1777 : f32 to vector<16xf32>
      %broadcast_in_dim3A_1779 = arith.constant 3.000000e+38 : f32
      %broadcast_in_dim3A_1780 = vector.broadcast %broadcast_in_dim3A_1779 : f32 to vector<16xf32>
      %scan3A_1781 = arith.constant 0 : i32
      %scan3A_1782 = arith.constant 64 : i32
      %scan3A_1783 = arith.addi %scan3A_1781, %scan3A_1782 : i32
      %scan3A_1784 = arith.constant 1 : i32
      %scan3A_1785:8 = scf.for %scan3A_2895 = %scan3A_1781 to %scan3A_1783 step %scan3A_1784 iter_args(%scan3A_2896 = %broadcast_in_dim3A_1766, %scan3A_2897 = %broadcast_in_dim3A_1768, %scan3A_2898 = %broadcast_in_dim3A_1770, %scan3A_2899 = %broadcast_in_dim3A_1772, %scan3A_2900 = %broadcast_in_dim3A_1774, %scan3A_2901 = %broadcast_in_dim3A_1776, %scan3A_2902 = %broadcast_in_dim3A_1778, %scan3A_2903 = %broadcast_in_dim3A_1780) -> (vector<16xf32>, vector<16xf32>, vector<16xf32>, vector<16xf32>, vector<16xf32>, vector<16xf32>, vector<16xf32>, vector<16xf32>)  : i32 {
        %add3A_2904 = arith.constant 0 : i32
        %add3A_2905 = arith.addi %scan3A_2895, %add3A_2904 : i32
        %mul3A_2906 = arith.constant 16 : i32
        %mul3A_2907 = arith.muli %add3A_2905, %mul3A_2906 : i32
        %get3A_2908 = arith.constant 1 : i32
        %get3A_2909 = arith.index_cast %get3A_2908 : i32 to index
        %get3A_2910 = arith.index_cast %mul3A_2907 : i32 to index
        %get3A_2911 = tpu.vector_load %arg5[%get3A_2909, %get3A_2910] {strides = array<i32>} : memref<8x4096xf32, #tpu.memory_space<vmem>>, vector<16xf32>,
        %min3A_2912 = arith.minimumf %scan3A_2896, %get3A_2911 : vector<16xf32>
        %max3A_2913 = arith.maximumf %scan3A_2896, %get3A_2911 : vector<16xf32>
        %min3A_2914 = arith.minimumf %scan3A_2897, %max3A_2913 : vector<16xf32>
        %add3A_2915 = arith.constant 64 : i32
        %add3A_2916 = arith.addi %scan3A_2895, %add3A_2915 : i32
        %mul3A_2917 = arith.constant 16 : i32
        %mul3A_2918 = arith.muli %add3A_2916, %mul3A_2917 : i32
        %get3A_2919 = arith.constant 1 : i32
        %get3A_2920 = arith.index_cast %get3A_2919 : i32 to index
        %get3A_2921 = arith.index_cast %mul3A_2918 : i32 to index
        %get3A_2922 = tpu.vector_load %arg5[%get3A_2920, %get3A_2921] {strides = array<i32>} : memref<8x4096xf32, #tpu.memory_space<vmem>>, vector<16xf32>,
        %min3A_2923 = arith.minimumf %scan3A_2898, %get3A_2922 : vector<16xf32>
        %max3A_2924 = arith.maximumf %scan3A_2898, %get3A_2922 : vector<16xf32>
        %min3A_2925 = arith.minimumf %scan3A_2899, %max3A_2924 : vector<16xf32>
        %add3A_2926 = arith.constant 128 : i32
        %add3A_2927 = arith.addi %scan3A_2895, %add3A_2926 : i32
        %mul3A_2928 = arith.constant 16 : i32
        %mul3A_2929 = arith.muli %add3A_2927, %mul3A_2928 : i32
        %get3A_2930 = arith.constant 1 : i32
        %get3A_2931 = arith.index_cast %get3A_2930 : i32 to index
        %get3A_2932 = arith.index_cast %mul3A_2929 : i32 to index
        %get3A_2933 = tpu.vector_load %arg5[%get3A_2931, %get3A_2932] {strides = array<i32>} : memref<8x4096xf32, #tpu.memory_space<vmem>>, vector<16xf32>,
        %min3A_2934 = arith.minimumf %scan3A_2900, %get3A_2933 : vector<16xf32>
        %max3A_2935 = arith.maximumf %scan3A_2900, %get3A_2933 : vector<16xf32>
        %min3A_2936 = arith.minimumf %scan3A_2901, %max3A_2935 : vector<16xf32>
        %add3A_2937 = arith.constant 192 : i32
        %add3A_2938 = arith.addi %scan3A_2895, %add3A_2937 : i32
        %mul3A_2939 = arith.constant 16 : i32
        %mul3A_2940 = arith.muli %add3A_2938, %mul3A_2939 : i32
        %get3A_2941 = arith.constant 1 : i32
        %get3A_2942 = arith.index_cast %get3A_2941 : i32 to index
        %get3A_2943 = arith.index_cast %mul3A_2940 : i32 to index
        %get3A_2944 = tpu.vector_load %arg5[%get3A_2942, %get3A_2943] {strides = array<i32>} : memref<8x4096xf32, #tpu.memory_space<vmem>>, vector<16xf32>,
        %min3A_2945 = arith.minimumf %scan3A_2902, %get3A_2944 : vector<16xf32>
        %max3A_2946 = arith.maximumf %scan3A_2902, %get3A_2944 : vector<16xf32>
        %min3A_2947 = arith.minimumf %scan3A_2903, %max3A_2946 : vector<16xf32>
        scf.yield %min3A_2912, %min3A_2914, %min3A_2923, %min3A_2925, %min3A_2934, %min3A_2936, %min3A_2945, %min3A_2947 : vector<16xf32>, vector<16xf32>, vector<16xf32>, vector<16xf32>, vector<16xf32>, vector<16xf32>, vector<16xf32>, vector<16xf32>
      }
      %scan3A_1786 = arith.constant 64 : i32
      %max3A_1787 = arith.maximumf %scan3A_1785#0, %scan3A_1785#2 : vector<16xf32>
      %min3A_1788 = arith.minimumf %scan3A_1785#1, %scan3A_1785#3 : vector<16xf32>
      %min3A_1789 = arith.minimumf %max3A_1787, %min3A_1788 : vector<16xf32>
      %min3A_1790 = arith.minimumf %scan3A_1785#0, %scan3A_1785#2 : vector<16xf32>
      %max3A_1791 = arith.maximumf %min3A_1790, %scan3A_1785#4 : vector<16xf32>
      %min3A_1792 = arith.minimumf %min3A_1789, %scan3A_1785#5 : vector<16xf32>
      %min3A_1793 = arith.minimumf %max3A_1791, %min3A_1792 : vector<16xf32>
      %min3A_1794 = arith.minimumf %min3A_1790, %scan3A_1785#4 : vector<16xf32>
      %max3A_1795 = arith.maximumf %min3A_1794, %scan3A_1785#6 : vector<16xf32>
      %min3A_1796 = arith.minimumf %min3A_1793, %scan3A_1785#7 : vector<16xf32>
      %min3A_1797 = arith.minimumf %max3A_1795, %min3A_1796 : vector<16xf32>
      %min3A_1798 = arith.minimumf %min3A_1794, %scan3A_1785#6 : vector<16xf32>
      %reduce_min3A_1799 = arith.constant true
      %reduce_min3A_1800 = vector.broadcast %reduce_min3A_1799 : i1 to vector<16xi1>
      %reduce_min3A_1801 = tpu.scan <min>, %min3A_1798 masked %reduce_min3A_1800 : vector<16xf32>, vector<16xi1> -> vector<16xf32>
      %reduce_min3A_1802 = vector.extract %reduce_min3A_1801[15] : f32 from vector<16xf32>
      %eq3A_1803 = vector.broadcast %reduce_min3A_1802 : f32 to vector<16xf32>
      %eq3A_1804 = arith.cmpf oeq, %min3A_1798, %eq3A_1803 : vector<16xf32>
      %all_reduce_ffs3A_1805 = tpu.all_reduce %eq3A_1804 {dim = 0 : i64, kind = #tpu.reduction_kind<find_first_set>} : vector<16xi1> -> vector<16xi32>
      %eq3A_1806 = arith.cmpi eq, %iota3A, %all_reduce_ffs3A_1805 : vector<16xi32>
      %jit3A_1807 = arith.constant 3.000000e+38 : f32
      %broadcast_in_dim3A_1808 = vector.broadcast %jit3A_1807 : f32 to vector<16xf32>
      %select_n3A_1809 = arith.select %eq3A_1806, %broadcast_in_dim3A_1808, %min3A_1798 : vector<16xi1>, vector<16xf32>
      %reduce_min3A_1810 = arith.constant true
      %reduce_min3A_1811 = vector.broadcast %reduce_min3A_1810 : i1 to vector<16xi1>
      %reduce_min3A_1812 = tpu.scan <min>, %select_n3A_1809 masked %reduce_min3A_1811 : vector<16xf32>, vector<16xi1> -> vector<16xf32>
      %reduce_min3A_1813 = vector.extract %reduce_min3A_1812[15] : f32 from vector<16xf32>
      %reduce_min3A_1814 = arith.constant true
      %reduce_min3A_1815 = vector.broadcast %reduce_min3A_1814 : i1 to vector<16xi1>
      %reduce_min3A_1816 = tpu.scan <min>, %min3A_1797 masked %reduce_min3A_1815 : vector<16xf32>, vector<16xi1> -> vector<16xf32>
      %reduce_min3A_1817 = vector.extract %reduce_min3A_1816[15] : f32 from vector<16xf32>
      %min3A_1818 = arith.minimumf %reduce_min3A_1813, %reduce_min3A_1817 : f32
      %max3A_1819 = arith.constant 0.000000e+00 : f32
      %max3A_1820 = arith.maximumf %reduce_max3A_1755, %max3A_1819 : f32
      %sub3A_1821 = arith.subf %max3A_1820, %min3A_1818 : f32
      %add3A_1822 = arith.constant 3.000000e-01 : f32
      %add3A_1823 = arith.addf %sub3A_1821, %add3A_1822 : f32
      %max3A_1824 = arith.constant 0.000000e+00 : f32
      %max3A_1825 = arith.maximumf %add3A_1823, %max3A_1824 : f32
      %add3A_1826 = arith.addf %add3A_1648, %max3A_1825 : f32
      %add3A_1827 = arith.constant 2 : i32
      %add3A_1828 = arith.addi %add3A_1470, %add3A_1827 : i32
      %jit3A_1829 = arith.constant 16 : i32
      %div3A_1830 = arith.divsi %add3A_1828, %jit3A_1829 : i32
      %sign3A_1831 = arith.constant 0 : i32
      %sign3A_1832 = arith.cmpi sgt, %add3A_1828, %sign3A_1831 : i32
      %sign3A_1833 = arith.extui %sign3A_1832 : i1 to i32
      %sign3A_1834 = arith.constant 0 : i32
      %sign3A_1835 = arith.cmpi slt, %add3A_1828, %sign3A_1834 : i32
      %sign3A_1836 = arith.extui %sign3A_1835 : i1 to i32
      %sign3A_1837 = arith.subi %sign3A_1833, %sign3A_1836 : i32
      %sign3A_1838 = arith.constant 0 : i32
      %sign3A_1839 = arith.cmpi sgt, %jit3A_1829, %sign3A_1838 : i32
      %sign3A_1840 = arith.extui %sign3A_1839 : i1 to i32
      %sign3A_1841 = arith.constant 0 : i32
      %sign3A_1842 = arith.cmpi slt, %jit3A_1829, %sign3A_1841 : i32
      %sign3A_1843 = arith.extui %sign3A_1842 : i1 to i32
      %sign3A_1844 = arith.subi %sign3A_1840, %sign3A_1843 : i32
      %ne3A_1845 = arith.cmpi ne, %sign3A_1837, %sign3A_1844 : i32
      %rem3A_1846 = arith.remsi %add3A_1828, %jit3A_1829 : i32
      %ne3A_1847 = arith.constant 0 : i32
      %ne3A_1848 = arith.cmpi ne, %rem3A_1846, %ne3A_1847 : i32
      %and3A_1849 = arith.andi %ne3A_1845, %ne3A_1848 : i1
      %sub3A_1850 = arith.constant 1 : i32
      %sub3A_1851 = arith.subi %div3A_1830, %sub3A_1850 : i32
      %select_n3A_1852 = arith.select %and3A_1849, %sub3A_1851, %div3A_1830 : i32
      %jit3A_1853 = arith.constant 8 : i32
      %div3A_1854 = arith.divsi %add3A_1828, %jit3A_1853 : i32
      %sign3A_1855 = arith.constant 0 : i32
      %sign3A_1856 = arith.cmpi sgt, %add3A_1828, %sign3A_1855 : i32
      %sign3A_1857 = arith.extui %sign3A_1856 : i1 to i32
      %sign3A_1858 = arith.constant 0 : i32
      %sign3A_1859 = arith.cmpi slt, %add3A_1828, %sign3A_1858 : i32
      %sign3A_1860 = arith.extui %sign3A_1859 : i1 to i32
      %sign3A_1861 = arith.subi %sign3A_1857, %sign3A_1860 : i32
      %sign3A_1862 = arith.constant 0 : i32
      %sign3A_1863 = arith.cmpi sgt, %jit3A_1853, %sign3A_1862 : i32
      %sign3A_1864 = arith.extui %sign3A_1863 : i1 to i32
      %sign3A_1865 = arith.constant 0 : i32
      %sign3A_1866 = arith.cmpi slt, %jit3A_1853, %sign3A_1865 : i32
      %sign3A_1867 = arith.extui %sign3A_1866 : i1 to i32
      %sign3A_1868 = arith.subi %sign3A_1864, %sign3A_1867 : i32
      %ne3A_1869 = arith.cmpi ne, %sign3A_1861, %sign3A_1868 : i32
      %rem3A_1870 = arith.remsi %add3A_1828, %jit3A_1853 : i32
      %ne3A_1871 = arith.constant 0 : i32
      %ne3A_1872 = arith.cmpi ne, %rem3A_1870, %ne3A_1871 : i32
      %and3A_1873 = arith.andi %ne3A_1869, %ne3A_1872 : i1
      %sub3A_1874 = arith.constant 1 : i32
      %sub3A_1875 = arith.subi %div3A_1854, %sub3A_1874 : i32
      %select_n3A_1876 = arith.select %and3A_1873, %sub3A_1875, %div3A_1854 : i32
      %jit3A_1877 = arith.constant 2 : i32
      %eq3A_1878 = arith.constant 0 : i32
      %eq3A_1879 = arith.cmpi eq, %jit3A_1877, %eq3A_1878 : i32
      %jit3A_1880 = arith.constant 1 : i32
      %select_n3A_1881 = arith.select %eq3A_1879, %jit3A_1880, %jit3A_1877 : i32
      %rem3A_1882 = arith.remsi %select_n3A_1876, %select_n3A_1881 : i32
      %ne3A_1883 = arith.constant 0 : i32
      %ne3A_1884 = arith.cmpi ne, %rem3A_1882, %ne3A_1883 : i32
      %lt3A_1885 = arith.constant 0 : i32
      %lt3A_1886 = arith.cmpi slt, %rem3A_1882, %lt3A_1885 : i32
      %lt3A_1887 = arith.constant 0 : i32
      %lt3A_1888 = arith.cmpi slt, %select_n3A_1881, %lt3A_1887 : i32
      %ne3A_1889 = arith.xori %lt3A_1886, %lt3A_1888 : i1
      %and3A_1890 = arith.andi %ne3A_1889, %ne3A_1884 : i1
      %add3A_1891 = arith.addi %rem3A_1882, %select_n3A_1881 : i32
      %select_n3A_1892 = arith.select %and3A_1890, %add3A_1891, %rem3A_1882 : i32
      %mul3A_1893 = arith.constant 8 : i32
      %mul3A_1894 = arith.muli %select_n3A_1892, %mul3A_1893 : i32
      %jit3A_1895 = arith.constant 16 : i32
      %eq3A_1896 = arith.constant 0 : i32
      %eq3A_1897 = arith.cmpi eq, %jit3A_1895, %eq3A_1896 : i32
      %jit3A_1898 = arith.constant 1 : i32
      %select_n3A_1899 = arith.select %eq3A_1897, %jit3A_1898, %jit3A_1895 : i32
      %rem3A_1900 = arith.remsi %add3A_1828, %select_n3A_1899 : i32
      %ne3A_1901 = arith.constant 0 : i32
      %ne3A_1902 = arith.cmpi ne, %rem3A_1900, %ne3A_1901 : i32
      %lt3A_1903 = arith.constant 0 : i32
      %lt3A_1904 = arith.cmpi slt, %rem3A_1900, %lt3A_1903 : i32
      %lt3A_1905 = arith.constant 0 : i32
      %lt3A_1906 = arith.cmpi slt, %select_n3A_1899, %lt3A_1905 : i32
      %ne3A_1907 = arith.xori %lt3A_1904, %lt3A_1906 : i1
      %and3A_1908 = arith.andi %ne3A_1907, %ne3A_1902 : i1
      %add3A_1909 = arith.addi %rem3A_1900, %select_n3A_1899 : i32
      %select_n3A_1910 = arith.select %and3A_1908, %add3A_1909, %rem3A_1900 : i32
      %mul3A_1911 = arith.constant 16 : i32
      %mul3A_1912 = arith.muli %select_n3A_1852, %mul3A_1911 : i32
      %get3A_1913 = arith.constant 2 : i32
      %get3A_1914 = arith.index_cast %get3A_1913 : i32 to index
      %get3A_1915 = arith.index_cast %mul3A_1912 : i32 to index
      %get3A_1916 = tpu.vector_load %arg5[%get3A_1914, %get3A_1915] {strides = array<i32>} : memref<8x4096xf32, #tpu.memory_space<vmem>>, vector<16xf32>,
      %ge3A_1917 = vector.broadcast %mul3A_1894 : i32 to vector<16xi32>
      %ge3A_1918 = arith.cmpi sge, %iota3A, %ge3A_1917 : vector<16xi32>
      %add3A_1919 = arith.constant 8 : i32
      %add3A_1920 = arith.addi %mul3A_1894, %add3A_1919 : i32
      %lt3A_1921 = vector.broadcast %add3A_1920 : i32 to vector<16xi32>
      %lt3A_1922 = arith.cmpi slt, %iota3A, %lt3A_1921 : vector<16xi32>
      %and3A_1923 = arith.andi %ge3A_1918, %lt3A_1922 : vector<16xi1>
      %ne3A_1924 = vector.broadcast %select_n3A_1910 : i32 to vector<16xi32>
      %ne3A_1925 = arith.cmpi ne, %iota3A, %ne3A_1924 : vector<16xi32>
      %and3A_1926 = arith.andi %and3A_1923, %ne3A_1925 : vector<16xi1>
      %jit3A_1927 = arith.constant -3.000000e+38 : f32
      %broadcast_in_dim3A_1928 = vector.broadcast %jit3A_1927 : f32 to vector<16xf32>
      %select_n3A_1929 = arith.select %and3A_1926, %get3A_1916, %broadcast_in_dim3A_1928 : vector<16xi1>, vector<16xf32>
      %reduce_max3A_1930 = arith.constant true
      %reduce_max3A_1931 = vector.broadcast %reduce_max3A_1930 : i1 to vector<16xi1>
      %reduce_max3A_1932 = tpu.scan <max>, %select_n3A_1929 masked %reduce_max3A_1931 : vector<16xf32>, vector<16xi1> -> vector<16xf32>
      %reduce_max3A_1933 = vector.extract %reduce_max3A_1932[15] : f32 from vector<16xf32>
      %jit3A_1934 = arith.constant 3.000000e+38 : f32
      %broadcast_in_dim3A_1935 = vector.broadcast %jit3A_1934 : f32 to vector<16xf32>
      %select_n3A_1936 = arith.select %and3A_1926, %broadcast_in_dim3A_1935, %get3A_1916 : vector<16xi1>, vector<16xf32>
      %mul3A_1937 = arith.constant 16 : i32
      %mul3A_1938 = arith.muli %select_n3A_1852, %mul3A_1937 : i32
      %swap3A_1939 = arith.constant 2 : i32
      %swap3A_1940 = arith.index_cast %swap3A_1939 : i32 to index
      %swap3A_1941 = arith.index_cast %mul3A_1938 : i32 to index
      %swap3A_1942 = tpu.vector_load %arg5[%swap3A_1940, %swap3A_1941] {strides = array<i32>} : memref<8x4096xf32, #tpu.memory_space<vmem>>, vector<16xf32>,
      tpu.vector_store %arg5[%swap3A_1940, %swap3A_1941], %select_n3A_1936 {strides = array<i32>} : memref<8x4096xf32, #tpu.memory_space<vmem>>, vector<16xf32>,
      %broadcast_in_dim3A_1943 = arith.constant 3.000000e+38 : f32
      %broadcast_in_dim3A_1944 = vector.broadcast %broadcast_in_dim3A_1943 : f32 to vector<16xf32>
      %broadcast_in_dim3A_1945 = arith.constant 3.000000e+38 : f32
      %broadcast_in_dim3A_1946 = vector.broadcast %broadcast_in_dim3A_1945 : f32 to vector<16xf32>
      %broadcast_in_dim3A_1947 = arith.constant 3.000000e+38 : f32
      %broadcast_in_dim3A_1948 = vector.broadcast %broadcast_in_dim3A_1947 : f32 to vector<16xf32>
      %broadcast_in_dim3A_1949 = arith.constant 3.000000e+38 : f32
      %broadcast_in_dim3A_1950 = vector.broadcast %broadcast_in_dim3A_1949 : f32 to vector<16xf32>
      %broadcast_in_dim3A_1951 = arith.constant 3.000000e+38 : f32
      %broadcast_in_dim3A_1952 = vector.broadcast %broadcast_in_dim3A_1951 : f32 to vector<16xf32>
      %broadcast_in_dim3A_1953 = arith.constant 3.000000e+38 : f32
      %broadcast_in_dim3A_1954 = vector.broadcast %broadcast_in_dim3A_1953 : f32 to vector<16xf32>
      %broadcast_in_dim3A_1955 = arith.constant 3.000000e+38 : f32
      %broadcast_in_dim3A_1956 = vector.broadcast %broadcast_in_dim3A_1955 : f32 to vector<16xf32>
      %broadcast_in_dim3A_1957 = arith.constant 3.000000e+38 : f32
      %broadcast_in_dim3A_1958 = vector.broadcast %broadcast_in_dim3A_1957 : f32 to vector<16xf32>
      %scan3A_1959 = arith.constant 0 : i32
      %scan3A_1960 = arith.constant 64 : i32
      %scan3A_1961 = arith.addi %scan3A_1959, %scan3A_1960 : i32
      %scan3A_1962 = arith.constant 1 : i32
      %scan3A_1963:8 = scf.for %scan3A_2895 = %scan3A_1959 to %scan3A_1961 step %scan3A_1962 iter_args(%scan3A_2896 = %broadcast_in_dim3A_1944, %scan3A_2897 = %broadcast_in_dim3A_1946, %scan3A_2898 = %broadcast_in_dim3A_1948, %scan3A_2899 = %broadcast_in_dim3A_1950, %scan3A_2900 = %broadcast_in_dim3A_1952, %scan3A_2901 = %broadcast_in_dim3A_1954, %scan3A_2902 = %broadcast_in_dim3A_1956, %scan3A_2903 = %broadcast_in_dim3A_1958) -> (vector<16xf32>, vector<16xf32>, vector<16xf32>, vector<16xf32>, vector<16xf32>, vector<16xf32>, vector<16xf32>, vector<16xf32>)  : i32 {
        %add3A_2904 = arith.constant 0 : i32
        %add3A_2905 = arith.addi %scan3A_2895, %add3A_2904 : i32
        %mul3A_2906 = arith.constant 16 : i32
        %mul3A_2907 = arith.muli %add3A_2905, %mul3A_2906 : i32
        %get3A_2908 = arith.constant 2 : i32
        %get3A_2909 = arith.index_cast %get3A_2908 : i32 to index
        %get3A_2910 = arith.index_cast %mul3A_2907 : i32 to index
        %get3A_2911 = tpu.vector_load %arg5[%get3A_2909, %get3A_2910] {strides = array<i32>} : memref<8x4096xf32, #tpu.memory_space<vmem>>, vector<16xf32>,
        %min3A_2912 = arith.minimumf %scan3A_2896, %get3A_2911 : vector<16xf32>
        %max3A_2913 = arith.maximumf %scan3A_2896, %get3A_2911 : vector<16xf32>
        %min3A_2914 = arith.minimumf %scan3A_2897, %max3A_2913 : vector<16xf32>
        %add3A_2915 = arith.constant 64 : i32
        %add3A_2916 = arith.addi %scan3A_2895, %add3A_2915 : i32
        %mul3A_2917 = arith.constant 16 : i32
        %mul3A_2918 = arith.muli %add3A_2916, %mul3A_2917 : i32
        %get3A_2919 = arith.constant 2 : i32
        %get3A_2920 = arith.index_cast %get3A_2919 : i32 to index
        %get3A_2921 = arith.index_cast %mul3A_2918 : i32 to index
        %get3A_2922 = tpu.vector_load %arg5[%get3A_2920, %get3A_2921] {strides = array<i32>} : memref<8x4096xf32, #tpu.memory_space<vmem>>, vector<16xf32>,
        %min3A_2923 = arith.minimumf %scan3A_2898, %get3A_2922 : vector<16xf32>
        %max3A_2924 = arith.maximumf %scan3A_2898, %get3A_2922 : vector<16xf32>
        %min3A_2925 = arith.minimumf %scan3A_2899, %max3A_2924 : vector<16xf32>
        %add3A_2926 = arith.constant 128 : i32
        %add3A_2927 = arith.addi %scan3A_2895, %add3A_2926 : i32
        %mul3A_2928 = arith.constant 16 : i32
        %mul3A_2929 = arith.muli %add3A_2927, %mul3A_2928 : i32
        %get3A_2930 = arith.constant 2 : i32
        %get3A_2931 = arith.index_cast %get3A_2930 : i32 to index
        %get3A_2932 = arith.index_cast %mul3A_2929 : i32 to index
        %get3A_2933 = tpu.vector_load %arg5[%get3A_2931, %get3A_2932] {strides = array<i32>} : memref<8x4096xf32, #tpu.memory_space<vmem>>, vector<16xf32>,
        %min3A_2934 = arith.minimumf %scan3A_2900, %get3A_2933 : vector<16xf32>
        %max3A_2935 = arith.maximumf %scan3A_2900, %get3A_2933 : vector<16xf32>
        %min3A_2936 = arith.minimumf %scan3A_2901, %max3A_2935 : vector<16xf32>
        %add3A_2937 = arith.constant 192 : i32
        %add3A_2938 = arith.addi %scan3A_2895, %add3A_2937 : i32
        %mul3A_2939 = arith.constant 16 : i32
        %mul3A_2940 = arith.muli %add3A_2938, %mul3A_2939 : i32
        %get3A_2941 = arith.constant 2 : i32
        %get3A_2942 = arith.index_cast %get3A_2941 : i32 to index
        %get3A_2943 = arith.index_cast %mul3A_2940 : i32 to index
        %get3A_2944 = tpu.vector_load %arg5[%get3A_2942, %get3A_2943] {strides = array<i32>} : memref<8x4096xf32, #tpu.memory_space<vmem>>, vector<16xf32>,
        %min3A_2945 = arith.minimumf %scan3A_2902, %get3A_2944 : vector<16xf32>
        %max3A_2946 = arith.maximumf %scan3A_2902, %get3A_2944 : vector<16xf32>
        %min3A_2947 = arith.minimumf %scan3A_2903, %max3A_2946 : vector<16xf32>
        scf.yield %min3A_2912, %min3A_2914, %min3A_2923, %min3A_2925, %min3A_2934, %min3A_2936, %min3A_2945, %min3A_2947 : vector<16xf32>, vector<16xf32>, vector<16xf32>, vector<16xf32>, vector<16xf32>, vector<16xf32>, vector<16xf32>, vector<16xf32>
      }
      %scan3A_1964 = arith.constant 64 : i32
      %max3A_1965 = arith.maximumf %scan3A_1963#0, %scan3A_1963#2 : vector<16xf32>
      %min3A_1966 = arith.minimumf %scan3A_1963#1, %scan3A_1963#3 : vector<16xf32>
      %min3A_1967 = arith.minimumf %max3A_1965, %min3A_1966 : vector<16xf32>
      %min3A_1968 = arith.minimumf %scan3A_1963#0, %scan3A_1963#2 : vector<16xf32>
      %max3A_1969 = arith.maximumf %min3A_1968, %scan3A_1963#4 : vector<16xf32>
      %min3A_1970 = arith.minimumf %min3A_1967, %scan3A_1963#5 : vector<16xf32>
      %min3A_1971 = arith.minimumf %max3A_1969, %min3A_1970 : vector<16xf32>
      %min3A_1972 = arith.minimumf %min3A_1968, %scan3A_1963#4 : vector<16xf32>
      %max3A_1973 = arith.maximumf %min3A_1972, %scan3A_1963#6 : vector<16xf32>
      %min3A_1974 = arith.minimumf %min3A_1971, %scan3A_1963#7 : vector<16xf32>
      %min3A_1975 = arith.minimumf %max3A_1973, %min3A_1974 : vector<16xf32>
      %min3A_1976 = arith.minimumf %min3A_1972, %scan3A_1963#6 : vector<16xf32>
      %reduce_min3A_1977 = arith.constant true
      %reduce_min3A_1978 = vector.broadcast %reduce_min3A_1977 : i1 to vector<16xi1>
      %reduce_min3A_1979 = tpu.scan <min>, %min3A_1976 masked %reduce_min3A_1978 : vector<16xf32>, vector<16xi1> -> vector<16xf32>
      %reduce_min3A_1980 = vector.extract %reduce_min3A_1979[15] : f32 from vector<16xf32>
      %eq3A_1981 = vector.broadcast %reduce_min3A_1980 : f32 to vector<16xf32>
      %eq3A_1982 = arith.cmpf oeq, %min3A_1976, %eq3A_1981 : vector<16xf32>
      %all_reduce_ffs3A_1983 = tpu.all_reduce %eq3A_1982 {dim = 0 : i64, kind = #tpu.reduction_kind<find_first_set>} : vector<16xi1> -> vector<16xi32>
      %eq3A_1984 = arith.cmpi eq, %iota3A, %all_reduce_ffs3A_1983 : vector<16xi32>
      %jit3A_1985 = arith.constant 3.000000e+38 : f32
      %broadcast_in_dim3A_1986 = vector.broadcast %jit3A_1985 : f32 to vector<16xf32>
      %select_n3A_1987 = arith.select %eq3A_1984, %broadcast_in_dim3A_1986, %min3A_1976 : vector<16xi1>, vector<16xf32>
      %reduce_min3A_1988 = arith.constant true
      %reduce_min3A_1989 = vector.broadcast %reduce_min3A_1988 : i1 to vector<16xi1>
      %reduce_min3A_1990 = tpu.scan <min>, %select_n3A_1987 masked %reduce_min3A_1989 : vector<16xf32>, vector<16xi1> -> vector<16xf32>
      %reduce_min3A_1991 = vector.extract %reduce_min3A_1990[15] : f32 from vector<16xf32>
      %reduce_min3A_1992 = arith.constant true
      %reduce_min3A_1993 = vector.broadcast %reduce_min3A_1992 : i1 to vector<16xi1>
      %reduce_min3A_1994 = tpu.scan <min>, %min3A_1975 masked %reduce_min3A_1993 : vector<16xf32>, vector<16xi1> -> vector<16xf32>
      %reduce_min3A_1995 = vector.extract %reduce_min3A_1994[15] : f32 from vector<16xf32>
      %min3A_1996 = arith.minimumf %reduce_min3A_1991, %reduce_min3A_1995 : f32
      %max3A_1997 = arith.constant 0.000000e+00 : f32
      %max3A_1998 = arith.maximumf %reduce_max3A_1933, %max3A_1997 : f32
      %sub3A_1999 = arith.subf %max3A_1998, %min3A_1996 : f32
      %add3A_2000 = arith.constant 3.000000e-01 : f32
      %add3A_2001 = arith.addf %sub3A_1999, %add3A_2000 : f32
      %max3A_2002 = arith.constant 0.000000e+00 : f32
      %max3A_2003 = arith.maximumf %add3A_2001, %max3A_2002 : f32
      %add3A_2004 = arith.addf %add3A_1826, %max3A_2003 : f32
      %add3A_2005 = arith.constant 3 : i32
      %add3A_2006 = arith.addi %add3A_1470, %add3A_2005 : i32
      %jit3A_2007 = arith.constant 16 : i32
      %div3A_2008 = arith.divsi %add3A_2006, %jit3A_2007 : i32
      %sign3A_2009 = arith.constant 0 : i32
      %sign3A_2010 = arith.cmpi sgt, %add3A_2006, %sign3A_2009 : i32
      %sign3A_2011 = arith.extui %sign3A_2010 : i1 to i32
      %sign3A_2012 = arith.constant 0 : i32
      %sign3A_2013 = arith.cmpi slt, %add3A_2006, %sign3A_2012 : i32
      %sign3A_2014 = arith.extui %sign3A_2013 : i1 to i32
      %sign3A_2015 = arith.subi %sign3A_2011, %sign3A_2014 : i32
      %sign3A_2016 = arith.constant 0 : i32
      %sign3A_2017 = arith.cmpi sgt, %jit3A_2007, %sign3A_2016 : i32
      %sign3A_2018 = arith.extui %sign3A_2017 : i1 to i32
      %sign3A_2019 = arith.constant 0 : i32
      %sign3A_2020 = arith.cmpi slt, %jit3A_2007, %sign3A_2019 : i32
      %sign3A_2021 = arith.extui %sign3A_2020 : i1 to i32
      %sign3A_2022 = arith.subi %sign3A_2018, %sign3A_2021 : i32
      %ne3A_2023 = arith.cmpi ne, %sign3A_2015, %sign3A_2022 : i32
      %rem3A_2024 = arith.remsi %add3A_2006, %jit3A_2007 : i32
      %ne3A_2025 = arith.constant 0 : i32
      %ne3A_2026 = arith.cmpi ne, %rem3A_2024, %ne3A_2025 : i32
      %and3A_2027 = arith.andi %ne3A_2023, %ne3A_2026 : i1
      %sub3A_2028 = arith.constant 1 : i32
      %sub3A_2029 = arith.subi %div3A_2008, %sub3A_2028 : i32
      %select_n3A_2030 = arith.select %and3A_2027, %sub3A_2029, %div3A_2008 : i32
      %jit3A_2031 = arith.constant 8 : i32
      %div3A_2032 = arith.divsi %add3A_2006, %jit3A_2031 : i32
      %sign3A_2033 = arith.constant 0 : i32
      %sign3A_2034 = arith.cmpi sgt, %add3A_2006, %sign3A_2033 : i32
      %sign3A_2035 = arith.extui %sign3A_2034 : i1 to i32
      %sign3A_2036 = arith.constant 0 : i32
      %sign3A_2037 = arith.cmpi slt, %add3A_2006, %sign3A_2036 : i32
      %sign3A_2038 = arith.extui %sign3A_2037 : i1 to i32
      %sign3A_2039 = arith.subi %sign3A_2035, %sign3A_2038 : i32
      %sign3A_2040 = arith.constant 0 : i32
      %sign3A_2041 = arith.cmpi sgt, %jit3A_2031, %sign3A_2040 : i32
      %sign3A_2042 = arith.extui %sign3A_2041 : i1 to i32
      %sign3A_2043 = arith.constant 0 : i32
      %sign3A_2044 = arith.cmpi slt, %jit3A_2031, %sign3A_2043 : i32
      %sign3A_2045 = arith.extui %sign3A_2044 : i1 to i32
      %sign3A_2046 = arith.subi %sign3A_2042, %sign3A_2045 : i32
      %ne3A_2047 = arith.cmpi ne, %sign3A_2039, %sign3A_2046 : i32
      %rem3A_2048 = arith.remsi %add3A_2006, %jit3A_2031 : i32
      %ne3A_2049 = arith.constant 0 : i32
      %ne3A_2050 = arith.cmpi ne, %rem3A_2048, %ne3A_2049 : i32
      %and3A_2051 = arith.andi %ne3A_2047, %ne3A_2050 : i1
      %sub3A_2052 = arith.constant 1 : i32
      %sub3A_2053 = arith.subi %div3A_2032, %sub3A_2052 : i32
      %select_n3A_2054 = arith.select %and3A_2051, %sub3A_2053, %div3A_2032 : i32
      %jit3A_2055 = arith.constant 2 : i32
      %eq3A_2056 = arith.constant 0 : i32
      %eq3A_2057 = arith.cmpi eq, %jit3A_2055, %eq3A_2056 : i32
      %jit3A_2058 = arith.constant 1 : i32
      %select_n3A_2059 = arith.select %eq3A_2057, %jit3A_2058, %jit3A_2055 : i32
      %rem3A_2060 = arith.remsi %select_n3A_2054, %select_n3A_2059 : i32
      %ne3A_2061 = arith.constant 0 : i32
      %ne3A_2062 = arith.cmpi ne, %rem3A_2060, %ne3A_2061 : i32
      %lt3A_2063 = arith.constant 0 : i32
      %lt3A_2064 = arith.cmpi slt, %rem3A_2060, %lt3A_2063 : i32
      %lt3A_2065 = arith.constant 0 : i32
      %lt3A_2066 = arith.cmpi slt, %select_n3A_2059, %lt3A_2065 : i32
      %ne3A_2067 = arith.xori %lt3A_2064, %lt3A_2066 : i1
      %and3A_2068 = arith.andi %ne3A_2067, %ne3A_2062 : i1
      %add3A_2069 = arith.addi %rem3A_2060, %select_n3A_2059 : i32
      %select_n3A_2070 = arith.select %and3A_2068, %add3A_2069, %rem3A_2060 : i32
      %mul3A_2071 = arith.constant 8 : i32
      %mul3A_2072 = arith.muli %select_n3A_2070, %mul3A_2071 : i32
      %jit3A_2073 = arith.constant 16 : i32
      %eq3A_2074 = arith.constant 0 : i32
      %eq3A_2075 = arith.cmpi eq, %jit3A_2073, %eq3A_2074 : i32
      %jit3A_2076 = arith.constant 1 : i32
      %select_n3A_2077 = arith.select %eq3A_2075, %jit3A_2076, %jit3A_2073 : i32
      %rem3A_2078 = arith.remsi %add3A_2006, %select_n3A_2077 : i32
      %ne3A_2079 = arith.constant 0 : i32
      %ne3A_2080 = arith.cmpi ne, %rem3A_2078, %ne3A_2079 : i32
      %lt3A_2081 = arith.constant 0 : i32
      %lt3A_2082 = arith.cmpi slt, %rem3A_2078, %lt3A_2081 : i32
      %lt3A_2083 = arith.constant 0 : i32
      %lt3A_2084 = arith.cmpi slt, %select_n3A_2077, %lt3A_2083 : i32
      %ne3A_2085 = arith.xori %lt3A_2082, %lt3A_2084 : i1
      %and3A_2086 = arith.andi %ne3A_2085, %ne3A_2080 : i1
      %add3A_2087 = arith.addi %rem3A_2078, %select_n3A_2077 : i32
      %select_n3A_2088 = arith.select %and3A_2086, %add3A_2087, %rem3A_2078 : i32
      %mul3A_2089 = arith.constant 16 : i32
      %mul3A_2090 = arith.muli %select_n3A_2030, %mul3A_2089 : i32
      %get3A_2091 = arith.constant 3 : i32
      %get3A_2092 = arith.index_cast %get3A_2091 : i32 to index
      %get3A_2093 = arith.index_cast %mul3A_2090 : i32 to index
      %get3A_2094 = tpu.vector_load %arg5[%get3A_2092, %get3A_2093] {strides = array<i32>} : memref<8x4096xf32, #tpu.memory_space<vmem>>, vector<16xf32>,
      %ge3A_2095 = vector.broadcast %mul3A_2072 : i32 to vector<16xi32>
      %ge3A_2096 = arith.cmpi sge, %iota3A, %ge3A_2095 : vector<16xi32>
      %add3A_2097 = arith.constant 8 : i32
      %add3A_2098 = arith.addi %mul3A_2072, %add3A_2097 : i32
      %lt3A_2099 = vector.broadcast %add3A_2098 : i32 to vector<16xi32>
      %lt3A_2100 = arith.cmpi slt, %iota3A, %lt3A_2099 : vector<16xi32>
      %and3A_2101 = arith.andi %ge3A_2096, %lt3A_2100 : vector<16xi1>
      %ne3A_2102 = vector.broadcast %select_n3A_2088 : i32 to vector<16xi32>
      %ne3A_2103 = arith.cmpi ne, %iota3A, %ne3A_2102 : vector<16xi32>
      %and3A_2104 = arith.andi %and3A_2101, %ne3A_2103 : vector<16xi1>
      %jit3A_2105 = arith.constant -3.000000e+38 : f32
      %broadcast_in_dim3A_2106 = vector.broadcast %jit3A_2105 : f32 to vector<16xf32>
      %select_n3A_2107 = arith.select %and3A_2104, %get3A_2094, %broadcast_in_dim3A_2106 : vector<16xi1>, vector<16xf32>
      %reduce_max3A_2108 = arith.constant true
      %reduce_max3A_2109 = vector.broadcast %reduce_max3A_2108 : i1 to vector<16xi1>
      %reduce_max3A_2110 = tpu.scan <max>, %select_n3A_2107 masked %reduce_max3A_2109 : vector<16xf32>, vector<16xi1> -> vector<16xf32>
      %reduce_max3A_2111 = vector.extract %reduce_max3A_2110[15] : f32 from vector<16xf32>
      %jit3A_2112 = arith.constant 3.000000e+38 : f32
      %broadcast_in_dim3A_2113 = vector.broadcast %jit3A_2112 : f32 to vector<16xf32>
      %select_n3A_2114 = arith.select %and3A_2104, %broadcast_in_dim3A_2113, %get3A_2094 : vector<16xi1>, vector<16xf32>
      %mul3A_2115 = arith.constant 16 : i32
      %mul3A_2116 = arith.muli %select_n3A_2030, %mul3A_2115 : i32
      %swap3A_2117 = arith.constant 3 : i32
      %swap3A_2118 = arith.index_cast %swap3A_2117 : i32 to index
      %swap3A_2119 = arith.index_cast %mul3A_2116 : i32 to index
      %swap3A_2120 = tpu.vector_load %arg5[%swap3A_2118, %swap3A_2119] {strides = array<i32>} : memref<8x4096xf32, #tpu.memory_space<vmem>>, vector<16xf32>,
      tpu.vector_store %arg5[%swap3A_2118, %swap3A_2119], %select_n3A_2114 {strides = array<i32>} : memref<8x4096xf32, #tpu.memory_space<vmem>>, vector<16xf32>,
      %broadcast_in_dim3A_2121 = arith.constant 3.000000e+38 : f32
      %broadcast_in_dim3A_2122 = vector.broadcast %broadcast_in_dim3A_2121 : f32 to vector<16xf32>
      %broadcast_in_dim3A_2123 = arith.constant 3.000000e+38 : f32
      %broadcast_in_dim3A_2124 = vector.broadcast %broadcast_in_dim3A_2123 : f32 to vector<16xf32>
      %broadcast_in_dim3A_2125 = arith.constant 3.000000e+38 : f32
      %broadcast_in_dim3A_2126 = vector.broadcast %broadcast_in_dim3A_2125 : f32 to vector<16xf32>
      %broadcast_in_dim3A_2127 = arith.constant 3.000000e+38 : f32
      %broadcast_in_dim3A_2128 = vector.broadcast %broadcast_in_dim3A_2127 : f32 to vector<16xf32>
      %broadcast_in_dim3A_2129 = arith.constant 3.000000e+38 : f32
      %broadcast_in_dim3A_2130 = vector.broadcast %broadcast_in_dim3A_2129 : f32 to vector<16xf32>
      %broadcast_in_dim3A_2131 = arith.constant 3.000000e+38 : f32
      %broadcast_in_dim3A_2132 = vector.broadcast %broadcast_in_dim3A_2131 : f32 to vector<16xf32>
      %broadcast_in_dim3A_2133 = arith.constant 3.000000e+38 : f32
      %broadcast_in_dim3A_2134 = vector.broadcast %broadcast_in_dim3A_2133 : f32 to vector<16xf32>
      %broadcast_in_dim3A_2135 = arith.constant 3.000000e+38 : f32
      %broadcast_in_dim3A_2136 = vector.broadcast %broadcast_in_dim3A_2135 : f32 to vector<16xf32>
      %scan3A_2137 = arith.constant 0 : i32
      %scan3A_2138 = arith.constant 64 : i32
      %scan3A_2139 = arith.addi %scan3A_2137, %scan3A_2138 : i32
      %scan3A_2140 = arith.constant 1 : i32
      %scan3A_2141:8 = scf.for %scan3A_2895 = %scan3A_2137 to %scan3A_2139 step %scan3A_2140 iter_args(%scan3A_2896 = %broadcast_in_dim3A_2122, %scan3A_2897 = %broadcast_in_dim3A_2124, %scan3A_2898 = %broadcast_in_dim3A_2126, %scan3A_2899 = %broadcast_in_dim3A_2128, %scan3A_2900 = %broadcast_in_dim3A_2130, %scan3A_2901 = %broadcast_in_dim3A_2132, %scan3A_2902 = %broadcast_in_dim3A_2134, %scan3A_2903 = %broadcast_in_dim3A_2136) -> (vector<16xf32>, vector<16xf32>, vector<16xf32>, vector<16xf32>, vector<16xf32>, vector<16xf32>, vector<16xf32>, vector<16xf32>)  : i32 {
        %add3A_2904 = arith.constant 0 : i32
        %add3A_2905 = arith.addi %scan3A_2895, %add3A_2904 : i32
        %mul3A_2906 = arith.constant 16 : i32
        %mul3A_2907 = arith.muli %add3A_2905, %mul3A_2906 : i32
        %get3A_2908 = arith.constant 3 : i32
        %get3A_2909 = arith.index_cast %get3A_2908 : i32 to index
        %get3A_2910 = arith.index_cast %mul3A_2907 : i32 to index
        %get3A_2911 = tpu.vector_load %arg5[%get3A_2909, %get3A_2910] {strides = array<i32>} : memref<8x4096xf32, #tpu.memory_space<vmem>>, vector<16xf32>,
        %min3A_2912 = arith.minimumf %scan3A_2896, %get3A_2911 : vector<16xf32>
        %max3A_2913 = arith.maximumf %scan3A_2896, %get3A_2911 : vector<16xf32>
        %min3A_2914 = arith.minimumf %scan3A_2897, %max3A_2913 : vector<16xf32>
        %add3A_2915 = arith.constant 64 : i32
        %add3A_2916 = arith.addi %scan3A_2895, %add3A_2915 : i32
        %mul3A_2917 = arith.constant 16 : i32
        %mul3A_2918 = arith.muli %add3A_2916, %mul3A_2917 : i32
        %get3A_2919 = arith.constant 3 : i32
        %get3A_2920 = arith.index_cast %get3A_2919 : i32 to index
        %get3A_2921 = arith.index_cast %mul3A_2918 : i32 to index
        %get3A_2922 = tpu.vector_load %arg5[%get3A_2920, %get3A_2921] {strides = array<i32>} : memref<8x4096xf32, #tpu.memory_space<vmem>>, vector<16xf32>,
        %min3A_2923 = arith.minimumf %scan3A_2898, %get3A_2922 : vector<16xf32>
        %max3A_2924 = arith.maximumf %scan3A_2898, %get3A_2922 : vector<16xf32>
        %min3A_2925 = arith.minimumf %scan3A_2899, %max3A_2924 : vector<16xf32>
        %add3A_2926 = arith.constant 128 : i32
        %add3A_2927 = arith.addi %scan3A_2895, %add3A_2926 : i32
        %mul3A_2928 = arith.constant 16 : i32
        %mul3A_2929 = arith.muli %add3A_2927, %mul3A_2928 : i32
        %get3A_2930 = arith.constant 3 : i32
        %get3A_2931 = arith.index_cast %get3A_2930 : i32 to index
        %get3A_2932 = arith.index_cast %mul3A_2929 : i32 to index
        %get3A_2933 = tpu.vector_load %arg5[%get3A_2931, %get3A_2932] {strides = array<i32>} : memref<8x4096xf32, #tpu.memory_space<vmem>>, vector<16xf32>,
        %min3A_2934 = arith.minimumf %scan3A_2900, %get3A_2933 : vector<16xf32>
        %max3A_2935 = arith.maximumf %scan3A_2900, %get3A_2933 : vector<16xf32>
        %min3A_2936 = arith.minimumf %scan3A_2901, %max3A_2935 : vector<16xf32>
        %add3A_2937 = arith.constant 192 : i32
        %add3A_2938 = arith.addi %scan3A_2895, %add3A_2937 : i32
        %mul3A_2939 = arith.constant 16 : i32
        %mul3A_2940 = arith.muli %add3A_2938, %mul3A_2939 : i32
        %get3A_2941 = arith.constant 3 : i32
        %get3A_2942 = arith.index_cast %get3A_2941 : i32 to index
        %get3A_2943 = arith.index_cast %mul3A_2940 : i32 to index
        %get3A_2944 = tpu.vector_load %arg5[%get3A_2942, %get3A_2943] {strides = array<i32>} : memref<8x4096xf32, #tpu.memory_space<vmem>>, vector<16xf32>,
        %min3A_2945 = arith.minimumf %scan3A_2902, %get3A_2944 : vector<16xf32>
        %max3A_2946 = arith.maximumf %scan3A_2902, %get3A_2944 : vector<16xf32>
        %min3A_2947 = arith.minimumf %scan3A_2903, %max3A_2946 : vector<16xf32>
        scf.yield %min3A_2912, %min3A_2914, %min3A_2923, %min3A_2925, %min3A_2934, %min3A_2936, %min3A_2945, %min3A_2947 : vector<16xf32>, vector<16xf32>, vector<16xf32>, vector<16xf32>, vector<16xf32>, vector<16xf32>, vector<16xf32>, vector<16xf32>
      }
      %scan3A_2142 = arith.constant 64 : i32
      %max3A_2143 = arith.maximumf %scan3A_2141#0, %scan3A_2141#2 : vector<16xf32>
      %min3A_2144 = arith.minimumf %scan3A_2141#1, %scan3A_2141#3 : vector<16xf32>
      %min3A_2145 = arith.minimumf %max3A_2143, %min3A_2144 : vector<16xf32>
      %min3A_2146 = arith.minimumf %scan3A_2141#0, %scan3A_2141#2 : vector<16xf32>
      %max3A_2147 = arith.maximumf %min3A_2146, %scan3A_2141#4 : vector<16xf32>
      %min3A_2148 = arith.minimumf %min3A_2145, %scan3A_2141#5 : vector<16xf32>
      %min3A_2149 = arith.minimumf %max3A_2147, %min3A_2148 : vector<16xf32>
      %min3A_2150 = arith.minimumf %min3A_2146, %scan3A_2141#4 : vector<16xf32>
      %max3A_2151 = arith.maximumf %min3A_2150, %scan3A_2141#6 : vector<16xf32>
      %min3A_2152 = arith.minimumf %min3A_2149, %scan3A_2141#7 : vector<16xf32>
      %min3A_2153 = arith.minimumf %max3A_2151, %min3A_2152 : vector<16xf32>
      %min3A_2154 = arith.minimumf %min3A_2150, %scan3A_2141#6 : vector<16xf32>
      %reduce_min3A_2155 = arith.constant true
      %reduce_min3A_2156 = vector.broadcast %reduce_min3A_2155 : i1 to vector<16xi1>
      %reduce_min3A_2157 = tpu.scan <min>, %min3A_2154 masked %reduce_min3A_2156 : vector<16xf32>, vector<16xi1> -> vector<16xf32>
      %reduce_min3A_2158 = vector.extract %reduce_min3A_2157[15] : f32 from vector<16xf32>
      %eq3A_2159 = vector.broadcast %reduce_min3A_2158 : f32 to vector<16xf32>
      %eq3A_2160 = arith.cmpf oeq, %min3A_2154, %eq3A_2159 : vector<16xf32>
      %all_reduce_ffs3A_2161 = tpu.all_reduce %eq3A_2160 {dim = 0 : i64, kind = #tpu.reduction_kind<find_first_set>} : vector<16xi1> -> vector<16xi32>
      %eq3A_2162 = arith.cmpi eq, %iota3A, %all_reduce_ffs3A_2161 : vector<16xi32>
      %jit3A_2163 = arith.constant 3.000000e+38 : f32
      %broadcast_in_dim3A_2164 = vector.broadcast %jit3A_2163 : f32 to vector<16xf32>
      %select_n3A_2165 = arith.select %eq3A_2162, %broadcast_in_dim3A_2164, %min3A_2154 : vector<16xi1>, vector<16xf32>
      %reduce_min3A_2166 = arith.constant true
      %reduce_min3A_2167 = vector.broadcast %reduce_min3A_2166 : i1 to vector<16xi1>
      %reduce_min3A_2168 = tpu.scan <min>, %select_n3A_2165 masked %reduce_min3A_2167 : vector<16xf32>, vector<16xi1> -> vector<16xf32>
      %reduce_min3A_2169 = vector.extract %reduce_min3A_2168[15] : f32 from vector<16xf32>
      %reduce_min3A_2170 = arith.constant true
      %reduce_min3A_2171 = vector.broadcast %reduce_min3A_2170 : i1 to vector<16xi1>
      %reduce_min3A_2172 = tpu.scan <min>, %min3A_2153 masked %reduce_min3A_2171 : vector<16xf32>, vector<16xi1> -> vector<16xf32>
      %reduce_min3A_2173 = vector.extract %reduce_min3A_2172[15] : f32 from vector<16xf32>
      %min3A_2174 = arith.minimumf %reduce_min3A_2169, %reduce_min3A_2173 : f32
      %max3A_2175 = arith.constant 0.000000e+00 : f32
      %max3A_2176 = arith.maximumf %reduce_max3A_2111, %max3A_2175 : f32
      %sub3A_2177 = arith.subf %max3A_2176, %min3A_2174 : f32
      %add3A_2178 = arith.constant 3.000000e-01 : f32
      %add3A_2179 = arith.addf %sub3A_2177, %add3A_2178 : f32
      %max3A_2180 = arith.constant 0.000000e+00 : f32
      %max3A_2181 = arith.maximumf %add3A_2179, %max3A_2180 : f32
      %add3A_2182 = arith.addf %add3A_2004, %max3A_2181 : f32
      %add3A_2183 = arith.constant 4 : i32
      %add3A_2184 = arith.addi %add3A_1470, %add3A_2183 : i32
      %jit3A_2185 = arith.constant 16 : i32
      %div3A_2186 = arith.divsi %add3A_2184, %jit3A_2185 : i32
      %sign3A_2187 = arith.constant 0 : i32
      %sign3A_2188 = arith.cmpi sgt, %add3A_2184, %sign3A_2187 : i32
      %sign3A_2189 = arith.extui %sign3A_2188 : i1 to i32
      %sign3A_2190 = arith.constant 0 : i32
      %sign3A_2191 = arith.cmpi slt, %add3A_2184, %sign3A_2190 : i32
      %sign3A_2192 = arith.extui %sign3A_2191 : i1 to i32
      %sign3A_2193 = arith.subi %sign3A_2189, %sign3A_2192 : i32
      %sign3A_2194 = arith.constant 0 : i32
      %sign3A_2195 = arith.cmpi sgt, %jit3A_2185, %sign3A_2194 : i32
      %sign3A_2196 = arith.extui %sign3A_2195 : i1 to i32
      %sign3A_2197 = arith.constant 0 : i32
      %sign3A_2198 = arith.cmpi slt, %jit3A_2185, %sign3A_2197 : i32
      %sign3A_2199 = arith.extui %sign3A_2198 : i1 to i32
      %sign3A_2200 = arith.subi %sign3A_2196, %sign3A_2199 : i32
      %ne3A_2201 = arith.cmpi ne, %sign3A_2193, %sign3A_2200 : i32
      %rem3A_2202 = arith.remsi %add3A_2184, %jit3A_2185 : i32
      %ne3A_2203 = arith.constant 0 : i32
      %ne3A_2204 = arith.cmpi ne, %rem3A_2202, %ne3A_2203 : i32
      %and3A_2205 = arith.andi %ne3A_2201, %ne3A_2204 : i1
      %sub3A_2206 = arith.constant 1 : i32
      %sub3A_2207 = arith.subi %div3A_2186, %sub3A_2206 : i32
      %select_n3A_2208 = arith.select %and3A_2205, %sub3A_2207, %div3A_2186 : i32
      %jit3A_2209 = arith.constant 8 : i32
      %div3A_2210 = arith.divsi %add3A_2184, %jit3A_2209 : i32
      %sign3A_2211 = arith.constant 0 : i32
      %sign3A_2212 = arith.cmpi sgt, %add3A_2184, %sign3A_2211 : i32
      %sign3A_2213 = arith.extui %sign3A_2212 : i1 to i32
      %sign3A_2214 = arith.constant 0 : i32
      %sign3A_2215 = arith.cmpi slt, %add3A_2184, %sign3A_2214 : i32
      %sign3A_2216 = arith.extui %sign3A_2215 : i1 to i32
      %sign3A_2217 = arith.subi %sign3A_2213, %sign3A_2216 : i32
      %sign3A_2218 = arith.constant 0 : i32
      %sign3A_2219 = arith.cmpi sgt, %jit3A_2209, %sign3A_2218 : i32
      %sign3A_2220 = arith.extui %sign3A_2219 : i1 to i32
      %sign3A_2221 = arith.constant 0 : i32
      %sign3A_2222 = arith.cmpi slt, %jit3A_2209, %sign3A_2221 : i32
      %sign3A_2223 = arith.extui %sign3A_2222 : i1 to i32
      %sign3A_2224 = arith.subi %sign3A_2220, %sign3A_2223 : i32
      %ne3A_2225 = arith.cmpi ne, %sign3A_2217, %sign3A_2224 : i32
      %rem3A_2226 = arith.remsi %add3A_2184, %jit3A_2209 : i32
      %ne3A_2227 = arith.constant 0 : i32
      %ne3A_2228 = arith.cmpi ne, %rem3A_2226, %ne3A_2227 : i32
      %and3A_2229 = arith.andi %ne3A_2225, %ne3A_2228 : i1
      %sub3A_2230 = arith.constant 1 : i32
      %sub3A_2231 = arith.subi %div3A_2210, %sub3A_2230 : i32
      %select_n3A_2232 = arith.select %and3A_2229, %sub3A_2231, %div3A_2210 : i32
      %jit3A_2233 = arith.constant 2 : i32
      %eq3A_2234 = arith.constant 0 : i32
      %eq3A_2235 = arith.cmpi eq, %jit3A_2233, %eq3A_2234 : i32
      %jit3A_2236 = arith.constant 1 : i32
      %select_n3A_2237 = arith.select %eq3A_2235, %jit3A_2236, %jit3A_2233 : i32
      %rem3A_2238 = arith.remsi %select_n3A_2232, %select_n3A_2237 : i32
      %ne3A_2239 = arith.constant 0 : i32
      %ne3A_2240 = arith.cmpi ne, %rem3A_2238, %ne3A_2239 : i32
      %lt3A_2241 = arith.constant 0 : i32
      %lt3A_2242 = arith.cmpi slt, %rem3A_2238, %lt3A_2241 : i32
      %lt3A_2243 = arith.constant 0 : i32
      %lt3A_2244 = arith.cmpi slt, %select_n3A_2237, %lt3A_2243 : i32
      %ne3A_2245 = arith.xori %lt3A_2242, %lt3A_2244 : i1
      %and3A_2246 = arith.andi %ne3A_2245, %ne3A_2240 : i1
      %add3A_2247 = arith.addi %rem3A_2238, %select_n3A_2237 : i32
      %select_n3A_2248 = arith.select %and3A_2246, %add3A_2247, %rem3A_2238 : i32
      %mul3A_2249 = arith.constant 8 : i32
      %mul3A_2250 = arith.muli %select_n3A_2248, %mul3A_2249 : i32
      %jit3A_2251 = arith.constant 16 : i32
      %eq3A_2252 = arith.constant 0 : i32
      %eq3A_2253 = arith.cmpi eq, %jit3A_2251, %eq3A_2252 : i32
      %jit3A_2254 = arith.constant 1 : i32
      %select_n3A_2255 = arith.select %eq3A_2253, %jit3A_2254, %jit3A_2251 : i32
      %rem3A_2256 = arith.remsi %add3A_2184, %select_n3A_2255 : i32
      %ne3A_2257 = arith.constant 0 : i32
      %ne3A_2258 = arith.cmpi ne, %rem3A_2256, %ne3A_2257 : i32
      %lt3A_2259 = arith.constant 0 : i32
      %lt3A_2260 = arith.cmpi slt, %rem3A_2256, %lt3A_2259 : i32
      %lt3A_2261 = arith.constant 0 : i32
      %lt3A_2262 = arith.cmpi slt, %select_n3A_2255, %lt3A_2261 : i32
      %ne3A_2263 = arith.xori %lt3A_2260, %lt3A_2262 : i1
      %and3A_2264 = arith.andi %ne3A_2263, %ne3A_2258 : i1
      %add3A_2265 = arith.addi %rem3A_2256, %select_n3A_2255 : i32
      %select_n3A_2266 = arith.select %and3A_2264, %add3A_2265, %rem3A_2256 : i32
      %mul3A_2267 = arith.constant 16 : i32
      %mul3A_2268 = arith.muli %select_n3A_2208, %mul3A_2267 : i32
      %get3A_2269 = arith.constant 4 : i32
      %get3A_2270 = arith.index_cast %get3A_2269 : i32 to index
      %get3A_2271 = arith.index_cast %mul3A_2268 : i32 to index
      %get3A_2272 = tpu.vector_load %arg5[%get3A_2270, %get3A_2271] {strides = array<i32>} : memref<8x4096xf32, #tpu.memory_space<vmem>>, vector<16xf32>,
      %ge3A_2273 = vector.broadcast %mul3A_2250 : i32 to vector<16xi32>
      %ge3A_2274 = arith.cmpi sge, %iota3A, %ge3A_2273 : vector<16xi32>
      %add3A_2275 = arith.constant 8 : i32
      %add3A_2276 = arith.addi %mul3A_2250, %add3A_2275 : i32
      %lt3A_2277 = vector.broadcast %add3A_2276 : i32 to vector<16xi32>
      %lt3A_2278 = arith.cmpi slt, %iota3A, %lt3A_2277 : vector<16xi32>
      %and3A_2279 = arith.andi %ge3A_2274, %lt3A_2278 : vector<16xi1>
      %ne3A_2280 = vector.broadcast %select_n3A_2266 : i32 to vector<16xi32>
      %ne3A_2281 = arith.cmpi ne, %iota3A, %ne3A_2280 : vector<16xi32>
      %and3A_2282 = arith.andi %and3A_2279, %ne3A_2281 : vector<16xi1>
      %jit3A_2283 = arith.constant -3.000000e+38 : f32
      %broadcast_in_dim3A_2284 = vector.broadcast %jit3A_2283 : f32 to vector<16xf32>
      %select_n3A_2285 = arith.select %and3A_2282, %get3A_2272, %broadcast_in_dim3A_2284 : vector<16xi1>, vector<16xf32>
      %reduce_max3A_2286 = arith.constant true
      %reduce_max3A_2287 = vector.broadcast %reduce_max3A_2286 : i1 to vector<16xi1>
      %reduce_max3A_2288 = tpu.scan <max>, %select_n3A_2285 masked %reduce_max3A_2287 : vector<16xf32>, vector<16xi1> -> vector<16xf32>
      %reduce_max3A_2289 = vector.extract %reduce_max3A_2288[15] : f32 from vector<16xf32>
      %jit3A_2290 = arith.constant 3.000000e+38 : f32
      %broadcast_in_dim3A_2291 = vector.broadcast %jit3A_2290 : f32 to vector<16xf32>
      %select_n3A_2292 = arith.select %and3A_2282, %broadcast_in_dim3A_2291, %get3A_2272 : vector<16xi1>, vector<16xf32>
      %mul3A_2293 = arith.constant 16 : i32
      %mul3A_2294 = arith.muli %select_n3A_2208, %mul3A_2293 : i32
      %swap3A_2295 = arith.constant 4 : i32
      %swap3A_2296 = arith.index_cast %swap3A_2295 : i32 to index
      %swap3A_2297 = arith.index_cast %mul3A_2294 : i32 to index
      %swap3A_2298 = tpu.vector_load %arg5[%swap3A_2296, %swap3A_2297] {strides = array<i32>} : memref<8x4096xf32, #tpu.memory_space<vmem>>, vector<16xf32>,
      tpu.vector_store %arg5[%swap3A_2296, %swap3A_2297], %select_n3A_2292 {strides = array<i32>} : memref<8x4096xf32, #tpu.memory_space<vmem>>, vector<16xf32>,
      %broadcast_in_dim3A_2299 = arith.constant 3.000000e+38 : f32
      %broadcast_in_dim3A_2300 = vector.broadcast %broadcast_in_dim3A_2299 : f32 to vector<16xf32>
      %broadcast_in_dim3A_2301 = arith.constant 3.000000e+38 : f32
      %broadcast_in_dim3A_2302 = vector.broadcast %broadcast_in_dim3A_2301 : f32 to vector<16xf32>
      %broadcast_in_dim3A_2303 = arith.constant 3.000000e+38 : f32
      %broadcast_in_dim3A_2304 = vector.broadcast %broadcast_in_dim3A_2303 : f32 to vector<16xf32>
      %broadcast_in_dim3A_2305 = arith.constant 3.000000e+38 : f32
      %broadcast_in_dim3A_2306 = vector.broadcast %broadcast_in_dim3A_2305 : f32 to vector<16xf32>
      %broadcast_in_dim3A_2307 = arith.constant 3.000000e+38 : f32
      %broadcast_in_dim3A_2308 = vector.broadcast %broadcast_in_dim3A_2307 : f32 to vector<16xf32>
      %broadcast_in_dim3A_2309 = arith.constant 3.000000e+38 : f32
      %broadcast_in_dim3A_2310 = vector.broadcast %broadcast_in_dim3A_2309 : f32 to vector<16xf32>
      %broadcast_in_dim3A_2311 = arith.constant 3.000000e+38 : f32
      %broadcast_in_dim3A_2312 = vector.broadcast %broadcast_in_dim3A_2311 : f32 to vector<16xf32>
      %broadcast_in_dim3A_2313 = arith.constant 3.000000e+38 : f32
      %broadcast_in_dim3A_2314 = vector.broadcast %broadcast_in_dim3A_2313 : f32 to vector<16xf32>
      %scan3A_2315 = arith.constant 0 : i32
      %scan3A_2316 = arith.constant 64 : i32
      %scan3A_2317 = arith.addi %scan3A_2315, %scan3A_2316 : i32
      %scan3A_2318 = arith.constant 1 : i32
      %scan3A_2319:8 = scf.for %scan3A_2895 = %scan3A_2315 to %scan3A_2317 step %scan3A_2318 iter_args(%scan3A_2896 = %broadcast_in_dim3A_2300, %scan3A_2897 = %broadcast_in_dim3A_2302, %scan3A_2898 = %broadcast_in_dim3A_2304, %scan3A_2899 = %broadcast_in_dim3A_2306, %scan3A_2900 = %broadcast_in_dim3A_2308, %scan3A_2901 = %broadcast_in_dim3A_2310, %scan3A_2902 = %broadcast_in_dim3A_2312, %scan3A_2903 = %broadcast_in_dim3A_2314) -> (vector<16xf32>, vector<16xf32>, vector<16xf32>, vector<16xf32>, vector<16xf32>, vector<16xf32>, vector<16xf32>, vector<16xf32>)  : i32 {
        %add3A_2904 = arith.constant 0 : i32
        %add3A_2905 = arith.addi %scan3A_2895, %add3A_2904 : i32
        %mul3A_2906 = arith.constant 16 : i32
        %mul3A_2907 = arith.muli %add3A_2905, %mul3A_2906 : i32
        %get3A_2908 = arith.constant 4 : i32
        %get3A_2909 = arith.index_cast %get3A_2908 : i32 to index
        %get3A_2910 = arith.index_cast %mul3A_2907 : i32 to index
        %get3A_2911 = tpu.vector_load %arg5[%get3A_2909, %get3A_2910] {strides = array<i32>} : memref<8x4096xf32, #tpu.memory_space<vmem>>, vector<16xf32>,
        %min3A_2912 = arith.minimumf %scan3A_2896, %get3A_2911 : vector<16xf32>
        %max3A_2913 = arith.maximumf %scan3A_2896, %get3A_2911 : vector<16xf32>
        %min3A_2914 = arith.minimumf %scan3A_2897, %max3A_2913 : vector<16xf32>
        %add3A_2915 = arith.constant 64 : i32
        %add3A_2916 = arith.addi %scan3A_2895, %add3A_2915 : i32
        %mul3A_2917 = arith.constant 16 : i32
        %mul3A_2918 = arith.muli %add3A_2916, %mul3A_2917 : i32
        %get3A_2919 = arith.constant 4 : i32
        %get3A_2920 = arith.index_cast %get3A_2919 : i32 to index
        %get3A_2921 = arith.index_cast %mul3A_2918 : i32 to index
        %get3A_2922 = tpu.vector_load %arg5[%get3A_2920, %get3A_2921] {strides = array<i32>} : memref<8x4096xf32, #tpu.memory_space<vmem>>, vector<16xf32>,
        %min3A_2923 = arith.minimumf %scan3A_2898, %get3A_2922 : vector<16xf32>
        %max3A_2924 = arith.maximumf %scan3A_2898, %get3A_2922 : vector<16xf32>
        %min3A_2925 = arith.minimumf %scan3A_2899, %max3A_2924 : vector<16xf32>
        %add3A_2926 = arith.constant 128 : i32
        %add3A_2927 = arith.addi %scan3A_2895, %add3A_2926 : i32
        %mul3A_2928 = arith.constant 16 : i32
        %mul3A_2929 = arith.muli %add3A_2927, %mul3A_2928 : i32
        %get3A_2930 = arith.constant 4 : i32
        %get3A_2931 = arith.index_cast %get3A_2930 : i32 to index
        %get3A_2932 = arith.index_cast %mul3A_2929 : i32 to index
        %get3A_2933 = tpu.vector_load %arg5[%get3A_2931, %get3A_2932] {strides = array<i32>} : memref<8x4096xf32, #tpu.memory_space<vmem>>, vector<16xf32>,
        %min3A_2934 = arith.minimumf %scan3A_2900, %get3A_2933 : vector<16xf32>
        %max3A_2935 = arith.maximumf %scan3A_2900, %get3A_2933 : vector<16xf32>
        %min3A_2936 = arith.minimumf %scan3A_2901, %max3A_2935 : vector<16xf32>
        %add3A_2937 = arith.constant 192 : i32
        %add3A_2938 = arith.addi %scan3A_2895, %add3A_2937 : i32
        %mul3A_2939 = arith.constant 16 : i32
        %mul3A_2940 = arith.muli %add3A_2938, %mul3A_2939 : i32
        %get3A_2941 = arith.constant 4 : i32
        %get3A_2942 = arith.index_cast %get3A_2941 : i32 to index
        %get3A_2943 = arith.index_cast %mul3A_2940 : i32 to index
        %get3A_2944 = tpu.vector_load %arg5[%get3A_2942, %get3A_2943] {strides = array<i32>} : memref<8x4096xf32, #tpu.memory_space<vmem>>, vector<16xf32>,
        %min3A_2945 = arith.minimumf %scan3A_2902, %get3A_2944 : vector<16xf32>
        %max3A_2946 = arith.maximumf %scan3A_2902, %get3A_2944 : vector<16xf32>
        %min3A_2947 = arith.minimumf %scan3A_2903, %max3A_2946 : vector<16xf32>
        scf.yield %min3A_2912, %min3A_2914, %min3A_2923, %min3A_2925, %min3A_2934, %min3A_2936, %min3A_2945, %min3A_2947 : vector<16xf32>, vector<16xf32>, vector<16xf32>, vector<16xf32>, vector<16xf32>, vector<16xf32>, vector<16xf32>, vector<16xf32>
      }
      %scan3A_2320 = arith.constant 64 : i32
      %max3A_2321 = arith.maximumf %scan3A_2319#0, %scan3A_2319#2 : vector<16xf32>
      %min3A_2322 = arith.minimumf %scan3A_2319#1, %scan3A_2319#3 : vector<16xf32>
      %min3A_2323 = arith.minimumf %max3A_2321, %min3A_2322 : vector<16xf32>
      %min3A_2324 = arith.minimumf %scan3A_2319#0, %scan3A_2319#2 : vector<16xf32>
      %max3A_2325 = arith.maximumf %min3A_2324, %scan3A_2319#4 : vector<16xf32>
      %min3A_2326 = arith.minimumf %min3A_2323, %scan3A_2319#5 : vector<16xf32>
      %min3A_2327 = arith.minimumf %max3A_2325, %min3A_2326 : vector<16xf32>
      %min3A_2328 = arith.minimumf %min3A_2324, %scan3A_2319#4 : vector<16xf32>
      %max3A_2329 = arith.maximumf %min3A_2328, %scan3A_2319#6 : vector<16xf32>
      %min3A_2330 = arith.minimumf %min3A_2327, %scan3A_2319#7 : vector<16xf32>
      %min3A_2331 = arith.minimumf %max3A_2329, %min3A_2330 : vector<16xf32>
      %min3A_2332 = arith.minimumf %min3A_2328, %scan3A_2319#6 : vector<16xf32>
      %reduce_min3A_2333 = arith.constant true
      %reduce_min3A_2334 = vector.broadcast %reduce_min3A_2333 : i1 to vector<16xi1>
      %reduce_min3A_2335 = tpu.scan <min>, %min3A_2332 masked %reduce_min3A_2334 : vector<16xf32>, vector<16xi1> -> vector<16xf32>
      %reduce_min3A_2336 = vector.extract %reduce_min3A_2335[15] : f32 from vector<16xf32>
      %eq3A_2337 = vector.broadcast %reduce_min3A_2336 : f32 to vector<16xf32>
      %eq3A_2338 = arith.cmpf oeq, %min3A_2332, %eq3A_2337 : vector<16xf32>
      %all_reduce_ffs3A_2339 = tpu.all_reduce %eq3A_2338 {dim = 0 : i64, kind = #tpu.reduction_kind<find_first_set>} : vector<16xi1> -> vector<16xi32>
      %eq3A_2340 = arith.cmpi eq, %iota3A, %all_reduce_ffs3A_2339 : vector<16xi32>
      %jit3A_2341 = arith.constant 3.000000e+38 : f32
      %broadcast_in_dim3A_2342 = vector.broadcast %jit3A_2341 : f32 to vector<16xf32>
      %select_n3A_2343 = arith.select %eq3A_2340, %broadcast_in_dim3A_2342, %min3A_2332 : vector<16xi1>, vector<16xf32>
      %reduce_min3A_2344 = arith.constant true
      %reduce_min3A_2345 = vector.broadcast %reduce_min3A_2344 : i1 to vector<16xi1>
      %reduce_min3A_2346 = tpu.scan <min>, %select_n3A_2343 masked %reduce_min3A_2345 : vector<16xf32>, vector<16xi1> -> vector<16xf32>
      %reduce_min3A_2347 = vector.extract %reduce_min3A_2346[15] : f32 from vector<16xf32>
      %reduce_min3A_2348 = arith.constant true
      %reduce_min3A_2349 = vector.broadcast %reduce_min3A_2348 : i1 to vector<16xi1>
      %reduce_min3A_2350 = tpu.scan <min>, %min3A_2331 masked %reduce_min3A_2349 : vector<16xf32>, vector<16xi1> -> vector<16xf32>
      %reduce_min3A_2351 = vector.extract %reduce_min3A_2350[15] : f32 from vector<16xf32>
      %min3A_2352 = arith.minimumf %reduce_min3A_2347, %reduce_min3A_2351 : f32
      %max3A_2353 = arith.constant 0.000000e+00 : f32
      %max3A_2354 = arith.maximumf %reduce_max3A_2289, %max3A_2353 : f32
      %sub3A_2355 = arith.subf %max3A_2354, %min3A_2352 : f32
      %add3A_2356 = arith.constant 3.000000e-01 : f32
      %add3A_2357 = arith.addf %sub3A_2355, %add3A_2356 : f32
      %max3A_2358 = arith.constant 0.000000e+00 : f32
      %max3A_2359 = arith.maximumf %add3A_2357, %max3A_2358 : f32
      %add3A_2360 = arith.addf %add3A_2182, %max3A_2359 : f32
      %add3A_2361 = arith.constant 5 : i32
      %add3A_2362 = arith.addi %add3A_1470, %add3A_2361 : i32
      %jit3A_2363 = arith.constant 16 : i32
      %div3A_2364 = arith.divsi %add3A_2362, %jit3A_2363 : i32
      %sign3A_2365 = arith.constant 0 : i32
      %sign3A_2366 = arith.cmpi sgt, %add3A_2362, %sign3A_2365 : i32
      %sign3A_2367 = arith.extui %sign3A_2366 : i1 to i32
      %sign3A_2368 = arith.constant 0 : i32
      %sign3A_2369 = arith.cmpi slt, %add3A_2362, %sign3A_2368 : i32
      %sign3A_2370 = arith.extui %sign3A_2369 : i1 to i32
      %sign3A_2371 = arith.subi %sign3A_2367, %sign3A_2370 : i32
      %sign3A_2372 = arith.constant 0 : i32
      %sign3A_2373 = arith.cmpi sgt, %jit3A_2363, %sign3A_2372 : i32
      %sign3A_2374 = arith.extui %sign3A_2373 : i1 to i32
      %sign3A_2375 = arith.constant 0 : i32
      %sign3A_2376 = arith.cmpi slt, %jit3A_2363, %sign3A_2375 : i32
      %sign3A_2377 = arith.extui %sign3A_2376 : i1 to i32
      %sign3A_2378 = arith.subi %sign3A_2374, %sign3A_2377 : i32
      %ne3A_2379 = arith.cmpi ne, %sign3A_2371, %sign3A_2378 : i32
      %rem3A_2380 = arith.remsi %add3A_2362, %jit3A_2363 : i32
      %ne3A_2381 = arith.constant 0 : i32
      %ne3A_2382 = arith.cmpi ne, %rem3A_2380, %ne3A_2381 : i32
      %and3A_2383 = arith.andi %ne3A_2379, %ne3A_2382 : i1
      %sub3A_2384 = arith.constant 1 : i32
      %sub3A_2385 = arith.subi %div3A_2364, %sub3A_2384 : i32
      %select_n3A_2386 = arith.select %and3A_2383, %sub3A_2385, %div3A_2364 : i32
      %jit3A_2387 = arith.constant 8 : i32
      %div3A_2388 = arith.divsi %add3A_2362, %jit3A_2387 : i32
      %sign3A_2389 = arith.constant 0 : i32
      %sign3A_2390 = arith.cmpi sgt, %add3A_2362, %sign3A_2389 : i32
      %sign3A_2391 = arith.extui %sign3A_2390 : i1 to i32
      %sign3A_2392 = arith.constant 0 : i32
      %sign3A_2393 = arith.cmpi slt, %add3A_2362, %sign3A_2392 : i32
      %sign3A_2394 = arith.extui %sign3A_2393 : i1 to i32
      %sign3A_2395 = arith.subi %sign3A_2391, %sign3A_2394 : i32
      %sign3A_2396 = arith.constant 0 : i32
      %sign3A_2397 = arith.cmpi sgt, %jit3A_2387, %sign3A_2396 : i32
      %sign3A_2398 = arith.extui %sign3A_2397 : i1 to i32
      %sign3A_2399 = arith.constant 0 : i32
      %sign3A_2400 = arith.cmpi slt, %jit3A_2387, %sign3A_2399 : i32
      %sign3A_2401 = arith.extui %sign3A_2400 : i1 to i32
      %sign3A_2402 = arith.subi %sign3A_2398, %sign3A_2401 : i32
      %ne3A_2403 = arith.cmpi ne, %sign3A_2395, %sign3A_2402 : i32
      %rem3A_2404 = arith.remsi %add3A_2362, %jit3A_2387 : i32
      %ne3A_2405 = arith.constant 0 : i32
      %ne3A_2406 = arith.cmpi ne, %rem3A_2404, %ne3A_2405 : i32
      %and3A_2407 = arith.andi %ne3A_2403, %ne3A_2406 : i1
      %sub3A_2408 = arith.constant 1 : i32
      %sub3A_2409 = arith.subi %div3A_2388, %sub3A_2408 : i32
      %select_n3A_2410 = arith.select %and3A_2407, %sub3A_2409, %div3A_2388 : i32
      %jit3A_2411 = arith.constant 2 : i32
      %eq3A_2412 = arith.constant 0 : i32
      %eq3A_2413 = arith.cmpi eq, %jit3A_2411, %eq3A_2412 : i32
      %jit3A_2414 = arith.constant 1 : i32
      %select_n3A_2415 = arith.select %eq3A_2413, %jit3A_2414, %jit3A_2411 : i32
      %rem3A_2416 = arith.remsi %select_n3A_2410, %select_n3A_2415 : i32
      %ne3A_2417 = arith.constant 0 : i32
      %ne3A_2418 = arith.cmpi ne, %rem3A_2416, %ne3A_2417 : i32
      %lt3A_2419 = arith.constant 0 : i32
      %lt3A_2420 = arith.cmpi slt, %rem3A_2416, %lt3A_2419 : i32
      %lt3A_2421 = arith.constant 0 : i32
      %lt3A_2422 = arith.cmpi slt, %select_n3A_2415, %lt3A_2421 : i32
      %ne3A_2423 = arith.xori %lt3A_2420, %lt3A_2422 : i1
      %and3A_2424 = arith.andi %ne3A_2423, %ne3A_2418 : i1
      %add3A_2425 = arith.addi %rem3A_2416, %select_n3A_2415 : i32
      %select_n3A_2426 = arith.select %and3A_2424, %add3A_2425, %rem3A_2416 : i32
      %mul3A_2427 = arith.constant 8 : i32
      %mul3A_2428 = arith.muli %select_n3A_2426, %mul3A_2427 : i32
      %jit3A_2429 = arith.constant 16 : i32
      %eq3A_2430 = arith.constant 0 : i32
      %eq3A_2431 = arith.cmpi eq, %jit3A_2429, %eq3A_2430 : i32
      %jit3A_2432 = arith.constant 1 : i32
      %select_n3A_2433 = arith.select %eq3A_2431, %jit3A_2432, %jit3A_2429 : i32
      %rem3A_2434 = arith.remsi %add3A_2362, %select_n3A_2433 : i32
      %ne3A_2435 = arith.constant 0 : i32
      %ne3A_2436 = arith.cmpi ne, %rem3A_2434, %ne3A_2435 : i32
      %lt3A_2437 = arith.constant 0 : i32
      %lt3A_2438 = arith.cmpi slt, %rem3A_2434, %lt3A_2437 : i32
      %lt3A_2439 = arith.constant 0 : i32
      %lt3A_2440 = arith.cmpi slt, %select_n3A_2433, %lt3A_2439 : i32
      %ne3A_2441 = arith.xori %lt3A_2438, %lt3A_2440 : i1
      %and3A_2442 = arith.andi %ne3A_2441, %ne3A_2436 : i1
      %add3A_2443 = arith.addi %rem3A_2434, %select_n3A_2433 : i32
      %select_n3A_2444 = arith.select %and3A_2442, %add3A_2443, %rem3A_2434 : i32
      %mul3A_2445 = arith.constant 16 : i32
      %mul3A_2446 = arith.muli %select_n3A_2386, %mul3A_2445 : i32
      %get3A_2447 = arith.constant 5 : i32
      %get3A_2448 = arith.index_cast %get3A_2447 : i32 to index
      %get3A_2449 = arith.index_cast %mul3A_2446 : i32 to index
      %get3A_2450 = tpu.vector_load %arg5[%get3A_2448, %get3A_2449] {strides = array<i32>} : memref<8x4096xf32, #tpu.memory_space<vmem>>, vector<16xf32>,
      %ge3A_2451 = vector.broadcast %mul3A_2428 : i32 to vector<16xi32>
      %ge3A_2452 = arith.cmpi sge, %iota3A, %ge3A_2451 : vector<16xi32>
      %add3A_2453 = arith.constant 8 : i32
      %add3A_2454 = arith.addi %mul3A_2428, %add3A_2453 : i32
      %lt3A_2455 = vector.broadcast %add3A_2454 : i32 to vector<16xi32>
      %lt3A_2456 = arith.cmpi slt, %iota3A, %lt3A_2455 : vector<16xi32>
      %and3A_2457 = arith.andi %ge3A_2452, %lt3A_2456 : vector<16xi1>
      %ne3A_2458 = vector.broadcast %select_n3A_2444 : i32 to vector<16xi32>
      %ne3A_2459 = arith.cmpi ne, %iota3A, %ne3A_2458 : vector<16xi32>
      %and3A_2460 = arith.andi %and3A_2457, %ne3A_2459 : vector<16xi1>
      %jit3A_2461 = arith.constant -3.000000e+38 : f32
      %broadcast_in_dim3A_2462 = vector.broadcast %jit3A_2461 : f32 to vector<16xf32>
      %select_n3A_2463 = arith.select %and3A_2460, %get3A_2450, %broadcast_in_dim3A_2462 : vector<16xi1>, vector<16xf32>
      %reduce_max3A_2464 = arith.constant true
      %reduce_max3A_2465 = vector.broadcast %reduce_max3A_2464 : i1 to vector<16xi1>
      %reduce_max3A_2466 = tpu.scan <max>, %select_n3A_2463 masked %reduce_max3A_2465 : vector<16xf32>, vector<16xi1> -> vector<16xf32>
      %reduce_max3A_2467 = vector.extract %reduce_max3A_2466[15] : f32 from vector<16xf32>
      %jit3A_2468 = arith.constant 3.000000e+38 : f32
      %broadcast_in_dim3A_2469 = vector.broadcast %jit3A_2468 : f32 to vector<16xf32>
      %select_n3A_2470 = arith.select %and3A_2460, %broadcast_in_dim3A_2469, %get3A_2450 : vector<16xi1>, vector<16xf32>
      %mul3A_2471 = arith.constant 16 : i32
      %mul3A_2472 = arith.muli %select_n3A_2386, %mul3A_2471 : i32
      %swap3A_2473 = arith.constant 5 : i32
      %swap3A_2474 = arith.index_cast %swap3A_2473 : i32 to index
      %swap3A_2475 = arith.index_cast %mul3A_2472 : i32 to index
      %swap3A_2476 = tpu.vector_load %arg5[%swap3A_2474, %swap3A_2475] {strides = array<i32>} : memref<8x4096xf32, #tpu.memory_space<vmem>>, vector<16xf32>,
      tpu.vector_store %arg5[%swap3A_2474, %swap3A_2475], %select_n3A_2470 {strides = array<i32>} : memref<8x4096xf32, #tpu.memory_space<vmem>>, vector<16xf32>,
      %broadcast_in_dim3A_2477 = arith.constant 3.000000e+38 : f32
      %broadcast_in_dim3A_2478 = vector.broadcast %broadcast_in_dim3A_2477 : f32 to vector<16xf32>
      %broadcast_in_dim3A_2479 = arith.constant 3.000000e+38 : f32
      %broadcast_in_dim3A_2480 = vector.broadcast %broadcast_in_dim3A_2479 : f32 to vector<16xf32>
      %broadcast_in_dim3A_2481 = arith.constant 3.000000e+38 : f32
      %broadcast_in_dim3A_2482 = vector.broadcast %broadcast_in_dim3A_2481 : f32 to vector<16xf32>
      %broadcast_in_dim3A_2483 = arith.constant 3.000000e+38 : f32
      %broadcast_in_dim3A_2484 = vector.broadcast %broadcast_in_dim3A_2483 : f32 to vector<16xf32>
      %broadcast_in_dim3A_2485 = arith.constant 3.000000e+38 : f32
      %broadcast_in_dim3A_2486 = vector.broadcast %broadcast_in_dim3A_2485 : f32 to vector<16xf32>
      %broadcast_in_dim3A_2487 = arith.constant 3.000000e+38 : f32
      %broadcast_in_dim3A_2488 = vector.broadcast %broadcast_in_dim3A_2487 : f32 to vector<16xf32>
      %broadcast_in_dim3A_2489 = arith.constant 3.000000e+38 : f32
      %broadcast_in_dim3A_2490 = vector.broadcast %broadcast_in_dim3A_2489 : f32 to vector<16xf32>
      %broadcast_in_dim3A_2491 = arith.constant 3.000000e+38 : f32
      %broadcast_in_dim3A_2492 = vector.broadcast %broadcast_in_dim3A_2491 : f32 to vector<16xf32>
      %scan3A_2493 = arith.constant 0 : i32
      %scan3A_2494 = arith.constant 64 : i32
      %scan3A_2495 = arith.addi %scan3A_2493, %scan3A_2494 : i32
      %scan3A_2496 = arith.constant 1 : i32
      %scan3A_2497:8 = scf.for %scan3A_2895 = %scan3A_2493 to %scan3A_2495 step %scan3A_2496 iter_args(%scan3A_2896 = %broadcast_in_dim3A_2478, %scan3A_2897 = %broadcast_in_dim3A_2480, %scan3A_2898 = %broadcast_in_dim3A_2482, %scan3A_2899 = %broadcast_in_dim3A_2484, %scan3A_2900 = %broadcast_in_dim3A_2486, %scan3A_2901 = %broadcast_in_dim3A_2488, %scan3A_2902 = %broadcast_in_dim3A_2490, %scan3A_2903 = %broadcast_in_dim3A_2492) -> (vector<16xf32>, vector<16xf32>, vector<16xf32>, vector<16xf32>, vector<16xf32>, vector<16xf32>, vector<16xf32>, vector<16xf32>)  : i32 {
        %add3A_2904 = arith.constant 0 : i32
        %add3A_2905 = arith.addi %scan3A_2895, %add3A_2904 : i32
        %mul3A_2906 = arith.constant 16 : i32
        %mul3A_2907 = arith.muli %add3A_2905, %mul3A_2906 : i32
        %get3A_2908 = arith.constant 5 : i32
        %get3A_2909 = arith.index_cast %get3A_2908 : i32 to index
        %get3A_2910 = arith.index_cast %mul3A_2907 : i32 to index
        %get3A_2911 = tpu.vector_load %arg5[%get3A_2909, %get3A_2910] {strides = array<i32>} : memref<8x4096xf32, #tpu.memory_space<vmem>>, vector<16xf32>,
        %min3A_2912 = arith.minimumf %scan3A_2896, %get3A_2911 : vector<16xf32>
        %max3A_2913 = arith.maximumf %scan3A_2896, %get3A_2911 : vector<16xf32>
        %min3A_2914 = arith.minimumf %scan3A_2897, %max3A_2913 : vector<16xf32>
        %add3A_2915 = arith.constant 64 : i32
        %add3A_2916 = arith.addi %scan3A_2895, %add3A_2915 : i32
        %mul3A_2917 = arith.constant 16 : i32
        %mul3A_2918 = arith.muli %add3A_2916, %mul3A_2917 : i32
        %get3A_2919 = arith.constant 5 : i32
        %get3A_2920 = arith.index_cast %get3A_2919 : i32 to index
        %get3A_2921 = arith.index_cast %mul3A_2918 : i32 to index
        %get3A_2922 = tpu.vector_load %arg5[%get3A_2920, %get3A_2921] {strides = array<i32>} : memref<8x4096xf32, #tpu.memory_space<vmem>>, vector<16xf32>,
        %min3A_2923 = arith.minimumf %scan3A_2898, %get3A_2922 : vector<16xf32>
        %max3A_2924 = arith.maximumf %scan3A_2898, %get3A_2922 : vector<16xf32>
        %min3A_2925 = arith.minimumf %scan3A_2899, %max3A_2924 : vector<16xf32>
        %add3A_2926 = arith.constant 128 : i32
        %add3A_2927 = arith.addi %scan3A_2895, %add3A_2926 : i32
        %mul3A_2928 = arith.constant 16 : i32
        %mul3A_2929 = arith.muli %add3A_2927, %mul3A_2928 : i32
        %get3A_2930 = arith.constant 5 : i32
        %get3A_2931 = arith.index_cast %get3A_2930 : i32 to index
        %get3A_2932 = arith.index_cast %mul3A_2929 : i32 to index
        %get3A_2933 = tpu.vector_load %arg5[%get3A_2931, %get3A_2932] {strides = array<i32>} : memref<8x4096xf32, #tpu.memory_space<vmem>>, vector<16xf32>,
        %min3A_2934 = arith.minimumf %scan3A_2900, %get3A_2933 : vector<16xf32>
        %max3A_2935 = arith.maximumf %scan3A_2900, %get3A_2933 : vector<16xf32>
        %min3A_2936 = arith.minimumf %scan3A_2901, %max3A_2935 : vector<16xf32>
        %add3A_2937 = arith.constant 192 : i32
        %add3A_2938 = arith.addi %scan3A_2895, %add3A_2937 : i32
        %mul3A_2939 = arith.constant 16 : i32
        %mul3A_2940 = arith.muli %add3A_2938, %mul3A_2939 : i32
        %get3A_2941 = arith.constant 5 : i32
        %get3A_2942 = arith.index_cast %get3A_2941 : i32 to index
        %get3A_2943 = arith.index_cast %mul3A_2940 : i32 to index
        %get3A_2944 = tpu.vector_load %arg5[%get3A_2942, %get3A_2943] {strides = array<i32>} : memref<8x4096xf32, #tpu.memory_space<vmem>>, vector<16xf32>,
        %min3A_2945 = arith.minimumf %scan3A_2902, %get3A_2944 : vector<16xf32>
        %max3A_2946 = arith.maximumf %scan3A_2902, %get3A_2944 : vector<16xf32>
        %min3A_2947 = arith.minimumf %scan3A_2903, %max3A_2946 : vector<16xf32>
        scf.yield %min3A_2912, %min3A_2914, %min3A_2923, %min3A_2925, %min3A_2934, %min3A_2936, %min3A_2945, %min3A_2947 : vector<16xf32>, vector<16xf32>, vector<16xf32>, vector<16xf32>, vector<16xf32>, vector<16xf32>, vector<16xf32>, vector<16xf32>
      }
      %scan3A_2498 = arith.constant 64 : i32
      %max3A_2499 = arith.maximumf %scan3A_2497#0, %scan3A_2497#2 : vector<16xf32>
      %min3A_2500 = arith.minimumf %scan3A_2497#1, %scan3A_2497#3 : vector<16xf32>
      %min3A_2501 = arith.minimumf %max3A_2499, %min3A_2500 : vector<16xf32>
      %min3A_2502 = arith.minimumf %scan3A_2497#0, %scan3A_2497#2 : vector<16xf32>
      %max3A_2503 = arith.maximumf %min3A_2502, %scan3A_2497#4 : vector<16xf32>
      %min3A_2504 = arith.minimumf %min3A_2501, %scan3A_2497#5 : vector<16xf32>
      %min3A_2505 = arith.minimumf %max3A_2503, %min3A_2504 : vector<16xf32>
      %min3A_2506 = arith.minimumf %min3A_2502, %scan3A_2497#4 : vector<16xf32>
      %max3A_2507 = arith.maximumf %min3A_2506, %scan3A_2497#6 : vector<16xf32>
      %min3A_2508 = arith.minimumf %min3A_2505, %scan3A_2497#7 : vector<16xf32>
      %min3A_2509 = arith.minimumf %max3A_2507, %min3A_2508 : vector<16xf32>
      %min3A_2510 = arith.minimumf %min3A_2506, %scan3A_2497#6 : vector<16xf32>
      %reduce_min3A_2511 = arith.constant true
      %reduce_min3A_2512 = vector.broadcast %reduce_min3A_2511 : i1 to vector<16xi1>
      %reduce_min3A_2513 = tpu.scan <min>, %min3A_2510 masked %reduce_min3A_2512 : vector<16xf32>, vector<16xi1> -> vector<16xf32>
      %reduce_min3A_2514 = vector.extract %reduce_min3A_2513[15] : f32 from vector<16xf32>
      %eq3A_2515 = vector.broadcast %reduce_min3A_2514 : f32 to vector<16xf32>
      %eq3A_2516 = arith.cmpf oeq, %min3A_2510, %eq3A_2515 : vector<16xf32>
      %all_reduce_ffs3A_2517 = tpu.all_reduce %eq3A_2516 {dim = 0 : i64, kind = #tpu.reduction_kind<find_first_set>} : vector<16xi1> -> vector<16xi32>
      %eq3A_2518 = arith.cmpi eq, %iota3A, %all_reduce_ffs3A_2517 : vector<16xi32>
      %jit3A_2519 = arith.constant 3.000000e+38 : f32
      %broadcast_in_dim3A_2520 = vector.broadcast %jit3A_2519 : f32 to vector<16xf32>
      %select_n3A_2521 = arith.select %eq3A_2518, %broadcast_in_dim3A_2520, %min3A_2510 : vector<16xi1>, vector<16xf32>
      %reduce_min3A_2522 = arith.constant true
      %reduce_min3A_2523 = vector.broadcast %reduce_min3A_2522 : i1 to vector<16xi1>
      %reduce_min3A_2524 = tpu.scan <min>, %select_n3A_2521 masked %reduce_min3A_2523 : vector<16xf32>, vector<16xi1> -> vector<16xf32>
      %reduce_min3A_2525 = vector.extract %reduce_min3A_2524[15] : f32 from vector<16xf32>
      %reduce_min3A_2526 = arith.constant true
      %reduce_min3A_2527 = vector.broadcast %reduce_min3A_2526 : i1 to vector<16xi1>
      %reduce_min3A_2528 = tpu.scan <min>, %min3A_2509 masked %reduce_min3A_2527 : vector<16xf32>, vector<16xi1> -> vector<16xf32>
      %reduce_min3A_2529 = vector.extract %reduce_min3A_2528[15] : f32 from vector<16xf32>
      %min3A_2530 = arith.minimumf %reduce_min3A_2525, %reduce_min3A_2529 : f32
      %max3A_2531 = arith.constant 0.000000e+00 : f32
      %max3A_2532 = arith.maximumf %reduce_max3A_2467, %max3A_2531 : f32
      %sub3A_2533 = arith.subf %max3A_2532, %min3A_2530 : f32
      %add3A_2534 = arith.constant 3.000000e-01 : f32
      %add3A_2535 = arith.addf %sub3A_2533, %add3A_2534 : f32
      %max3A_2536 = arith.constant 0.000000e+00 : f32
      %max3A_2537 = arith.maximumf %add3A_2535, %max3A_2536 : f32
      %add3A_2538 = arith.addf %add3A_2360, %max3A_2537 : f32
      %add3A_2539 = arith.constant 6 : i32
      %add3A_2540 = arith.addi %add3A_1470, %add3A_2539 : i32
      %jit3A_2541 = arith.constant 16 : i32
      %div3A_2542 = arith.divsi %add3A_2540, %jit3A_2541 : i32
      %sign3A_2543 = arith.constant 0 : i32
      %sign3A_2544 = arith.cmpi sgt, %add3A_2540, %sign3A_2543 : i32
      %sign3A_2545 = arith.extui %sign3A_2544 : i1 to i32
      %sign3A_2546 = arith.constant 0 : i32
      %sign3A_2547 = arith.cmpi slt, %add3A_2540, %sign3A_2546 : i32
      %sign3A_2548 = arith.extui %sign3A_2547 : i1 to i32
      %sign3A_2549 = arith.subi %sign3A_2545, %sign3A_2548 : i32
      %sign3A_2550 = arith.constant 0 : i32
      %sign3A_2551 = arith.cmpi sgt, %jit3A_2541, %sign3A_2550 : i32
      %sign3A_2552 = arith.extui %sign3A_2551 : i1 to i32
      %sign3A_2553 = arith.constant 0 : i32
      %sign3A_2554 = arith.cmpi slt, %jit3A_2541, %sign3A_2553 : i32
      %sign3A_2555 = arith.extui %sign3A_2554 : i1 to i32
      %sign3A_2556 = arith.subi %sign3A_2552, %sign3A_2555 : i32
      %ne3A_2557 = arith.cmpi ne, %sign3A_2549, %sign3A_2556 : i32
      %rem3A_2558 = arith.remsi %add3A_2540, %jit3A_2541 : i32
      %ne3A_2559 = arith.constant 0 : i32
      %ne3A_2560 = arith.cmpi ne, %rem3A_2558, %ne3A_2559 : i32
      %and3A_2561 = arith.andi %ne3A_2557, %ne3A_2560 : i1
      %sub3A_2562 = arith.constant 1 : i32
      %sub3A_2563 = arith.subi %div3A_2542, %sub3A_2562 : i32
      %select_n3A_2564 = arith.select %and3A_2561, %sub3A_2563, %div3A_2542 : i32
      %jit3A_2565 = arith.constant 8 : i32
      %div3A_2566 = arith.divsi %add3A_2540, %jit3A_2565 : i32
      %sign3A_2567 = arith.constant 0 : i32
      %sign3A_2568 = arith.cmpi sgt, %add3A_2540, %sign3A_2567 : i32
      %sign3A_2569 = arith.extui %sign3A_2568 : i1 to i32
      %sign3A_2570 = arith.constant 0 : i32
      %sign3A_2571 = arith.cmpi slt, %add3A_2540, %sign3A_2570 : i32
      %sign3A_2572 = arith.extui %sign3A_2571 : i1 to i32
      %sign3A_2573 = arith.subi %sign3A_2569, %sign3A_2572 : i32
      %sign3A_2574 = arith.constant 0 : i32
      %sign3A_2575 = arith.cmpi sgt, %jit3A_2565, %sign3A_2574 : i32
      %sign3A_2576 = arith.extui %sign3A_2575 : i1 to i32
      %sign3A_2577 = arith.constant 0 : i32
      %sign3A_2578 = arith.cmpi slt, %jit3A_2565, %sign3A_2577 : i32
      %sign3A_2579 = arith.extui %sign3A_2578 : i1 to i32
      %sign3A_2580 = arith.subi %sign3A_2576, %sign3A_2579 : i32
      %ne3A_2581 = arith.cmpi ne, %sign3A_2573, %sign3A_2580 : i32
      %rem3A_2582 = arith.remsi %add3A_2540, %jit3A_2565 : i32
      %ne3A_2583 = arith.constant 0 : i32
      %ne3A_2584 = arith.cmpi ne, %rem3A_2582, %ne3A_2583 : i32
      %and3A_2585 = arith.andi %ne3A_2581, %ne3A_2584 : i1
      %sub3A_2586 = arith.constant 1 : i32
      %sub3A_2587 = arith.subi %div3A_2566, %sub3A_2586 : i32
      %select_n3A_2588 = arith.select %and3A_2585, %sub3A_2587, %div3A_2566 : i32
      %jit3A_2589 = arith.constant 2 : i32
      %eq3A_2590 = arith.constant 0 : i32
      %eq3A_2591 = arith.cmpi eq, %jit3A_2589, %eq3A_2590 : i32
      %jit3A_2592 = arith.constant 1 : i32
      %select_n3A_2593 = arith.select %eq3A_2591, %jit3A_2592, %jit3A_2589 : i32
      %rem3A_2594 = arith.remsi %select_n3A_2588, %select_n3A_2593 : i32
      %ne3A_2595 = arith.constant 0 : i32
      %ne3A_2596 = arith.cmpi ne, %rem3A_2594, %ne3A_2595 : i32
      %lt3A_2597 = arith.constant 0 : i32
      %lt3A_2598 = arith.cmpi slt, %rem3A_2594, %lt3A_2597 : i32
      %lt3A_2599 = arith.constant 0 : i32
      %lt3A_2600 = arith.cmpi slt, %select_n3A_2593, %lt3A_2599 : i32
      %ne3A_2601 = arith.xori %lt3A_2598, %lt3A_2600 : i1
      %and3A_2602 = arith.andi %ne3A_2601, %ne3A_2596 : i1
      %add3A_2603 = arith.addi %rem3A_2594, %select_n3A_2593 : i32
      %select_n3A_2604 = arith.select %and3A_2602, %add3A_2603, %rem3A_2594 : i32
      %mul3A_2605 = arith.constant 8 : i32
      %mul3A_2606 = arith.muli %select_n3A_2604, %mul3A_2605 : i32
      %jit3A_2607 = arith.constant 16 : i32
      %eq3A_2608 = arith.constant 0 : i32
      %eq3A_2609 = arith.cmpi eq, %jit3A_2607, %eq3A_2608 : i32
      %jit3A_2610 = arith.constant 1 : i32
      %select_n3A_2611 = arith.select %eq3A_2609, %jit3A_2610, %jit3A_2607 : i32
      %rem3A_2612 = arith.remsi %add3A_2540, %select_n3A_2611 : i32
      %ne3A_2613 = arith.constant 0 : i32
      %ne3A_2614 = arith.cmpi ne, %rem3A_2612, %ne3A_2613 : i32
      %lt3A_2615 = arith.constant 0 : i32
      %lt3A_2616 = arith.cmpi slt, %rem3A_2612, %lt3A_2615 : i32
      %lt3A_2617 = arith.constant 0 : i32
      %lt3A_2618 = arith.cmpi slt, %select_n3A_2611, %lt3A_2617 : i32
      %ne3A_2619 = arith.xori %lt3A_2616, %lt3A_2618 : i1
      %and3A_2620 = arith.andi %ne3A_2619, %ne3A_2614 : i1
      %add3A_2621 = arith.addi %rem3A_2612, %select_n3A_2611 : i32
      %select_n3A_2622 = arith.select %and3A_2620, %add3A_2621, %rem3A_2612 : i32
      %mul3A_2623 = arith.constant 16 : i32
      %mul3A_2624 = arith.muli %select_n3A_2564, %mul3A_2623 : i32
      %get3A_2625 = arith.constant 6 : i32
      %get3A_2626 = arith.index_cast %get3A_2625 : i32 to index
      %get3A_2627 = arith.index_cast %mul3A_2624 : i32 to index
      %get3A_2628 = tpu.vector_load %arg5[%get3A_2626, %get3A_2627] {strides = array<i32>} : memref<8x4096xf32, #tpu.memory_space<vmem>>, vector<16xf32>,
      %ge3A_2629 = vector.broadcast %mul3A_2606 : i32 to vector<16xi32>
      %ge3A_2630 = arith.cmpi sge, %iota3A, %ge3A_2629 : vector<16xi32>
      %add3A_2631 = arith.constant 8 : i32
      %add3A_2632 = arith.addi %mul3A_2606, %add3A_2631 : i32
      %lt3A_2633 = vector.broadcast %add3A_2632 : i32 to vector<16xi32>
      %lt3A_2634 = arith.cmpi slt, %iota3A, %lt3A_2633 : vector<16xi32>
      %and3A_2635 = arith.andi %ge3A_2630, %lt3A_2634 : vector<16xi1>
      %ne3A_2636 = vector.broadcast %select_n3A_2622 : i32 to vector<16xi32>
      %ne3A_2637 = arith.cmpi ne, %iota3A, %ne3A_2636 : vector<16xi32>
      %and3A_2638 = arith.andi %and3A_2635, %ne3A_2637 : vector<16xi1>
      %jit3A_2639 = arith.constant -3.000000e+38 : f32
      %broadcast_in_dim3A_2640 = vector.broadcast %jit3A_2639 : f32 to vector<16xf32>
      %select_n3A_2641 = arith.select %and3A_2638, %get3A_2628, %broadcast_in_dim3A_2640 : vector<16xi1>, vector<16xf32>
      %reduce_max3A_2642 = arith.constant true
      %reduce_max3A_2643 = vector.broadcast %reduce_max3A_2642 : i1 to vector<16xi1>
      %reduce_max3A_2644 = tpu.scan <max>, %select_n3A_2641 masked %reduce_max3A_2643 : vector<16xf32>, vector<16xi1> -> vector<16xf32>
      %reduce_max3A_2645 = vector.extract %reduce_max3A_2644[15] : f32 from vector<16xf32>
      %jit3A_2646 = arith.constant 3.000000e+38 : f32
      %broadcast_in_dim3A_2647 = vector.broadcast %jit3A_2646 : f32 to vector<16xf32>
      %select_n3A_2648 = arith.select %and3A_2638, %broadcast_in_dim3A_2647, %get3A_2628 : vector<16xi1>, vector<16xf32>
      %mul3A_2649 = arith.constant 16 : i32
      %mul3A_2650 = arith.muli %select_n3A_2564, %mul3A_2649 : i32
      %swap3A_2651 = arith.constant 6 : i32
      %swap3A_2652 = arith.index_cast %swap3A_2651 : i32 to index
      %swap3A_2653 = arith.index_cast %mul3A_2650 : i32 to index
      %swap3A_2654 = tpu.vector_load %arg5[%swap3A_2652, %swap3A_2653] {strides = array<i32>} : memref<8x4096xf32, #tpu.memory_space<vmem>>, vector<16xf32>,
      tpu.vector_store %arg5[%swap3A_2652, %swap3A_2653], %select_n3A_2648 {strides = array<i32>} : memref<8x4096xf32, #tpu.memory_space<vmem>>, vector<16xf32>,
      %broadcast_in_dim3A_2655 = arith.constant 3.000000e+38 : f32
      %broadcast_in_dim3A_2656 = vector.broadcast %broadcast_in_dim3A_2655 : f32 to vector<16xf32>
      %broadcast_in_dim3A_2657 = arith.constant 3.000000e+38 : f32
      %broadcast_in_dim3A_2658 = vector.broadcast %broadcast_in_dim3A_2657 : f32 to vector<16xf32>
      %broadcast_in_dim3A_2659 = arith.constant 3.000000e+38 : f32
      %broadcast_in_dim3A_2660 = vector.broadcast %broadcast_in_dim3A_2659 : f32 to vector<16xf32>
      %broadcast_in_dim3A_2661 = arith.constant 3.000000e+38 : f32
      %broadcast_in_dim3A_2662 = vector.broadcast %broadcast_in_dim3A_2661 : f32 to vector<16xf32>
      %broadcast_in_dim3A_2663 = arith.constant 3.000000e+38 : f32
      %broadcast_in_dim3A_2664 = vector.broadcast %broadcast_in_dim3A_2663 : f32 to vector<16xf32>
      %broadcast_in_dim3A_2665 = arith.constant 3.000000e+38 : f32
      %broadcast_in_dim3A_2666 = vector.broadcast %broadcast_in_dim3A_2665 : f32 to vector<16xf32>
      %broadcast_in_dim3A_2667 = arith.constant 3.000000e+38 : f32
      %broadcast_in_dim3A_2668 = vector.broadcast %broadcast_in_dim3A_2667 : f32 to vector<16xf32>
      %broadcast_in_dim3A_2669 = arith.constant 3.000000e+38 : f32
      %broadcast_in_dim3A_2670 = vector.broadcast %broadcast_in_dim3A_2669 : f32 to vector<16xf32>
      %scan3A_2671 = arith.constant 0 : i32
      %scan3A_2672 = arith.constant 64 : i32
      %scan3A_2673 = arith.addi %scan3A_2671, %scan3A_2672 : i32
      %scan3A_2674 = arith.constant 1 : i32
      %scan3A_2675:8 = scf.for %scan3A_2895 = %scan3A_2671 to %scan3A_2673 step %scan3A_2674 iter_args(%scan3A_2896 = %broadcast_in_dim3A_2656, %scan3A_2897 = %broadcast_in_dim3A_2658, %scan3A_2898 = %broadcast_in_dim3A_2660, %scan3A_2899 = %broadcast_in_dim3A_2662, %scan3A_2900 = %broadcast_in_dim3A_2664, %scan3A_2901 = %broadcast_in_dim3A_2666, %scan3A_2902 = %broadcast_in_dim3A_2668, %scan3A_2903 = %broadcast_in_dim3A_2670) -> (vector<16xf32>, vector<16xf32>, vector<16xf32>, vector<16xf32>, vector<16xf32>, vector<16xf32>, vector<16xf32>, vector<16xf32>)  : i32 {
        %add3A_2904 = arith.constant 0 : i32
        %add3A_2905 = arith.addi %scan3A_2895, %add3A_2904 : i32
        %mul3A_2906 = arith.constant 16 : i32
        %mul3A_2907 = arith.muli %add3A_2905, %mul3A_2906 : i32
        %get3A_2908 = arith.constant 6 : i32
        %get3A_2909 = arith.index_cast %get3A_2908 : i32 to index
        %get3A_2910 = arith.index_cast %mul3A_2907 : i32 to index
        %get3A_2911 = tpu.vector_load %arg5[%get3A_2909, %get3A_2910] {strides = array<i32>} : memref<8x4096xf32, #tpu.memory_space<vmem>>, vector<16xf32>,
        %min3A_2912 = arith.minimumf %scan3A_2896, %get3A_2911 : vector<16xf32>
        %max3A_2913 = arith.maximumf %scan3A_2896, %get3A_2911 : vector<16xf32>
        %min3A_2914 = arith.minimumf %scan3A_2897, %max3A_2913 : vector<16xf32>
        %add3A_2915 = arith.constant 64 : i32
        %add3A_2916 = arith.addi %scan3A_2895, %add3A_2915 : i32
        %mul3A_2917 = arith.constant 16 : i32
        %mul3A_2918 = arith.muli %add3A_2916, %mul3A_2917 : i32
        %get3A_2919 = arith.constant 6 : i32
        %get3A_2920 = arith.index_cast %get3A_2919 : i32 to index
        %get3A_2921 = arith.index_cast %mul3A_2918 : i32 to index
        %get3A_2922 = tpu.vector_load %arg5[%get3A_2920, %get3A_2921] {strides = array<i32>} : memref<8x4096xf32, #tpu.memory_space<vmem>>, vector<16xf32>,
        %min3A_2923 = arith.minimumf %scan3A_2898, %get3A_2922 : vector<16xf32>
        %max3A_2924 = arith.maximumf %scan3A_2898, %get3A_2922 : vector<16xf32>
        %min3A_2925 = arith.minimumf %scan3A_2899, %max3A_2924 : vector<16xf32>
        %add3A_2926 = arith.constant 128 : i32
        %add3A_2927 = arith.addi %scan3A_2895, %add3A_2926 : i32
        %mul3A_2928 = arith.constant 16 : i32
        %mul3A_2929 = arith.muli %add3A_2927, %mul3A_2928 : i32
        %get3A_2930 = arith.constant 6 : i32
        %get3A_2931 = arith.index_cast %get3A_2930 : i32 to index
        %get3A_2932 = arith.index_cast %mul3A_2929 : i32 to index
        %get3A_2933 = tpu.vector_load %arg5[%get3A_2931, %get3A_2932] {strides = array<i32>} : memref<8x4096xf32, #tpu.memory_space<vmem>>, vector<16xf32>,
        %min3A_2934 = arith.minimumf %scan3A_2900, %get3A_2933 : vector<16xf32>
        %max3A_2935 = arith.maximumf %scan3A_2900, %get3A_2933 : vector<16xf32>
        %min3A_2936 = arith.minimumf %scan3A_2901, %max3A_2935 : vector<16xf32>
        %add3A_2937 = arith.constant 192 : i32
        %add3A_2938 = arith.addi %scan3A_2895, %add3A_2937 : i32
        %mul3A_2939 = arith.constant 16 : i32
        %mul3A_2940 = arith.muli %add3A_2938, %mul3A_2939 : i32
        %get3A_2941 = arith.constant 6 : i32
        %get3A_2942 = arith.index_cast %get3A_2941 : i32 to index
        %get3A_2943 = arith.index_cast %mul3A_2940 : i32 to index
        %get3A_2944 = tpu.vector_load %arg5[%get3A_2942, %get3A_2943] {strides = array<i32>} : memref<8x4096xf32, #tpu.memory_space<vmem>>, vector<16xf32>,
        %min3A_2945 = arith.minimumf %scan3A_2902, %get3A_2944 : vector<16xf32>
        %max3A_2946 = arith.maximumf %scan3A_2902, %get3A_2944 : vector<16xf32>
        %min3A_2947 = arith.minimumf %scan3A_2903, %max3A_2946 : vector<16xf32>
        scf.yield %min3A_2912, %min3A_2914, %min3A_2923, %min3A_2925, %min3A_2934, %min3A_2936, %min3A_2945, %min3A_2947 : vector<16xf32>, vector<16xf32>, vector<16xf32>, vector<16xf32>, vector<16xf32>, vector<16xf32>, vector<16xf32>, vector<16xf32>
      }
      %scan3A_2676 = arith.constant 64 : i32
      %max3A_2677 = arith.maximumf %scan3A_2675#0, %scan3A_2675#2 : vector<16xf32>
      %min3A_2678 = arith.minimumf %scan3A_2675#1, %scan3A_2675#3 : vector<16xf32>
      %min3A_2679 = arith.minimumf %max3A_2677, %min3A_2678 : vector<16xf32>
      %min3A_2680 = arith.minimumf %scan3A_2675#0, %scan3A_2675#2 : vector<16xf32>
      %max3A_2681 = arith.maximumf %min3A_2680, %scan3A_2675#4 : vector<16xf32>
      %min3A_2682 = arith.minimumf %min3A_2679, %scan3A_2675#5 : vector<16xf32>
      %min3A_2683 = arith.minimumf %max3A_2681, %min3A_2682 : vector<16xf32>
      %min3A_2684 = arith.minimumf %min3A_2680, %scan3A_2675#4 : vector<16xf32>
      %max3A_2685 = arith.maximumf %min3A_2684, %scan3A_2675#6 : vector<16xf32>
      %min3A_2686 = arith.minimumf %min3A_2683, %scan3A_2675#7 : vector<16xf32>
      %min3A_2687 = arith.minimumf %max3A_2685, %min3A_2686 : vector<16xf32>
      %min3A_2688 = arith.minimumf %min3A_2684, %scan3A_2675#6 : vector<16xf32>
      %reduce_min3A_2689 = arith.constant true
      %reduce_min3A_2690 = vector.broadcast %reduce_min3A_2689 : i1 to vector<16xi1>
      %reduce_min3A_2691 = tpu.scan <min>, %min3A_2688 masked %reduce_min3A_2690 : vector<16xf32>, vector<16xi1> -> vector<16xf32>
      %reduce_min3A_2692 = vector.extract %reduce_min3A_2691[15] : f32 from vector<16xf32>
      %eq3A_2693 = vector.broadcast %reduce_min3A_2692 : f32 to vector<16xf32>
      %eq3A_2694 = arith.cmpf oeq, %min3A_2688, %eq3A_2693 : vector<16xf32>
      %all_reduce_ffs3A_2695 = tpu.all_reduce %eq3A_2694 {dim = 0 : i64, kind = #tpu.reduction_kind<find_first_set>} : vector<16xi1> -> vector<16xi32>
      %eq3A_2696 = arith.cmpi eq, %iota3A, %all_reduce_ffs3A_2695 : vector<16xi32>
      %jit3A_2697 = arith.constant 3.000000e+38 : f32
      %broadcast_in_dim3A_2698 = vector.broadcast %jit3A_2697 : f32 to vector<16xf32>
      %select_n3A_2699 = arith.select %eq3A_2696, %broadcast_in_dim3A_2698, %min3A_2688 : vector<16xi1>, vector<16xf32>
      %reduce_min3A_2700 = arith.constant true
      %reduce_min3A_2701 = vector.broadcast %reduce_min3A_2700 : i1 to vector<16xi1>
      %reduce_min3A_2702 = tpu.scan <min>, %select_n3A_2699 masked %reduce_min3A_2701 : vector<16xf32>, vector<16xi1> -> vector<16xf32>
      %reduce_min3A_2703 = vector.extract %reduce_min3A_2702[15] : f32 from vector<16xf32>
      %reduce_min3A_2704 = arith.constant true
      %reduce_min3A_2705 = vector.broadcast %reduce_min3A_2704 : i1 to vector<16xi1>
      %reduce_min3A_2706 = tpu.scan <min>, %min3A_2687 masked %reduce_min3A_2705 : vector<16xf32>, vector<16xi1> -> vector<16xf32>
      %reduce_min3A_2707 = vector.extract %reduce_min3A_2706[15] : f32 from vector<16xf32>
      %min3A_2708 = arith.minimumf %reduce_min3A_2703, %reduce_min3A_2707 : f32
      %max3A_2709 = arith.constant 0.000000e+00 : f32
      %max3A_2710 = arith.maximumf %reduce_max3A_2645, %max3A_2709 : f32
      %sub3A_2711 = arith.subf %max3A_2710, %min3A_2708 : f32
      %add3A_2712 = arith.constant 3.000000e-01 : f32
      %add3A_2713 = arith.addf %sub3A_2711, %add3A_2712 : f32
      %max3A_2714 = arith.constant 0.000000e+00 : f32
      %max3A_2715 = arith.maximumf %add3A_2713, %max3A_2714 : f32
      %add3A_2716 = arith.addf %add3A_2538, %max3A_2715 : f32
      %add3A_2717 = arith.constant 7 : i32
      %add3A_2718 = arith.addi %add3A_1470, %add3A_2717 : i32
      %jit3A_2719 = arith.constant 16 : i32
      %div3A_2720 = arith.divsi %add3A_2718, %jit3A_2719 : i32
      %sign3A_2721 = arith.constant 0 : i32
      %sign3A_2722 = arith.cmpi sgt, %add3A_2718, %sign3A_2721 : i32
      %sign3A_2723 = arith.extui %sign3A_2722 : i1 to i32
      %sign3A_2724 = arith.constant 0 : i32
      %sign3A_2725 = arith.cmpi slt, %add3A_2718, %sign3A_2724 : i32
      %sign3A_2726 = arith.extui %sign3A_2725 : i1 to i32
      %sign3A_2727 = arith.subi %sign3A_2723, %sign3A_2726 : i32
      %sign3A_2728 = arith.constant 0 : i32
      %sign3A_2729 = arith.cmpi sgt, %jit3A_2719, %sign3A_2728 : i32
      %sign3A_2730 = arith.extui %sign3A_2729 : i1 to i32
      %sign3A_2731 = arith.constant 0 : i32
      %sign3A_2732 = arith.cmpi slt, %jit3A_2719, %sign3A_2731 : i32
      %sign3A_2733 = arith.extui %sign3A_2732 : i1 to i32
      %sign3A_2734 = arith.subi %sign3A_2730, %sign3A_2733 : i32
      %ne3A_2735 = arith.cmpi ne, %sign3A_2727, %sign3A_2734 : i32
      %rem3A_2736 = arith.remsi %add3A_2718, %jit3A_2719 : i32
      %ne3A_2737 = arith.constant 0 : i32
      %ne3A_2738 = arith.cmpi ne, %rem3A_2736, %ne3A_2737 : i32
      %and3A_2739 = arith.andi %ne3A_2735, %ne3A_2738 : i1
      %sub3A_2740 = arith.constant 1 : i32
      %sub3A_2741 = arith.subi %div3A_2720, %sub3A_2740 : i32
      %select_n3A_2742 = arith.select %and3A_2739, %sub3A_2741, %div3A_2720 : i32
      %jit3A_2743 = arith.constant 8 : i32
      %div3A_2744 = arith.divsi %add3A_2718, %jit3A_2743 : i32
      %sign3A_2745 = arith.constant 0 : i32
      %sign3A_2746 = arith.cmpi sgt, %add3A_2718, %sign3A_2745 : i32
      %sign3A_2747 = arith.extui %sign3A_2746 : i1 to i32
      %sign3A_2748 = arith.constant 0 : i32
      %sign3A_2749 = arith.cmpi slt, %add3A_2718, %sign3A_2748 : i32
      %sign3A_2750 = arith.extui %sign3A_2749 : i1 to i32
      %sign3A_2751 = arith.subi %sign3A_2747, %sign3A_2750 : i32
      %sign3A_2752 = arith.constant 0 : i32
      %sign3A_2753 = arith.cmpi sgt, %jit3A_2743, %sign3A_2752 : i32
      %sign3A_2754 = arith.extui %sign3A_2753 : i1 to i32
      %sign3A_2755 = arith.constant 0 : i32
      %sign3A_2756 = arith.cmpi slt, %jit3A_2743, %sign3A_2755 : i32
      %sign3A_2757 = arith.extui %sign3A_2756 : i1 to i32
      %sign3A_2758 = arith.subi %sign3A_2754, %sign3A_2757 : i32
      %ne3A_2759 = arith.cmpi ne, %sign3A_2751, %sign3A_2758 : i32
      %rem3A_2760 = arith.remsi %add3A_2718, %jit3A_2743 : i32
      %ne3A_2761 = arith.constant 0 : i32
      %ne3A_2762 = arith.cmpi ne, %rem3A_2760, %ne3A_2761 : i32
      %and3A_2763 = arith.andi %ne3A_2759, %ne3A_2762 : i1
      %sub3A_2764 = arith.constant 1 : i32
      %sub3A_2765 = arith.subi %div3A_2744, %sub3A_2764 : i32
      %select_n3A_2766 = arith.select %and3A_2763, %sub3A_2765, %div3A_2744 : i32
      %jit3A_2767 = arith.constant 2 : i32
      %eq3A_2768 = arith.constant 0 : i32
      %eq3A_2769 = arith.cmpi eq, %jit3A_2767, %eq3A_2768 : i32
      %jit3A_2770 = arith.constant 1 : i32
      %select_n3A_2771 = arith.select %eq3A_2769, %jit3A_2770, %jit3A_2767 : i32
      %rem3A_2772 = arith.remsi %select_n3A_2766, %select_n3A_2771 : i32
      %ne3A_2773 = arith.constant 0 : i32
      %ne3A_2774 = arith.cmpi ne, %rem3A_2772, %ne3A_2773 : i32
      %lt3A_2775 = arith.constant 0 : i32
      %lt3A_2776 = arith.cmpi slt, %rem3A_2772, %lt3A_2775 : i32
      %lt3A_2777 = arith.constant 0 : i32
      %lt3A_2778 = arith.cmpi slt, %select_n3A_2771, %lt3A_2777 : i32
      %ne3A_2779 = arith.xori %lt3A_2776, %lt3A_2778 : i1
      %and3A_2780 = arith.andi %ne3A_2779, %ne3A_2774 : i1
      %add3A_2781 = arith.addi %rem3A_2772, %select_n3A_2771 : i32
      %select_n3A_2782 = arith.select %and3A_2780, %add3A_2781, %rem3A_2772 : i32
      %mul3A_2783 = arith.constant 8 : i32
      %mul3A_2784 = arith.muli %select_n3A_2782, %mul3A_2783 : i32
      %jit3A_2785 = arith.constant 16 : i32
      %eq3A_2786 = arith.constant 0 : i32
      %eq3A_2787 = arith.cmpi eq, %jit3A_2785, %eq3A_2786 : i32
      %jit3A_2788 = arith.constant 1 : i32
      %select_n3A_2789 = arith.select %eq3A_2787, %jit3A_2788, %jit3A_2785 : i32
      %rem3A_2790 = arith.remsi %add3A_2718, %select_n3A_2789 : i32
      %ne3A_2791 = arith.constant 0 : i32
      %ne3A_2792 = arith.cmpi ne, %rem3A_2790, %ne3A_2791 : i32
      %lt3A_2793 = arith.constant 0 : i32
      %lt3A_2794 = arith.cmpi slt, %rem3A_2790, %lt3A_2793 : i32
      %lt3A_2795 = arith.constant 0 : i32
      %lt3A_2796 = arith.cmpi slt, %select_n3A_2789, %lt3A_2795 : i32
      %ne3A_2797 = arith.xori %lt3A_2794, %lt3A_2796 : i1
      %and3A_2798 = arith.andi %ne3A_2797, %ne3A_2792 : i1
      %add3A_2799 = arith.addi %rem3A_2790, %select_n3A_2789 : i32
      %select_n3A_2800 = arith.select %and3A_2798, %add3A_2799, %rem3A_2790 : i32
      %mul3A_2801 = arith.constant 16 : i32
      %mul3A_2802 = arith.muli %select_n3A_2742, %mul3A_2801 : i32
      %get3A_2803 = arith.constant 7 : i32
      %get3A_2804 = arith.index_cast %get3A_2803 : i32 to index
      %get3A_2805 = arith.index_cast %mul3A_2802 : i32 to index
      %get3A_2806 = tpu.vector_load %arg5[%get3A_2804, %get3A_2805] {strides = array<i32>} : memref<8x4096xf32, #tpu.memory_space<vmem>>, vector<16xf32>,
      %ge3A_2807 = vector.broadcast %mul3A_2784 : i32 to vector<16xi32>
      %ge3A_2808 = arith.cmpi sge, %iota3A, %ge3A_2807 : vector<16xi32>
      %add3A_2809 = arith.constant 8 : i32
      %add3A_2810 = arith.addi %mul3A_2784, %add3A_2809 : i32
      %lt3A_2811 = vector.broadcast %add3A_2810 : i32 to vector<16xi32>
      %lt3A_2812 = arith.cmpi slt, %iota3A, %lt3A_2811 : vector<16xi32>
      %and3A_2813 = arith.andi %ge3A_2808, %lt3A_2812 : vector<16xi1>
      %ne3A_2814 = vector.broadcast %select_n3A_2800 : i32 to vector<16xi32>
      %ne3A_2815 = arith.cmpi ne, %iota3A, %ne3A_2814 : vector<16xi32>
      %and3A_2816 = arith.andi %and3A_2813, %ne3A_2815 : vector<16xi1>
      %jit3A_2817 = arith.constant -3.000000e+38 : f32
      %broadcast_in_dim3A_2818 = vector.broadcast %jit3A_2817 : f32 to vector<16xf32>
      %select_n3A_2819 = arith.select %and3A_2816, %get3A_2806, %broadcast_in_dim3A_2818 : vector<16xi1>, vector<16xf32>
      %reduce_max3A_2820 = arith.constant true
      %reduce_max3A_2821 = vector.broadcast %reduce_max3A_2820 : i1 to vector<16xi1>
      %reduce_max3A_2822 = tpu.scan <max>, %select_n3A_2819 masked %reduce_max3A_2821 : vector<16xf32>, vector<16xi1> -> vector<16xf32>
      %reduce_max3A_2823 = vector.extract %reduce_max3A_2822[15] : f32 from vector<16xf32>
      %jit3A_2824 = arith.constant 3.000000e+38 : f32
      %broadcast_in_dim3A_2825 = vector.broadcast %jit3A_2824 : f32 to vector<16xf32>
      %select_n3A_2826 = arith.select %and3A_2816, %broadcast_in_dim3A_2825, %get3A_2806 : vector<16xi1>, vector<16xf32>
      %mul3A_2827 = arith.constant 16 : i32
      %mul3A_2828 = arith.muli %select_n3A_2742, %mul3A_2827 : i32
      %swap3A_2829 = arith.constant 7 : i32
      %swap3A_2830 = arith.index_cast %swap3A_2829 : i32 to index
      %swap3A_2831 = arith.index_cast %mul3A_2828 : i32 to index
      %swap3A_2832 = tpu.vector_load %arg5[%swap3A_2830, %swap3A_2831] {strides = array<i32>} : memref<8x4096xf32, #tpu.memory_space<vmem>>, vector<16xf32>,
      tpu.vector_store %arg5[%swap3A_2830, %swap3A_2831], %select_n3A_2826 {strides = array<i32>} : memref<8x4096xf32, #tpu.memory_space<vmem>>, vector<16xf32>,
      %broadcast_in_dim3A_2833 = arith.constant 3.000000e+38 : f32
      %broadcast_in_dim3A_2834 = vector.broadcast %broadcast_in_dim3A_2833 : f32 to vector<16xf32>
      %broadcast_in_dim3A_2835 = arith.constant 3.000000e+38 : f32
      %broadcast_in_dim3A_2836 = vector.broadcast %broadcast_in_dim3A_2835 : f32 to vector<16xf32>
      %broadcast_in_dim3A_2837 = arith.constant 3.000000e+38 : f32
      %broadcast_in_dim3A_2838 = vector.broadcast %broadcast_in_dim3A_2837 : f32 to vector<16xf32>
      %broadcast_in_dim3A_2839 = arith.constant 3.000000e+38 : f32
      %broadcast_in_dim3A_2840 = vector.broadcast %broadcast_in_dim3A_2839 : f32 to vector<16xf32>
      %broadcast_in_dim3A_2841 = arith.constant 3.000000e+38 : f32
      %broadcast_in_dim3A_2842 = vector.broadcast %broadcast_in_dim3A_2841 : f32 to vector<16xf32>
      %broadcast_in_dim3A_2843 = arith.constant 3.000000e+38 : f32
      %broadcast_in_dim3A_2844 = vector.broadcast %broadcast_in_dim3A_2843 : f32 to vector<16xf32>
      %broadcast_in_dim3A_2845 = arith.constant 3.000000e+38 : f32
      %broadcast_in_dim3A_2846 = vector.broadcast %broadcast_in_dim3A_2845 : f32 to vector<16xf32>
      %broadcast_in_dim3A_2847 = arith.constant 3.000000e+38 : f32
      %broadcast_in_dim3A_2848 = vector.broadcast %broadcast_in_dim3A_2847 : f32 to vector<16xf32>
      %scan3A_2849 = arith.constant 0 : i32
      %scan3A_2850 = arith.constant 64 : i32
      %scan3A_2851 = arith.addi %scan3A_2849, %scan3A_2850 : i32
      %scan3A_2852 = arith.constant 1 : i32
      %scan3A_2853:8 = scf.for %scan3A_2895 = %scan3A_2849 to %scan3A_2851 step %scan3A_2852 iter_args(%scan3A_2896 = %broadcast_in_dim3A_2834, %scan3A_2897 = %broadcast_in_dim3A_2836, %scan3A_2898 = %broadcast_in_dim3A_2838, %scan3A_2899 = %broadcast_in_dim3A_2840, %scan3A_2900 = %broadcast_in_dim3A_2842, %scan3A_2901 = %broadcast_in_dim3A_2844, %scan3A_2902 = %broadcast_in_dim3A_2846, %scan3A_2903 = %broadcast_in_dim3A_2848) -> (vector<16xf32>, vector<16xf32>, vector<16xf32>, vector<16xf32>, vector<16xf32>, vector<16xf32>, vector<16xf32>, vector<16xf32>)  : i32 {
        %add3A_2904 = arith.constant 0 : i32
        %add3A_2905 = arith.addi %scan3A_2895, %add3A_2904 : i32
        %mul3A_2906 = arith.constant 16 : i32
        %mul3A_2907 = arith.muli %add3A_2905, %mul3A_2906 : i32
        %get3A_2908 = arith.constant 7 : i32
        %get3A_2909 = arith.index_cast %get3A_2908 : i32 to index
        %get3A_2910 = arith.index_cast %mul3A_2907 : i32 to index
        %get3A_2911 = tpu.vector_load %arg5[%get3A_2909, %get3A_2910] {strides = array<i32>} : memref<8x4096xf32, #tpu.memory_space<vmem>>, vector<16xf32>,
        %min3A_2912 = arith.minimumf %scan3A_2896, %get3A_2911 : vector<16xf32>
        %max3A_2913 = arith.maximumf %scan3A_2896, %get3A_2911 : vector<16xf32>
        %min3A_2914 = arith.minimumf %scan3A_2897, %max3A_2913 : vector<16xf32>
        %add3A_2915 = arith.constant 64 : i32
        %add3A_2916 = arith.addi %scan3A_2895, %add3A_2915 : i32
        %mul3A_2917 = arith.constant 16 : i32
        %mul3A_2918 = arith.muli %add3A_2916, %mul3A_2917 : i32
        %get3A_2919 = arith.constant 7 : i32
        %get3A_2920 = arith.index_cast %get3A_2919 : i32 to index
        %get3A_2921 = arith.index_cast %mul3A_2918 : i32 to index
        %get3A_2922 = tpu.vector_load %arg5[%get3A_2920, %get3A_2921] {strides = array<i32>} : memref<8x4096xf32, #tpu.memory_space<vmem>>, vector<16xf32>,
        %min3A_2923 = arith.minimumf %scan3A_2898, %get3A_2922 : vector<16xf32>
        %max3A_2924 = arith.maximumf %scan3A_2898, %get3A_2922 : vector<16xf32>
        %min3A_2925 = arith.minimumf %scan3A_2899, %max3A_2924 : vector<16xf32>
        %add3A_2926 = arith.constant 128 : i32
        %add3A_2927 = arith.addi %scan3A_2895, %add3A_2926 : i32
        %mul3A_2928 = arith.constant 16 : i32
        %mul3A_2929 = arith.muli %add3A_2927, %mul3A_2928 : i32
        %get3A_2930 = arith.constant 7 : i32
        %get3A_2931 = arith.index_cast %get3A_2930 : i32 to index
        %get3A_2932 = arith.index_cast %mul3A_2929 : i32 to index
        %get3A_2933 = tpu.vector_load %arg5[%get3A_2931, %get3A_2932] {strides = array<i32>} : memref<8x4096xf32, #tpu.memory_space<vmem>>, vector<16xf32>,
        %min3A_2934 = arith.minimumf %scan3A_2900, %get3A_2933 : vector<16xf32>
        %max3A_2935 = arith.maximumf %scan3A_2900, %get3A_2933 : vector<16xf32>
        %min3A_2936 = arith.minimumf %scan3A_2901, %max3A_2935 : vector<16xf32>
        %add3A_2937 = arith.constant 192 : i32
        %add3A_2938 = arith.addi %scan3A_2895, %add3A_2937 : i32
        %mul3A_2939 = arith.constant 16 : i32
        %mul3A_2940 = arith.muli %add3A_2938, %mul3A_2939 : i32
        %get3A_2941 = arith.constant 7 : i32
        %get3A_2942 = arith.index_cast %get3A_2941 : i32 to index
        %get3A_2943 = arith.index_cast %mul3A_2940 : i32 to index
        %get3A_2944 = tpu.vector_load %arg5[%get3A_2942, %get3A_2943] {strides = array<i32>} : memref<8x4096xf32, #tpu.memory_space<vmem>>, vector<16xf32>,
        %min3A_2945 = arith.minimumf %scan3A_2902, %get3A_2944 : vector<16xf32>
        %max3A_2946 = arith.maximumf %scan3A_2902, %get3A_2944 : vector<16xf32>
        %min3A_2947 = arith.minimumf %scan3A_2903, %max3A_2946 : vector<16xf32>
        scf.yield %min3A_2912, %min3A_2914, %min3A_2923, %min3A_2925, %min3A_2934, %min3A_2936, %min3A_2945, %min3A_2947 : vector<16xf32>, vector<16xf32>, vector<16xf32>, vector<16xf32>, vector<16xf32>, vector<16xf32>, vector<16xf32>, vector<16xf32>
      }
      %scan3A_2854 = arith.constant 64 : i32
      %max3A_2855 = arith.maximumf %scan3A_2853#0, %scan3A_2853#2 : vector<16xf32>
      %min3A_2856 = arith.minimumf %scan3A_2853#1, %scan3A_2853#3 : vector<16xf32>
      %min3A_2857 = arith.minimumf %max3A_2855, %min3A_2856 : vector<16xf32>
      %min3A_2858 = arith.minimumf %scan3A_2853#0, %scan3A_2853#2 : vector<16xf32>
      %max3A_2859 = arith.maximumf %min3A_2858, %scan3A_2853#4 : vector<16xf32>
      %min3A_2860 = arith.minimumf %min3A_2857, %scan3A_2853#5 : vector<16xf32>
      %min3A_2861 = arith.minimumf %max3A_2859, %min3A_2860 : vector<16xf32>
      %min3A_2862 = arith.minimumf %min3A_2858, %scan3A_2853#4 : vector<16xf32>
      %max3A_2863 = arith.maximumf %min3A_2862, %scan3A_2853#6 : vector<16xf32>
      %min3A_2864 = arith.minimumf %min3A_2861, %scan3A_2853#7 : vector<16xf32>
      %min3A_2865 = arith.minimumf %max3A_2863, %min3A_2864 : vector<16xf32>
      %min3A_2866 = arith.minimumf %min3A_2862, %scan3A_2853#6 : vector<16xf32>
      %reduce_min3A_2867 = arith.constant true
      %reduce_min3A_2868 = vector.broadcast %reduce_min3A_2867 : i1 to vector<16xi1>
      %reduce_min3A_2869 = tpu.scan <min>, %min3A_2866 masked %reduce_min3A_2868 : vector<16xf32>, vector<16xi1> -> vector<16xf32>
      %reduce_min3A_2870 = vector.extract %reduce_min3A_2869[15] : f32 from vector<16xf32>
      %eq3A_2871 = vector.broadcast %reduce_min3A_2870 : f32 to vector<16xf32>
      %eq3A_2872 = arith.cmpf oeq, %min3A_2866, %eq3A_2871 : vector<16xf32>
      %all_reduce_ffs3A_2873 = tpu.all_reduce %eq3A_2872 {dim = 0 : i64, kind = #tpu.reduction_kind<find_first_set>} : vector<16xi1> -> vector<16xi32>
      %eq3A_2874 = arith.cmpi eq, %iota3A, %all_reduce_ffs3A_2873 : vector<16xi32>
      %jit3A_2875 = arith.constant 3.000000e+38 : f32
      %broadcast_in_dim3A_2876 = vector.broadcast %jit3A_2875 : f32 to vector<16xf32>
      %select_n3A_2877 = arith.select %eq3A_2874, %broadcast_in_dim3A_2876, %min3A_2866 : vector<16xi1>, vector<16xf32>
      %reduce_min3A_2878 = arith.constant true
      %reduce_min3A_2879 = vector.broadcast %reduce_min3A_2878 : i1 to vector<16xi1>
      %reduce_min3A_2880 = tpu.scan <min>, %select_n3A_2877 masked %reduce_min3A_2879 : vector<16xf32>, vector<16xi1> -> vector<16xf32>
      %reduce_min3A_2881 = vector.extract %reduce_min3A_2880[15] : f32 from vector<16xf32>
      %reduce_min3A_2882 = arith.constant true
      %reduce_min3A_2883 = vector.broadcast %reduce_min3A_2882 : i1 to vector<16xi1>
      %reduce_min3A_2884 = tpu.scan <min>, %min3A_2865 masked %reduce_min3A_2883 : vector<16xf32>, vector<16xi1> -> vector<16xf32>
      %reduce_min3A_2885 = vector.extract %reduce_min3A_2884[15] : f32 from vector<16xf32>
      %min3A_2886 = arith.minimumf %reduce_min3A_2881, %reduce_min3A_2885 : f32
      %max3A_2887 = arith.constant 0.000000e+00 : f32
      %max3A_2888 = arith.maximumf %reduce_max3A_2823, %max3A_2887 : f32
      %sub3A_2889 = arith.subf %max3A_2888, %min3A_2886 : f32
      %add3A_2890 = arith.constant 3.000000e-01 : f32
      %add3A_2891 = arith.addf %sub3A_2889, %add3A_2890 : f32
      %max3A_2892 = arith.constant 0.000000e+00 : f32
      %max3A_2893 = arith.maximumf %add3A_2891, %max3A_2892 : f32
      %add3A_2894 = arith.addf %add3A_2716, %max3A_2893 : f32
      scf.yield %add3A_2894 : f32
    }
    %scan3A_15 = arith.constant 4 : i32
    %eq3A = arith.constant 0 : i32
    %eq3A_16 = vector.broadcast %eq3A : i32 to vector<16xi32>
    %eq3A_17 = arith.cmpi eq, %iota3A, %eq3A_16 : vector<16xi32>
    %jit3A = arith.constant 0.000000e+00 : f32
    %broadcast_in_dim3A = vector.broadcast %scan3A_14 : f32 to vector<16xf32>
    %broadcast_in_dim3A_18 = vector.broadcast %jit3A : f32 to vector<16xf32>
    %select_n3A = arith.select %eq3A_17, %broadcast_in_dim3A, %broadcast_in_dim3A_18 : vector<16xi1>, vector<16xf32>
    %swap3A = arith.constant 0 : index
    %swap3A_19 = tpu.vector_load %arg6[%swap3A] {strides = array<i32>} : memref<16xf32, #tpu.memory_space<vmem>>, vector<16xf32>,
    tpu.vector_store %arg6[%swap3A], %select_n3A {strides = array<i32>} : memref<16xf32, #tpu.memory_space<vmem>>, vector<16xf32>,
    "tpu.region"() ({
      %run_scoped3A = tpu.sem_alloc : memref<!tpu.dma_semaphore, #tpu.memory_space<semaphore_mem>>
      %dma_start3A_20 = arith.constant 0 : i32
      %dma_start3A_21 = tpu.memref_slice %arg3[%add3A, %dma_start3A_20] : memref<32x16xf32, #tpu.memory_space<hbm>> -> memref<1x16xf32, #tpu.memory_space<hbm>>
      %dma_start3A_22 = tpu.memref_squeeze %dma_start3A_21 : memref<1x16xf32, #tpu.memory_space<hbm>> -> memref<16xf32, #tpu.memory_space<hbm>>
      %dma_start3A_23 = arith.constant 0 : i32
      %dma_start3A_24 = tpu.memref_slice %arg3[%add3A, %dma_start3A_23] : memref<32x16xf32, #tpu.memory_space<hbm>> -> memref<1x16xf32, #tpu.memory_space<hbm>>
      %dma_start3A_25 = tpu.memref_squeeze %dma_start3A_24 : memref<1x16xf32, #tpu.memory_space<hbm>> -> memref<16xf32, #tpu.memory_space<hbm>>
      tpu.enqueue_dma source(%arg6 : memref<16xf32, #tpu.memory_space<vmem>>) target(%dma_start3A_25 : memref<16xf32, #tpu.memory_space<hbm>>) target_semaphore(%run_scoped3A : memref<!tpu.dma_semaphore, #tpu.memory_space<semaphore_mem>>)
      %dma_wait3A = arith.constant 0 : i32
      %dma_wait3A_26 = tpu.memref_slice %arg3[%add3A, %dma_wait3A] : memref<32x16xf32, #tpu.memory_space<hbm>> -> memref<1x16xf32, #tpu.memory_space<hbm>>
      %dma_wait3A_27 = tpu.memref_squeeze %dma_wait3A_26 : memref<1x16xf32, #tpu.memory_space<hbm>> -> memref<16xf32, #tpu.memory_space<hbm>>
      %dma_wait3A_28 = arith.constant 0 : i32
      %dma_wait3A_29 = tpu.memref_slice %arg3[%add3A, %dma_wait3A_28] : memref<32x16xf32, #tpu.memory_space<hbm>> -> memref<1x16xf32, #tpu.memory_space<hbm>>
      %dma_wait3A_30 = tpu.memref_squeeze %dma_wait3A_29 : memref<1x16xf32, #tpu.memory_space<hbm>> -> memref<16xf32, #tpu.memory_space<hbm>>
      tpu.wait_dma2 semaphore(%run_scoped3A : memref<!tpu.dma_semaphore, #tpu.memory_space<semaphore_mem>>) src(%arg6 : memref<16xf32, #tpu.memory_space<vmem>>) dst(%dma_wait3A_30 : memref<16xf32, #tpu.memory_space<hbm>>)
      tpu.yield
    }) : () -> ()
    return
  }
}

module attributes {stable_mosaic.version = 14 : i64} {
  func.func @_tc_block(%arg0: i32, %arg1: memref<256x4096xf32, #tpu.memory_space<vmem>>, %arg2: memref<1x1x1xf32, #tpu.memory_space<smem>>) attributes {dimension_semantics = [#tpu.dimension_semantics<arbitrary>], iteration_bounds = array<i64: 8>, scalar_prefetch = 0 : i64, scratch_operands = 0 : i64, tpu.core_type = #tpu.core_type<tc>, window_params = [{transform_indices = @transform_0, window_bounds = array<i64: 256, 4096>}, {transform_indices = @transform_1, window_bounds = array<i64: 1, 1, 1>}]} {
    %get3A = arith.constant 0 : index
    %get3A_0 = arith.constant 0 : index
    %get3A_1 = vector.load %arg1[%get3A, %get3A_0] : memref<256x4096xf32, #tpu.memory_space<vmem>>, vector<256x4096xf32>
    %mul3A = arith.constant 256 : i32
    %mul3A_2 = arith.muli %arg0, %mul3A : i32
    %iota3A = tpu.iota {dimensions = array<i32: 0>} : vector<256x4096xi32>
    %add3A = vector.broadcast %mul3A_2 : i32 to vector<256x4096xi32>
    %add3A_3 = arith.addi %add3A, %iota3A : vector<256x4096xi32>
    %iota3A_4 = tpu.iota {dimensions = array<i32: 1>} : vector<256x4096xi32>
    %xor3A = arith.xori %iota3A_4, %add3A_3 : vector<256x4096xi32>
    %lt3A = arith.constant 8 : i32
    %lt3A_5 = vector.broadcast %lt3A : i32 to vector<256x4096xi32>
    %lt3A_6 = arith.cmpi slt, %xor3A, %lt3A_5 : vector<256x4096xi32>
    %ne3A = arith.constant 0 : i32
    %ne3A_7 = vector.broadcast %ne3A : i32 to vector<256x4096xi32>
    %ne3A_8 = arith.cmpi ne, %xor3A, %ne3A_7 : vector<256x4096xi32>
    %and3A = arith.andi %lt3A_6, %ne3A_8 : vector<256x4096xi1>
    %jit3A = arith.constant -3.000000e+38 : f32
    %broadcast_in_dim3A = vector.broadcast %jit3A : f32 to vector<256x4096xf32>
    %select_n3A = arith.select %and3A, %get3A_1, %broadcast_in_dim3A : vector<256x4096xi1>, vector<256x4096xf32>
    %reduce_max3A = arith.constant dense<0xFF800000> : vector<256xf32>
    %reduce_max3A_9 = vector.multi_reduction <maximumf>, %select_n3A, %reduce_max3A [1] : vector<256x4096xf32> to vector<256xf32>
    %broadcast_in_dim3A_10 = vector.shape_cast %reduce_max3A_9 : vector<256xf32> to vector<256x1xf32>
    %jit3A_11 = arith.constant 3.000000e+38 : f32
    %broadcast_in_dim3A_12 = vector.broadcast %jit3A_11 : f32 to vector<256x4096xf32>
    %select_n3A_13 = arith.select %and3A, %broadcast_in_dim3A_12, %get3A_1 : vector<256x4096xi1>, vector<256x4096xf32>
    %reduce_min3A = arith.constant dense<0x7F800000> : vector<256xf32>
    %reduce_min3A_14 = vector.multi_reduction <minimumf>, %select_n3A_13, %reduce_min3A [1] : vector<256x4096xf32> to vector<256xf32>
    %broadcast_in_dim3A_15 = vector.shape_cast %reduce_min3A_14 : vector<256xf32> to vector<256x1xf32>
    %eq3A = vector.broadcast %broadcast_in_dim3A_15 : vector<256x1xf32> to vector<256x4096xf32>
    %eq3A_16 = arith.cmpf oeq, %select_n3A_13, %eq3A : vector<256x4096xf32>
    %jit3A_17 = arith.constant 4096 : i32
    %broadcast_in_dim3A_18 = vector.broadcast %jit3A_17 : i32 to vector<256x4096xi32>
    %select_n3A_19 = arith.select %eq3A_16, %iota3A_4, %broadcast_in_dim3A_18 : vector<256x4096xi1>, vector<256x4096xi32>
    %reduce_min3A_20 = arith.constant dense<2147483647> : vector<256xi32>
    %reduce_min3A_21 = vector.multi_reduction <minsi>, %select_n3A_19, %reduce_min3A_20 [1] : vector<256x4096xi32> to vector<256xi32>
    %broadcast_in_dim3A_22 = vector.shape_cast %reduce_min3A_21 : vector<256xi32> to vector<256x1xi32>
    %eq3A_23 = vector.broadcast %broadcast_in_dim3A_22 : vector<256x1xi32> to vector<256x4096xi32>
    %eq3A_24 = arith.cmpi eq, %iota3A_4, %eq3A_23 : vector<256x4096xi32>
    %jit3A_25 = arith.constant 3.000000e+38 : f32
    %broadcast_in_dim3A_26 = vector.broadcast %jit3A_25 : f32 to vector<256x4096xf32>
    %select_n3A_27 = arith.select %eq3A_24, %broadcast_in_dim3A_26, %select_n3A_13 : vector<256x4096xi1>, vector<256x4096xf32>
    %reduce_min3A_28 = arith.constant dense<0x7F800000> : vector<256xf32>
    %reduce_min3A_29 = vector.multi_reduction <minimumf>, %select_n3A_27, %reduce_min3A_28 [1] : vector<256x4096xf32> to vector<256xf32>
    %broadcast_in_dim3A_30 = vector.shape_cast %reduce_min3A_29 : vector<256xf32> to vector<256x1xf32>
    %max3A = arith.constant 0.000000e+00 : f32
    %max3A_31 = vector.broadcast %max3A : f32 to vector<256x1xf32>
    %max3A_32 = arith.maximumf %broadcast_in_dim3A_10, %max3A_31 : vector<256x1xf32>
    %sub3A = arith.subf %max3A_32, %broadcast_in_dim3A_30 : vector<256x1xf32>
    %add3A_33 = arith.constant 3.000000e-01 : f32
    %add3A_34 = vector.broadcast %add3A_33 : f32 to vector<256x1xf32>
    %add3A_35 = arith.addf %sub3A, %add3A_34 : vector<256x1xf32>
    %max3A_36 = arith.constant 0.000000e+00 : f32
    %max3A_37 = vector.broadcast %max3A_36 : f32 to vector<256x1xf32>
    %max3A_38 = arith.maximumf %add3A_35, %max3A_37 : vector<256x1xf32>
    %reduce_sum3A = vector.shape_cast %max3A_38 : vector<256x1xf32> to vector<1x256x1xf32>
    %reduce_sum3A_39 = arith.constant dense<0.000000e+00> : vector<1xf32>
    %reduce_sum3A_40 = vector.multi_reduction <add>, %reduce_sum3A, %reduce_sum3A_39 [1, 2] : vector<1x256x1xf32> to vector<1xf32>
    %reduce_sum3A_41 = vector.shape_cast %reduce_sum3A_40 : vector<1xf32> to vector<1x1x1xf32>
    %reduce_sum3A_42 = vector.extract %reduce_sum3A_41[0, 0, 0] : f32 from vector<1x1x1xf32>
    %swap3A = arith.constant 0 : index
    %swap3A_43 = arith.constant 0 : index
    %swap3A_44 = arith.constant 0 : index
    %swap3A_45 = memref.load %arg2[%swap3A, %swap3A_43, %swap3A_44] : memref<1x1x1xf32, #tpu.memory_space<smem>>
    memref.store %reduce_sum3A_42, %arg2[%swap3A, %swap3A_43, %swap3A_44] : memref<1x1x1xf32, #tpu.memory_space<smem>>
    return
  }
  func.func @transform_0(%arg0: i32) -> (i32, i32) {
    %c0_i32 = arith.constant 0 : i32
    %c0_i32_0 = arith.constant 0 : i32
    return %arg0, %c0_i32 : i32, i32
  }
  func.func @transform_1(%arg0: i32) -> (i32, i32, i32) {
    %c0_i32 = arith.constant 0 : i32
    %c0_i32_0 = arith.constant 0 : i32
    %c0_i32_1 = arith.constant 0 : i32
    return %arg0, %c0_i32, %c0_i32_0 : i32, i32, i32
  }
}

</mosaic_0001>

<sc_bundles>
// kernel: kernel.4.cloned.1.call-start
scs
__scs_entry_jumppad:
0x0: {  	(pc) =	sbr.rel $0x88, $3  }
0x1: {  	(tag) =	ssettag $0x0;
	lr =	simm.s32 $0x1  }
0x2: {  	[smem:$0x3FA0] =	sst lr;
	_ =	strace $0xD0000000  }
0x3: {  	_ = 	snop  }
0x4: {  	_ = 	snop  }
0x5: {  	_ = 	snop  }
0x6: {  	_ = 	snop  }
0x7: {  	_ = 	snop  }
__scs_overlays_trampoline_lowered:
0x8: {  	[smem:$0x3FAF] =	sst s0  }
0x9: {  	[smem:$0x3FB0] =	sst s1  }
0xa: {  	[smem:$0x3FB1] =	sst s2  }
0xb: {  	[smem:$0x3FB2] =	sst s3  }
0xc: {  	[smem:$0x3FB3] =	sst s4  }
0xd: {  	[smem:$0x3FB4] =	sst s5  }
0xe: {  	[smem:$0x3FB5] =	sst s6  }
0xf: {  	[smem:$0x3FB6] =	sst s7  }
0x10: {  	[smem:$0x3FB7] =	sst s8  }
0x11: {  	[smem:$0x3FB8] =	sst s9;
	s0 =	simm.s32 @!p0 $0x0  }
0x12: {  	s1 =	sld [smem:$0x3F9E];
	s0 =	simm.s32 @p0 $0x1  }
0x13: {  	[smem:$0x3FB9] =	sst s0;
	s0 =	simm.s32 @!p1 $0x0  }
0x14: {  	s2 =	sld [smem:$0x3F9D];
	s0 =	simm.s32 @p1 $0x1  }
0x15: {  	[smem:$0x3FBA] =	sst s0;
	s0 =	simm.s32 @!p2 $0x0  }
0x16: {  	s3 =	sld [smem:$0x3FDB];
	s0 =	simm.s32 @p2 $0x1  }
0x17: {  	s4 =	simm.s32 $0x1BF5;
	[smem:$0x3FBC] =	sst s0  }
0x18: {  	s0 =	sld [smem:$0x3F9F];
	_ =	swait.ge [sflag:s4], $0x0  }
0x19: {  	s7 =	sld [smem:$0x3FA0]  }
0x1a: {  	s8 =	sadd.s32 $0xFFFFE003, lr  }
0x1b: {  	s9 =	sadd.s32 $0xFFFFFEF7, lr;
	s5 =	simm.s32 $0xFFFFFFFF;
	p2 =	slt.u32 s8, $0xFFFFF086  }
0x1c: {  	p1 =	slt.u32 s9, $0xF7A;
	s5 =	simm.s32 @!p2 $0x0  }
0x1d: {  	s5 =	simm.s32 @p1 $0x1;
	p0 =	seq.s32 s7, s2  }
0x1e: {  	s7 =	smul.u32 @!p0 $0xF7A, s2;
	p2 =	seq.s32 @!p0 s5, $0x0  }
0x1f: {  	s9 =	smul.u32 $0xF7A, s1;
	s8 =	simm.s32 @!p0 $0x1BF5;
	p2 =	por !p2, p0  }
0x20: {  	[sflag:s8] =	ssyncset.s32 @!p0 $0xFFFFF086;
	s6 =	sadd.s32 @!p0 s3, s7;
	s7 =	simm.s32 @!p0 $0x108  }
0x21: {  	s3 =	sadd.s32 s3, s9;
	s6 =	sadd.s32 @!p0 $0x88, s6;
	s7 =	simm.s32 @p2 $0x1082  }
0x22: {  	[simem:s7], [sflag:s8] =	dma.local @!p0 [hbm:s6], $0xF7A  }
0x23: {  	s9 =	sor.u32 $0xD0000000, s2;
	s6 =	simm.s32 $0x108;
	_ =	swait.ge @!p0 [sflag:s8], $0x0  }
0x24: {  	s3 =	sadd.s32 $0x88, s3;
	s6 =	simm.s32 @!p1 $0x1082;
	[sflag:s4] =	ssyncset.s32 $0xFFFFF086  }
0x25: {  	[simem:s6], [sflag:s4] =	dma.local [hbm:s3], $0xF7A  }
0x26: {  	[smem:$0x3FA0] =	sst s1;
	(tag) =	ssettag s2;
	_ =	strace s9  }
0x27: {  	s1 =	sld [smem:$0x3FB0]  }
0x28: {  	s2 =	sld [smem:$0x3FB1]  }
0x29: {  	s4 =	sld [smem:$0x3FB3]  }
0x2a: {  	p0 =	seq.s32 s5, $0x0;
	s5 =	sld [smem:$0x3FB4]  }
0x2b: {  	s6 =	sld [smem:$0x3FB5]  }
0x2c: {  	s7 =	sld [smem:$0x3FB6]  }
0x2d: {  	s3 =	simm.s32 $0x108;
	s8 =	sld [smem:$0x3FB7]  }
0x2e: {  	s3 =	simm.s32 @!p0 $0x1082;
	s9 =	sld [smem:$0x3FB8]  }
0x2f: {  	lr =	sadd.s32 s0, s3;
	s0 =	sld [smem:$0x3FAF]  }
0x30: {  	s3 =	sld [smem:$0x3FB2]  }
0x31: {  	[smem:$0x3FBB] =	sst s10  }
0x32: {  	s10 =	sld [smem:$0x3FB9];
	_ =	sdelay $0x3  }
0x33: {  	p0 =	seq.s32 s10, $0x1;
	s10 =	sld [smem:$0x3FBB];
	_ =	sdelay $0x3  }
0x34: {  	[smem:$0x3FBB] =	sst s10  }
0x35: {  	s10 =	sld [smem:$0x3FBA];
	_ =	sdelay $0x3  }
0x36: {  	p1 =	seq.s32 s10, $0x1;
	s10 =	sld [smem:$0x3FBB];
	_ =	sdelay $0x3  }
0x37: {  	[smem:$0x3FBB] =	sst s10  }
0x38: {  	s10 =	sld [smem:$0x3FBC]  }
0x39: {  	_ = 	snop;
	(pc) =	sbr.ind lr, $3  }
0x3a: {  	_ = 	snop  }
0x3b: {  	_ = 	snop  }
0x3c: {  	p2 =	seq.s32 s10, $0x1;
	s10 =	sld [smem:$0x3FBB]  }
0x3d: {  	_ =	shalt  }
0x3e: {  	_ =	shalt  }
0x3f: {  	_ =	shalt  }
0x40: {  	_ =	shalt  }
0x41: {  	_ =	shalt  }
0x42: {  	_ =	shalt  }
0x43: {  	_ =	shalt  }
0x44: {  	_ =	shalt  }
0x45: {  	_ =	shalt  }
0x46: {  	_ =	shalt  }
0x47: {  	_ =	shalt  }
0x48: {  	_ =	shalt  }
0x49: {  	_ =	shalt  }
0x4a: {  	_ =	shalt  }
0x4b: {  	_ =	shalt  }
0x4c: {  	_ =	shalt  }
0x4d: {  	_ =	shalt  }
0x4e: {  	_ =	shalt  }
0x4f: {  	_ =	shalt  }
0x50: {  	_ =	shalt  }
0x51: {  	_ =	shalt  }
0x52: {  	_ =	shalt  }
0x53: {  	_ =	shalt  }
0x54: {  	_ =	shalt  }
0x55: {  	_ =	shalt  }
0x56: {  	_ =	shalt  }
0x57: {  	_ =	shalt  }
0x58: {  	_ =	shalt  }
0x59: {  	_ =	shalt  }
0x5a: {  	_ =	shalt  }
0x5b: {  	_ =	shalt  }
0x5c: {  	_ =	shalt  }
0x5d: {  	_ =	shalt  }
0x5e: {  	_ =	shalt  }
0x5f: {  	_ =	shalt  }
0x60: {  	_ =	shalt  }
0x61: {  	_ =	shalt  }
0x62: {  	_ =	shalt  }
0x63: {  	_ =	shalt  }
0x64: {  	_ =	shalt  }
0x65: {  	_ =	shalt  }
0x66: {  	_ =	shalt  }
0x67: {  	_ =	shalt  }
0x68: {  	_ =	shalt  }
0x69: {  	_ =	shalt  }
0x6a: {  	_ =	shalt  }
0x6b: {  	_ =	shalt  }
0x6c: {  	_ =	shalt  }
0x6d: {  	_ =	shalt  }
0x6e: {  	_ =	shalt  }
0x6f: {  	_ =	shalt  }
0x70: {  	_ =	shalt  }
0x71: {  	_ =	shalt  }
0x72: {  	_ =	shalt  }
0x73: {  	_ =	shalt  }
0x74: {  	_ =	shalt  }
0x75: {  	_ =	shalt  }
0x76: {  	_ =	shalt  }
0x77: {  	_ =	shalt  }
0x78: {  	_ =	shalt  }
0x79: {  	_ =	shalt  }
0x7a: {  	_ =	shalt  }
0x7b: {  	_ =	shalt  }
0x7c: {  	_ =	shalt  }
0x7d: {  	_ =	shalt  }
0x7e: {  	_ =	shalt  }
0x7f: {  	_ =	shalt  }
0x80: {  	_ =	shalt  }
0x81: {  	_ =	shalt  }
0x82: {  	_ =	shalt  }
0x83: {  	_ =	shalt  }
0x84: {  	_ =	shalt  }
0x85: {  	_ =	shalt  }
0x86: {  	_ =	shalt  }
0x87: {  	_ =	shalt  }
.Lfunc_end0:
.L_simem_size_0:
called_computation_lowered:
.L_overlay_start_0:
0x88: {  	s2 =	sld [smem:$0x3FD9]  }
0x89: {  	s3 =	sld [smem:$0x3FFE];
	_ =	sdelay $0x1  }
0x8a: {  	s1 =	srdreg.scid  }
0x8b: {  	s0 =	sand.u32 $0x1, s1  }
0x8c: {  	s17 =	sshll.u32 s0, $0xA;
	s2 =	sadd.s32 s3, s2  }
0x8d: {  	s2 =	sadd.s32 s2, s17  }
0x8e: {  	[smem:$0x3FC7] =	sst s2  }
0x8f: {  	_ = 	snop  }
0x90: {  	s2 =	sld [smem:$0x3FC9];
	(tm) =	ssettm $0x1  }
0x91: {  	s18 =	sld [smem:$0x3FFB];
	_ =	sdelay $0x3  }
0x92: {  	_ =	strace s18  }
0x93: {  	s3 =	sld [smem:$0x3FFC];
	_ =	sdelay $0x3  }
0x94: {  	_ =	strace s3  }
0x95: {  	s3 =	sld [smem:$0x3FFD];
	_ =	sdelay $0x3  }
0x96: {  	_ =	strace s3  }
0x97: {  	_ =	strace $0x8FFFFFFF  }
0x98: {  	s19 =	sld [smem:$0x3FDB];
	_ =	sdelay $0x1  }
0x99: {  	s4 =	simm.s32 $_scs_section_size  }
0x9a: {  	s5 =	simm.s32 $_size__tile_overlayer_lowered;
	s6 =	simm.s32 $_tile_overlayer_lowered  }
0x9b: {  	s22 =	simm.s32 $0x1BFF;
	s21 =	sshll.u32 s6, $0x1;
	s3 =	sadd.s32 s4, s19  }
0x9c: {  	s7 =	simm.s32 $0x0;
	s20 =	sshll.u32 s5, $0x1;
	s5 =	sadd.s32 s21, s3  }
0x9d: {  	[timem:s7], [sflag:s22] =	dma.local [hbm:s5], s20  }
0x9e: {  	_ =	swait.ge [sflag:s22], s20  }
0x9f: {  	s4 =	ssub.s32 $0x0, s20;
	[sflag:s22] =	ssyncset.done $0x0  }
0xa0: {  	[sflag:s22] =	ssyncadd.s32 s4;
	_ =	sdelay $0x1  }
0xa1: {  	s23 =	simm.s32 $0x1B8B  }
0xa2: {  	_ =	swait.ge [sflag:s23], $0x1  }
0xa3: {  	[sflag:s23] =	ssyncset.done $0x0  }
0xa4: {  	s25 =	simm.s32 $0x1B8E;
	s24 =	sld [smem:$0x3FFE];
	[sflag:s23] =	ssyncadd.s32 $0xFFFFFFFF  }
0xa5: {  	s26 =	simm.s32 $execute0_lowered;
	[smem:$0x3FD2] =	sst s25  }
0xa6: {  	s5 =	sshll.u32 s26, $0x1;
	_ =	strace $0x80000046;
	[dreg:$0x1] =	wrdreg $0xFFFFFFFF  }
0xa7: {  	s28 =	simm.s32 $_size_execute0_lowered;
	s3 =	sadd.s32 s3, s5;
	[dreg:$0x0] =	wrdreg $0x0  }
0xa8: {  	s5 =	sshll.u32 s28, $0x1;
	[dreg:$0x2] =	wrdreg s3  }
0xa9: {  	[dreg:$0x3] =	wrdreg s5  }
0xaa: {  	[dreg:$0x4] =	wrdreg $0xC0  }
0xab: {  	_ =	task [dreg:s7], $0x5FFFF  }
0xac: {  	[dreg:$0x1] =	wrdreg $0xFFFFFFFF  }
0xad: {  	[dreg:$0x0] =	wrdreg $0x60  }
0xae: {  	[dreg:$0x2] =	wrdreg s2  }
0xaf: {  	[dreg:$0x3] =	wrdreg s24  }
0xb0: {  	[dreg:$0x4] =	wrdreg $0x9  }
0xb1: {  	_ =	task.clear_ibuf [dreg:s7], $0x5FFFF;
	_ =	strace $0x90000046  }
0xb2: {  	s29 =	simm.s32 $0x9;
	_ =	strace $0x80000048  }
0xb3: {  	_ =	swait.ge [sflag:s29], $0x1  }
0xb4: {  	[sflag:s29] =	ssyncadd.s32 $0xFFFFFFFF  }
0xb5: {  	_ =	strace $0x90000048  }
0xb6: {  	_ =	sfence  }
0xb7: {  	s30 =	sld [smem:$0x0];
	_ =	sdelay $0x2  }
0xb8: {  	s31 =	sshll.u32 s1, $0xD;
	s1 =	sshrl.u32 s1, $0x2  }
0xb9: {  	s3 =	sand.u32 $0x4000, s31;
	s1 =	sadd.s32 s1, s30  }
0xba: {  	s0 =	sor.u32 s3, s0;
	s1 =	sshll.u32 s1, $0x11  }
0xbb: {  	s0 =	sor.u32 s1, s0  }
0xbc: {  	s0 =	sadd.s32 $0x8F2B, s0  }
0xbd: {  	[sflag:s0] =	ssyncadd.remote.s32 $0x1  }
0xbe: {  	_ =	sfence.sel $0xFFFF  }
0xbf: {  	[dreg:$0x0] =	wrdreg $0xFFFFFFFF;
	(pc) =	sbr.abs _section_cstart, $3  }
0xc0: {  	[dreg:$0x1] =	wrdreg $0xFFFFFFFF  }
0xc1: {  	_ =	task.clear_ibuf [dreg:s7], $0x2FFFF;
	_ =	strace $0x9FFFFFFF  }
0xc2: {  	(tm) =	ssettm $0x7FFFFFFF  }
0xc3: {  	_ =	shalt  }
tec
execute0_lowered:
.L_overlay_start_1:
0x0: {  	(tag) =	ssettag $0x1  }
0x1: {  	s2 =	srdreg.scid;
	s0 =	stileid.u32  }
0x2: {  	s1 =	rddreg [dreg:$0x0];
	s5 =	sand.u32 $0x1, s2;
	s28 =	sshll.u32 s0, $0x1  }
0x3: {  	vm0 =	vcmask $0x320;
	vm2 =	vcmask $0x1F08;
	s9 =	rddreg [dreg:$0x1];
	s0 =	simm.s32 $0x0;
	s8 =	sor.u32 s5, s28  }
0x4: {  	vm1 =	vcmask $0x300;
	vm3 =	vcmask $0x1F0C;
	vm4 =	vcmask $0x700;
	[smem:$0x7FF] =	sst s0;
	s5 =	ssub.s32 $0x2, s5;
	s2 =	sshll.u32 s8, $0x6  }
0x5: {  	vm5 =	vcmask $0x1F10;
	vm6 =	vcmask $0xB00;
	vm7 =	vcmask $0x1F18;
	_ =	strace $0x80000047;
	s7 =	sshrl.u32 s5, $0x1;
	s12 =	sshll.u32 s8, $0x4  }
0x6: {  	vm8 =	vcmask $0x1300;
	vm9 =	vcmask $0x1F1C;
	vm10 =	vcmask $0x1700;
	s6 =	sor.u32 $0x800, s2;
	[dreg:$0x3] =	wrdreg s2;
	s2 =	sand.u32 $0x40, s2  }
0x7: {  	vm13 =	vcmask $0x1F00;
	vm11 =	vcmask $0x3330;
	vm12 =	vcmask $0x3734;
	s11 =	ssub.s32 s5, s7;
	s4 =	sadd.s32 s9, s12;
	[dreg:$0x5] =	wrdreg s2  }
0x8: {  	vm14 =	vcmask $0x3B38;
	vm2 =	vmor vm1, vm2;
	vm3 =	vmor vm4, vm3;
	s10 =	sshll.u32 s6, $0x9;
	[dreg:$0x8] =	wrdreg s4;
	s5 =	smax.u32 s11, $0x1  }
0x9: {  	vm4 =	vmor vm6, vm5;
	vm5 =	vcmask $0x1F14;
	vm6 =	vcmask $0xF00;
	s29 =	sshll.u32 s6, $0x3;
	s1 =	sadd.s32 s1, s10;
	[dreg:$0xa] =	wrdreg s5  }
0xa: {  	vm11 =	vmor vm13, vm11;
	vm12 =	vmor vm13, vm12;
	vm5 =	vmor vm6, vm5;
	s30 =	sand.u32 $0x7C00, s29;
	s31 =	sor.u32 $0x380, s29;
	[dreg:$0x4] =	wrdreg s1  }
0xb: {  	vm6 =	vmor vm8, vm7;
	vm7 =	vmor vm10, vm9;
	s3 =	sor.u32 $0x8000, s30;
	[dreg:$0x9] =	wrdreg s31;
	v0 =	vmov s30  }
0xc: {  	vm8 =	vcmask $0x2724;
	vm9 =	vcmask $0x2B28;
	s1 =	sadd.s32 $0x2000, s1;
	s18 =	sadd.s32 $0x8000, s31;
	[dreg:$0x6] =	wrdreg s30;
	[tilespmem:$0x1FFD0] =	vst v0;
	v62 =	vmov s3  }
0xd: {  	s13 =	simm.s32 $0x1;
	vm10 =	vcmask $0x2F2C;
	vm8 =	vmor vm13, vm8;
	[dreg:$0xb] =	wrdreg s1;
	v63 =	vmov s18;
	[tilespmem:$0x1FFE0] =	vst v62  }
0xe: {  	s15 =	simm.s32 $0x2;
	vm9 =	vmor vm13, vm9;
	vm10 =	vmor vm13, vm10;
	vm13 =	vmor vm13, vm14;
	[dreg:$0x7] =	wrdreg s3;
	s3 =	simm.s32 $0x0;
	[tilespmem:$0x1FFF0] =	vst v63  }
.LBB2_1:
0xf: {  	[dreg:$0xc] =	wrdreg s3  }
0x10: {  	s1 =	rddreg [dreg:$0x4];
	s21 =	simm.f32 $0.0e+00;
	s19 =	simm.s32 $0x0  }
0x11: {  	[tilespmem:s0], [sflag:$0x1] =	stream.linear.gather [hbm4b:s1+s0], $0x8000, $0x38;
	[tilespmem:$0x10080] =	vst v63  }
.LBB2_2:
0x12: {  	s0 =	rddreg [dreg:$0x3];
	_ =	swait.ge [sflag:s13], $0x8000  }
0x13: {  	v1 =	vld [tilespmem:$0x1FFD0];
	_ =	sdelay $0x1  }
0x14: {  	s22 =	sshll.u32 s19, $0x4  }
0x15: {  	s20 =	sor.u32 s22, s0;
	[sflag:s13] =	ssyncset.done $0x0  }
0x16: {  	s26 =	rddreg [dreg:$0x5];
	s23 =	sshll.u32 s20, $0x9;
	[sflag:s13] =	ssyncadd.s32 $0xFFFF8000  }
0x17: {  	s25 =	simm.s32 $0x8000;
	s23 =	sor.u32 $0x101000, s23;
	s24 =	rddreg [dreg:$0x0]  }
0x18: {  	s22 =	sor.u32 s26, s22;
	s23 =	sadd.s32 s24, s23;
	s24 =	simm.s32 $0x0  }
0x19: {  	[tilespmem:s25], [sflag:$0x2] =	stream.linear.gather [hbm4b:s23+s24], $0x8000, $0x38;
	[tilespmem:$0x10080] =	vst v63  }
0x1a: {  	v37 =	vld.idx.msk [tilespmem:v1+s22+$0x0 ss:$0x1], $0xffff;
	_ =	sdelay $0x3  }
0x1b: {  	s28 =	sand.u32 $0x70, s24;
	s24 =	sand.u32 $0x1C00, s24  }
0x1c: {  	s23 =	sor.u32 s28, s24;
	v0 =	vnsel vm0, $0x7F61B1E6, v37  }
0x1d: {  	v3 =	vld [tilespmem:s23+$0x0];
	[tilespmem:v1+s22+$0x0 ss:$0x1] =	vst.idx.msk $0xffff, v0  }
0x1e: {  	v1 =	vld [tilespmem:s23+$0x6000]  }
0x1f: {  	v5 =	vld [tilespmem:s23+$0x2000]  }
0x20: {  	v11 =	vld [tilespmem:s23+$0x4000];
	_ =	sdelay $0x1  }
0x21: {  	s25 =	simm.s32 $0x10;
	s24 =	simm.s32 $0x80  }
0x22: {  	s29 =	sand.u32 $0x70, s25;
	s30 =	sand.u32 $0x1C00, s24;
	v0 =	vimm.f32 $3.000000010e+38  }
0x23: {  	s25 =	sor.u32 s29, s30;
	v2 =	vmin.f32 v0, v3;
	v6 =	vmax.f32 v0, v3  }
0x24: {  	v7 =	vld [tilespmem:s25+$0x6000];
	v4 =	vmax.f32 v0, v1;
	v8 =	vmax.f32 v0, v5;
	v12 =	vmax.f32 v0, v11  }
0x25: {  	s31 =	rddreg [dreg:$0x6];
	v9 =	vld [tilespmem:s25+$0x0];
	v3 =	vmin.f32 v0, v4;
	v4 =	vmin.f32 v0, v6;
	v6 =	vmin.f32 v0, v5  }
0x26: {  	s26 =	simm.s32 $0x20;
	s23 =	sadd.s32 s22, s31;
	v10 =	vld [tilespmem:s25+$0x2000];
	v5 =	vmin.f32 v0, v8;
	v8 =	vmin.f32 v0, v11;
	v11 =	vimm.f32 $3.000000010e+38  }
.LBB2_3:
0x27: {  	s28 =	sand.u32 $0x70, s26;
	v13 =	vld [tilespmem:s25+$0x4000];
	s24 =	sadd.s32 $0x80, s24;
	v0 =	vmin.f32 v0, v12;
	p0 =	sne.s32 s26, $0x3F0  }
.Ltmp0:
0x28: {  	s26 =	sadd.s32 $0x10, s26;
	v11 =	vmin.f32 v11, v1;
	s25 =	sand.u32 $0x1C00, s24;
	(pc) =	sbr.rel @p0 .LBB2_3-.Ltmp0, $4  }
0x29: {  	s25 =	sor.u32 s28, s25;
	v12 =	vmax.f32 v11, v7;
	v1 =	vmov v7  }
0x2a: {  	v7 =	vld [tilespmem:s25+$0x6000];
	v14 =	vmax.f32 v2, v9;
	v2 =	vmin.f32 v2, v9;
	v3 =	vmin.f32 v3, v12  }
0x2b: {  	v9 =	vld [tilespmem:s25+$0x0];
	v4 =	vmin.f32 v4, v14;
	v12 =	vmax.f32 v6, v10;
	v6 =	vmin.f32 v6, v10  }
0x2c: {  	v10 =	vld [tilespmem:s25+$0x2000];
	v5 =	vmin.f32 v5, v12;
	v12 =	vmax.f32 v8, v13;
	v8 =	vmin.f32 v8, v13  }
0x2d: {  	v13 =	vld [tilespmem:s25+$0x4000];
	_ =	sdelay $0x2  }
0x2e: {  	v11 =	vmin.f32 v11, v1;
	v1 =	vld [tilespmem:s23+$0x80]  }
0x2f: {  	v15 =	vmin.f32 v2, v9;
	v16 =	vmin.f32 v6, v10  }
0x30: {  	[tilespmem:$0x1FF10] =	vst v15;
	v14 =	vmin.f32 v8, v13;
	v15 =	vmin.f32 v15, v16  }
0x31: {  	v44 =	vmin.f32 v11, v7;
	[tilespmem:$0x1FF30] =	vst v14;
	v14 =	vmin.f32 v15, v14  }
0x32: {  	s24 =	simm.s32 $0x0;
	[tilespmem:$0x1FF40] =	vst v15;
	v15 =	vmin.f32 v14, v44  }
0x33: {  	s30 =	sand.u32 $0x70, s24;
	s24 =	sand.u32 $0x1C00, s24;
	v7 =	vmax.f32 v11, v7;
	[tilespmem:$0x1FF60] =	vst v1;
	v1 =	vsel vm2, $0x7F61B1E6, v1;
	(xrf0) =	vmin.scan.msk.f32 $0xffff, v15  }
0x34: {  	s24 =	sor.u32 s30, s24;
	v3 =	vmin.f32 v3, v7;
	[tilespmem:s23+$0x80] =	vst v1  }
0x35: {  	v2 =	vmax.f32 v2, v9;
	[tilespmem:$0x1FF70] =	vst v3;
	v1 =	vld [tilespmem:s24+$0x6080]  }
0x36: {  	v3 =	vmax.f32 v6, v10;
	v2 =	vmin.f32 v4, v2;
	[tilespmem:$0x1FF50] =	vst v14;
	v14 =	vld [tilespmem:s24+$0x80]  }
0x37: {  	[tilespmem:$0x1FF80] =	vst v2;
	v2 =	vmin.f32 v5, v3;
	v11 =	vld [tilespmem:s24+$0x2080]  }
0x38: {  	v0 =	vmin.f32 v0, v12;
	[tilespmem:$0x1FF90] =	vst v2;
	v2 =	vmax.f32 v8, v13;
	v12 =	vld [tilespmem:s24+$0x4080]  }
0x39: {  	v0 =	vmin.f32 v0, v2;
	v9, _, _ =	vpop (xrf0)  }
0x3a: {  	s31 =	simm.s32 $0x10;
	s24 =	simm.s32 $0x80;
	[tilespmem:$0x1FFA0] =	vst v0;
	v0 =	vimm.f32 $3.000000010e+38;
	v6 =	vbroadcast v9, $0xF  }
0x3b: {  	s25 =	sand.u32 $0x70, s31;
	s26 =	sand.u32 $0x1C00, s24;
	v3 =	vmax.f32 v0, v1  }
0x3c: {  	s25 =	sor.u32 s25, s26;
	v4 =	vmax.f32 v0, v14;
	v5 =	vmax.f32 v0, v11;
	vm15 =	veq.f32 v15, v6  }
0x3d: {  	[tilespmem:$0x1FF20] =	vst v16;
	v8 =	vld [tilespmem:s25+$0x6080];
	v7 =	vmin.f32 v0, v12;
	v12 =	vmax.f32 v0, v12;
	v2 =	vmctz.xlane vm15  }
0x3e: {  	[tilespmem:$0x1FFB0] =	vst v15;
	v3 =	vmin.f32 v0, v3;
	v4 =	vmin.f32 v0, v4;
	v5 =	vmin.f32 v0, v5;
	v9 =	vld [tilespmem:s25+$0x80]  }
0x3f: {  	s26 =	simm.s32 $0x20;
	v10 =	vld [tilespmem:s25+$0x2080];
	v6 =	vmin.f32 v0, v11;
	v11 =	vimm.f32 $3.000000010e+38;
	[tilespmem:$0x1FFC0] =	vst v2;
	v2 =	vmin.f32 v0, v14  }
.LBB2_5:
0x40: {  	s28 =	sand.u32 $0x70, s26;
	v13 =	vld [tilespmem:s25+$0x4080];
	s24 =	sadd.s32 $0x80, s24;
	v0 =	vmin.f32 v0, v12;
	p0 =	sne.s32 s26, $0x3F0  }
.Ltmp1:
0x41: {  	s26 =	sadd.s32 $0x10, s26;
	v11 =	vmin.f32 v11, v1;
	s25 =	sand.u32 $0x1C00, s24;
	(pc) =	sbr.rel @p0 .LBB2_5-.Ltmp1, $4  }
0x42: {  	s25 =	sor.u32 s28, s25;
	v12 =	vmax.f32 v11, v8;
	v1 =	vmov v8  }
0x43: {  	v8 =	vld [tilespmem:s25+$0x6080];
	v14 =	vmax.f32 v2, v9;
	v2 =	vmin.f32 v2, v9;
	v3 =	vmin.f32 v3, v12  }
0x44: {  	v9 =	vld [tilespmem:s25+$0x80];
	v4 =	vmin.f32 v4, v14;
	v12 =	vmax.f32 v6, v10;
	v6 =	vmin.f32 v6, v10  }
0x45: {  	v10 =	vld [tilespmem:s25+$0x2080];
	v5 =	vmin.f32 v5, v12;
	v12 =	vmax.f32 v7, v13;
	v7 =	vmin.f32 v7, v13  }
0x46: {  	v13 =	vld [tilespmem:s25+$0x4080];
	_ =	sdelay $0x2  }
0x47: {  	v11 =	vmin.f32 v11, v1;
	v1 =	vld [tilespmem:s23+$0x100];
	v14 =	vmin.f32 v2, v9  }
0x48: {  	v16 =	vmin.f32 v6, v10;
	[tilespmem:$0x1FE50] =	vst v14  }
0x49: {  	v15 =	vmin.f32 v7, v13;
	[tilespmem:$0x1FE60] =	vst v16;
	v16 =	vmin.f32 v14, v16  }
0x4a: {  	v14 =	vmin.f32 v11, v8;
	[tilespmem:$0x1FE70] =	vst v15;
	v15 =	vmin.f32 v16, v15  }
0x4b: {  	s24 =	simm.s32 $0x0;
	v19 =	vmin.f32 v15, v14  }
0x4c: {  	s30 =	sand.u32 $0x70, s24;
	s24 =	sand.u32 $0x1C00, s24;
	[tilespmem:$0x1FEB0] =	vst v1;
	v1 =	vsel vm3, $0x7F61B1E6, v1;
	(xrf0) =	vmin.scan.msk.f32 $0xffff, v19  }
0x4d: {  	s24 =	sor.u32 s30, s24;
	v8 =	vmax.f32 v11, v8;
	[tilespmem:s23+$0x100] =	vst v1  }
0x4e: {  	v2 =	vmax.f32 v2, v9;
	[tilespmem:$0x1FE90] =	vst v14;
	v3 =	vmin.f32 v3, v8;
	v1 =	vld [tilespmem:s24+$0x6100]  }
0x4f: {  	v2 =	vmin.f32 v4, v2;
	v14 =	vld [tilespmem:s24+$0x100];
	[tilespmem:$0x1FEC0] =	vst v3;
	v3 =	vmax.f32 v6, v10  }
0x50: {  	[tilespmem:$0x1FED0] =	vst v2;
	v11 =	vld [tilespmem:s24+$0x2100];
	v2 =	vmin.f32 v5, v3  }
0x51: {  	v0 =	vmin.f32 v0, v12;
	v12 =	vld [tilespmem:s24+$0x4100];
	[tilespmem:$0x1FEE0] =	vst v2;
	v2 =	vmax.f32 v7, v13  }
0x52: {  	v0 =	vmin.f32 v0, v2;
	v9, _, _ =	vpop (xrf0)  }
0x53: {  	s31 =	simm.s32 $0x10;
	s24 =	simm.s32 $0x80;
	[tilespmem:$0x1FEF0] =	vst v0;
	v0 =	vimm.f32 $3.000000010e+38;
	v6 =	vbroadcast v9, $0xF  }
0x54: {  	s25 =	sand.u32 $0x70, s31;
	s26 =	sand.u32 $0x1C00, s24;
	v3 =	vmax.f32 v0, v1  }
0x55: {  	s25 =	sor.u32 s25, s26;
	v4 =	vmax.f32 v0, v14;
	v5 =	vmax.f32 v0, v11;
	vm15 =	veq.f32 v19, v6  }
0x56: {  	[tilespmem:$0x1FE80] =	vst v16;
	v8 =	vld [tilespmem:s25+$0x6100];
	v7 =	vmin.f32 v0, v12;
	v12 =	vmax.f32 v0, v12;
	v2 =	vmctz.xlane vm15  }
0x57: {  	[tilespmem:$0x1FEA0] =	vst v15;
	v3 =	vmin.f32 v0, v3;
	v4 =	vmin.f32 v0, v4;
	v5 =	vmin.f32 v0, v5;
	v9 =	vld [tilespmem:s25+$0x100]  }
0x58: {  	s26 =	simm.s32 $0x20;
	v10 =	vld [tilespmem:s25+$0x2100];
	v6 =	vmin.f32 v0, v11;
	v11 =	vimm.f32 $3.000000010e+38;
	[tilespmem:$0x1FF00] =	vst v2;
	v2 =	vmin.f32 v0, v14  }
.LBB2_7:
0x59: {  	s28 =	sand.u32 $0x70, s26;
	v13 =	vld [tilespmem:s25+$0x4100];
	s24 =	sadd.s32 $0x80, s24;
	v0 =	vmin.f32 v0, v12;
	p0 =	sne.s32 s26, $0x3F0  }
.Ltmp2:
0x5a: {  	s26 =	sadd.s32 $0x10, s26;
	v11 =	vmin.f32 v11, v1;
	s25 =	sand.u32 $0x1C00, s24;
	(pc) =	sbr.rel @p0 .LBB2_7-.Ltmp2, $4  }
0x5b: {  	s25 =	sor.u32 s28, s25;
	v12 =	vmax.f32 v11, v8;
	v1 =	vmov v8  }
0x5c: {  	v8 =	vld [tilespmem:s25+$0x6100];
	v14 =	vmax.f32 v2, v9;
	v2 =	vmin.f32 v2, v9;
	v3 =	vmin.f32 v3, v12  }
0x5d: {  	v9 =	vld [tilespmem:s25+$0x100];
	v4 =	vmin.f32 v4, v14;
	v12 =	vmax.f32 v6, v10;
	v6 =	vmin.f32 v6, v10  }
0x5e: {  	v10 =	vld [tilespmem:s25+$0x2100];
	v5 =	vmin.f32 v5, v12;
	v12 =	vmax.f32 v7, v13;
	v7 =	vmin.f32 v7, v13  }
0x5f: {  	v13 =	vld [tilespmem:s25+$0x4100];
	_ =	sdelay $0x2  }
0x60: {  	v11 =	vmin.f32 v11, v1;
	v1 =	vld [tilespmem:s23+$0x180]  }
0x61: {  	v14 =	vmin.f32 v2, v9;
	v38 =	vmin.f32 v6, v10  }
0x62: {  	[tilespmem:$0x1FDA0] =	vst v14;
	v15 =	vmin.f32 v7, v13;
	v16 =	vmin.f32 v14, v38  }
0x63: {  	v14 =	vmin.f32 v11, v8;
	[tilespmem:$0x1FDB0] =	vst v15;
	v15 =	vmin.f32 v16, v15  }
0x64: {  	s24 =	simm.s32 $0x0;
	v32 =	vmin.f32 v15, v14  }
0x65: {  	s30 =	sand.u32 $0x70, s24;
	s24 =	sand.u32 $0x1C00, s24;
	[tilespmem:$0x1FDF0] =	vst v1;
	v1 =	vsel vm4, $0x7F61B1E6, v1;
	(xrf0) =	vmin.scan.msk.f32 $0xffff, v32  }
0x66: {  	s24 =	sor.u32 s30, s24;
	v8 =	vmax.f32 v11, v8;
	[tilespmem:s23+$0x180] =	vst v1  }
0x67: {  	v2 =	vmax.f32 v2, v9;
	[tilespmem:$0x1FDD0] =	vst v14;
	v3 =	vmin.f32 v3, v8;
	v1 =	vld [tilespmem:s24+$0x6180]  }
0x68: {  	v2 =	vmin.f32 v4, v2;
	v14 =	vld [tilespmem:s24+$0x180];
	[tilespmem:$0x1FE00] =	vst v3;
	v3 =	vmax.f32 v6, v10  }
0x69: {  	[tilespmem:$0x1FE10] =	vst v2;
	v11 =	vld [tilespmem:s24+$0x2180];
	v2 =	vmin.f32 v5, v3  }
0x6a: {  	v0 =	vmin.f32 v0, v12;
	v12 =	vld [tilespmem:s24+$0x4180];
	[tilespmem:$0x1FE20] =	vst v2;
	v2 =	vmax.f32 v7, v13  }
0x6b: {  	v0 =	vmin.f32 v0, v2;
	v9, _, _ =	vpop (xrf0)  }
0x6c: {  	s31 =	simm.s32 $0x10;
	s24 =	simm.s32 $0x80;
	[tilespmem:$0x1FE30] =	vst v0;
	v0 =	vimm.f32 $3.000000010e+38;
	v6 =	vbroadcast v9, $0xF  }
0x6d: {  	s25 =	sand.u32 $0x70, s31;
	s26 =	sand.u32 $0x1C00, s24;
	v3 =	vmax.f32 v0, v1  }
0x6e: {  	s25 =	sor.u32 s25, s26;
	v4 =	vmax.f32 v0, v14;
	v5 =	vmax.f32 v0, v11;
	vm15 =	veq.f32 v32, v6  }
0x6f: {  	[tilespmem:$0x1FDC0] =	vst v16;
	v8 =	vld [tilespmem:s25+$0x6180];
	v7 =	vmin.f32 v0, v12;
	v12 =	vmax.f32 v0, v12;
	v2 =	vmctz.xlane vm15  }
0x70: {  	[tilespmem:$0x1FDE0] =	vst v15;
	v3 =	vmin.f32 v0, v3;
	v4 =	vmin.f32 v0, v4;
	v5 =	vmin.f32 v0, v5;
	v9 =	vld [tilespmem:s25+$0x180]  }
0x71: {  	s26 =	simm.s32 $0x20;
	v10 =	vld [tilespmem:s25+$0x2180];
	v6 =	vmin.f32 v0, v11;
	v11 =	vimm.f32 $3.000000010e+38;
	[tilespmem:$0x1FE40] =	vst v2;
	v2 =	vmin.f32 v0, v14  }
.LBB2_9:
0x72: {  	s28 =	sand.u32 $0x70, s26;
	v13 =	vld [tilespmem:s25+$0x4180];
	s24 =	sadd.s32 $0x80, s24;
	v0 =	vmin.f32 v0, v12;
	p0 =	sne.s32 s26, $0x3F0  }
.Ltmp3:
0x73: {  	s26 =	sadd.s32 $0x10, s26;
	v11 =	vmin.f32 v11, v1;
	s25 =	sand.u32 $0x1C00, s24;
	(pc) =	sbr.rel @p0 .LBB2_9-.Ltmp3, $4  }
0x74: {  	s25 =	sor.u32 s28, s25;
	v12 =	vmax.f32 v11, v8;
	v1 =	vmov v8  }
0x75: {  	v8 =	vld [tilespmem:s25+$0x6180];
	v14 =	vmax.f32 v2, v9;
	v2 =	vmin.f32 v2, v9;
	v3 =	vmin.f32 v3, v12  }
0x76: {  	v9 =	vld [tilespmem:s25+$0x180];
	v4 =	vmin.f32 v4, v14;
	v12 =	vmax.f32 v6, v10;
	v6 =	vmin.f32 v6, v10  }
0x77: {  	v10 =	vld [tilespmem:s25+$0x2180];
	v5 =	vmin.f32 v5, v12;
	v12 =	vmax.f32 v7, v13;
	v7 =	vmin.f32 v7, v13  }
0x78: {  	v13 =	vld [tilespmem:s25+$0x4180];
	_ =	sdelay $0x3  }
0x79: {  	v50 =	vmin.f32 v2, v9;
	v51 =	vmin.f32 v6, v10  }
0x7a: {  	v11 =	vmin.f32 v11, v1;
	v48 =	vmin.f32 v7, v13;
	v49 =	vmin.f32 v50, v51  }
0x7b: {  	v1 =	vld [tilespmem:s23+$0x200];
	v46 =	vmin.f32 v11, v8;
	v47 =	vmin.f32 v49, v48  }
0x7c: {  	v45 =	vmin.f32 v47, v46  }
0x7d: {  	(xrf0) =	vmin.scan.msk.f32 $0xffff, v45  }
0x7e: {  	s24 =	simm.s32 $0x0  }
0x7f: {  	s30 =	sand.u32 $0x70, s24;
	s24 =	sand.u32 $0x1C00, s24  }
0x80: {  	s24 =	sor.u32 s30, s24;
	[tilespmem:$0x1FD40] =	vst v1;
	v1 =	vsel vm5, $0x7F61B1E6, v1  }
0x81: {  	v8 =	vmax.f32 v11, v8;
	v14 =	vld [tilespmem:s24+$0x200];
	[tilespmem:s23+$0x200] =	vst v1  }
0x82: {  	v2 =	vmax.f32 v2, v9;
	v3 =	vmin.f32 v3, v8;
	v1 =	vld [tilespmem:s24+$0x6200]  }
0x83: {  	v0 =	vmin.f32 v0, v12;
	[tilespmem:$0x1FD50] =	vst v3;
	v3 =	vmax.f32 v6, v10;
	v2 =	vmin.f32 v4, v2;
	v12 =	vld [tilespmem:s24+$0x2200];
	v9, _, _ =	vpop (xrf0)  }
0x84: {  	[tilespmem:$0x1FD60] =	vst v2;
	v2 =	vmin.f32 v5, v3;
	v4 =	vld [tilespmem:s24+$0x4200];
	v6 =	vbroadcast v9, $0xF  }
0x85: {  	[tilespmem:$0x1FD70] =	vst v2;
	v2 =	vmax.f32 v7, v13  }
0x86: {  	s31 =	simm.s32 $0x10;
	s24 =	simm.s32 $0x80;
	v0 =	vmin.f32 v0, v2;
	vm15 =	veq.f32 v45, v6  }
0x87: {  	s25 =	sand.u32 $0x70, s31;
	[tilespmem:$0x1FD80] =	vst v0;
	v0 =	vimm.f32 $3.000000010e+38;
	s26 =	sand.u32 $0x1C00, s24;
	v2 =	vmctz.xlane vm15  }
0x88: {  	s25 =	sor.u32 s25, s26;
	v3 =	vmin.f32 v0, v14;
	v8 =	vmin.f32 v0, v12  }
0x89: {  	v10 =	vld [tilespmem:s25+$0x6200];
	v13 =	vmax.f32 v0, v4;
	v9 =	vmin.f32 v0, v4;
	[tilespmem:$0x1FD90] =	vst v2;
	v2 =	vmax.f32 v0, v1  }
0x8a: {  	v11 =	vld [tilespmem:s25+$0x200];
	v6 =	vmax.f32 v0, v14;
	v5 =	vmin.f32 v0, v2;
	v2 =	vmax.f32 v0, v12  }
0x8b: {  	s26 =	simm.s32 $0x20;
	v4 =	vimm.f32 $3.000000010e+38;
	v6 =	vmin.f32 v0, v6;
	v12 =	vld [tilespmem:s25+$0x2200];
	v7 =	vmin.f32 v0, v2  }
.LBB2_11:
0x8c: {  	s28 =	sand.u32 $0x70, s26;
	v2 =	vld [tilespmem:s25+$0x4200];
	s24 =	sadd.s32 $0x80, s24;
	v0 =	vmin.f32 v0, v13;
	p0 =	sne.s32 s26, $0x3F0  }
.Ltmp4:
0x8d: {  	s26 =	sadd.s32 $0x10, s26;
	v4 =	vmin.f32 v4, v1;
	s25 =	sand.u32 $0x1C00, s24;
	(pc) =	sbr.rel @p0 .LBB2_11-.Ltmp4, $4  }
0x8e: {  	s25 =	sor.u32 s28, s25;
	v13 =	vmax.f32 v4, v10;
	v1 =	vmov v10  }
0x8f: {  	v10 =	vld [tilespmem:s25+$0x6200];
	v14 =	vmax.f32 v3, v11;
	v3 =	vmin.f32 v3, v11;
	v5 =	vmin.f32 v5, v13  }
0x90: {  	v11 =	vld [tilespmem:s25+$0x200];
	v6 =	vmin.f32 v6, v14;
	v13 =	vmax.f32 v8, v12;
	v8 =	vmin.f32 v8, v12  }
0x91: {  	v12 =	vld [tilespmem:s25+$0x2200];
	v7 =	vmin.f32 v7, v13;
	v13 =	vmax.f32 v9, v2;
	v9 =	vmin.f32 v9, v2  }
0x92: {  	v16 =	vld [tilespmem:s25+$0x4200];
	_ =	sdelay $0x3  }
0x93: {  	v2 =	vmin.f32 v3, v11;
	v62 =	vmin.f32 v8, v12  }
0x94: {  	v14 =	vmin.f32 v4, v1;
	v1 =	vmin.f32 v9, v16;
	v61 =	vmin.f32 v2, v62  }
0x95: {  	v56 =	vld [tilespmem:s23+$0x280];
	v59 =	vmin.f32 v14, v10;
	v60 =	vmin.f32 v61, v1  }
0x96: {  	v58 =	vmin.f32 v60, v59  }
0x97: {  	(xrf0) =	vmin.scan.msk.f32 $0xffff, v58  }
0x98: {  	s24 =	simm.s32 $0x0  }
0x99: {  	s30 =	sand.u32 $0x70, s24;
	s24 =	sand.u32 $0x1C00, s24  }
0x9a: {  	s24 =	sor.u32 s30, s24;
	v4 =	vsel vm6, $0x7F61B1E6, v56  }
0x9b: {  	v10 =	vmax.f32 v14, v10;
	v17 =	vld [tilespmem:s24+$0x280];
	[tilespmem:s23+$0x280] =	vst v4  }
0x9c: {  	v5 =	vmin.f32 v5, v10;
	v4 =	vld [tilespmem:s24+$0x6280]  }
0x9d: {  	v3 =	vmax.f32 v3, v11;
	[tilespmem:$0x1FD10] =	vst v5;
	v5 =	vmax.f32 v8, v12;
	v20 =	vld [tilespmem:s24+$0x2280];
	v11, _, _ =	vpop (xrf0)  }
0x9e: {  	v15 =	vmin.f32 v7, v5;
	v5 =	vld [tilespmem:s24+$0x4280];
	v8 =	vbroadcast v11, $0xF  }
0x9f: {  	v0 =	vmin.f32 v0, v13;
	v14 =	vmin.f32 v6, v3;
	v3 =	vmax.f32 v9, v16  }
0xa0: {  	s31 =	simm.s32 $0x10;
	v0 =	vmin.f32 v0, v3;
	s24 =	simm.s32 $0x80;
	vm15 =	veq.f32 v58, v8  }
0xa1: {  	s25 =	sand.u32 $0x70, s31;
	v3 =	vimm.f32 $3.000000010e+38;
	[tilespmem:$0x1FD20] =	vst v0;
	s26 =	sand.u32 $0x1C00, s24;
	v0 =	vmctz.xlane vm15  }
0xa2: {  	v6 =	vmin.f32 v3, v17;
	s25 =	sor.u32 s25, s26;
	v10 =	vmin.f32 v3, v20  }
0xa3: {  	v12 =	vld [tilespmem:s25+$0x6280];
	v21 =	vmax.f32 v3, v5;
	v11 =	vmin.f32 v3, v5;
	[tilespmem:$0x1FD30] =	vst v0;
	v0 =	vmax.f32 v3, v4  }
0xa4: {  	v18 =	vld [tilespmem:s25+$0x280];
	v8 =	vmax.f32 v3, v17;
	v7 =	vmin.f32 v3, v0;
	v0 =	vmax.f32 v3, v20  }
0xa5: {  	s26 =	simm.s32 $0x20;
	v5 =	vimm.f32 $3.000000010e+38;
	v8 =	vmin.f32 v3, v8;
	v20 =	vld [tilespmem:s25+$0x2280];
	v9 =	vmin.f32 v3, v0  }
.LBB2_13:
0xa6: {  	s28 =	sand.u32 $0x70, s26;
	v0 =	vld [tilespmem:s25+$0x4280];
	s24 =	sadd.s32 $0x80, s24;
	v3 =	vmin.f32 v3, v21;
	p0 =	sne.s32 s26, $0x3F0  }
.Ltmp5:
0xa7: {  	s26 =	sadd.s32 $0x10, s26;
	v5 =	vmin.f32 v5, v4;
	s25 =	sand.u32 $0x1C00, s24;
	(pc) =	sbr.rel @p0 .LBB2_13-.Ltmp5, $4  }
0xa8: {  	s25 =	sor.u32 s28, s25;
	v16 =	vmax.f32 v5, v12;
	v4 =	vmov v12  }
0xa9: {  	v12 =	vld [tilespmem:s25+$0x6280];
	v17 =	vmax.f32 v6, v18;
	v6 =	vmin.f32 v6, v18;
	v7 =	vmin.f32 v7, v16  }
0xaa: {  	v18 =	vld [tilespmem:s25+$0x280];
	v8 =	vmin.f32 v8, v17;
	v16 =	vmax.f32 v10, v20;
	v10 =	vmin.f32 v10, v20  }
0xab: {  	v20 =	vld [tilespmem:s25+$0x2280];
	v9 =	vmin.f32 v9, v16;
	v21 =	vmax.f32 v11, v0;
	v11 =	vmin.f32 v11, v0  }
0xac: {  	v22 =	vld [tilespmem:s25+$0x4280];
	_ =	sdelay $0x2  }
0xad: {  	v16 =	vld [tilespmem:s23+$0x300]  }
0xae: {  	v0 =	vmin.f32 v6, v18;
	v39 =	vmin.f32 v10, v20  }
0xaf: {  	v4 =	vmin.f32 v5, v4;
	v28 =	vmin.f32 v11, v22;
	v29 =	vmin.f32 v0, v39  }
0xb0: {  	s24 =	simm.s32 $0x0;
	v26 =	vmin.f32 v4, v12;
	v27 =	vmin.f32 v29, v28  }
0xb1: {  	s28 =	sand.u32 $0x70, s24;
	s24 =	sand.u32 $0x1C00, s24;
	v17 =	vmin.f32 v27, v26  }
0xb2: {  	s29 =	sor.u32 s28, s24;
	v5 =	vsel vm7, $0x7F61B1E6, v16;
	(xrf0) =	vmin.scan.msk.f32 $0xffff, v17  }
0xb3: {  	v23 =	vld [tilespmem:s29+$0x300];
	[tilespmem:s23+$0x300] =	vst v5  }
0xb4: {  	v4 =	vmax.f32 v4, v12;
	v5 =	vld [tilespmem:s29+$0x6300]  }
0xb5: {  	v6 =	vmax.f32 v6, v18;
	v30 =	vmin.f32 v7, v4;
	v4 =	vmax.f32 v10, v20;
	v18 =	vld [tilespmem:s29+$0x2300]  }
0xb6: {  	v42 =	vmin.f32 v9, v4;
	v9 =	vld [tilespmem:s29+$0x4300]  }
0xb7: {  	v3 =	vmin.f32 v3, v21;
	v4 =	vmax.f32 v11, v22  }
0xb8: {  	s30 =	simm.s32 $0x10;
	s23 =	simm.s32 $0x80;
	v40 =	vmin.f32 v3, v4;
	v3 =	vimm.f32 $3.000000010e+38;
	v12, _, _ =	vpop (xrf0)  }
0xb9: {  	s24 =	sand.u32 $0x70, s30;
	v41 =	vmin.f32 v8, v6;
	s31 =	sand.u32 $0x1C00, s23;
	v10 =	vmax.f32 v3, v23;
	v7 =	vbroadcast v12, $0xF  }
0xba: {  	s24 =	sor.u32 s24, s31;
	v6 =	vmin.f32 v3, v23;
	v20 =	vmin.f32 v3, v10;
	v21 =	vmin.f32 v3, v18  }
0xbb: {  	v11 =	vmin.f32 v3, v9;
	v12 =	vld [tilespmem:s24+$0x6300];
	vm15 =	veq.f32 v17, v7;
	v7 =	vmax.f32 v3, v5  }
0xbc: {  	v25 =	vld [tilespmem:s24+$0x300];
	v34 =	vmax.f32 v3, v9;
	v8 =	vmin.f32 v3, v7;
	v7 =	vmax.f32 v3, v18  }
0xbd: {  	s25 =	simm.s32 $0x20;
	v31 =	vld [tilespmem:s24+$0x2300];
	v9 =	vimm.f32 $3.000000010e+38;
	v4 =	vmctz.xlane vm15;
	v7 =	vmin.f32 v3, v7  }
.LBB2_15:
0xbe: {  	s26 =	sand.u32 $0x70, s25;
	v10 =	vld [tilespmem:s24+$0x4300];
	s23 =	sadd.s32 $0x80, s23;
	v3 =	vmin.f32 v3, v34;
	p0 =	sne.s32 s25, $0x3F0  }
.Ltmp6:
0xbf: {  	s25 =	sadd.s32 $0x10, s25;
	v9 =	vmin.f32 v9, v5;
	s24 =	sand.u32 $0x1C00, s23;
	(pc) =	sbr.rel @p0 .LBB2_15-.Ltmp6, $4  }
0xc0: {  	s24 =	sor.u32 s26, s24;
	v18 =	vmax.f32 v9, v12;
	v5 =	vmov v12  }
0xc1: {  	v12 =	vld [tilespmem:s24+$0x6300];
	v22 =	vmax.f32 v6, v25;
	v6 =	vmin.f32 v6, v25;
	v8 =	vmin.f32 v8, v18  }
0xc2: {  	v25 =	vld [tilespmem:s24+$0x300];
	v20 =	vmin.f32 v20, v22;
	v18 =	vmax.f32 v21, v31;
	v21 =	vmin.f32 v21, v31  }
0xc3: {  	v31 =	vld [tilespmem:s24+$0x2300];
	v7 =	vmin.f32 v7, v18;
	v34 =	vmax.f32 v11, v10;
	v11 =	vmin.f32 v11, v10  }
0xc4: {  	s0 =	rddreg [dreg:$0x9]  }
0xc5: {  	v52 =	vld [tilespmem:s24+$0x4300];
	s22 =	sor.u32 s0, s22  }
0xc6: {  	v43 =	vld [tilespmem:s22+$0x0];
	_ =	sdelay $0x2  }
0xc7: {  	v53 =	vmin.f32 v9, v5;
	v22 =	vmin.f32 v6, v25;
	v23 =	vmin.f32 v21, v31  }
0xc8: {  	vm15 =	vmmov $0x7f;
	s23 =	simm.s32 $0x0;
	v18 =	vmin.f32 v11, v52;
	v55 =	vmin.f32 v22, v23  }
0xc9: {  	s18 =	sand.u32 $0x70, s23;
	s25 =	sand.u32 $0x1C00, s23;
	v9 =	vmin.f32 v53, v12;
	v10 =	vmin.f32 v55, v18;
	v33 =	vsel vm15, $0x7F61B1E6, v43  }
0xca: {  	s23 =	sor.u32 s23, s23;
	s26 =	sor.u32 s18, s25;
	v5 =	vmin.f32 v10, v9;
	[tilespmem:s22+$0x0] =	vst v33  }
0xcb: {  	(xrf0) =	vmin.scan.msk.f32 $0xffff, v5;
	s22 =	sor.u32 $0x380, s23;
	v33 =	vld [tilespmem:s26+$0x6380]  }
0xcc: {  	v54 =	vld [tilespmem:s22+$0x0]  }
0xcd: {  	v35 =	vld [tilespmem:s26+$0x2380]  }
0xce: {  	v3 =	vmin.f32 v3, v34;
	v12 =	vmax.f32 v53, v12;
	v6 =	vmax.f32 v6, v25;
	v36 =	vld [tilespmem:s26+$0x4380]  }
0xcf: {  	v25 =	vmin.f32 v8, v12;
	v63 =	vmin.f32 v20, v6;
	v6 =	vmax.f32 v21, v31  }
0xd0: {  	s28 =	simm.s32 $0x10;
	v6 =	vmin.f32 v7, v6;
	v8 =	vmax.f32 v11, v52;
	v7 =	vimm.f32 $3.000000010e+38;
	s23 =	simm.s32 $0x80  }
0xd1: {  	v34 =	vimm.f32 $3.000000010e+38;
	s29 =	sand.u32 $0x70, s28;
	v31 =	vmin.f32 v3, v8;
	s30 =	sand.u32 $0x1C00, s23;
	v24, _, _ =	vpop (xrf0);
	v3 =	vmax.f32 v7, v33  }
0xd2: {  	s26 =	sor.u32 s23, s28;
	s22 =	sor.u32 s29, s30;
	v11 =	vmin.f32 v7, v54;
	v8 =	vmax.f32 v7, v54;
	v24 =	vbroadcast v24, $0xF  }
0xd3: {  	s31 =	sor.u32 $0x380, s26;
	v57 =	vld [tilespmem:s22+$0x6380];
	v53 =	vmin.f32 v7, v35;
	v54 =	vmin.f32 v7, v36;
	v12 =	vmin.f32 v7, v3  }
0xd4: {  	v21 =	vld [tilespmem:s31+$0x0];
	v3 =	vmax.f32 v7, v35;
	v52 =	vmin.f32 v7, v8;
	vm1 =	veq.f32 v5, v24  }
0xd5: {  	s24 =	simm.s32 $0x20;
	v20 =	vld [tilespmem:s22+$0x2380];
	v8 =	vmin.f32 v7, v3;
	v3 =	vmax.f32 v7, v36;
	v24 =	vmctz.xlane vm1  }
.LBB2_17:
0xd6: {  	s25 =	sand.u32 $0x70, s24  }
0xd7: {  	v35 =	vld [tilespmem:s22+$0x4380];
	s23 =	sadd.s32 $0x80, s23;
	v7 =	vmin.f32 v7, v3;
	s22 =	smov.u32 s24;
	p0 =	sne.s32 s24, $0x3F0  }
.Ltmp7:
0xd8: {  	s24 =	sadd.s32 $0x10, s24;
	v34 =	vmin.f32 v34, v33;
	s26 =	sand.u32 $0x1C00, s23;
	(pc) =	sbr.rel @p0 .LBB2_17-.Ltmp7, $4  }
0xd9: {  	s28 =	sor.u32 s23, s22;
	s22 =	sor.u32 s25, s26;
	v3 =	vmax.f32 v34, v57;
	v33 =	vmov v57  }
0xda: {  	s25 =	sor.u32 $0x380, s28;
	v57 =	vld [tilespmem:s22+$0x6380];
	v36 =	vmax.f32 v11, v21;
	v11 =	vmin.f32 v11, v21;
	v12 =	vmin.f32 v12, v3  }
0xdb: {  	v21 =	vld [tilespmem:s25+$0x0];
	v52 =	vmin.f32 v52, v36;
	v3 =	vmax.f32 v53, v20;
	v53 =	vmin.f32 v53, v20  }
0xdc: {  	v20 =	vld [tilespmem:s22+$0x2380];
	v8 =	vmin.f32 v8, v3;
	v3 =	vmax.f32 v54, v35;
	v54 =	vmin.f32 v54, v35  }
0xdd: {  	v35 =	vsel vm0, $0xFF61B1E6, v37;
	v36 =	vld [tilespmem:$0x1FF20]  }
0xde: {  	(xrf0) =	vmax.scan.msk.f32 $0xffff, v35;
	v35 =	vld [tilespmem:$0x1FF10];
	_ =	sdelay $0x3  }
0xdf: {  	v13 =	vld [tilespmem:$0x1FF80]  }
0xe0: {  	v35 =	vmax.f32 v35, v36;
	v36 =	vld [tilespmem:$0x1FF90];
	_ =	sdelay $0x4  }
0xe1: {  	v36 =	vmin.f32 v13, v36;
	v13 =	vld [tilespmem:$0x1FFA0];
	_ =	sdelay $0x1  }
0xe2: {  	v33 =	vmin.f32 v34, v33;
	v34 =	vld [tilespmem:$0x1FF30]  }
0xe3: {  	v35 =	vmin.f32 v35, v36;
	v36 =	vld [tilespmem:$0x1FF40]  }
0xe4: {  	v37 =	vld [tilespmem:$0x1FF50]  }
0xe5: {  	v35 =	vmin.f32 v35, v13;
	v13 =	vld [tilespmem:$0x1FF70];
	_ =	sdelay $0x2  }
0xe6: {  	v34 =	vmax.f32 v36, v34  }
0xe7: {  	v34 =	vmin.f32 v34, v35;
	v35 =	vmax.f32 v37, v44;
	v44 =	vld [tilespmem:$0x1FE60]  }
0xe8: {  	v34 =	vmin.f32 v34, v13;
	v13 =	vld [tilespmem:$0x1FE50];
	_ =	sdelay $0x3  }
0xe9: {  	v36, _, _ =	vpop (xrf0)  }
0xea: {  	(v2sf) =	vpush v36, $0xF;
	v36 =	vmax.f32 v13, v44;
	v13 =	vld [tilespmem:$0x1FED0]  }
0xeb: {  	v44 =	vld [tilespmem:$0x1FEE0];
	_ =	sdelay $0x4  }
0xec: {  	v37 =	vmin.f32 v13, v44;
	v13 =	vld [tilespmem:$0x1FE70]  }
0xed: {  	v44 =	vld [tilespmem:$0x1FE80];
	_ =	sdelay $0x4  }
0xee: {  	v34 =	vmin.f32 v35, v34;
	v35 =	vmin.f32 v36, v37;
	v36 =	vmax.f32 v44, v13;
	v13 =	vld [tilespmem:$0x1FEF0];
	_ =	sdelay $0x4  }
0xef: {  	v35 =	vmin.f32 v35, v13;
	v13 =	vld [tilespmem:$0x1FDA0];
	_ =	sdelay $0x3  }
0xf0: {  	v44 =	vld [tilespmem:$0x1FE20]  }
0xf1: {  	v37 =	vmax.f32 v13, v38;
	v13 =	vld [tilespmem:$0x1FE10];
	_ =	sdelay $0x4  }
0xf2: {  	v38 =	vmin.f32 v13, v44;
	v13 =	vld [tilespmem:$0x1FE90]  }
0xf3: {  	v44 =	vld [tilespmem:$0x1FEA0];
	_ =	sdelay $0x4  }
0xf4: {  	v35 =	vmin.f32 v36, v35;
	v36 =	vmax.f32 v44, v13;
	v13 =	vld [tilespmem:$0x1FEC0];
	_ =	sdelay $0x3  }
0xf5: {  	v44 =	vld [tilespmem:$0x1FDC0]  }
0xf6: {  	v35 =	vmin.f32 v35, v13;
	v13 =	vld [tilespmem:$0x1FDB0];
	_ =	sdelay $0x4  }
0xf7: {  	v37 =	vmin.f32 v37, v38;
	v38 =	vmax.f32 v44, v13;
	v13 =	vld [tilespmem:$0x1FE30];
	_ =	sdelay $0x4  }
0xf8: {  	v37 =	vmin.f32 v37, v13;
	v13 =	vld [tilespmem:$0x1FFC0];
	_ =	sdelay $0x3  }
0xf9: {  	v44 =	vlaneseq.u32  }
0xfa: {  	vm1 =	veq.s32 v13, v44;
	v13 =	vld [tilespmem:$0x1FF00];
	_ =	sdelay $0x3  }
0xfb: {  	v35 =	vmin.f32 v36, v35;
	v36 =	vmin.f32 v38, v37;
	v37 =	vld [tilespmem:$0x1FDE0]  }
0xfc: {  	vm14 =	vmmov vm0;
	vm0 =	veq.s32 v13, v44;
	v13 =	vld [tilespmem:$0x1FDD0];
	_ =	sdelay $0x4  }
0xfd: {  	v37 =	vmax.f32 v37, v13;
	v13 =	vld [tilespmem:$0x1FE00];
	_ =	sdelay $0x3  }
0xfe: {  	v38 =	vmax.f32 v50, v51;
	v50 =	vld [tilespmem:$0x1FD70]  }
0xff: {  	v36 =	vmin.f32 v36, v13;
	v13 =	vld [tilespmem:$0x1FD60];
	_ =	sdelay $0x3  }
0x100: {  	v51 =	vld [tilespmem:$0x1FFB0]  }
0x101: {  	v50 =	vmin.f32 v13, v50;
	v13 =	vld [tilespmem:$0x1FE40];
	_ =	sdelay $0x4  }
0x102: {  	v51 =	vsel vm1, $0x7F61B1E6, v51;
	vm1 =	veq.s32 v13, v44;
	v13 =	vld [tilespmem:$0x1FD80];
	_ =	sdelay $0x3  }
0x103: {  	(xrf0) =	vmin.scan.msk.f32 $0xffff, v51;
	v51 =	vmin.f32 v38, v50  }
0x104: {  	v36 =	vmin.f32 v37, v36;
	v37 =	vmin.f32 v51, v13;
	v13 =	vld [tilespmem:$0x1FD50];
	_ =	sdelay $0x2  }
0x105: {  	v49 =	vmax.f32 v49, v48  }
0x106: {  	(xrf0) =	vmin.scan.msk.f32 $0xffff, v34;
	v34 =	vmin.f32 v49, v37  }
0x107: {  	v34 =	vmin.f32 v34, v13;
	v13 =	vld [tilespmem:$0x1FEB0]  }
0x108: {  	v50 =	vld [tilespmem:$0x1FF60];
	_ =	sdelay $0x2  }
0x109: {  	v2 =	vmax.f32 v2, v62;
	v14 =	vmin.f32 v14, v15  }
0x10a: {  	v2 =	vmin.f32 v2, v14;
	v14 =	vnsel vm3, $0xFF61B1E6, v13;
	v13 =	vld [tilespmem:$0x1FD20]  }
0x10b: {  	v38 =	vnsel vm2, $0xFF61B1E6, v50  }
0x10c: {  	v19 =	vsel vm0, $0x7F61B1E6, v19;
	(xrf0) =	vmax.scan.msk.f32 $0xffff, v38  }
0x10d: {  	(xrf0) =	vmin.scan.msk.f32 $0xffff, v19  }
0x10e: {  	(xrf0) =	vmin.scan.msk.f32 $0xffff, v35  }
0x10f: {  	v37 =	vld [tilespmem:$0x1FDF0];
	(xrf0) =	vmax.scan.msk.f32 $0xffff, v14;
	v2 =	vmin.f32 v2, v13;
	v13 =	vsel vm1, $0x7F61B1E6, v32  }
0x110: {  	(xrf0) =	vmin.scan.msk.f32 $0xffff, v13;
	v13 =	vld [tilespmem:$0x1FD90];
	_ =	sdelay $0x4  }
0x111: {  	v14 =	vmin.f32 v41, v42;
	v32 =	vnsel vm4, $0xFF61B1E6, v37;
	(xrf0) =	vmin.scan.msk.f32 $0xffff, v36;
	vm0 =	veq.s32 v13, v44  }
0x112: {  	v0 =	vmax.f32 v0, v39;
	v51 =	vmax.f32 v47, v46;
	v13, _, _ =	vpop (xrf0);
	(xrf0) =	vmax.scan.msk.f32 $0xffff, v32;
	v39 =	vsel vm0, $0x7F61B1E6, v45  }
0x113: {  	v15 =	vmin.f32 v51, v34;
	v36, _, _ =	vpop (xrf0);
	(xrf0) =	vmin.scan.msk.f32 $0xffff, v39  }
0x114: {  	v0 =	vmin.f32 v0, v14;
	v14, _, _ =	vpop (xrf0);
	(xrf0) =	vmin.scan.msk.f32 $0xffff, v15;
	v15 =	vld [tilespmem:$0x1FD30]  }
0x115: {  	v38 =	vld [tilespmem:$0x1FD10];
	_ =	sdelay $0x2  }
0x116: {  	v1 =	vmax.f32 v61, v1  }
0x117: {  	v1 =	vmin.f32 v1, v2;
	vm0 =	veq.s32 v15, v44;
	v15 =	vld [tilespmem:$0x1FD40]  }
0x118: {  	v2 =	vmax.f32 v60, v59;
	v1 =	vmin.f32 v1, v38  }
0x119: {  	v1 =	vmin.f32 v2, v1;
	v2 =	vmax.f32 v29, v28;
	_ =	sdelay $0x1  }
0x11a: {  	v46 =	vld [tilespmem:s22+$0x4380];
	v0 =	vmin.f32 v0, v40;
	v41, _, _ =	vpop (xrf0)  }
0x11b: {  	v0 =	vmin.f32 v2, v0;
	v2, _, _ =	vpop (xrf0);
	v15 =	vnsel vm5, $0xFF61B1E6, v15  }
0x11c: {  	v0 =	vmin.f32 v0, v30;
	v45, _, _ =	vpop (xrf0);
	v42 =	vsel vm0, $0x7F61B1E6, v58;
	(xrf0) =	vmax.scan.msk.f32 $0xffff, v15;
	v15 =	vmax.f32 v27, v26  }
0x11d: {  	v6 =	vmin.f32 v63, v6;
	v47, _, _ =	vpop (xrf0);
	(xrf0) =	vmin.scan.msk.f32 $0xffff, v42;
	v0 =	vmin.f32 v15, v0;
	v15 =	vmax.f32 v22, v23  }
0x11e: {  	vm0 =	veq.s32 v4, v44;
	v4, _, _ =	vpop (xrf0);
	(xrf0) =	vmin.scan.msk.f32 $0xffff, v1;
	v1 =	vmin.f32 v15, v6;
	v6 =	vnsel vm6, $0xFF61B1E6, v56  }
0x11f: {  	v9 =	vmax.f32 v10, v9;
	v50 =	vmin.f32 v54, v46;
	v48, _, _ =	vpop (xrf0);
	v15 =	vsel vm0, $0x7F61B1E6, v17;
	(xrf0) =	vmax.scan.msk.f32 $0xffff, v6  }
0x120: {  	v10, _, _ =	vpop (xrf0);
	vm0 =	veq.s32 v24, v44;
	v6 =	vmax.f32 v55, v18;
	v1 =	vmin.f32 v1, v31;
	(xrf0) =	vmin.scan.msk.f32 $0xffff, v15  }
0x121: {  	v5 =	vsel vm0, $0x7F61B1E6, v5;
	v1 =	vmin.f32 v6, v1;
	v15 =	vnsel vm7, $0xFF61B1E6, v16;
	(xrf0) =	vmin.scan.msk.f32 $0xffff, v0;
	v0, _, _ =	vpop (xrf0)  }
0x122: {  	v6 =	vmin.f32 v11, v21;
	v1 =	vmin.f32 v1, v25;
	v49, _, _ =	vpop (xrf0);
	(xrf0) =	vmax.scan.msk.f32 $0xffff, v15;
	v15 =	vmin.f32 v53, v20  }
0x123: {  	(v2sf) =	vpush v13, $0xF;
	v1 =	vmin.f32 v9, v1;
	v13, _, _ =	vpop (xrf0);
	(xrf0) =	vmin.scan.msk.f32 $0xffff, v5;
	v5 =	vmin.f32 v6, v15  }
0x124: {  	v51 =	vnsel vm15, $0xFF61B1E6, v43;
	v9, _, _ =	vpop (xrf0);
	(xrf0) =	vmin.scan.msk.f32 $0xffff, v1;
	v1 =	vmin.f32 v33, v57;
	v55 =	vmin.f32 v5, v50  }
0x125: {  	(v2sf) =	vpush v36, $0xF;
	v56, _, _ =	vpop (xrf0);
	(xrf0) =	vmax.scan.msk.f32 $0xffff, v51;
	v58 =	vmin.f32 v55, v1  }
0x126: {  	(v2sf) =	vpush v14, $0xF;
	v14, _, _ =	vpop (xrf0);
	(xrf0) =	vmin.scan.msk.f32 $0xffff, v58  }
0x127: {  	(v2sf) =	vpush v41, $0xF;
	v59, _, _ =	vpop (xrf0)  }
0x128: {  	(v2sf) =	vpush v2, $0xF;
	v2, _, _ =	vpop (xrf0)  }
0x129: {  	(v2sf) =	vpush v45, $0xF;
	v60, _, _ =	vpop (xrf0)  }
0x12a: {  	v3 =	vmin.f32 v7, v3;
	v7 =	vmax.f32 v33, v57;
	(v2sf) =	vpush v47, $0xF;
	v61, _, _ =	vpop (xrf0)  }
0x12b: {  	v7 =	vmin.f32 v12, v7;
	v12 =	vmax.f32 v53, v20;
	(v2sf) =	vpush v4, $0xF;
	v4, _, _ =	vpop (xrf0)  }
0x12c: {  	v8 =	vmin.f32 v8, v12;
	v63 =	vmax.f32 v54, v46;
	(v2sf) =	vpush v48, $0xF;
	v62, _, _ =	vpop (xrf0)  }
0x12d: {  	(v2sf) =	vpush v10, $0xF;
	v11 =	vmax.f32 v11, v21;
	v10 =	vbroadcast v62, $0xF  }
0x12e: {  	v3 =	vmin.f32 v3, v63;
	v11 =	vmin.f32 v52, v11;
	(v2sf) =	vpush v0, $0xF  }
0x12f: {  	v0 =	vmax.f32 v6, v15;
	v6 =	vmin.f32 v11, v8;
	vm0 =	veq.f32 v58, v10  }
0x130: {  	(v2sf) =	vpush v49, $0xF;
	v0 =	vmin.f32 v0, v6;
	v6 =	vmctz.xlane vm0  }
0x131: {  	(v2sf) =	vpush v13, $0xF;
	v5 =	vmax.f32 v5, v50;
	v0 =	vmin.f32 v0, v3  }
0x132: {  	(v2sf) =	vpush v9, $0xF;
	v0 =	vmin.f32 v5, v0;
	vm0 =	veq.s32 v6, v44  }
0x133: {  	v1 =	vmax.f32 v55, v1;
	v0 =	vmin.f32 v0, v7;
	v3 =	vsel vm0, $0x7F61B1E6, v58  }
0x134: {  	s23 =	spop (v2sf);
	(v2sf) =	vpush v56, $0xF;
	v0 =	vmin.f32 v1, v0;
	(xrf0) =	vmin.scan.msk.f32 $0xffff, v3  }
0x135: {  	s24 =	spop (v2sf);
	(v2sf) =	vpush v14, $0xF;
	(xrf0) =	vmin.scan.msk.f32 $0xffff, v0  }
0x136: {  	s25 =	spop (v2sf);
	(v2sf) =	vpush v59, $0xF  }
0x137: {  	s26 =	spop (v2sf);
	(v2sf) =	vpush v2, $0xF  }
0x138: {  	s28 =	spop (v2sf);
	(v2sf) =	vpush v60, $0xF  }
0x139: {  	s29 =	spop (v2sf);
	(v2sf) =	vpush v61, $0xF  }
0x13a: {  	s30 =	spop (v2sf);
	(v2sf) =	vpush v4, $0xF;
	v0, _, _ =	vpop (xrf0)  }
0x13b: {  	s31 =	spop (v2sf);
	(v2sf) =	vpush v0, $0xF;
	v0, _, _ =	vpop (xrf0)  }
0x13c: {  	s2 =	spop (v2sf);
	(v2sf) =	vpush v0, $0xF  }
0x13d: {  	s0 =	spop (v2sf)  }
0x13e: {  	s16 =	spop (v2sf)  }
0x13f: {  	s3 =	spop (v2sf)  }
0x140: {  	s9 =	spop (v2sf)  }
0x141: {  	s11 =	spop (v2sf)  }
0x142: {  	s5 =	spop (v2sf)  }
0x143: {  	s17 =	spop (v2sf)  }
0x144: {  	s18 =	spop (v2sf)  }
0x145: {  	s1 =	spop (v2sf)  }
0x146: {  	s14 =	spop (v2sf)  }
0x147: {  	s4 =	spop (v2sf)  }
0x148: {  	s6 =	spop (v2sf)  }
0x149: {  	s24 =	smin.f32 s24, s25;
	s22 =	spop (v2sf)  }
0x14a: {  	p0 =	seq.s32 s19, $0x3;
	s2 =	smin.f32 s31, s2;
	s7 =	spop (v2sf)  }
0x14b: {  	s10 =	sshll.u32 @!p0 s19, $0xD;
	s31 =	smax.f32 s30, $0.0e+00;
	s8 =	spop (v2sf)  }
0x14c: {  	s25 =	smax.f32 s23, $0.0e+00;
	s2 =	ssub.f32 s31, s2;
	_ =	swait.ge [sflag:s15], $0x8000  }
0x14d: {  	s28 =	smin.f32 s28, s29;
	[sflag:s15] =	ssyncset.done $0x0;
	s12 =	rddreg [dreg:$0xb]  }
0x14e: {  	[sflag:s15] =	ssyncadd.s32 $0xFFFF8000;
	s10 =	sadd.s32 @!p0 s12, s10;
	s12 =	simm.s32 @!p0 $0x0  }
0x14f: {  	[tilespmem:s12], [sflag:$0x1] =	stream.linear.gather @!p0 [hbm4b:s10+s12], $0x8000, $0x38;
	[tilespmem:$0x10080] =	vst v63  }
0x150: {  	s29 =	smax.f32 s26, $0.0e+00;
	s10 =	ssub.f32 s25, s24  }
0x151: {  	v1 =	vld [tilespmem:$0x1FFE0];
	s12 =	ssub.f32 s29, s28  }
0x152: {  	s10 =	sadd.f32 $3.000000120e-01, s10  }
0x153: {  	s0 =	smax.f32 s0, $0.0e+00;
	s2 =	sadd.f32 $3.000000120e-01, s2  }
0x154: {  	s12 =	sadd.f32 $3.000000120e-01, s12;
	s10 =	smax.f32 s10, $0.0e+00  }
0x155: {  	s3 =	smin.f32 s16, s3;
	s10 =	sadd.f32 s10, s21  }
0x156: {  	s0 =	ssub.f32 s0, s3;
	s12 =	smax.f32 s12, $0.0e+00  }
0x157: {  	s10 =	sadd.f32 s12, s10  }
0x158: {  	s2 =	smax.f32 s2, $0.0e+00;
	s0 =	sadd.f32 $3.000000120e-01, s0;
	s21 =	sand.u32 $0x70, s20  }
0x159: {  	s16 =	smax.f32 s17, $0.0e+00;
	v0 =	vld.idx.msk [tilespmem:v1+s21+$0x0 ss:$0x1], $0xffff;
	s2 =	sadd.f32 s2, s10  }
0x15a: {  	s10 =	smin.f32 s11, s5;
	s11 =	smax.f32 s9, $0.0e+00  }
0x15b: {  	s1 =	smin.f32 s18, s1;
	s3 =	ssub.f32 s11, s10  }
0x15c: {  	s1 =	ssub.f32 s16, s1  }
0x15d: {  	vm15 =	vmmov $0x1ff;
	s17 =	simm.s32 $0x0;
	s3 =	sadd.f32 $3.000000120e-01, s3  }
0x15e: {  	s0 =	smax.f32 s0, $0.0e+00;
	s18 =	sand.u32 $0x70, s17;
	s5 =	sand.u32 $0x1C00, s17;
	[tilespmem:$0x1FD00] =	vst v0;
	v0 =	vnsel vm15, $0x7F61B1E6, v0  }
0x15f: {  	s1 =	sadd.f32 $3.000000120e-01, s1;
	[tilespmem:v1+s21+$0x0 ss:$0x1] =	vst.idx.msk $0xffff, v0;
	s12 =	smax.f32 s3, $0.0e+00;
	s3 =	sor.u32 s18, s5  }
0x160: {  	s24 =	smin.f32 s7, s8;
	s25 =	smax.f32 s22, $0.0e+00;
	v3 =	vld [tilespmem:s3+$0xE000]  }
0x161: {  	s20 =	smin.f32 s4, s6;
	s4 =	ssub.f32 s25, s24;
	v2 =	vld [tilespmem:s3+$0x8000]  }
0x162: {  	s23 =	smax.f32 s14, $0.0e+00;
	s0 =	sadd.f32 s0, s2;
	v5 =	vld [tilespmem:s3+$0xA000]  }
0x163: {  	s2 =	ssub.f32 s23, s20;
	v6 =	vld [tilespmem:s3+$0xC000]  }
0x164: {  	s26 =	simm.s32 $0x10;
	s0 =	sadd.f32 s12, s0  }
0x165: {  	s1 =	smax.f32 s1, $0.0e+00;
	s23 =	simm.s32 $0x80;
	s2 =	sadd.f32 $3.000000120e-01, s2  }
0x166: {  	s28 =	sand.u32 $0x70, s26;
	v0 =	vimm.f32 $3.000000010e+38;
	s29 =	sand.u32 $0x1C00, s23;
	s0 =	sadd.f32 s1, s0  }
0x167: {  	s4 =	sadd.f32 $3.000000120e-01, s4;
	s24 =	sor.u32 s28, s29;
	s2 =	smax.f32 s2, $0.0e+00;
	v4 =	vmax.f32 v0, v3;
	v1 =	vmin.f32 v0, v2  }
0x168: {  	v7 =	vld [tilespmem:s24+$0xE000];
	s0 =	sadd.f32 s2, s0;
	v8 =	vmax.f32 v0, v2;
	v9 =	vmax.f32 v0, v5;
	v12 =	vmax.f32 v0, v6  }
0x169: {  	s31 =	rddreg [dreg:$0x7];
	s30 =	smax.f32 s4, $0.0e+00;
	v10 =	vld [tilespmem:s24+$0x8000];
	v2 =	vmin.f32 v0, v4;
	v4 =	vmin.f32 v0, v8;
	v8 =	vmin.f32 v0, v5  }
0x16a: {  	s25 =	simm.s32 $0x20;
	s22 =	sadd.s32 s21, s31;
	v11 =	vld [tilespmem:s24+$0xA000];
	v5 =	vmin.f32 v0, v9;
	s20 =	sadd.f32 s30, s0;
	v9 =	vmin.f32 v0, v6;
	v6 =	vimm.f32 $3.000000010e+38  }
.LBB2_19:
0x16b: {  	s0 =	sand.u32 $0x70, s25;
	v13 =	vld [tilespmem:s24+$0xC000];
	s23 =	sadd.s32 $0x80, s23;
	v0 =	vmin.f32 v0, v12;
	p0 =	sne.s32 s25, $0x3F0  }
.Ltmp8:
0x16c: {  	s25 =	sadd.s32 $0x10, s25;
	v6 =	vmin.f32 v6, v3;
	s1 =	sand.u32 $0x1C00, s23;
	(pc) =	sbr.rel @p0 .LBB2_19-.Ltmp8, $4  }
0x16d: {  	s24 =	sor.u32 s0, s1;
	v12 =	vmax.f32 v6, v7;
	v3 =	vmov v7  }
0x16e: {  	v7 =	vld [tilespmem:s24+$0xE000];
	v14 =	vmax.f32 v1, v10;
	v1 =	vmin.f32 v1, v10;
	v2 =	vmin.f32 v2, v12  }
0x16f: {  	v10 =	vld [tilespmem:s24+$0x8000];
	v4 =	vmin.f32 v4, v14;
	v12 =	vmax.f32 v8, v11;
	v8 =	vmin.f32 v8, v11  }
0x170: {  	v11 =	vld [tilespmem:s24+$0xA000];
	v5 =	vmin.f32 v5, v12;
	v12 =	vmax.f32 v9, v13;
	v9 =	vmin.f32 v9, v13  }
0x171: {  	v13 =	vld [tilespmem:s24+$0xC000];
	_ =	sdelay $0x3  }
0x172: {  	v38 =	vmin.f32 v1, v10;
	v16 =	vmin.f32 v8, v11  }
0x173: {  	v14 =	vmin.f32 v6, v3;
	v3 =	vld [tilespmem:s22+$0x80];
	v15 =	vmin.f32 v9, v13;
	[tilespmem:$0x1FC50] =	vst v16;
	v16 =	vmin.f32 v38, v16  }
0x174: {  	v6 =	vmin.f32 v14, v7;
	[tilespmem:$0x1FC60] =	vst v15;
	v15 =	vmin.f32 v16, v15  }
0x175: {  	[tilespmem:$0x1FC80] =	vst v6;
	v6 =	vmin.f32 v15, v6  }
0x176: {  	(xrf0) =	vmin.scan.msk.f32 $0xffff, v6  }
0x177: {  	s0 =	simm.s32 $0x0  }
0x178: {  	s1 =	sand.u32 $0x70, s0;
	s0 =	sand.u32 $0x1C00, s0;
	v7 =	vmax.f32 v14, v7;
	[tilespmem:$0x1FCA0] =	vst v3;
	v3 =	vnsel vm8, $0x7F61B1E6, v3  }
0x179: {  	s0 =	sor.u32 s1, s0;
	v2 =	vmin.f32 v2, v7;
	[tilespmem:s22+$0x80] =	vst v3  }
0x17a: {  	v1 =	vmax.f32 v1, v10;
	[tilespmem:$0x1FCB0] =	vst v2;
	v3 =	vld [tilespmem:s0+$0xE080]  }
0x17b: {  	v2 =	vmax.f32 v8, v11;
	v1 =	vmin.f32 v4, v1;
	[tilespmem:$0x1FC90] =	vst v15;
	v15 =	vld [tilespmem:s0+$0x8080]  }
0x17c: {  	v0 =	vmin.f32 v0, v12;
	[tilespmem:$0x1FCC0] =	vst v1;
	v1 =	vmin.f32 v5, v2;
	v12 =	vld [tilespmem:s0+$0xA080];
	v10, _, _ =	vpop (xrf0)  }
0x17d: {  	[tilespmem:$0x1FCD0] =	vst v1;
	v1 =	vmax.f32 v9, v13;
	v13 =	vld [tilespmem:s0+$0xC080];
	v7 =	vbroadcast v10, $0xF;
	_ =	sdelay $0x1  }
0x17e: {  	s29 =	simm.s32 $0x10;
	s23 =	simm.s32 $0x80;
	v0 =	vmin.f32 v0, v1;
	vm0 =	veq.f32 v6, v7  }
0x17f: {  	s30 =	sand.u32 $0x70, s29;
	s31 =	sand.u32 $0x1C00, s23;
	[tilespmem:$0x1FCE0] =	vst v0;
	v0 =	vimm.f32 $3.000000010e+38;
	v1 =	vmctz.xlane vm0  }
0x180: {  	s24 =	sor.u32 s30, s31;
	v2 =	vmin.f32 v0, v15;
	v5 =	vmax.f32 v0, v15  }
0x181: {  	v8 =	vmin.f32 v0, v12;
	v9 =	vmin.f32 v0, v13;
	v10 =	vld [tilespmem:s24+$0xE080];
	[tilespmem:$0x1FCF0] =	vst v1;
	v1 =	vmax.f32 v0, v3  }
0x182: {  	v11 =	vld [tilespmem:s24+$0x8080];
	v13 =	vmax.f32 v0, v13;
	v4 =	vmin.f32 v0, v1;
	v1 =	vmax.f32 v0, v12  }
0x183: {  	s25 =	simm.s32 $0x20;
	[tilespmem:$0x1FC70] =	vst v16;
	v5 =	vmin.f32 v0, v5;
	v12 =	vld [tilespmem:s24+$0xA080];
	v7 =	vmin.f32 v0, v1;
	v1 =	vimm.f32 $3.000000010e+38  }
.LBB2_21:
0x184: {  	s0 =	sand.u32 $0x70, s25;
	v14 =	vld [tilespmem:s24+$0xC080];
	s23 =	sadd.s32 $0x80, s23;
	v0 =	vmin.f32 v0, v13;
	p0 =	sne.s32 s25, $0x3F0  }
.Ltmp9:
0x185: {  	s25 =	sadd.s32 $0x10, s25;
	v1 =	vmin.f32 v1, v3;
	s1 =	sand.u32 $0x1C00, s23;
	(pc) =	sbr.rel @p0 .LBB2_21-.Ltmp9, $4  }
0x186: {  	s24 =	sor.u32 s0, s1;
	v13 =	vmax.f32 v1, v10;
	v3 =	vmov v10  }
0x187: {  	v10 =	vld [tilespmem:s24+$0xE080];
	v15 =	vmax.f32 v2, v11;
	v2 =	vmin.f32 v2, v11;
	v4 =	vmin.f32 v4, v13  }
0x188: {  	v11 =	vld [tilespmem:s24+$0x8080];
	v5 =	vmin.f32 v5, v15;
	v13 =	vmax.f32 v8, v12;
	v8 =	vmin.f32 v8, v12  }
0x189: {  	v12 =	vld [tilespmem:s24+$0xA080];
	v7 =	vmin.f32 v7, v13;
	v13 =	vmax.f32 v9, v14;
	v9 =	vmin.f32 v9, v14  }
0x18a: {  	v14 =	vld [tilespmem:s24+$0xC080];
	_ =	sdelay $0x2  }
0x18b: {  	v15 =	vmin.f32 v2, v11  }
0x18c: {  	v3 =	vmin.f32 v1, v3;
	v1 =	vld [tilespmem:s22+$0x100];
	v17 =	vmin.f32 v8, v12;
	[tilespmem:$0x1FB90] =	vst v15  }
0x18d: {  	v16 =	vmin.f32 v9, v14;
	[tilespmem:$0x1FBA0] =	vst v17;
	v17 =	vmin.f32 v15, v17  }
0x18e: {  	v15 =	vmin.f32 v3, v10;
	[tilespmem:$0x1FBB0] =	vst v16;
	v16 =	vmin.f32 v17, v16  }
0x18f: {  	v26 =	vmin.f32 v16, v15  }
0x190: {  	s0 =	simm.s32 $0x0;
	(xrf0) =	vmin.scan.msk.f32 $0xffff, v26  }
0x191: {  	s1 =	sand.u32 $0x70, s0;
	s0 =	sand.u32 $0x1C00, s0;
	[tilespmem:$0x1FBF0] =	vst v1;
	v1 =	vnsel vm9, $0x7F61B1E6, v1;
	v3 =	vmax.f32 v3, v10  }
0x192: {  	s0 =	sor.u32 s1, s0;
	v2 =	vmax.f32 v2, v11;
	[tilespmem:s22+$0x100] =	vst v1;
	v3 =	vmin.f32 v4, v3  }
0x193: {  	v2 =	vmin.f32 v5, v2;
	v1 =	vld [tilespmem:s0+$0xE100];
	[tilespmem:$0x1FC00] =	vst v3;
	v3 =	vmax.f32 v8, v12  }
0x194: {  	[tilespmem:$0x1FC10] =	vst v2;
	v11 =	vld [tilespmem:s0+$0xA100];
	v2 =	vmin.f32 v7, v3  }
0x195: {  	v0 =	vmin.f32 v0, v13;
	v12 =	vld [tilespmem:s0+$0xC100];
	[tilespmem:$0x1FC20] =	vst v2;
	v2 =	vmax.f32 v9, v14  }
0x196: {  	[tilespmem:$0x1FBD0] =	vst v15;
	v15 =	vld [tilespmem:s0+$0x8100];
	v0 =	vmin.f32 v0, v2;
	v10, _, _ =	vpop (xrf0)  }
0x197: {  	s29 =	simm.s32 $0x10;
	s23 =	simm.s32 $0x80;
	[tilespmem:$0x1FC30] =	vst v0;
	v0 =	vimm.f32 $3.000000010e+38;
	v4 =	vbroadcast v10, $0xF  }
0x198: {  	s30 =	sand.u32 $0x70, s29;
	s31 =	sand.u32 $0x1C00, s23;
	v3 =	vmax.f32 v0, v1  }
0x199: {  	s24 =	sor.u32 s30, s31;
	v5 =	vmax.f32 v0, v11;
	v7 =	vmin.f32 v0, v11;
	vm0 =	veq.f32 v26, v4  }
0x19a: {  	[tilespmem:$0x1FBC0] =	vst v17;
	v9 =	vld [tilespmem:s24+$0xE100];
	v8 =	vmin.f32 v0, v12;
	v13 =	vmax.f32 v0, v12;
	v2 =	vmctz.xlane vm0  }
0x19b: {  	[tilespmem:$0x1FBE0] =	vst v16;
	v12 =	vimm.f32 $3.000000010e+38;
	v3 =	vmin.f32 v0, v3;
	v10 =	vld [tilespmem:s24+$0x8100];
	v4 =	vmax.f32 v0, v15  }
0x19c: {  	s25 =	simm.s32 $0x20;
	v11 =	vld [tilespmem:s24+$0xA100];
	v5 =	vmin.f32 v0, v5;
	v4 =	vmin.f32 v0, v4;
	[tilespmem:$0x1FC40] =	vst v2;
	v2 =	vmin.f32 v0, v15  }
.LBB2_23:
0x19d: {  	s0 =	sand.u32 $0x70, s25;
	v14 =	vld [tilespmem:s24+$0xC100];
	s23 =	sadd.s32 $0x80, s23;
	v0 =	vmin.f32 v0, v13;
	p0 =	sne.s32 s25, $0x3F0  }
.Ltmp10:
0x19e: {  	s25 =	sadd.s32 $0x10, s25;
	v12 =	vmin.f32 v12, v1;
	s1 =	sand.u32 $0x1C00, s23;
	(pc) =	sbr.rel @p0 .LBB2_23-.Ltmp10, $4  }
0x19f: {  	s24 =	sor.u32 s0, s1;
	v13 =	vmax.f32 v12, v9;
	v1 =	vmov v9  }
0x1a0: {  	v9 =	vld [tilespmem:s24+$0xE100];
	v15 =	vmax.f32 v2, v10;
	v2 =	vmin.f32 v2, v10;
	v3 =	vmin.f32 v3, v13  }
0x1a1: {  	v10 =	vld [tilespmem:s24+$0x8100];
	v4 =	vmin.f32 v4, v15;
	v13 =	vmax.f32 v7, v11;
	v7 =	vmin.f32 v7, v11  }
0x1a2: {  	v11 =	vld [tilespmem:s24+$0xA100];
	v5 =	vmin.f32 v5, v13;
	v13 =	vmax.f32 v8, v14;
	v8 =	vmin.f32 v8, v14  }
0x1a3: {  	v14 =	vld [tilespmem:s24+$0xC100];
	_ =	sdelay $0x2  }
0x1a4: {  	v15 =	vmin.f32 v2, v10  }
0x1a5: {  	v17 =	vmin.f32 v7, v11;
	[tilespmem:$0x1FAD0] =	vst v15  }
0x1a6: {  	v12 =	vmin.f32 v12, v1;
	v1 =	vld [tilespmem:s22+$0x180];
	v16 =	vmin.f32 v8, v14;
	[tilespmem:$0x1FAE0] =	vst v17;
	v17 =	vmin.f32 v15, v17  }
0x1a7: {  	v15 =	vmin.f32 v12, v9;
	[tilespmem:$0x1FAF0] =	vst v16;
	v16 =	vmin.f32 v17, v16  }
0x1a8: {  	v32 =	vmin.f32 v16, v15  }
0x1a9: {  	(xrf0) =	vmin.scan.msk.f32 $0xffff, v32  }
0x1aa: {  	s0 =	simm.s32 $0x0  }
0x1ab: {  	s1 =	sand.u32 $0x70, s0;
	s0 =	sand.u32 $0x1C00, s0;
	[tilespmem:$0x1FB30] =	vst v1;
	v1 =	vnsel vm10, $0x7F61B1E6, v1  }
0x1ac: {  	s0 =	sor.u32 s1, s0;
	[tilespmem:s22+$0x180] =	vst v1  }
0x1ad: {  	v9 =	vmax.f32 v12, v9;
	v1 =	vld [tilespmem:s0+$0xE180]  }
0x1ae: {  	v2 =	vmax.f32 v2, v10;
	[tilespmem:$0x1FB10] =	vst v15;
	v3 =	vmin.f32 v3, v9;
	v15 =	vld [tilespmem:s0+$0x8180]  }
0x1af: {  	v2 =	vmin.f32 v4, v2;
	v12 =	vld [tilespmem:s0+$0xA180];
	[tilespmem:$0x1FB40] =	vst v3;
	v3 =	vmax.f32 v7, v11;
	v10, _, _ =	vpop (xrf0)  }
0x1b0: {  	v0 =	vmin.f32 v0, v13;
	[tilespmem:$0x1FB50] =	vst v2;
	v13 =	vld [tilespmem:s0+$0xC180];
	v2 =	vmin.f32 v5, v3;
	v7 =	vbroadcast v10, $0xF  }
0x1b1: {  	[tilespmem:$0x1FB60] =	vst v2;
	v2 =	vmax.f32 v8, v14  }
0x1b2: {  	s29 =	simm.s32 $0x10;
	s23 =	simm.s32 $0x80;
	v0 =	vmin.f32 v0, v2;
	vm0 =	veq.f32 v32, v7  }
0x1b3: {  	s30 =	sand.u32 $0x70, s29;
	s31 =	sand.u32 $0x1C00, s23;
	[tilespmem:$0x1FB70] =	vst v0;
	v0 =	vimm.f32 $3.000000010e+38;
	v2 =	vmctz.xlane vm0  }
0x1b4: {  	s24 =	sor.u32 s30, s31;
	v3 =	vmin.f32 v0, v15;
	v5 =	vmax.f32 v0, v15  }
0x1b5: {  	v8 =	vmin.f32 v0, v12;
	v9 =	vmin.f32 v0, v13;
	v10 =	vld [tilespmem:s24+$0xE180];
	[tilespmem:$0x1FB80] =	vst v2;
	v2 =	vmax.f32 v0, v1  }
0x1b6: {  	[tilespmem:$0x1FB00] =	vst v17;
	v11 =	vld [tilespmem:s24+$0x8180];
	v13 =	vmax.f32 v0, v13;
	v4 =	vmin.f32 v0, v2;
	v2 =	vmax.f32 v0, v12  }
0x1b7: {  	s25 =	simm.s32 $0x20;
	[tilespmem:$0x1FB20] =	vst v16;
	v5 =	vmin.f32 v0, v5;
	v12 =	vld [tilespmem:s24+$0xA180];
	v7 =	vmin.f32 v0, v2;
	v2 =	vimm.f32 $3.000000010e+38  }
.LBB2_25:
0x1b8: {  	s0 =	sand.u32 $0x70, s25;
	v14 =	vld [tilespmem:s24+$0xC180];
	s23 =	sadd.s32 $0x80, s23;
	v0 =	vmin.f32 v0, v13;
	p0 =	sne.s32 s25, $0x3F0  }
.Ltmp11:
0x1b9: {  	s25 =	sadd.s32 $0x10, s25;
	v2 =	vmin.f32 v2, v1;
	s1 =	sand.u32 $0x1C00, s23;
	(pc) =	sbr.rel @p0 .LBB2_25-.Ltmp11, $4  }
0x1ba: {  	s24 =	sor.u32 s0, s1;
	v13 =	vmax.f32 v2, v10;
	v1 =	vmov v10  }
0x1bb: {  	v10 =	vld [tilespmem:s24+$0xE180];
	v15 =	vmax.f32 v3, v11;
	v3 =	vmin.f32 v3, v11;
	v4 =	vmin.f32 v4, v13  }
0x1bc: {  	v11 =	vld [tilespmem:s24+$0x8180];
	v5 =	vmin.f32 v5, v15;
	v13 =	vmax.f32 v8, v12;
	v8 =	vmin.f32 v8, v12  }
0x1bd: {  	v12 =	vld [tilespmem:s24+$0xA180];
	v7 =	vmin.f32 v7, v13;
	v13 =	vmax.f32 v9, v14;
	v9 =	vmin.f32 v9, v14  }
0x1be: {  	v14 =	vld [tilespmem:s24+$0xC180];
	_ =	sdelay $0x3  }
0x1bf: {  	v50 =	vmin.f32 v3, v11;
	v51 =	vmin.f32 v8, v12  }
0x1c0: {  	v1 =	vmin.f32 v2, v1;
	v48 =	vmin.f32 v9, v14;
	v49 =	vmin.f32 v50, v51  }
0x1c1: {  	v44 =	vld [tilespmem:s22+$0x200];
	v46 =	vmin.f32 v1, v10;
	v47 =	vmin.f32 v49, v48  }
0x1c2: {  	v45 =	vmin.f32 v47, v46  }
0x1c3: {  	(xrf0) =	vmin.scan.msk.f32 $0xffff, v45  }
0x1c4: {  	s0 =	simm.s32 $0x0  }
0x1c5: {  	s1 =	sand.u32 $0x70, s0;
	s0 =	sand.u32 $0x1C00, s0  }
0x1c6: {  	s0 =	sor.u32 s1, s0;
	v1 =	vmax.f32 v1, v10;
	v2 =	vnsel vm11, $0x7F61B1E6, v44  }
0x1c7: {  	v15 =	vld [tilespmem:s0+$0x8200];
	v3 =	vmax.f32 v3, v11;
	v1 =	vmin.f32 v4, v1;
	[tilespmem:s22+$0x200] =	vst v2  }
0x1c8: {  	[tilespmem:$0x1FA80] =	vst v1;
	v1 =	vmax.f32 v8, v12;
	v3 =	vmin.f32 v5, v3;
	v2 =	vld [tilespmem:s0+$0xE200]  }
0x1c9: {  	v0 =	vmin.f32 v0, v13;
	[tilespmem:$0x1FA90] =	vst v3;
	v1 =	vmin.f32 v7, v1;
	v13 =	vld [tilespmem:s0+$0xA200];
	v10, _, _ =	vpop (xrf0)  }
0x1ca: {  	[tilespmem:$0x1FAA0] =	vst v1;
	v1 =	vmax.f32 v9, v14;
	v3 =	vld [tilespmem:s0+$0xC200];
	v4 =	vbroadcast v10, $0xF  }
0x1cb: {  	v0 =	vmin.f32 v0, v1  }
0x1cc: {  	s29 =	simm.s32 $0x10;
	s23 =	simm.s32 $0x80;
	[tilespmem:$0x1FAB0] =	vst v0;
	v0 =	vimm.f32 $3.000000010e+38;
	vm0 =	veq.f32 v45, v4  }
0x1cd: {  	s30 =	sand.u32 $0x70, s29;
	s31 =	sand.u32 $0x1C00, s23;
	v7 =	vmax.f32 v0, v15;
	v1 =	vmctz.xlane vm0  }
0x1ce: {  	s24 =	sor.u32 s30, s31;
	v7 =	vmin.f32 v0, v7  }
0x1cf: {  	v11 =	vld [tilespmem:s24+$0xE200];
	v9 =	vmin.f32 v0, v13;
	v14 =	vmax.f32 v0, v3;
	[tilespmem:$0x1FAC0] =	vst v1;
	v1 =	vmax.f32 v0, v2  }
0x1d0: {  	v12 =	vld [tilespmem:s24+$0x8200];
	v10 =	vmin.f32 v0, v3;
	v5 =	vmin.f32 v0, v1;
	v1 =	vmax.f32 v0, v13  }
0x1d1: {  	s25 =	simm.s32 $0x20;
	v3 =	vimm.f32 $3.000000010e+38;
	v4 =	vmin.f32 v0, v15;
	v13 =	vld [tilespmem:s24+$0xA200];
	v8 =	vmin.f32 v0, v1  }
.LBB2_27:
0x1d2: {  	s0 =	sand.u32 $0x70, s25;
	v1 =	vld [tilespmem:s24+$0xC200];
	s23 =	sadd.s32 $0x80, s23;
	v0 =	vmin.f32 v0, v14;
	p0 =	sne.s32 s25, $0x3F0  }
.Ltmp12:
0x1d3: {  	s25 =	sadd.s32 $0x10, s25;
	v3 =	vmin.f32 v3, v2;
	s1 =	sand.u32 $0x1C00, s23;
	(pc) =	sbr.rel @p0 .LBB2_27-.Ltmp12, $4  }
0x1d4: {  	s24 =	sor.u32 s0, s1;
	v14 =	vmax.f32 v3, v11;
	v2 =	vmov v11  }
0x1d5: {  	v11 =	vld [tilespmem:s24+$0xE200];
	v15 =	vmax.f32 v4, v12;
	v4 =	vmin.f32 v4, v12;
	v5 =	vmin.f32 v5, v14  }
0x1d6: {  	v12 =	vld [tilespmem:s24+$0x8200];
	v7 =	vmin.f32 v7, v15;
	v14 =	vmax.f32 v9, v13;
	v9 =	vmin.f32 v9, v13  }
0x1d7: {  	v13 =	vld [tilespmem:s24+$0xA200];
	v8 =	vmin.f32 v8, v14;
	v14 =	vmax.f32 v10, v1;
	v10 =	vmin.f32 v10, v1  }
0x1d8: {  	v16 =	vld [tilespmem:s24+$0xC200];
	_ =	sdelay $0x3  }
0x1d9: {  	v63 =	vmin.f32 v4, v12;
	v1 =	vmin.f32 v9, v13  }
0x1da: {  	v2 =	vmin.f32 v3, v2;
	v61 =	vmin.f32 v10, v16;
	v62 =	vmin.f32 v63, v1  }
0x1db: {  	v59 =	vmin.f32 v2, v11;
	v60 =	vmin.f32 v62, v61  }
0x1dc: {  	v57 =	vld [tilespmem:s22+$0x280];
	v58 =	vmin.f32 v60, v59  }
0x1dd: {  	(xrf0) =	vmin.scan.msk.f32 $0xffff, v58;
	_ =	sdelay $0x1  }
0x1de: {  	s0 =	simm.s32 $0x0  }
0x1df: {  	s1 =	sand.u32 $0x70, s0;
	s0 =	sand.u32 $0x1C00, s0  }
0x1e0: {  	s0 =	sor.u32 s1, s0;
	v3 =	vnsel vm12, $0x7F61B1E6, v57  }
0x1e1: {  	v2 =	vmax.f32 v2, v11;
	v17 =	vld [tilespmem:s0+$0x8280];
	[tilespmem:s22+$0x280] =	vst v3  }
0x1e2: {  	v2 =	vmin.f32 v5, v2;
	v3 =	vld [tilespmem:s0+$0xE280];
	v11, _, _ =	vpop (xrf0)  }
0x1e3: {  	[tilespmem:$0x1FA50] =	vst v2;
	v2 =	vmax.f32 v9, v13;
	v18 =	vld [tilespmem:s0+$0xA280];
	v5 =	vbroadcast v11, $0xF  }
0x1e4: {  	v0 =	vmin.f32 v0, v14;
	v15 =	vmin.f32 v8, v2;
	v2 =	vmax.f32 v10, v16;
	v16 =	vld [tilespmem:s0+$0xC280]  }
0x1e5: {  	s29 =	simm.s32 $0x10;
	s23 =	simm.s32 $0x80;
	v0 =	vmin.f32 v0, v2;
	vm0 =	veq.f32 v58, v5  }
0x1e6: {  	s30 =	sand.u32 $0x70, s29;
	s31 =	sand.u32 $0x1C00, s23;
	v4 =	vmax.f32 v4, v12;
	v2 =	vimm.f32 $3.000000010e+38;
	[tilespmem:$0x1FA60] =	vst v0;
	v0 =	vmctz.xlane vm0  }
0x1e7: {  	s24 =	sor.u32 s30, s31;
	v14 =	vmin.f32 v7, v4;
	v4 =	vmin.f32 v2, v17;
	v7 =	vmax.f32 v2, v17  }
0x1e8: {  	v7 =	vmin.f32 v2, v7;
	v9 =	vmin.f32 v2, v18;
	v11 =	vld [tilespmem:s24+$0xE280];
	[tilespmem:$0x1FA70] =	vst v0;
	v0 =	vmax.f32 v2, v3  }
0x1e9: {  	v12 =	vld [tilespmem:s24+$0x8280];
	v10 =	vmin.f32 v2, v16;
	v5 =	vmin.f32 v2, v0;
	v0 =	vmax.f32 v2, v18  }
0x1ea: {  	s25 =	simm.s32 $0x20;
	v17 =	vld [tilespmem:s24+$0xA280];
	v19 =	vmax.f32 v2, v16;
	v16 =	vimm.f32 $3.000000010e+38;
	v8 =	vmin.f32 v2, v0  }
.LBB2_29:
0x1eb: {  	s0 =	sand.u32 $0x70, s25;
	v0 =	vld [tilespmem:s24+$0xC280];
	s23 =	sadd.s32 $0x80, s23;
	v2 =	vmin.f32 v2, v19;
	p0 =	sne.s32 s25, $0x3F0  }
.Ltmp13:
0x1ec: {  	s25 =	sadd.s32 $0x10, s25;
	v16 =	vmin.f32 v16, v3;
	s1 =	sand.u32 $0x1C00, s23;
	(pc) =	sbr.rel @p0 .LBB2_29-.Ltmp13, $4  }
0x1ed: {  	s24 =	sor.u32 s0, s1;
	v18 =	vmax.f32 v16, v11;
	v3 =	vmov v11  }
0x1ee: {  	v11 =	vld [tilespmem:s24+$0xE280];
	v19 =	vmax.f32 v4, v12;
	v4 =	vmin.f32 v4, v12;
	v5 =	vmin.f32 v5, v18  }
0x1ef: {  	v12 =	vld [tilespmem:s24+$0x8280];
	v7 =	vmin.f32 v7, v19;
	v18 =	vmax.f32 v9, v17;
	v9 =	vmin.f32 v9, v17  }
0x1f0: {  	v17 =	vld [tilespmem:s24+$0xA280];
	v8 =	vmin.f32 v8, v18;
	v19 =	vmax.f32 v10, v0;
	v10 =	vmin.f32 v10, v0  }
0x1f1: {  	v20 =	vld [tilespmem:s24+$0xC280];
	_ =	sdelay $0x1  }
0x1f2: {  	v21 =	vmin.f32 v16, v3;
	v16 =	vld [tilespmem:s22+$0x300];
	_ =	sdelay $0x1  }
0x1f3: {  	v31 =	vmin.f32 v4, v12;
	v0 =	vmin.f32 v9, v17  }
0x1f4: {  	s0 =	simm.s32 $0x0;
	v28 =	vmin.f32 v10, v20;
	v29 =	vmin.f32 v31, v0  }
0x1f5: {  	s1 =	sand.u32 $0x70, s0;
	s0 =	sand.u32 $0x1C00, s0;
	v25 =	vmin.f32 v21, v11;
	v27 =	vmin.f32 v29, v28  }
0x1f6: {  	s0 =	sor.u32 s1, s0;
	v3 =	vnsel vm13, $0x7F61B1E6, v16;
	v18 =	vmin.f32 v27, v25  }
0x1f7: {  	v11 =	vmax.f32 v21, v11;
	v22 =	vld [tilespmem:s0+$0x8300];
	[tilespmem:s22+$0x300] =	vst v3;
	(xrf0) =	vmin.scan.msk.f32 $0xffff, v18  }
0x1f8: {  	v39 =	vmin.f32 v5, v11;
	v5 =	vmax.f32 v9, v17;
	v3 =	vld [tilespmem:s0+$0xE300]  }
0x1f9: {  	v42 =	vmin.f32 v8, v5;
	v5 =	vld [tilespmem:s0+$0xC300]  }
0x1fa: {  	v4 =	vmax.f32 v4, v12  }
0x1fb: {  	v2 =	vmin.f32 v2, v19;
	v41 =	vmin.f32 v7, v4;
	v4 =	vmax.f32 v10, v20;
	v19 =	vld [tilespmem:s0+$0xA300]  }
0x1fc: {  	s29 =	simm.s32 $0x10;
	s22 =	simm.s32 $0x80;
	v40 =	vmin.f32 v2, v4;
	v2 =	vimm.f32 $3.000000010e+38  }
0x1fd: {  	s30 =	sand.u32 $0x70, s29;
	s31 =	sand.u32 $0x1C00, s22;
	v10 =	vmin.f32 v2, v22;
	v8 =	vmax.f32 v2, v22;
	v12, _, _ =	vpop (xrf0)  }
0x1fe: {  	s23 =	sor.u32 s30, s31;
	v7 =	vmax.f32 v2, v3;
	v20 =	vmin.f32 v2, v5;
	v9 =	vbroadcast v12, $0xF  }
0x1ff: {  	v21 =	vld [tilespmem:s23+$0xE300];
	v33 =	vmax.f32 v2, v5;
	v5 =	vimm.f32 $3.000000010e+38;
	v11 =	vmin.f32 v2, v7  }
0x200: {  	v24 =	vld [tilespmem:s23+$0x8300];
	v7 =	vmax.f32 v2, v19;
	v19 =	vmin.f32 v2, v19;
	vm0 =	veq.f32 v18, v9  }
0x201: {  	s24 =	simm.s32 $0x20;
	v30 =	vld [tilespmem:s23+$0xA300];
	v17 =	vmin.f32 v2, v7;
	v12 =	vmin.f32 v2, v8;
	v4 =	vmctz.xlane vm0  }
.LBB2_31:
0x202: {  	s0 =	sand.u32 $0x70, s24;
	v7 =	vld [tilespmem:s23+$0xC300];
	s22 =	sadd.s32 $0x80, s22;
	v2 =	vmin.f32 v2, v33;
	p0 =	sne.s32 s24, $0x3F0  }
.Ltmp14:
0x203: {  	s24 =	sadd.s32 $0x10, s24;
	v5 =	vmin.f32 v5, v3;
	s1 =	sand.u32 $0x1C00, s22;
	(pc) =	sbr.rel @p0 .LBB2_31-.Ltmp14, $4  }
0x204: {  	s23 =	sor.u32 s0, s1;
	v8 =	vmax.f32 v5, v21;
	v3 =	vmov v21  }
0x205: {  	v21 =	vld [tilespmem:s23+$0xE300];
	v9 =	vmax.f32 v10, v24;
	v10 =	vmin.f32 v10, v24;
	v11 =	vmin.f32 v11, v8  }
0x206: {  	v24 =	vld [tilespmem:s23+$0x8300];
	v12 =	vmin.f32 v12, v9;
	v8 =	vmax.f32 v19, v30;
	v19 =	vmin.f32 v19, v30  }
0x207: {  	v30 =	vld [tilespmem:s23+$0xA300];
	v17 =	vmin.f32 v17, v8;
	v33 =	vmax.f32 v20, v7;
	v20 =	vmin.f32 v20, v7  }
0x208: {  	v36 =	vld [tilespmem:$0x1FFF0];
	_ =	sdelay $0x2  }
0x209: {  	v35 =	vld [tilespmem:s23+$0xC300];
	_ =	sdelay $0x3  }
0x20a: {  	v22 =	vmin.f32 v10, v24;
	v23 =	vmin.f32 v19, v30  }
0x20b: {  	v3 =	vmin.f32 v5, v3;
	v52 =	vmin.f32 v20, v35;
	v55 =	vmin.f32 v22, v23;
	v5 =	vld.idx.msk [tilespmem:v36+s21+$0x0 ss:$0x1], $0xffff  }
0x20c: {  	v8 =	vmin.f32 v3, v21;
	v9 =	vmin.f32 v55, v52  }
0x20d: {  	v7 =	vmin.f32 v9, v8  }
0x20e: {  	(xrf0) =	vmin.scan.msk.f32 $0xffff, v7  }
0x20f: {  	s0 =	simm.s32 $0x0;
	vm0 =	vcmask $0x1F3C  }
0x210: {  	s1 =	sand.u32 $0x70, s0;
	s2 =	sand.u32 $0x1C00, s0;
	v34 =	vnsel vm0, $0x7F61B1E6, v5  }
0x211: {  	s0 =	sor.u32 s0, s0;
	s1 =	sor.u32 s1, s2;
	[tilespmem:v36+s21+$0x0 ss:$0x1] =	vst.idx.msk $0xffff, v34  }
0x212: {  	s0 =	sor.u32 $0x380, s0;
	v34 =	vld [tilespmem:s1+$0xE380]  }
0x213: {  	v43 =	vld [tilespmem:s0+$0x8000]  }
0x214: {  	v33 =	vmin.f32 v2, v33;
	v2 =	vmax.f32 v3, v21;
	v3 =	vmax.f32 v10, v24;
	v10, _, _ =	vpop (xrf0);
	v37 =	vld [tilespmem:s1+$0xC380]  }
0x215: {  	v21 =	vmin.f32 v11, v2;
	v11 =	vmax.f32 v19, v30;
	v54 =	vld [tilespmem:s1+$0xA380];
	v10 =	vbroadcast v10, $0xF  }
0x216: {  	s29 =	simm.s32 $0x10;
	s22 =	simm.s32 $0x80;
	v2 =	vmin.f32 v12, v3;
	v3 =	vmin.f32 v17, v11;
	v11 =	vmax.f32 v20, v35  }
0x217: {  	s30 =	sand.u32 $0x70, s29;
	s31 =	sand.u32 $0x1C00, s22;
	v35 =	vimm.f32 $3.000000010e+38;
	vm0 =	veq.f32 v7, v10;
	v10 =	vimm.f32 $3.000000010e+38  }
0x218: {  	v30 =	vmin.f32 v33, v11;
	s21 =	sor.u32 s30, s31;
	v24 =	vmctz.xlane vm0;
	v11 =	vmax.f32 v10, v34  }
0x219: {  	s0 =	sor.u32 s22, s29;
	v56 =	vld [tilespmem:s21+$0xE380];
	v12 =	vmin.f32 v10, v43;
	v17 =	vmax.f32 v10, v43;
	v33 =	vmax.f32 v10, v37  }
0x21a: {  	v20 =	vld [tilespmem:s21+$0xA380];
	s0 =	sor.u32 $0x380, s0;
	v43 =	vmin.f32 v10, v11;
	v11 =	vmax.f32 v10, v54;
	v53 =	vmin.f32 v10, v17  }
0x21b: {  	s23 =	simm.s32 $0x20;
	v19 =	vld [tilespmem:s0+$0x8000];
	v17 =	vmin.f32 v10, v54;
	v54 =	vmin.f32 v10, v37;
	v11 =	vmin.f32 v10, v11  }
.LBB2_33:
0x21c: {  	s0 =	sand.u32 $0x70, s23  }
0x21d: {  	v36 =	vld [tilespmem:s21+$0xC380];
	s22 =	sadd.s32 $0x80, s22;
	v10 =	vmin.f32 v10, v33;
	s1 =	smov.u32 s23;
	p0 =	sne.s32 s23, $0x3F0  }
.Ltmp15:
0x21e: {  	s23 =	sadd.s32 $0x10, s23;
	v35 =	vmin.f32 v35, v34;
	s2 =	sand.u32 $0x1C00, s22;
	(pc) =	sbr.rel @p0 .LBB2_33-.Ltmp15, $4  }
0x21f: {  	s1 =	sor.u32 s22, s1;
	s21 =	sor.u32 s0, s2;
	v33 =	vmax.f32 v35, v56;
	v34 =	vmov v56  }
0x220: {  	s0 =	sor.u32 $0x380, s1;
	v56 =	vld [tilespmem:s21+$0xE380];
	v37 =	vmax.f32 v12, v19;
	v12 =	vmin.f32 v12, v19;
	v43 =	vmin.f32 v43, v33  }
0x221: {  	v19 =	vld [tilespmem:s0+$0x8000];
	v53 =	vmin.f32 v53, v37;
	v33 =	vmax.f32 v17, v20;
	v17 =	vmin.f32 v17, v20  }
0x222: {  	v20 =	vld [tilespmem:s21+$0xA380];
	v11 =	vmin.f32 v11, v33;
	v33 =	vmax.f32 v54, v36;
	v54 =	vmin.f32 v54, v36  }
0x223: {  	v13 =	vld [tilespmem:$0x1FC50];
	_ =	sdelay $0x3  }
0x224: {  	v37 =	vld [tilespmem:$0x1FCD0]  }
0x225: {  	v36 =	vmax.f32 v38, v13;
	v13 =	vld [tilespmem:$0x1FCC0];
	_ =	sdelay $0x3  }
0x226: {  	v38 =	vld [tilespmem:$0x1FCE0]  }
0x227: {  	v37 =	vmin.f32 v13, v37;
	v13 =	vld [tilespmem:$0x1FC60]  }
0x228: {  	v36 =	vmin.f32 v36, v37;
	v37 =	vld [tilespmem:$0x1FC70];
	_ =	sdelay $0x4  }
0x229: {  	v36 =	vmin.f32 v36, v38;
	v37 =	vmax.f32 v37, v13;
	v13 =	vld [tilespmem:$0x1FD00]  }
0x22a: {  	v36 =	vmin.f32 v37, v36;
	v37 =	vld [tilespmem:$0x1FCF0];
	_ =	sdelay $0x3  }
0x22b: {  	v38 =	vlaneseq.u32  }
0x22c: {  	vm0 =	veq.s32 v37, v38;
	v37 =	vsel vm15, $0xFF61B1E6, v13;
	v13 =	vld [tilespmem:$0x1FC90]  }
0x22d: {  	(xrf0) =	vmax.scan.msk.f32 $0xffff, v37;
	v37 =	vld [tilespmem:$0x1FC80];
	_ =	sdelay $0x4  }
0x22e: {  	v37 =	vmax.f32 v13, v37;
	v13 =	vld [tilespmem:$0x1FCB0];
	_ =	sdelay $0x4  }
0x22f: {  	v36 =	vmin.f32 v36, v13  }
0x230: {  	v36 =	vmin.f32 v37, v36;
	v37 =	vld [tilespmem:$0x1FC40];
	_ =	sdelay $0x2  }
0x231: {  	v13 =	vld [tilespmem:$0x1FCA0]  }
0x232: {  	v6 =	vsel vm0, $0x7F61B1E6, v6  }
0x233: {  	(xrf0) =	vmin.scan.msk.f32 $0xffff, v6;
	vm0 =	veq.s32 v37, v38;
	v37 =	vld [tilespmem:$0x1FB90]  }
0x234: {  	(xrf0) =	vmin.scan.msk.f32 $0xffff, v36;
	v36 =	vsel vm0, $0x7F61B1E6, v26;
	v26 =	vld [tilespmem:$0x1FBA0];
	_ =	sdelay $0x1  }
0x235: {  	v6 =	vsel vm8, $0xFF61B1E6, v13  }
0x236: {  	(xrf0) =	vmax.scan.msk.f32 $0xffff, v6  }
0x237: {  	(xrf0) =	vmin.scan.msk.f32 $0xffff, v36;
	v36 =	vld [tilespmem:$0x1FC10]  }
0x238: {  	v6 =	vmax.f32 v37, v26;
	v37 =	vld [tilespmem:$0x1FC20];
	_ =	sdelay $0x3  }
0x239: {  	v34 =	vmin.f32 v35, v34;
	v35 =	vld [tilespmem:$0x1FBB0]  }
0x23a: {  	v26 =	vmin.f32 v36, v37;
	v36 =	vld [tilespmem:$0x1FBC0]  }
0x23b: {  	v37 =	vld [tilespmem:$0x1FC30];
	_ =	sdelay $0x3  }
0x23c: {  	v6 =	vmin.f32 v6, v26;
	v26 =	vmax.f32 v36, v35;
	v36 =	vld [tilespmem:$0x1FBD0]  }
0x23d: {  	v6 =	vmin.f32 v6, v37;
	v37 =	vld [tilespmem:$0x1FBE0];
	_ =	sdelay $0x3  }
0x23e: {  	v35 =	vld [tilespmem:$0x1FC00]  }
0x23f: {  	v6 =	vmin.f32 v26, v6;
	v26 =	vmax.f32 v37, v36;
	v36 =	vld [tilespmem:$0x1FAD0]  }
0x240: {  	v37 =	vld [tilespmem:$0x1FAE0]  }
0x241: {  	v13, _, _ =	vpop (xrf0)  }
0x242: {  	(v2sf) =	vpush v13, $0xF;
	v13, _, _ =	vpop (xrf0)  }
0x243: {  	(v2sf) =	vpush v13, $0xF;
	v13, _, _ =	vpop (xrf0)  }
0x244: {  	(v2sf) =	vpush v13, $0xF;
	v13 =	vld [tilespmem:$0x1FB50]  }
0x245: {  	v6 =	vmin.f32 v6, v35;
	v35 =	vmax.f32 v36, v37;
	v36 =	vld [tilespmem:$0x1FB60];
	_ =	sdelay $0x4  }
0x246: {  	v36 =	vmin.f32 v13, v36;
	_ =	sdelay $0x1  }
0x247: {  	v13, _, _ =	vpop (xrf0)  }
0x248: {  	v6 =	vmin.f32 v26, v6;
	v37 =	vld [tilespmem:$0x1FAF0];
	(v2sf) =	vpush v13, $0xF;
	v26 =	vmin.f32 v35, v36;
	v36, _, _ =	vpop (xrf0)  }
0x249: {  	(v2sf) =	vpush v36, $0xF;
	v36 =	vld [tilespmem:$0x1FB00];
	_ =	sdelay $0x4  }
0x24a: {  	v35 =	vmax.f32 v36, v37;
	v37 =	vld [tilespmem:$0x1FB70];
	_ =	sdelay $0x4  }
0x24b: {  	v26 =	vmin.f32 v26, v37  }
0x24c: {  	v26 =	vmin.f32 v35, v26;
	v35 =	vmax.f32 v50, v51;
	v51 =	vld [tilespmem:$0x1FA90]  }
0x24d: {  	v50 =	vld [tilespmem:$0x1FAA0];
	_ =	sdelay $0x4  }
0x24e: {  	v36 =	vmin.f32 v51, v50;
	v51 =	vld [tilespmem:$0x1FB10]  }
0x24f: {  	v50 =	vld [tilespmem:$0x1FB20];
	_ =	sdelay $0x4  }
0x250: {  	v37 =	vmax.f32 v50, v51;
	v51 =	vld [tilespmem:$0x1FB40];
	_ =	sdelay $0x4  }
0x251: {  	v26 =	vmin.f32 v26, v51;
	v51 =	vld [tilespmem:$0x1FAB0];
	_ =	sdelay $0x1  }
0x252: {  	v50 =	vmax.f32 v49, v48;
	v48 =	vld [tilespmem:$0x1FA80]  }
0x253: {  	v26 =	vmin.f32 v37, v26;
	v37 =	vld [tilespmem:$0x1FB80]  }
0x254: {  	v35 =	vmin.f32 v35, v36  }
0x255: {  	v35 =	vmin.f32 v35, v51  }
0x256: {  	v35 =	vmin.f32 v50, v35;
	v50 =	vld [tilespmem:$0x1FBF0]  }
0x257: {  	v47 =	vmax.f32 v47, v46  }
0x258: {  	vm0 =	veq.s32 v37, v38;
	v37 =	vmin.f32 v41, v42;
	v41 =	vld [tilespmem:$0x1FB30];
	v35 =	vmin.f32 v35, v48  }
0x259: {  	v49 =	vmin.f32 v47, v35;
	v35 =	vld [tilespmem:$0x1FAC0]  }
0x25a: {  	v1 =	vmax.f32 v63, v1;
	v63 =	vld [tilespmem:$0x1FA60]  }
0x25b: {  	v14 =	vmin.f32 v14, v15;
	v62 =	vmax.f32 v62, v61;
	(xrf0) =	vmin.scan.msk.f32 $0xffff, v6;
	v51 =	vsel vm9, $0xFF61B1E6, v50  }
0x25c: {  	v0 =	vmax.f32 v31, v0;
	v46 =	vmax.f32 v29, v28;
	v32 =	vsel vm0, $0x7F61B1E6, v32;
	v47 =	vld [tilespmem:$0x1FA70];
	(xrf0) =	vmax.scan.msk.f32 $0xffff, v51  }
0x25d: {  	v2 =	vmin.f32 v2, v3;
	v16 =	vsel vm13, $0xFF61B1E6, v16;
	v8 =	vmax.f32 v9, v8;
	v42 =	vld [tilespmem:$0x1FA50];
	(xrf0) =	vmin.scan.msk.f32 $0xffff, v32  }
0x25e: {  	v1 =	vmin.f32 v1, v14;
	v15 =	vsel vm10, $0xFF61B1E6, v41;
	vm0 =	veq.s32 v35, v38;
	(xrf0) =	vmin.scan.msk.f32 $0xffff, v26  }
0x25f: {  	v28 =	vmin.f32 v12, v19;
	v1 =	vmin.f32 v1, v63;
	v45 =	vsel vm0, $0x7F61B1E6, v45;
	(xrf0) =	vmax.scan.msk.f32 $0xffff, v15  }
0x260: {  	v1 =	vmin.f32 v62, v1;
	v36 =	vmax.f32 v60, v59;
	v59 =	vmax.f32 v22, v23;
	(xrf0) =	vmin.scan.msk.f32 $0xffff, v45  }
0x261: {  	v23 =	vsel vm12, $0xFF61B1E6, v57;
	v48, _, _ =	vpop (xrf0);
	vm0 =	veq.s32 v47, v38;
	(xrf0) =	vmin.scan.msk.f32 $0xffff, v49;
	v49 =	vsel vm11, $0xFF61B1E6, v44  }
0x262: {  	v0 =	vmin.f32 v0, v37;
	v1 =	vmin.f32 v1, v42;
	v51 =	vsel vm0, $0x7F61B1E6, v58;
	(xrf0) =	vmax.scan.msk.f32 $0xffff, v49;
	v58, _, _ =	vpop (xrf0)  }
0x263: {  	v62 =	vmin.f32 v59, v2;
	v0 =	vmin.f32 v0, v40;
	v1 =	vmin.f32 v36, v1;
	(xrf0) =	vmin.scan.msk.f32 $0xffff, v51;
	v61, _, _ =	vpop (xrf0)  }
0x264: {  	v60 =	vld [tilespmem:s21+$0xC380];
	(v2sf) =	vpush v48, $0xF;
	v0 =	vmin.f32 v46, v0;
	vm0 =	veq.s32 v4, v38;
	(xrf0) =	vmin.scan.msk.f32 $0xffff, v1;
	v63, _, _ =	vpop (xrf0)  }
0x265: {  	v0 =	vmin.f32 v0, v39;
	v50 =	vmax.f32 v27, v25;
	v25 =	vsel vm0, $0x7F61B1E6, v18;
	(xrf0) =	vmax.scan.msk.f32 $0xffff, v23;
	v27, _, _ =	vpop (xrf0)  }
0x266: {  	v0 =	vmin.f32 v50, v0;
	v26 =	vmax.f32 v55, v52;
	v1 =	vmin.f32 v62, v30;
	(xrf0) =	vmin.scan.msk.f32 $0xffff, v25;
	v30, _, _ =	vpop (xrf0)  }
0x267: {  	v29 =	vmin.f32 v17, v20;
	vm0 =	veq.s32 v24, v38;
	v1 =	vmin.f32 v26, v1;
	(xrf0) =	vmin.scan.msk.f32 $0xffff, v0;
	v31, _, _ =	vpop (xrf0)  }
0x268: {  	v37 =	vmin.f32 v28, v29;
	v7 =	vsel vm0, $0x7F61B1E6, v7;
	v1 =	vmin.f32 v1, v21;
	v32, _, _ =	vpop (xrf0);
	(xrf0) =	vmax.scan.msk.f32 $0xffff, v16  }
0x269: {  	v35 =	vmin.f32 v54, v60;
	vm0 =	vcmask $0x1F3C;
	v1 =	vmin.f32 v8, v1;
	v36, _, _ =	vpop (xrf0);
	(xrf0) =	vmin.scan.msk.f32 $0xffff, v7  }
0x26a: {  	v39 =	vmin.f32 v34, v56;
	v42 =	vmin.f32 v37, v35;
	v41 =	vsel vm0, $0xFF61B1E6, v5;
	v40, _, _ =	vpop (xrf0);
	(xrf0) =	vmin.scan.msk.f32 $0xffff, v1  }
0x26b: {  	v45 =	vmin.f32 v42, v39;
	v44, _, _ =	vpop (xrf0);
	(xrf0) =	vmax.scan.msk.f32 $0xffff, v41  }
0x26c: {  	(v2sf) =	vpush v58, $0xF;
	v46, _, _ =	vpop (xrf0);
	(xrf0) =	vmin.scan.msk.f32 $0xffff, v45  }
0x26d: {  	(v2sf) =	vpush v61, $0xF;
	v47, _, _ =	vpop (xrf0)  }
0x26e: {  	(v2sf) =	vpush v63, $0xF;
	v48, _, _ =	vpop (xrf0)  }
0x26f: {  	s0 =	spop (v2sf);
	(v2sf) =	vpush v27, $0xF;
	v49, _, _ =	vpop (xrf0)  }
0x270: {  	v10 =	vmin.f32 v10, v33;
	s1 =	spop (v2sf);
	v14 =	vmax.f32 v54, v60;
	(v2sf) =	vpush v30, $0xF;
	v50, _, _ =	vpop (xrf0)  }
0x271: {  	s2 =	spop (v2sf);
	v10 =	vmin.f32 v10, v14;
	v52 =	vmax.f32 v12, v19;
	(v2sf) =	vpush v31, $0xF;
	v55, _, _ =	vpop (xrf0)  }
0x272: {  	s0 =	smax.f32 s0, $0.0e+00;
	s1 =	smin.f32 s1, s2;
	v12 =	vmin.f32 v53, v52;
	v51 =	vmax.f32 v34, v56;
	(v2sf) =	vpush v32, $0xF;
	v57, _, _ =	vpop (xrf0)  }
0x273: {  	s0 =	ssub.f32 s0, s1;
	s4 =	spop (v2sf);
	v56 =	vmax.f32 v17, v20;
	(v2sf) =	vpush v36, $0xF;
	v58 =	vbroadcast v57, $0xF  }
0x274: {  	s5 =	spop (v2sf);
	v4 =	vmax.f32 v28, v29;
	v5 =	vmax.f32 v42, v39;
	v59 =	vmin.f32 v11, v56  }
0x275: {  	s0 =	sadd.f32 $3.000000120e-01, s0;
	v9 =	vmin.f32 v12, v59;
	s3 =	spop (v2sf);
	(v2sf) =	vpush v40, $0xF;
	vm0 =	veq.f32 v45, v58  }
0x276: {  	s1 =	smax.f32 s4, $0.0e+00;
	v4 =	vmin.f32 v4, v9;
	s2 =	smin.f32 s5, s3;
	(v2sf) =	vpush v44, $0xF;
	v6 =	vmctz.xlane vm0  }
0x277: {  	v60 =	vmin.f32 v43, v51;
	v4 =	vmin.f32 v4, v10;
	v7 =	vmax.f32 v37, v35;
	s1 =	ssub.f32 s1, s2  }
0x278: {  	v4 =	vmin.f32 v7, v4;
	(v2sf) =	vpush v46, $0xF;
	vm0 =	veq.s32 v6, v38  }
0x279: {  	s0 =	smax.f32 s0, $0.0e+00;
	v4 =	vmin.f32 v4, v60;
	s1 =	sadd.f32 $3.000000120e-01, s1;
	(v2sf) =	vpush v47, $0xF;
	v1 =	vsel vm0, $0x7F61B1E6, v45  }
0x27a: {  	s0 =	sadd.f32 s0, s20;
	v61 =	vmin.f32 v5, v4;
	(xrf0) =	vmin.scan.msk.f32 $0xffff, v1  }
0x27b: {  	s1 =	smax.f32 s1, $0.0e+00;
	s6 =	spop (v2sf);
	(xrf0) =	vmin.scan.msk.f32 $0xffff, v61  }
0x27c: {  	s0 =	sadd.f32 s1, s0;
	(v2sf) =	vpush v48, $0xF;
	s7 =	spop (v2sf)  }
0x27d: {  	s2 =	smax.f32 s6, $0.0e+00;
	s4 =	spop (v2sf)  }
0x27e: {  	(v2sf) =	vpush v49, $0xF;
	s5 =	spop (v2sf);
	s3 =	smin.f32 s7, s4  }
0x27f: {  	(v2sf) =	vpush v50, $0xF;
	s8 =	spop (v2sf);
	s2 =	ssub.f32 s2, s3  }
0x280: {  	(v2sf) =	vpush v55, $0xF;
	s11 =	smax.f32 s5, $0.0e+00;
	s9 =	spop (v2sf);
	v62, _, _ =	vpop (xrf0)  }
0x281: {  	s6 =	spop (v2sf);
	s1 =	smin.f32 s8, s9;
	(v2sf) =	vpush v62, $0xF;
	v63, _, _ =	vpop (xrf0)  }
0x282: {  	s2 =	sadd.f32 $3.000000120e-01, s2;
	s10 =	spop (v2sf);
	(v2sf) =	vpush v63, $0xF  }
0x283: {  	s1 =	ssub.f32 s11, s1;
	s6 =	smax.f32 s6, $0.0e+00  }
0x284: {  	s12 =	spop (v2sf);
	s2 =	smax.f32 s2, $0.0e+00  }
0x285: {  	s14 =	spop (v2sf);
	s1 =	sadd.f32 $3.000000120e-01, s1  }
0x286: {  	s3 =	smin.f32 s10, s12;
	s0 =	sadd.f32 s2, s0  }
0x287: {  	s16 =	spop (v2sf);
	s3 =	ssub.f32 s6, s3  }
0x288: {  	s4 =	smax.f32 s14, $0.0e+00;
	s17 =	spop (v2sf)  }
0x289: {  	s1 =	smax.f32 s1, $0.0e+00;
	s18 =	sadd.f32 $3.000000120e-01, s3  }
0x28a: {  	s0 =	sadd.f32 s1, s0;
	s5 =	smin.f32 s16, s17  }
0x28b: {  	s20 =	spop (v2sf);
	s4 =	ssub.f32 s4, s5  }
0x28c: {  	s25 =	smax.f32 s20, $0.0e+00;
	s2 =	smax.f32 s18, $0.0e+00  }
0x28d: {  	s21 =	spop (v2sf);
	s0 =	sadd.f32 s2, s0  }
0x28e: {  	s29 =	sadd.f32 $3.000000120e-01, s4;
	s22 =	spop (v2sf)  }
0x28f: {  	s23 =	spop (v2sf);
	s1 =	smin.f32 s21, s22  }
0x290: {  	s1 =	ssub.f32 s25, s1;
	s24 =	spop (v2sf)  }
0x291: {  	s30 =	smax.f32 s23, $0.0e+00;
	s26 =	spop (v2sf)  }
0x292: {  	s19 =	sadd.s32 $0x1, s19;
	s1 =	sadd.f32 $3.000000120e-01, s1;
	s28 =	smin.f32 s24, s26  }
0x293: {  	p0 =	sne.s32 s19, $0x4;
	s3 =	smax.f32 s29, $0.0e+00;
	s2 =	ssub.f32 s30, s28  }
.Ltmp16:
0x294: {  	s0 =	sadd.f32 s3, s0;
	(pc) =	sbr.rel @p0 .LBB2_2-.Ltmp16, $4  }
0x295: {  	s1 =	smax.f32 s1, $0.0e+00;
	s2 =	sadd.f32 $3.000000120e-01, s2  }
0x296: {  	s0 =	sadd.f32 s1, s0  }
0x297: {  	s31 =	smax.f32 s2, $0.0e+00  }
0x298: {  	vm0 =	vmmov vm14;
	s21 =	sadd.f32 s31, s0  }
0x299: {  	_ = 	snop  }
0x29a: {  	vm1 =	vcmask $0x300;
	v0 =	vmov s21  }
0x29b: {  	s0 =	simm.s32 $0x0;
	v0 =	vnsel vm1, $0x0, v0  }
0x29c: {  	s1 =	rddreg [dreg:$0x8];
	s2 =	simm.s32 $0x10000;
	s30 =	simm.s32 $0x3;
	[tilespmem:$0x10000] =	vst v0  }
0x29d: {  	[hbm4b:s1+s0] =	stream.linear.scatter [tilespmem:s2], [sflag:$0x3], $0x80, $0x38;
	[tilespmem:$0x10080] =	vst v63  }
0x29e: {  	_ =	swait.ge [sflag:s30], $0x80  }
0x29f: {  	s3 =	rddreg [dreg:$0xc]  }
0x2a0: {  	s31 =	rddreg [dreg:$0xa];
	s3 =	sadd.s32 $0x1, s3  }
0x2a1: {  	p0 =	sne.s32 s3, s31  }
.Ltmp17:
0x2a2: {  	_ = 	snop;
	(pc) =	sbr.rel @p0 .LBB2_1-.Ltmp17, $3  }
0x2a3: {  	_ =	sdelay $0x1  }
0x2a4: {  	[sflag:s30] =	ssyncset.done $0x0  }
0x2a5: {  	[sflag:s30] =	ssyncadd.s32 $0xFFFFFF80  }
0x2a6: {  	_ =	sfence.sel $0x180000  }
0x2a7: {  	[bflag:$0x0] =	sbarrier.arrive $0xFFFF  }
0x2a8: {  	_ =	strace $0x90000047  }
0x2a9: {  	s0 =	stileid.u32;
	[bflag:$0x2] =	sbarrier.arrive $0xFFFF  }
0x2aa: {  	p0 =	sne.s32 s0, $0x0;
	s0 =	rddreg [dreg:$0x2]  }
0x2ab: {  	s0 =	sadd.s32 @!p0 $0x100000, s0  }
0x2ac: {  	[sflag:s0] =	ssyncadd.tile.s32 @!p0 $0x1;
	_ =	shalt  }
.Lfunc_end2:
_tile_overlayer_lowered:
.L_overlay_start_2:
0x2ad: {  	(tag) =	ssettag $0x2  }
0x2ae: {  	s0 =	rddreg [dreg:$0x0];
	s2 =	stileid.u32  }
0x2af: {  	s1 =	rddreg [dreg:$0x1];
	p0 =	sne.s32 s2, $0x0  }
0x2b0: {  	s3 =	rddreg [dreg:$0x2];
	[bflag:$0x3] =	sbarrier.arrive $0xFFFF;
	s2 =	simm.s32 @!p0 $0x1C03  }
0x2b1: {  	[timem:s3], [sflag:s2] =	dma.local @!p0 [hbm:s0], s1  }
0x2b2: {  	s0 =	simm.s32 @!p0 $0x3  }
0x2b3: {  	_ =	swait.ge @!p0 [sflag:s0], s1  }
0x2b4: {  	s1 =	ssub.s32 @!p0 $0x0, s1;
	[sflag:s0] =	ssyncset.done @!p0 $0x0  }
0x2b5: {  	[sflag:s0] =	ssyncadd.s32 @!p0 s1  }
0x2b6: {  	[bflag:$0x3] =	sbarrier.arrive $0xFFFF  }
0x2b7: {  	_ =	shalt  }

</sc_bundles>
